<compile_context>
chip_gen: v7x
topology: tpu7x:2x2x1
jax: 0.10.2.dev20260603
libtpu: 0.0.44.dev20260713+nightly
codegen_flags: <defaults>
</compile_context>

<pallas_src>
import jax
import jax.numpy as jnp
from jax import lax
from jax.experimental import pallas as pl
from jax.experimental.pallas import tpu as pltpu
from jax.experimental.pallas import tpu_sc as plsc

BATCH = 16384
D = 1024
L = 16
CHUNKS = D // L
NC = 2
NS = 16
NW = NC * NS
ROWS_PER_W = BATCH // NW
R = 8
NSTEP = ROWS_PER_W // R
NBUF = 4


def _reverse_body(x_hbm, out_hbm, *scratch):
    ins = scratch[:NBUF]
    outs = scratch[NBUF:2 * NBUF]
    sis = scratch[2 * NBUF:3 * NBUF]
    sos = scratch[3 * NBUF:4 * NBUF]
    wid = lax.axis_index("s") * NC + lax.axis_index("c")
    base_row = wid * ROWS_PER_W

    for b in range(NBUF):
        pltpu.async_copy(x_hbm.at[pl.ds(base_row + b * R, R)], ins[b], sis[b])

    def step(t, carry):
        for b in range(NBUF):
            tt = NBUF * t + b
            r0 = base_row + tt * R
            pltpu.make_async_copy(x_hbm.at[pl.ds(r0, R)], ins[b], sis[b]).wait()

            @pl.when(tt >= NBUF)
            def _():
                pltpu.make_async_copy(
                    outs[b], out_hbm.at[pl.ds(r0 - NBUF * R, R)], sos[b]
                ).wait()

            def row(r, c2):
                for g in range(CHUNKS // 16):
                    vs = [
                        ins[b][r, pl.ds((CHUNKS - 1 - (g * 16 + k)) * L, L)]
                        for k in range(16)
                    ]
                    rs = [lax.rev(v, dimensions=(0,)) for v in vs]
                    for k in range(16):
                        outs[b][r, pl.ds((g * 16 + k) * L, L)] = rs[k]
                return c2

            lax.fori_loop(0, R, row, 0)

            pltpu.async_copy(outs[b], out_hbm.at[pl.ds(r0, R)], sos[b])

            @pl.when(tt + NBUF < NSTEP)
            def _():
                pltpu.async_copy(
                    x_hbm.at[pl.ds(r0 + NBUF * R, R)], ins[b], sis[b]
                )

        return carry

    lax.fori_loop(0, NSTEP // NBUF, step, 0)

    for b in range(NBUF):
        last = base_row + (NSTEP - NBUF + b) * R
        pltpu.make_async_copy(
            outs[b], out_hbm.at[pl.ds(last, R)], sos[b]
        ).wait()


@jax.jit
def _reverse_rows(x):
    return pl.kernel(
        _reverse_body,
        out_type=jax.ShapeDtypeStruct((BATCH, D), jnp.float32),
        mesh=plsc.VectorSubcoreMesh(core_axis_name="c", subcore_axis_name="s"),
        scratch_types=(
            [pltpu.VMEM((R, D), jnp.float32) for _ in range(2 * NBUF)]
            + [pltpu.SemaphoreType.DMA for _ in range(2 * NBUF)]
        ),
    )(x)


def kernel(x, indices):
    z = _reverse_rows(x)
    log_det = jnp.zeros((x.shape[0],), dtype=jnp.float32)
    return (z, log_det)

# --- scband reference (transcript-rebuilt; emitter-appended) ---
"""Pipeline reference for scband-reverse-permute-66271345377768 (READ-ONLY COPY).

The authoritative reference and input builder live on the scoring server;
editing this copy changes nothing except your own understanding.
"""

import jax, jax.numpy as jnp
import numpy as np

INPUT_DIM = 1024
BATCH = 16384

def setup_inputs(seed: int = 0) -> dict:
    key = jax.random.key(seed)
    x = jax.random.normal(key, (BATCH, INPUT_DIM), dtype=jnp.float32)
    indices = jnp.arange(INPUT_DIM - 1, -1, -1, dtype=jnp.int32)
    return {"x": x, "indices": indices}

def reference(x, indices):
    # z = torch.index_select(x, -1, self.indices)
    z = jnp.take(x, indices, axis=-1)
    log_det = jnp.zeros((x.shape[0],), dtype=jnp.float32)
    return (z, log_det)

if __name__ == "__main__":
    import jax
    _d = setup_inputs()
    print(jax.jit(kernel)(*tuple(_d.values())))

</pallas_src>

<mosaic_0001>
#map = affine_map<(d0, d1) -> (0, 0)>
module attributes {stable_mosaic.version = 14 : i64} {
  func.func @_reverse_body(%arg0: i32, %arg1: i32, %arg2: memref<16384x1024xf32, #tpu.memory_space<hbm>>, %arg3: memref<16384x1024xf32, #tpu.memory_space<hbm>>, %arg4: memref<8x1024xf32, #tpu.memory_space<vmem>>, %arg5: memref<8x1024xf32, #tpu.memory_space<vmem>>, %arg6: memref<8x1024xf32, #tpu.memory_space<vmem>>, %arg7: memref<8x1024xf32, #tpu.memory_space<vmem>>, %arg8: memref<8x1024xf32, #tpu.memory_space<vmem>>, %arg9: memref<8x1024xf32, #tpu.memory_space<vmem>>, %arg10: memref<8x1024xf32, #tpu.memory_space<vmem>>, %arg11: memref<8x1024xf32, #tpu.memory_space<vmem>>, %arg12: memref<!tpu.dma_semaphore, #tpu.memory_space<semaphore_mem>>, %arg13: memref<!tpu.dma_semaphore, #tpu.memory_space<semaphore_mem>>, %arg14: memref<!tpu.dma_semaphore, #tpu.memory_space<semaphore_mem>>, %arg15: memref<!tpu.dma_semaphore, #tpu.memory_space<semaphore_mem>>, %arg16: memref<!tpu.dma_semaphore, #tpu.memory_space<semaphore_mem>>, %arg17: memref<!tpu.dma_semaphore, #tpu.memory_space<semaphore_mem>>, %arg18: memref<!tpu.dma_semaphore, #tpu.memory_space<semaphore_mem>>, %arg19: memref<!tpu.dma_semaphore, #tpu.memory_space<semaphore_mem>>) attributes {dimension_semantics = [#tpu.dimension_semantics<core_parallel>, #tpu.dimension_semantics<subcore_parallel>], iteration_bounds = array<i64: 2, 16>, scalar_prefetch = 0 : i64, scratch_operands = 16 : i64, tpu.core_type = #tpu.core_type<sc_vector_subcore>, window_params = [{transform_indices = #map}, {transform_indices = #map}]} {
    %mul3A = arith.constant 2 : i32
    %mul3A_0 = arith.muli %arg1, %mul3A : i32
    %add3A = arith.addi %mul3A_0, %arg0 : i32
    %mul3A_1 = arith.constant 512 : i32
    %mul3A_2 = arith.muli %add3A, %mul3A_1 : i32
    %add3A_3 = arith.constant 0 : i32
    %add3A_4 = arith.addi %mul3A_2, %add3A_3 : i32
    %dma_start3A = arith.constant 0 : i32
    %dma_start3A_5 = tpu.memref_slice %arg2[%add3A_4, %dma_start3A] : memref<16384x1024xf32, #tpu.memory_space<hbm>> -> memref<8x1024xf32, #tpu.memory_space<hbm>>
    %dma_start3A_6 = arith.constant 0 : i32
    %dma_start3A_7 = tpu.memref_slice %arg2[%add3A_4, %dma_start3A_6] : memref<16384x1024xf32, #tpu.memory_space<hbm>> -> memref<8x1024xf32, #tpu.memory_space<hbm>>
    tpu.enqueue_dma source(%dma_start3A_7 : memref<8x1024xf32, #tpu.memory_space<hbm>>) target(%arg4 : memref<8x1024xf32, #tpu.memory_space<vmem>>) target_semaphore(%arg12 : memref<!tpu.dma_semaphore, #tpu.memory_space<semaphore_mem>>)
    %add3A_8 = arith.constant 8 : i32
    %add3A_9 = arith.addi %mul3A_2, %add3A_8 : i32
    %dma_start3A_10 = arith.constant 0 : i32
    %dma_start3A_11 = tpu.memref_slice %arg2[%add3A_9, %dma_start3A_10] : memref<16384x1024xf32, #tpu.memory_space<hbm>> -> memref<8x1024xf32, #tpu.memory_space<hbm>>
    %dma_start3A_12 = arith.constant 0 : i32
    %dma_start3A_13 = tpu.memref_slice %arg2[%add3A_9, %dma_start3A_12] : memref<16384x1024xf32, #tpu.memory_space<hbm>> -> memref<8x1024xf32, #tpu.memory_space<hbm>>
    tpu.enqueue_dma source(%dma_start3A_13 : memref<8x1024xf32, #tpu.memory_space<hbm>>) target(%arg5 : memref<8x1024xf32, #tpu.memory_space<vmem>>) target_semaphore(%arg13 : memref<!tpu.dma_semaphore, #tpu.memory_space<semaphore_mem>>)
    %add3A_14 = arith.constant 16 : i32
    %add3A_15 = arith.addi %mul3A_2, %add3A_14 : i32
    %dma_start3A_16 = arith.constant 0 : i32
    %dma_start3A_17 = tpu.memref_slice %arg2[%add3A_15, %dma_start3A_16] : memref<16384x1024xf32, #tpu.memory_space<hbm>> -> memref<8x1024xf32, #tpu.memory_space<hbm>>
    %dma_start3A_18 = arith.constant 0 : i32
    %dma_start3A_19 = tpu.memref_slice %arg2[%add3A_15, %dma_start3A_18] : memref<16384x1024xf32, #tpu.memory_space<hbm>> -> memref<8x1024xf32, #tpu.memory_space<hbm>>
    tpu.enqueue_dma source(%dma_start3A_19 : memref<8x1024xf32, #tpu.memory_space<hbm>>) target(%arg6 : memref<8x1024xf32, #tpu.memory_space<vmem>>) target_semaphore(%arg14 : memref<!tpu.dma_semaphore, #tpu.memory_space<semaphore_mem>>)
    %add3A_20 = arith.constant 24 : i32
    %add3A_21 = arith.addi %mul3A_2, %add3A_20 : i32
    %dma_start3A_22 = arith.constant 0 : i32
    %dma_start3A_23 = tpu.memref_slice %arg2[%add3A_21, %dma_start3A_22] : memref<16384x1024xf32, #tpu.memory_space<hbm>> -> memref<8x1024xf32, #tpu.memory_space<hbm>>
    %dma_start3A_24 = arith.constant 0 : i32
    %dma_start3A_25 = tpu.memref_slice %arg2[%add3A_21, %dma_start3A_24] : memref<16384x1024xf32, #tpu.memory_space<hbm>> -> memref<8x1024xf32, #tpu.memory_space<hbm>>
    tpu.enqueue_dma source(%dma_start3A_25 : memref<8x1024xf32, #tpu.memory_space<hbm>>) target(%arg7 : memref<8x1024xf32, #tpu.memory_space<vmem>>) target_semaphore(%arg15 : memref<!tpu.dma_semaphore, #tpu.memory_space<semaphore_mem>>)
    %scan3A = arith.constant 0 : i32
    %scan3A_26 = arith.constant 0 : i32
    %scan3A_27 = arith.constant 16 : i32
    %scan3A_28 = arith.addi %scan3A_26, %scan3A_27 : i32
    %scan3A_29 = arith.constant 1 : i32
    scf.for %scan3A_54 = %scan3A_26 to %scan3A_28 step %scan3A_29  : i32 {
      %mul3A_55 = arith.constant 4 : i32
      %mul3A_56 = arith.muli %mul3A_55, %scan3A_54 : i32
      %add3A_57 = arith.constant 0 : i32
      %add3A_58 = arith.addi %mul3A_56, %add3A_57 : i32
      %mul3A_59 = arith.constant 8 : i32
      %mul3A_60 = arith.muli %add3A_58, %mul3A_59 : i32
      %add3A_61 = arith.addi %mul3A_2, %mul3A_60 : i32
      %dma_wait3A_62 = arith.constant 0 : i32
      %dma_wait3A_63 = tpu.memref_slice %arg2[%add3A_61, %dma_wait3A_62] : memref<16384x1024xf32, #tpu.memory_space<hbm>> -> memref<8x1024xf32, #tpu.memory_space<hbm>>
      %dma_wait3A_64 = arith.constant 0 : i32
      %dma_wait3A_65 = tpu.memref_slice %arg2[%add3A_61, %dma_wait3A_64] : memref<16384x1024xf32, #tpu.memory_space<hbm>> -> memref<8x1024xf32, #tpu.memory_space<hbm>>
      tpu.wait_dma2 semaphore(%arg12 : memref<!tpu.dma_semaphore, #tpu.memory_space<semaphore_mem>>) src(%dma_wait3A_65 : memref<8x1024xf32, #tpu.memory_space<hbm>>) dst(%arg4 : memref<8x1024xf32, #tpu.memory_space<vmem>>)
      %ge3A = arith.constant 4 : i32
      %ge3A_66 = arith.cmpi sge, %add3A_58, %ge3A : i32
      %convert_element_type3A = arith.extui %ge3A_66 : i1 to i32
      %cond3A = arith.constant 0 : i32
      %cond3A_67 = arith.cmpi ne, %convert_element_type3A, %cond3A : i32
      scf.if %cond3A_67 {
        %sub3A = arith.constant 32 : i32
        %sub3A_183 = arith.subi %add3A_61, %sub3A : i32
        %dma_wait3A_184 = arith.constant 0 : i32
        %dma_wait3A_185 = tpu.memref_slice %arg3[%sub3A_183, %dma_wait3A_184] : memref<16384x1024xf32, #tpu.memory_space<hbm>> -> memref<8x1024xf32, #tpu.memory_space<hbm>>
        %dma_wait3A_186 = arith.constant 0 : i32
        %dma_wait3A_187 = tpu.memref_slice %arg3[%sub3A_183, %dma_wait3A_186] : memref<16384x1024xf32, #tpu.memory_space<hbm>> -> memref<8x1024xf32, #tpu.memory_space<hbm>>
        tpu.wait_dma2 semaphore(%arg16 : memref<!tpu.dma_semaphore, #tpu.memory_space<semaphore_mem>>) src(%arg8 : memref<8x1024xf32, #tpu.memory_space<vmem>>) dst(%dma_wait3A_187 : memref<8x1024xf32, #tpu.memory_space<hbm>>)
      } else {
      }
      %scan3A_68 = arith.constant 0 : i32
      %scan3A_69 = arith.constant 0 : i32
      %scan3A_70 = arith.constant 8 : i32
      %scan3A_71 = arith.addi %scan3A_69, %scan3A_70 : i32
      %scan3A_72 = arith.constant 1 : i32
      scf.for %scan3A_183 = %scan3A_69 to %scan3A_71 step %scan3A_72  : i32 {
        %get3A = arith.index_cast %scan3A_183 : i32 to index
        %get3A_184 = arith.constant 1008 : index
        %get3A_185 = tpu.vector_load %arg4[%get3A, %get3A_184] {strides = array<i32>} : memref<8x1024xf32, #tpu.memory_space<vmem>>, vector<1x16xf32>,
        %get3A_186 = vector.shape_cast %get3A_185 : vector<1x16xf32> to vector<16xf32>
        %get3A_187 = arith.index_cast %scan3A_183 : i32 to index
        %get3A_188 = arith.constant 992 : index
        %get3A_189 = tpu.vector_load %arg4[%get3A_187, %get3A_188] {strides = array<i32>} : memref<8x1024xf32, #tpu.memory_space<vmem>>, vector<1x16xf32>,
        %get3A_190 = vector.shape_cast %get3A_189 : vector<1x16xf32> to vector<16xf32>
        %get3A_191 = arith.index_cast %scan3A_183 : i32 to index
        %get3A_192 = arith.constant 976 : index
        %get3A_193 = tpu.vector_load %arg4[%get3A_191, %get3A_192] {strides = array<i32>} : memref<8x1024xf32, #tpu.memory_space<vmem>>, vector<1x16xf32>,
        %get3A_194 = vector.shape_cast %get3A_193 : vector<1x16xf32> to vector<16xf32>
        %get3A_195 = arith.index_cast %scan3A_183 : i32 to index
        %get3A_196 = arith.constant 960 : index
        %get3A_197 = tpu.vector_load %arg4[%get3A_195, %get3A_196] {strides = array<i32>} : memref<8x1024xf32, #tpu.memory_space<vmem>>, vector<1x16xf32>,
        %get3A_198 = vector.shape_cast %get3A_197 : vector<1x16xf32> to vector<16xf32>
        %get3A_199 = arith.index_cast %scan3A_183 : i32 to index
        %get3A_200 = arith.constant 944 : index
        %get3A_201 = tpu.vector_load %arg4[%get3A_199, %get3A_200] {strides = array<i32>} : memref<8x1024xf32, #tpu.memory_space<vmem>>, vector<1x16xf32>,
        %get3A_202 = vector.shape_cast %get3A_201 : vector<1x16xf32> to vector<16xf32>
        %get3A_203 = arith.index_cast %scan3A_183 : i32 to index
        %get3A_204 = arith.constant 928 : index
        %get3A_205 = tpu.vector_load %arg4[%get3A_203, %get3A_204] {strides = array<i32>} : memref<8x1024xf32, #tpu.memory_space<vmem>>, vector<1x16xf32>,
        %get3A_206 = vector.shape_cast %get3A_205 : vector<1x16xf32> to vector<16xf32>
        %get3A_207 = arith.index_cast %scan3A_183 : i32 to index
        %get3A_208 = arith.constant 912 : index
        %get3A_209 = tpu.vector_load %arg4[%get3A_207, %get3A_208] {strides = array<i32>} : memref<8x1024xf32, #tpu.memory_space<vmem>>, vector<1x16xf32>,
        %get3A_210 = vector.shape_cast %get3A_209 : vector<1x16xf32> to vector<16xf32>
        %get3A_211 = arith.index_cast %scan3A_183 : i32 to index
        %get3A_212 = arith.constant 896 : index
        %get3A_213 = tpu.vector_load %arg4[%get3A_211, %get3A_212] {strides = array<i32>} : memref<8x1024xf32, #tpu.memory_space<vmem>>, vector<1x16xf32>,
        %get3A_214 = vector.shape_cast %get3A_213 : vector<1x16xf32> to vector<16xf32>
        %get3A_215 = arith.index_cast %scan3A_183 : i32 to index
        %get3A_216 = arith.constant 880 : index
        %get3A_217 = tpu.vector_load %arg4[%get3A_215, %get3A_216] {strides = array<i32>} : memref<8x1024xf32, #tpu.memory_space<vmem>>, vector<1x16xf32>,
        %get3A_218 = vector.shape_cast %get3A_217 : vector<1x16xf32> to vector<16xf32>
        %get3A_219 = arith.index_cast %scan3A_183 : i32 to index
        %get3A_220 = arith.constant 864 : index
        %get3A_221 = tpu.vector_load %arg4[%get3A_219, %get3A_220] {strides = array<i32>} : memref<8x1024xf32, #tpu.memory_space<vmem>>, vector<1x16xf32>,
        %get3A_222 = vector.shape_cast %get3A_221 : vector<1x16xf32> to vector<16xf32>
        %get3A_223 = arith.index_cast %scan3A_183 : i32 to index
        %get3A_224 = arith.constant 848 : index
        %get3A_225 = tpu.vector_load %arg4[%get3A_223, %get3A_224] {strides = array<i32>} : memref<8x1024xf32, #tpu.memory_space<vmem>>, vector<1x16xf32>,
        %get3A_226 = vector.shape_cast %get3A_225 : vector<1x16xf32> to vector<16xf32>
        %get3A_227 = arith.index_cast %scan3A_183 : i32 to index
        %get3A_228 = arith.constant 832 : index
        %get3A_229 = tpu.vector_load %arg4[%get3A_227, %get3A_228] {strides = array<i32>} : memref<8x1024xf32, #tpu.memory_space<vmem>>, vector<1x16xf32>,
        %get3A_230 = vector.shape_cast %get3A_229 : vector<1x16xf32> to vector<16xf32>
        %get3A_231 = arith.index_cast %scan3A_183 : i32 to index
        %get3A_232 = arith.constant 816 : index
        %get3A_233 = tpu.vector_load %arg4[%get3A_231, %get3A_232] {strides = array<i32>} : memref<8x1024xf32, #tpu.memory_space<vmem>>, vector<1x16xf32>,
        %get3A_234 = vector.shape_cast %get3A_233 : vector<1x16xf32> to vector<16xf32>
        %get3A_235 = arith.index_cast %scan3A_183 : i32 to index
        %get3A_236 = arith.constant 800 : index
        %get3A_237 = tpu.vector_load %arg4[%get3A_235, %get3A_236] {strides = array<i32>} : memref<8x1024xf32, #tpu.memory_space<vmem>>, vector<1x16xf32>,
        %get3A_238 = vector.shape_cast %get3A_237 : vector<1x16xf32> to vector<16xf32>
        %get3A_239 = arith.index_cast %scan3A_183 : i32 to index
        %get3A_240 = arith.constant 784 : index
        %get3A_241 = tpu.vector_load %arg4[%get3A_239, %get3A_240] {strides = array<i32>} : memref<8x1024xf32, #tpu.memory_space<vmem>>, vector<1x16xf32>,
        %get3A_242 = vector.shape_cast %get3A_241 : vector<1x16xf32> to vector<16xf32>
        %get3A_243 = arith.index_cast %scan3A_183 : i32 to index
        %get3A_244 = arith.constant 768 : index
        %get3A_245 = tpu.vector_load %arg4[%get3A_243, %get3A_244] {strides = array<i32>} : memref<8x1024xf32, #tpu.memory_space<vmem>>, vector<1x16xf32>,
        %get3A_246 = vector.shape_cast %get3A_245 : vector<1x16xf32> to vector<16xf32>
        %rev3A = arith.constant 15 : i32
        %rev3A_247 = vector.broadcast %rev3A : i32 to vector<16xi32>
        %rev3A_248 = tpu.iota {dimensions = array<i32: 0>} : vector<16xi32>
        %rev3A_249 = arith.subi %rev3A_247, %rev3A_248 : vector<16xi32>
        %rev3A_250 = tpu.dynamic_gather %get3A_186[%rev3A_249] in [0] : vector<16xf32>, vector<16xi32> -> vector<16xf32>
        %rev3A_251 = arith.constant 15 : i32
        %rev3A_252 = vector.broadcast %rev3A_251 : i32 to vector<16xi32>
        %rev3A_253 = tpu.iota {dimensions = array<i32: 0>} : vector<16xi32>
        %rev3A_254 = arith.subi %rev3A_252, %rev3A_253 : vector<16xi32>
        %rev3A_255 = tpu.dynamic_gather %get3A_190[%rev3A_254] in [0] : vector<16xf32>, vector<16xi32> -> vector<16xf32>
        %rev3A_256 = arith.constant 15 : i32
        %rev3A_257 = vector.broadcast %rev3A_256 : i32 to vector<16xi32>
        %rev3A_258 = tpu.iota {dimensions = array<i32: 0>} : vector<16xi32>
        %rev3A_259 = arith.subi %rev3A_257, %rev3A_258 : vector<16xi32>
        %rev3A_260 = tpu.dynamic_gather %get3A_194[%rev3A_259] in [0] : vector<16xf32>, vector<16xi32> -> vector<16xf32>
        %rev3A_261 = arith.constant 15 : i32
        %rev3A_262 = vector.broadcast %rev3A_261 : i32 to vector<16xi32>
        %rev3A_263 = tpu.iota {dimensions = array<i32: 0>} : vector<16xi32>
        %rev3A_264 = arith.subi %rev3A_262, %rev3A_263 : vector<16xi32>
        %rev3A_265 = tpu.dynamic_gather %get3A_198[%rev3A_264] in [0] : vector<16xf32>, vector<16xi32> -> vector<16xf32>
        %rev3A_266 = arith.constant 15 : i32
        %rev3A_267 = vector.broadcast %rev3A_266 : i32 to vector<16xi32>
        %rev3A_268 = tpu.iota {dimensions = array<i32: 0>} : vector<16xi32>
        %rev3A_269 = arith.subi %rev3A_267, %rev3A_268 : vector<16xi32>
        %rev3A_270 = tpu.dynamic_gather %get3A_202[%rev3A_269] in [0] : vector<16xf32>, vector<16xi32> -> vector<16xf32>
        %rev3A_271 = arith.constant 15 : i32
        %rev3A_272 = vector.broadcast %rev3A_271 : i32 to vector<16xi32>
        %rev3A_273 = tpu.iota {dimensions = array<i32: 0>} : vector<16xi32>
        %rev3A_274 = arith.subi %rev3A_272, %rev3A_273 : vector<16xi32>
        %rev3A_275 = tpu.dynamic_gather %get3A_206[%rev3A_274] in [0] : vector<16xf32>, vector<16xi32> -> vector<16xf32>
        %rev3A_276 = arith.constant 15 : i32
        %rev3A_277 = vector.broadcast %rev3A_276 : i32 to vector<16xi32>
        %rev3A_278 = tpu.iota {dimensions = array<i32: 0>} : vector<16xi32>
        %rev3A_279 = arith.subi %rev3A_277, %rev3A_278 : vector<16xi32>
        %rev3A_280 = tpu.dynamic_gather %get3A_210[%rev3A_279] in [0] : vector<16xf32>, vector<16xi32> -> vector<16xf32>
        %rev3A_281 = arith.constant 15 : i32
        %rev3A_282 = vector.broadcast %rev3A_281 : i32 to vector<16xi32>
        %rev3A_283 = tpu.iota {dimensions = array<i32: 0>} : vector<16xi32>
        %rev3A_284 = arith.subi %rev3A_282, %rev3A_283 : vector<16xi32>
        %rev3A_285 = tpu.dynamic_gather %get3A_214[%rev3A_284] in [0] : vector<16xf32>, vector<16xi32> -> vector<16xf32>
        %rev3A_286 = arith.constant 15 : i32
        %rev3A_287 = vector.broadcast %rev3A_286 : i32 to vector<16xi32>
        %rev3A_288 = tpu.iota {dimensions = array<i32: 0>} : vector<16xi32>
        %rev3A_289 = arith.subi %rev3A_287, %rev3A_288 : vector<16xi32>
        %rev3A_290 = tpu.dynamic_gather %get3A_218[%rev3A_289] in [0] : vector<16xf32>, vector<16xi32> -> vector<16xf32>
        %rev3A_291 = arith.constant 15 : i32
        %rev3A_292 = vector.broadcast %rev3A_291 : i32 to vector<16xi32>
        %rev3A_293 = tpu.iota {dimensions = array<i32: 0>} : vector<16xi32>
        %rev3A_294 = arith.subi %rev3A_292, %rev3A_293 : vector<16xi32>
        %rev3A_295 = tpu.dynamic_gather %get3A_222[%rev3A_294] in [0] : vector<16xf32>, vector<16xi32> -> vector<16xf32>
        %rev3A_296 = arith.constant 15 : i32
        %rev3A_297 = vector.broadcast %rev3A_296 : i32 to vector<16xi32>
        %rev3A_298 = tpu.iota {dimensions = array<i32: 0>} : vector<16xi32>
        %rev3A_299 = arith.subi %rev3A_297, %rev3A_298 : vector<16xi32>
        %rev3A_300 = tpu.dynamic_gather %get3A_226[%rev3A_299] in [0] : vector<16xf32>, vector<16xi32> -> vector<16xf32>
        %rev3A_301 = arith.constant 15 : i32
        %rev3A_302 = vector.broadcast %rev3A_301 : i32 to vector<16xi32>
        %rev3A_303 = tpu.iota {dimensions = array<i32: 0>} : vector<16xi32>
        %rev3A_304 = arith.subi %rev3A_302, %rev3A_303 : vector<16xi32>
        %rev3A_305 = tpu.dynamic_gather %get3A_230[%rev3A_304] in [0] : vector<16xf32>, vector<16xi32> -> vector<16xf32>
        %rev3A_306 = arith.constant 15 : i32
        %rev3A_307 = vector.broadcast %rev3A_306 : i32 to vector<16xi32>
        %rev3A_308 = tpu.iota {dimensions = array<i32: 0>} : vector<16xi32>
        %rev3A_309 = arith.subi %rev3A_307, %rev3A_308 : vector<16xi32>
        %rev3A_310 = tpu.dynamic_gather %get3A_234[%rev3A_309] in [0] : vector<16xf32>, vector<16xi32> -> vector<16xf32>
        %rev3A_311 = arith.constant 15 : i32
        %rev3A_312 = vector.broadcast %rev3A_311 : i32 to vector<16xi32>
        %rev3A_313 = tpu.iota {dimensions = array<i32: 0>} : vector<16xi32>
        %rev3A_314 = arith.subi %rev3A_312, %rev3A_313 : vector<16xi32>
        %rev3A_315 = tpu.dynamic_gather %get3A_238[%rev3A_314] in [0] : vector<16xf32>, vector<16xi32> -> vector<16xf32>
        %rev3A_316 = arith.constant 15 : i32
        %rev3A_317 = vector.broadcast %rev3A_316 : i32 to vector<16xi32>
        %rev3A_318 = tpu.iota {dimensions = array<i32: 0>} : vector<16xi32>
        %rev3A_319 = arith.subi %rev3A_317, %rev3A_318 : vector<16xi32>
        %rev3A_320 = tpu.dynamic_gather %get3A_242[%rev3A_319] in [0] : vector<16xf32>, vector<16xi32> -> vector<16xf32>
        %rev3A_321 = arith.constant 15 : i32
        %rev3A_322 = vector.broadcast %rev3A_321 : i32 to vector<16xi32>
        %rev3A_323 = tpu.iota {dimensions = array<i32: 0>} : vector<16xi32>
        %rev3A_324 = arith.subi %rev3A_322, %rev3A_323 : vector<16xi32>
        %rev3A_325 = tpu.dynamic_gather %get3A_246[%rev3A_324] in [0] : vector<16xf32>, vector<16xi32> -> vector<16xf32>
        %swap3A = arith.index_cast %scan3A_183 : i32 to index
        %swap3A_326 = arith.constant 0 : index
        %swap3A_327 = tpu.vector_load %arg8[%swap3A, %swap3A_326] {strides = array<i32>} : memref<8x1024xf32, #tpu.memory_space<vmem>>, vector<1x16xf32>,
        %swap3A_328 = vector.shape_cast %swap3A_327 : vector<1x16xf32> to vector<16xf32>
        %swap3A_329 = vector.shape_cast %rev3A_250 : vector<16xf32> to vector<1x16xf32>
        tpu.vector_store %arg8[%swap3A, %swap3A_326], %swap3A_329 {strides = array<i32>} : memref<8x1024xf32, #tpu.memory_space<vmem>>, vector<1x16xf32>,
        %swap3A_330 = arith.index_cast %scan3A_183 : i32 to index
        %swap3A_331 = arith.constant 16 : index
        %swap3A_332 = tpu.vector_load %arg8[%swap3A_330, %swap3A_331] {strides = array<i32>} : memref<8x1024xf32, #tpu.memory_space<vmem>>, vector<1x16xf32>,
        %swap3A_333 = vector.shape_cast %swap3A_332 : vector<1x16xf32> to vector<16xf32>
        %swap3A_334 = vector.shape_cast %rev3A_255 : vector<16xf32> to vector<1x16xf32>
        tpu.vector_store %arg8[%swap3A_330, %swap3A_331], %swap3A_334 {strides = array<i32>} : memref<8x1024xf32, #tpu.memory_space<vmem>>, vector<1x16xf32>,
        %swap3A_335 = arith.index_cast %scan3A_183 : i32 to index
        %swap3A_336 = arith.constant 32 : index
        %swap3A_337 = tpu.vector_load %arg8[%swap3A_335, %swap3A_336] {strides = array<i32>} : memref<8x1024xf32, #tpu.memory_space<vmem>>, vector<1x16xf32>,
        %swap3A_338 = vector.shape_cast %swap3A_337 : vector<1x16xf32> to vector<16xf32>
        %swap3A_339 = vector.shape_cast %rev3A_260 : vector<16xf32> to vector<1x16xf32>
        tpu.vector_store %arg8[%swap3A_335, %swap3A_336], %swap3A_339 {strides = array<i32>} : memref<8x1024xf32, #tpu.memory_space<vmem>>, vector<1x16xf32>,
        %swap3A_340 = arith.index_cast %scan3A_183 : i32 to index
        %swap3A_341 = arith.constant 48 : index
        %swap3A_342 = tpu.vector_load %arg8[%swap3A_340, %swap3A_341] {strides = array<i32>} : memref<8x1024xf32, #tpu.memory_space<vmem>>, vector<1x16xf32>,
        %swap3A_343 = vector.shape_cast %swap3A_342 : vector<1x16xf32> to vector<16xf32>
        %swap3A_344 = vector.shape_cast %rev3A_265 : vector<16xf32> to vector<1x16xf32>
        tpu.vector_store %arg8[%swap3A_340, %swap3A_341], %swap3A_344 {strides = array<i32>} : memref<8x1024xf32, #tpu.memory_space<vmem>>, vector<1x16xf32>,
        %swap3A_345 = arith.index_cast %scan3A_183 : i32 to index
        %swap3A_346 = arith.constant 64 : index
        %swap3A_347 = tpu.vector_load %arg8[%swap3A_345, %swap3A_346] {strides = array<i32>} : memref<8x1024xf32, #tpu.memory_space<vmem>>, vector<1x16xf32>,
        %swap3A_348 = vector.shape_cast %swap3A_347 : vector<1x16xf32> to vector<16xf32>
        %swap3A_349 = vector.shape_cast %rev3A_270 : vector<16xf32> to vector<1x16xf32>
        tpu.vector_store %arg8[%swap3A_345, %swap3A_346], %swap3A_349 {strides = array<i32>} : memref<8x1024xf32, #tpu.memory_space<vmem>>, vector<1x16xf32>,
        %swap3A_350 = arith.index_cast %scan3A_183 : i32 to index
        %swap3A_351 = arith.constant 80 : index
        %swap3A_352 = tpu.vector_load %arg8[%swap3A_350, %swap3A_351] {strides = array<i32>} : memref<8x1024xf32, #tpu.memory_space<vmem>>, vector<1x16xf32>,
        %swap3A_353 = vector.shape_cast %swap3A_352 : vector<1x16xf32> to vector<16xf32>
        %swap3A_354 = vector.shape_cast %rev3A_275 : vector<16xf32> to vector<1x16xf32>
        tpu.vector_store %arg8[%swap3A_350, %swap3A_351], %swap3A_354 {strides = array<i32>} : memref<8x1024xf32, #tpu.memory_space<vmem>>, vector<1x16xf32>,
        %swap3A_355 = arith.index_cast %scan3A_183 : i32 to index
        %swap3A_356 = arith.constant 96 : index
        %swap3A_357 = tpu.vector_load %arg8[%swap3A_355, %swap3A_356] {strides = array<i32>} : memref<8x1024xf32, #tpu.memory_space<vmem>>, vector<1x16xf32>,
        %swap3A_358 = vector.shape_cast %swap3A_357 : vector<1x16xf32> to vector<16xf32>
        %swap3A_359 = vector.shape_cast %rev3A_280 : vector<16xf32> to vector<1x16xf32>
        tpu.vector_store %arg8[%swap3A_355, %swap3A_356], %swap3A_359 {strides = array<i32>} : memref<8x1024xf32, #tpu.memory_space<vmem>>, vector<1x16xf32>,
        %swap3A_360 = arith.index_cast %scan3A_183 : i32 to index
        %swap3A_361 = arith.constant 112 : index
        %swap3A_362 = tpu.vector_load %arg8[%swap3A_360, %swap3A_361] {strides = array<i32>} : memref<8x1024xf32, #tpu.memory_space<vmem>>, vector<1x16xf32>,
        %swap3A_363 = vector.shape_cast %swap3A_362 : vector<1x16xf32> to vector<16xf32>
        %swap3A_364 = vector.shape_cast %rev3A_285 : vector<16xf32> to vector<1x16xf32>
        tpu.vector_store %arg8[%swap3A_360, %swap3A_361], %swap3A_364 {strides = array<i32>} : memref<8x1024xf32, #tpu.memory_space<vmem>>, vector<1x16xf32>,
        %swap3A_365 = arith.index_cast %scan3A_183 : i32 to index
        %swap3A_366 = arith.constant 128 : index
        %swap3A_367 = tpu.vector_load %arg8[%swap3A_365, %swap3A_366] {strides = array<i32>} : memref<8x1024xf32, #tpu.memory_space<vmem>>, vector<1x16xf32>,
        %swap3A_368 = vector.shape_cast %swap3A_367 : vector<1x16xf32> to vector<16xf32>
        %swap3A_369 = vector.shape_cast %rev3A_290 : vector<16xf32> to vector<1x16xf32>
        tpu.vector_store %arg8[%swap3A_365, %swap3A_366], %swap3A_369 {strides = array<i32>} : memref<8x1024xf32, #tpu.memory_space<vmem>>, vector<1x16xf32>,
        %swap3A_370 = arith.index_cast %scan3A_183 : i32 to index
        %swap3A_371 = arith.constant 144 : index
        %swap3A_372 = tpu.vector_load %arg8[%swap3A_370, %swap3A_371] {strides = array<i32>} : memref<8x1024xf32, #tpu.memory_space<vmem>>, vector<1x16xf32>,
        %swap3A_373 = vector.shape_cast %swap3A_372 : vector<1x16xf32> to vector<16xf32>
        %swap3A_374 = vector.shape_cast %rev3A_295 : vector<16xf32> to vector<1x16xf32>
        tpu.vector_store %arg8[%swap3A_370, %swap3A_371], %swap3A_374 {strides = array<i32>} : memref<8x1024xf32, #tpu.memory_space<vmem>>, vector<1x16xf32>,
        %swap3A_375 = arith.index_cast %scan3A_183 : i32 to index
        %swap3A_376 = arith.constant 160 : index
        %swap3A_377 = tpu.vector_load %arg8[%swap3A_375, %swap3A_376] {strides = array<i32>} : memref<8x1024xf32, #tpu.memory_space<vmem>>, vector<1x16xf32>,
        %swap3A_378 = vector.shape_cast %swap3A_377 : vector<1x16xf32> to vector<16xf32>
        %swap3A_379 = vector.shape_cast %rev3A_300 : vector<16xf32> to vector<1x16xf32>
        tpu.vector_store %arg8[%swap3A_375, %swap3A_376], %swap3A_379 {strides = array<i32>} : memref<8x1024xf32, #tpu.memory_space<vmem>>, vector<1x16xf32>,
        %swap3A_380 = arith.index_cast %scan3A_183 : i32 to index
        %swap3A_381 = arith.constant 176 : index
        %swap3A_382 = tpu.vector_load %arg8[%swap3A_380, %swap3A_381] {strides = array<i32>} : memref<8x1024xf32, #tpu.memory_space<vmem>>, vector<1x16xf32>,
        %swap3A_383 = vector.shape_cast %swap3A_382 : vector<1x16xf32> to vector<16xf32>
        %swap3A_384 = vector.shape_cast %rev3A_305 : vector<16xf32> to vector<1x16xf32>
        tpu.vector_store %arg8[%swap3A_380, %swap3A_381], %swap3A_384 {strides = array<i32>} : memref<8x1024xf32, #tpu.memory_space<vmem>>, vector<1x16xf32>,
        %swap3A_385 = arith.index_cast %scan3A_183 : i32 to index
        %swap3A_386 = arith.constant 192 : index
        %swap3A_387 = tpu.vector_load %arg8[%swap3A_385, %swap3A_386] {strides = array<i32>} : memref<8x1024xf32, #tpu.memory_space<vmem>>, vector<1x16xf32>,
        %swap3A_388 = vector.shape_cast %swap3A_387 : vector<1x16xf32> to vector<16xf32>
        %swap3A_389 = vector.shape_cast %rev3A_310 : vector<16xf32> to vector<1x16xf32>
        tpu.vector_store %arg8[%swap3A_385, %swap3A_386], %swap3A_389 {strides = array<i32>} : memref<8x1024xf32, #tpu.memory_space<vmem>>, vector<1x16xf32>,
        %swap3A_390 = arith.index_cast %scan3A_183 : i32 to index
        %swap3A_391 = arith.constant 208 : index
        %swap3A_392 = tpu.vector_load %arg8[%swap3A_390, %swap3A_391] {strides = array<i32>} : memref<8x1024xf32, #tpu.memory_space<vmem>>, vector<1x16xf32>,
        %swap3A_393 = vector.shape_cast %swap3A_392 : vector<1x16xf32> to vector<16xf32>
        %swap3A_394 = vector.shape_cast %rev3A_315 : vector<16xf32> to vector<1x16xf32>
        tpu.vector_store %arg8[%swap3A_390, %swap3A_391], %swap3A_394 {strides = array<i32>} : memref<8x1024xf32, #tpu.memory_space<vmem>>, vector<1x16xf32>,
        %swap3A_395 = arith.index_cast %scan3A_183 : i32 to index
        %swap3A_396 = arith.constant 224 : index
        %swap3A_397 = tpu.vector_load %arg8[%swap3A_395, %swap3A_396] {strides = array<i32>} : memref<8x1024xf32, #tpu.memory_space<vmem>>, vector<1x16xf32>,
        %swap3A_398 = vector.shape_cast %swap3A_397 : vector<1x16xf32> to vector<16xf32>
        %swap3A_399 = vector.shape_cast %rev3A_320 : vector<16xf32> to vector<1x16xf32>
        tpu.vector_store %arg8[%swap3A_395, %swap3A_396], %swap3A_399 {strides = array<i32>} : memref<8x1024xf32, #tpu.memory_space<vmem>>, vector<1x16xf32>,
        %swap3A_400 = arith.index_cast %scan3A_183 : i32 to index
        %swap3A_401 = arith.constant 240 : index
        %swap3A_402 = tpu.vector_load %arg8[%swap3A_400, %swap3A_401] {strides = array<i32>} : memref<8x1024xf32, #tpu.memory_space<vmem>>, vector<1x16xf32>,
        %swap3A_403 = vector.shape_cast %swap3A_402 : vector<1x16xf32> to vector<16xf32>
        %swap3A_404 = vector.shape_cast %rev3A_325 : vector<16xf32> to vector<1x16xf32>
        tpu.vector_store %arg8[%swap3A_400, %swap3A_401], %swap3A_404 {strides = array<i32>} : memref<8x1024xf32, #tpu.memory_space<vmem>>, vector<1x16xf32>,
        %get3A_405 = arith.index_cast %scan3A_183 : i32 to index
        %get3A_406 = arith.constant 752 : index
        %get3A_407 = tpu.vector_load %arg4[%get3A_405, %get3A_406] {strides = array<i32>} : memref<8x1024xf32, #tpu.memory_space<vmem>>, vector<1x16xf32>,
        %get3A_408 = vector.shape_cast %get3A_407 : vector<1x16xf32> to vector<16xf32>
        %get3A_409 = arith.index_cast %scan3A_183 : i32 to index
        %get3A_410 = arith.constant 736 : index
        %get3A_411 = tpu.vector_load %arg4[%get3A_409, %get3A_410] {strides = array<i32>} : memref<8x1024xf32, #tpu.memory_space<vmem>>, vector<1x16xf32>,
        %get3A_412 = vector.shape_cast %get3A_411 : vector<1x16xf32> to vector<16xf32>
        %get3A_413 = arith.index_cast %scan3A_183 : i32 to index
        %get3A_414 = arith.constant 720 : index
        %get3A_415 = tpu.vector_load %arg4[%get3A_413, %get3A_414] {strides = array<i32>} : memref<8x1024xf32, #tpu.memory_space<vmem>>, vector<1x16xf32>,
        %get3A_416 = vector.shape_cast %get3A_415 : vector<1x16xf32> to vector<16xf32>
        %get3A_417 = arith.index_cast %scan3A_183 : i32 to index
        %get3A_418 = arith.constant 704 : index
        %get3A_419 = tpu.vector_load %arg4[%get3A_417, %get3A_418] {strides = array<i32>} : memref<8x1024xf32, #tpu.memory_space<vmem>>, vector<1x16xf32>,
        %get3A_420 = vector.shape_cast %get3A_419 : vector<1x16xf32> to vector<16xf32>
        %get3A_421 = arith.index_cast %scan3A_183 : i32 to index
        %get3A_422 = arith.constant 688 : index
        %get3A_423 = tpu.vector_load %arg4[%get3A_421, %get3A_422] {strides = array<i32>} : memref<8x1024xf32, #tpu.memory_space<vmem>>, vector<1x16xf32>,
        %get3A_424 = vector.shape_cast %get3A_423 : vector<1x16xf32> to vector<16xf32>
        %get3A_425 = arith.index_cast %scan3A_183 : i32 to index
        %get3A_426 = arith.constant 672 : index
        %get3A_427 = tpu.vector_load %arg4[%get3A_425, %get3A_426] {strides = array<i32>} : memref<8x1024xf32, #tpu.memory_space<vmem>>, vector<1x16xf32>,
        %get3A_428 = vector.shape_cast %get3A_427 : vector<1x16xf32> to vector<16xf32>
        %get3A_429 = arith.index_cast %scan3A_183 : i32 to index
        %get3A_430 = arith.constant 656 : index
        %get3A_431 = tpu.vector_load %arg4[%get3A_429, %get3A_430] {strides = array<i32>} : memref<8x1024xf32, #tpu.memory_space<vmem>>, vector<1x16xf32>,
        %get3A_432 = vector.shape_cast %get3A_431 : vector<1x16xf32> to vector<16xf32>
        %get3A_433 = arith.index_cast %scan3A_183 : i32 to index
        %get3A_434 = arith.constant 640 : index
        %get3A_435 = tpu.vector_load %arg4[%get3A_433, %get3A_434] {strides = array<i32>} : memref<8x1024xf32, #tpu.memory_space<vmem>>, vector<1x16xf32>,
        %get3A_436 = vector.shape_cast %get3A_435 : vector<1x16xf32> to vector<16xf32>
        %get3A_437 = arith.index_cast %scan3A_183 : i32 to index
        %get3A_438 = arith.constant 624 : index
        %get3A_439 = tpu.vector_load %arg4[%get3A_437, %get3A_438] {strides = array<i32>} : memref<8x1024xf32, #tpu.memory_space<vmem>>, vector<1x16xf32>,
        %get3A_440 = vector.shape_cast %get3A_439 : vector<1x16xf32> to vector<16xf32>
        %get3A_441 = arith.index_cast %scan3A_183 : i32 to index
        %get3A_442 = arith.constant 608 : index
        %get3A_443 = tpu.vector_load %arg4[%get3A_441, %get3A_442] {strides = array<i32>} : memref<8x1024xf32, #tpu.memory_space<vmem>>, vector<1x16xf32>,
        %get3A_444 = vector.shape_cast %get3A_443 : vector<1x16xf32> to vector<16xf32>
        %get3A_445 = arith.index_cast %scan3A_183 : i32 to index
        %get3A_446 = arith.constant 592 : index
        %get3A_447 = tpu.vector_load %arg4[%get3A_445, %get3A_446] {strides = array<i32>} : memref<8x1024xf32, #tpu.memory_space<vmem>>, vector<1x16xf32>,
        %get3A_448 = vector.shape_cast %get3A_447 : vector<1x16xf32> to vector<16xf32>
        %get3A_449 = arith.index_cast %scan3A_183 : i32 to index
        %get3A_450 = arith.constant 576 : index
        %get3A_451 = tpu.vector_load %arg4[%get3A_449, %get3A_450] {strides = array<i32>} : memref<8x1024xf32, #tpu.memory_space<vmem>>, vector<1x16xf32>,
        %get3A_452 = vector.shape_cast %get3A_451 : vector<1x16xf32> to vector<16xf32>
        %get3A_453 = arith.index_cast %scan3A_183 : i32 to index
        %get3A_454 = arith.constant 560 : index
        %get3A_455 = tpu.vector_load %arg4[%get3A_453, %get3A_454] {strides = array<i32>} : memref<8x1024xf32, #tpu.memory_space<vmem>>, vector<1x16xf32>,
        %get3A_456 = vector.shape_cast %get3A_455 : vector<1x16xf32> to vector<16xf32>
        %get3A_457 = arith.index_cast %scan3A_183 : i32 to index
        %get3A_458 = arith.constant 544 : index
        %get3A_459 = tpu.vector_load %arg4[%get3A_457, %get3A_458] {strides = array<i32>} : memref<8x1024xf32, #tpu.memory_space<vmem>>, vector<1x16xf32>,
        %get3A_460 = vector.shape_cast %get3A_459 : vector<1x16xf32> to vector<16xf32>
        %get3A_461 = arith.index_cast %scan3A_183 : i32 to index
        %get3A_462 = arith.constant 528 : index
        %get3A_463 = tpu.vector_load %arg4[%get3A_461, %get3A_462] {strides = array<i32>} : memref<8x1024xf32, #tpu.memory_space<vmem>>, vector<1x16xf32>,
        %get3A_464 = vector.shape_cast %get3A_463 : vector<1x16xf32> to vector<16xf32>
        %get3A_465 = arith.index_cast %scan3A_183 : i32 to index
        %get3A_466 = arith.constant 512 : index
        %get3A_467 = tpu.vector_load %arg4[%get3A_465, %get3A_466] {strides = array<i32>} : memref<8x1024xf32, #tpu.memory_space<vmem>>, vector<1x16xf32>,
        %get3A_468 = vector.shape_cast %get3A_467 : vector<1x16xf32> to vector<16xf32>
        %rev3A_469 = arith.constant 15 : i32
        %rev3A_470 = vector.broadcast %rev3A_469 : i32 to vector<16xi32>
        %rev3A_471 = tpu.iota {dimensions = array<i32: 0>} : vector<16xi32>
        %rev3A_472 = arith.subi %rev3A_470, %rev3A_471 : vector<16xi32>
        %rev3A_473 = tpu.dynamic_gather %get3A_408[%rev3A_472] in [0] : vector<16xf32>, vector<16xi32> -> vector<16xf32>
        %rev3A_474 = arith.constant 15 : i32
        %rev3A_475 = vector.broadcast %rev3A_474 : i32 to vector<16xi32>
        %rev3A_476 = tpu.iota {dimensions = array<i32: 0>} : vector<16xi32>
        %rev3A_477 = arith.subi %rev3A_475, %rev3A_476 : vector<16xi32>
        %rev3A_478 = tpu.dynamic_gather %get3A_412[%rev3A_477] in [0] : vector<16xf32>, vector<16xi32> -> vector<16xf32>
        %rev3A_479 = arith.constant 15 : i32
        %rev3A_480 = vector.broadcast %rev3A_479 : i32 to vector<16xi32>
        %rev3A_481 = tpu.iota {dimensions = array<i32: 0>} : vector<16xi32>
        %rev3A_482 = arith.subi %rev3A_480, %rev3A_481 : vector<16xi32>
        %rev3A_483 = tpu.dynamic_gather %get3A_416[%rev3A_482] in [0] : vector<16xf32>, vector<16xi32> -> vector<16xf32>
        %rev3A_484 = arith.constant 15 : i32
        %rev3A_485 = vector.broadcast %rev3A_484 : i32 to vector<16xi32>
        %rev3A_486 = tpu.iota {dimensions = array<i32: 0>} : vector<16xi32>
        %rev3A_487 = arith.subi %rev3A_485, %rev3A_486 : vector<16xi32>
        %rev3A_488 = tpu.dynamic_gather %get3A_420[%rev3A_487] in [0] : vector<16xf32>, vector<16xi32> -> vector<16xf32>
        %rev3A_489 = arith.constant 15 : i32
        %rev3A_490 = vector.broadcast %rev3A_489 : i32 to vector<16xi32>
        %rev3A_491 = tpu.iota {dimensions = array<i32: 0>} : vector<16xi32>
        %rev3A_492 = arith.subi %rev3A_490, %rev3A_491 : vector<16xi32>
        %rev3A_493 = tpu.dynamic_gather %get3A_424[%rev3A_492] in [0] : vector<16xf32>, vector<16xi32> -> vector<16xf32>
        %rev3A_494 = arith.constant 15 : i32
        %rev3A_495 = vector.broadcast %rev3A_494 : i32 to vector<16xi32>
        %rev3A_496 = tpu.iota {dimensions = array<i32: 0>} : vector<16xi32>
        %rev3A_497 = arith.subi %rev3A_495, %rev3A_496 : vector<16xi32>
        %rev3A_498 = tpu.dynamic_gather %get3A_428[%rev3A_497] in [0] : vector<16xf32>, vector<16xi32> -> vector<16xf32>
        %rev3A_499 = arith.constant 15 : i32
        %rev3A_500 = vector.broadcast %rev3A_499 : i32 to vector<16xi32>
        %rev3A_501 = tpu.iota {dimensions = array<i32: 0>} : vector<16xi32>
        %rev3A_502 = arith.subi %rev3A_500, %rev3A_501 : vector<16xi32>
        %rev3A_503 = tpu.dynamic_gather %get3A_432[%rev3A_502] in [0] : vector<16xf32>, vector<16xi32> -> vector<16xf32>
        %rev3A_504 = arith.constant 15 : i32
        %rev3A_505 = vector.broadcast %rev3A_504 : i32 to vector<16xi32>
        %rev3A_506 = tpu.iota {dimensions = array<i32: 0>} : vector<16xi32>
        %rev3A_507 = arith.subi %rev3A_505, %rev3A_506 : vector<16xi32>
        %rev3A_508 = tpu.dynamic_gather %get3A_436[%rev3A_507] in [0] : vector<16xf32>, vector<16xi32> -> vector<16xf32>
        %rev3A_509 = arith.constant 15 : i32
        %rev3A_510 = vector.broadcast %rev3A_509 : i32 to vector<16xi32>
        %rev3A_511 = tpu.iota {dimensions = array<i32: 0>} : vector<16xi32>
        %rev3A_512 = arith.subi %rev3A_510, %rev3A_511 : vector<16xi32>
        %rev3A_513 = tpu.dynamic_gather %get3A_440[%rev3A_512] in [0] : vector<16xf32>, vector<16xi32> -> vector<16xf32>
        %rev3A_514 = arith.constant 15 : i32
        %rev3A_515 = vector.broadcast %rev3A_514 : i32 to vector<16xi32>
        %rev3A_516 = tpu.iota {dimensions = array<i32: 0>} : vector<16xi32>
        %rev3A_517 = arith.subi %rev3A_515, %rev3A_516 : vector<16xi32>
        %rev3A_518 = tpu.dynamic_gather %get3A_444[%rev3A_517] in [0] : vector<16xf32>, vector<16xi32> -> vector<16xf32>
        %rev3A_519 = arith.constant 15 : i32
        %rev3A_520 = vector.broadcast %rev3A_519 : i32 to vector<16xi32>
        %rev3A_521 = tpu.iota {dimensions = array<i32: 0>} : vector<16xi32>
        %rev3A_522 = arith.subi %rev3A_520, %rev3A_521 : vector<16xi32>
        %rev3A_523 = tpu.dynamic_gather %get3A_448[%rev3A_522] in [0] : vector<16xf32>, vector<16xi32> -> vector<16xf32>
        %rev3A_524 = arith.constant 15 : i32
        %rev3A_525 = vector.broadcast %rev3A_524 : i32 to vector<16xi32>
        %rev3A_526 = tpu.iota {dimensions = array<i32: 0>} : vector<16xi32>
        %rev3A_527 = arith.subi %rev3A_525, %rev3A_526 : vector<16xi32>
        %rev3A_528 = tpu.dynamic_gather %get3A_452[%rev3A_527] in [0] : vector<16xf32>, vector<16xi32> -> vector<16xf32>
        %rev3A_529 = arith.constant 15 : i32
        %rev3A_530 = vector.broadcast %rev3A_529 : i32 to vector<16xi32>
        %rev3A_531 = tpu.iota {dimensions = array<i32: 0>} : vector<16xi32>
        %rev3A_532 = arith.subi %rev3A_530, %rev3A_531 : vector<16xi32>
        %rev3A_533 = tpu.dynamic_gather %get3A_456[%rev3A_532] in [0] : vector<16xf32>, vector<16xi32> -> vector<16xf32>
        %rev3A_534 = arith.constant 15 : i32
        %rev3A_535 = vector.broadcast %rev3A_534 : i32 to vector<16xi32>
        %rev3A_536 = tpu.iota {dimensions = array<i32: 0>} : vector<16xi32>
        %rev3A_537 = arith.subi %rev3A_535, %rev3A_536 : vector<16xi32>
        %rev3A_538 = tpu.dynamic_gather %get3A_460[%rev3A_537] in [0] : vector<16xf32>, vector<16xi32> -> vector<16xf32>
        %rev3A_539 = arith.constant 15 : i32
        %rev3A_540 = vector.broadcast %rev3A_539 : i32 to vector<16xi32>
        %rev3A_541 = tpu.iota {dimensions = array<i32: 0>} : vector<16xi32>
        %rev3A_542 = arith.subi %rev3A_540, %rev3A_541 : vector<16xi32>
        %rev3A_543 = tpu.dynamic_gather %get3A_464[%rev3A_542] in [0] : vector<16xf32>, vector<16xi32> -> vector<16xf32>
        %rev3A_544 = arith.constant 15 : i32
        %rev3A_545 = vector.broadcast %rev3A_544 : i32 to vector<16xi32>
        %rev3A_546 = tpu.iota {dimensions = array<i32: 0>} : vector<16xi32>
        %rev3A_547 = arith.subi %rev3A_545, %rev3A_546 : vector<16xi32>
        %rev3A_548 = tpu.dynamic_gather %get3A_468[%rev3A_547] in [0] : vector<16xf32>, vector<16xi32> -> vector<16xf32>
        %swap3A_549 = arith.index_cast %scan3A_183 : i32 to index
        %swap3A_550 = arith.constant 256 : index
        %swap3A_551 = tpu.vector_load %arg8[%swap3A_549, %swap3A_550] {strides = array<i32>} : memref<8x1024xf32, #tpu.memory_space<vmem>>, vector<1x16xf32>,
        %swap3A_552 = vector.shape_cast %swap3A_551 : vector<1x16xf32> to vector<16xf32>
        %swap3A_553 = vector.shape_cast %rev3A_473 : vector<16xf32> to vector<1x16xf32>
        tpu.vector_store %arg8[%swap3A_549, %swap3A_550], %swap3A_553 {strides = array<i32>} : memref<8x1024xf32, #tpu.memory_space<vmem>>, vector<1x16xf32>,
        %swap3A_554 = arith.index_cast %scan3A_183 : i32 to index
        %swap3A_555 = arith.constant 272 : index
        %swap3A_556 = tpu.vector_load %arg8[%swap3A_554, %swap3A_555] {strides = array<i32>} : memref<8x1024xf32, #tpu.memory_space<vmem>>, vector<1x16xf32>,
        %swap3A_557 = vector.shape_cast %swap3A_556 : vector<1x16xf32> to vector<16xf32>
        %swap3A_558 = vector.shape_cast %rev3A_478 : vector<16xf32> to vector<1x16xf32>
        tpu.vector_store %arg8[%swap3A_554, %swap3A_555], %swap3A_558 {strides = array<i32>} : memref<8x1024xf32, #tpu.memory_space<vmem>>, vector<1x16xf32>,
        %swap3A_559 = arith.index_cast %scan3A_183 : i32 to index
        %swap3A_560 = arith.constant 288 : index
        %swap3A_561 = tpu.vector_load %arg8[%swap3A_559, %swap3A_560] {strides = array<i32>} : memref<8x1024xf32, #tpu.memory_space<vmem>>, vector<1x16xf32>,
        %swap3A_562 = vector.shape_cast %swap3A_561 : vector<1x16xf32> to vector<16xf32>
        %swap3A_563 = vector.shape_cast %rev3A_483 : vector<16xf32> to vector<1x16xf32>
        tpu.vector_store %arg8[%swap3A_559, %swap3A_560], %swap3A_563 {strides = array<i32>} : memref<8x1024xf32, #tpu.memory_space<vmem>>, vector<1x16xf32>,
        %swap3A_564 = arith.index_cast %scan3A_183 : i32 to index
        %swap3A_565 = arith.constant 304 : index
        %swap3A_566 = tpu.vector_load %arg8[%swap3A_564, %swap3A_565] {strides = array<i32>} : memref<8x1024xf32, #tpu.memory_space<vmem>>, vector<1x16xf32>,
        %swap3A_567 = vector.shape_cast %swap3A_566 : vector<1x16xf32> to vector<16xf32>
        %swap3A_568 = vector.shape_cast %rev3A_488 : vector<16xf32> to vector<1x16xf32>
        tpu.vector_store %arg8[%swap3A_564, %swap3A_565], %swap3A_568 {strides = array<i32>} : memref<8x1024xf32, #tpu.memory_space<vmem>>, vector<1x16xf32>,
        %swap3A_569 = arith.index_cast %scan3A_183 : i32 to index
        %swap3A_570 = arith.constant 320 : index
        %swap3A_571 = tpu.vector_load %arg8[%swap3A_569, %swap3A_570] {strides = array<i32>} : memref<8x1024xf32, #tpu.memory_space<vmem>>, vector<1x16xf32>,
        %swap3A_572 = vector.shape_cast %swap3A_571 : vector<1x16xf32> to vector<16xf32>
        %swap3A_573 = vector.shape_cast %rev3A_493 : vector<16xf32> to vector<1x16xf32>
        tpu.vector_store %arg8[%swap3A_569, %swap3A_570], %swap3A_573 {strides = array<i32>} : memref<8x1024xf32, #tpu.memory_space<vmem>>, vector<1x16xf32>,
        %swap3A_574 = arith.index_cast %scan3A_183 : i32 to index
        %swap3A_575 = arith.constant 336 : index
        %swap3A_576 = tpu.vector_load %arg8[%swap3A_574, %swap3A_575] {strides = array<i32>} : memref<8x1024xf32, #tpu.memory_space<vmem>>, vector<1x16xf32>,
        %swap3A_577 = vector.shape_cast %swap3A_576 : vector<1x16xf32> to vector<16xf32>
        %swap3A_578 = vector.shape_cast %rev3A_498 : vector<16xf32> to vector<1x16xf32>
        tpu.vector_store %arg8[%swap3A_574, %swap3A_575], %swap3A_578 {strides = array<i32>} : memref<8x1024xf32, #tpu.memory_space<vmem>>, vector<1x16xf32>,
        %swap3A_579 = arith.index_cast %scan3A_183 : i32 to index
        %swap3A_580 = arith.constant 352 : index
        %swap3A_581 = tpu.vector_load %arg8[%swap3A_579, %swap3A_580] {strides = array<i32>} : memref<8x1024xf32, #tpu.memory_space<vmem>>, vector<1x16xf32>,
        %swap3A_582 = vector.shape_cast %swap3A_581 : vector<1x16xf32> to vector<16xf32>
        %swap3A_583 = vector.shape_cast %rev3A_503 : vector<16xf32> to vector<1x16xf32>
        tpu.vector_store %arg8[%swap3A_579, %swap3A_580], %swap3A_583 {strides = array<i32>} : memref<8x1024xf32, #tpu.memory_space<vmem>>, vector<1x16xf32>,
        %swap3A_584 = arith.index_cast %scan3A_183 : i32 to index
        %swap3A_585 = arith.constant 368 : index
        %swap3A_586 = tpu.vector_load %arg8[%swap3A_584, %swap3A_585] {strides = array<i32>} : memref<8x1024xf32, #tpu.memory_space<vmem>>, vector<1x16xf32>,
        %swap3A_587 = vector.shape_cast %swap3A_586 : vector<1x16xf32> to vector<16xf32>
        %swap3A_588 = vector.shape_cast %rev3A_508 : vector<16xf32> to vector<1x16xf32>
        tpu.vector_store %arg8[%swap3A_584, %swap3A_585], %swap3A_588 {strides = array<i32>} : memref<8x1024xf32, #tpu.memory_space<vmem>>, vector<1x16xf32>,
        %swap3A_589 = arith.index_cast %scan3A_183 : i32 to index
        %swap3A_590 = arith.constant 384 : index
        %swap3A_591 = tpu.vector_load %arg8[%swap3A_589, %swap3A_590] {strides = array<i32>} : memref<8x1024xf32, #tpu.memory_space<vmem>>, vector<1x16xf32>,
        %swap3A_592 = vector.shape_cast %swap3A_591 : vector<1x16xf32> to vector<16xf32>
        %swap3A_593 = vector.shape_cast %rev3A_513 : vector<16xf32> to vector<1x16xf32>
        tpu.vector_store %arg8[%swap3A_589, %swap3A_590], %swap3A_593 {strides = array<i32>} : memref<8x1024xf32, #tpu.memory_space<vmem>>, vector<1x16xf32>,
        %swap3A_594 = arith.index_cast %scan3A_183 : i32 to index
        %swap3A_595 = arith.constant 400 : index
        %swap3A_596 = tpu.vector_load %arg8[%swap3A_594, %swap3A_595] {strides = array<i32>} : memref<8x1024xf32, #tpu.memory_space<vmem>>, vector<1x16xf32>,
        %swap3A_597 = vector.shape_cast %swap3A_596 : vector<1x16xf32> to vector<16xf32>
        %swap3A_598 = vector.shape_cast %rev3A_518 : vector<16xf32> to vector<1x16xf32>
        tpu.vector_store %arg8[%swap3A_594, %swap3A_595], %swap3A_598 {strides = array<i32>} : memref<8x1024xf32, #tpu.memory_space<vmem>>, vector<1x16xf32>,
        %swap3A_599 = arith.index_cast %scan3A_183 : i32 to index
        %swap3A_600 = arith.constant 416 : index
        %swap3A_601 = tpu.vector_load %arg8[%swap3A_599, %swap3A_600] {strides = array<i32>} : memref<8x1024xf32, #tpu.memory_space<vmem>>, vector<1x16xf32>,
        %swap3A_602 = vector.shape_cast %swap3A_601 : vector<1x16xf32> to vector<16xf32>
        %swap3A_603 = vector.shape_cast %rev3A_523 : vector<16xf32> to vector<1x16xf32>
        tpu.vector_store %arg8[%swap3A_599, %swap3A_600], %swap3A_603 {strides = array<i32>} : memref<8x1024xf32, #tpu.memory_space<vmem>>, vector<1x16xf32>,
        %swap3A_604 = arith.index_cast %scan3A_183 : i32 to index
        %swap3A_605 = arith.constant 432 : index
        %swap3A_606 = tpu.vector_load %arg8[%swap3A_604, %swap3A_605] {strides = array<i32>} : memref<8x1024xf32, #tpu.memory_space<vmem>>, vector<1x16xf32>,
        %swap3A_607 = vector.shape_cast %swap3A_606 : vector<1x16xf32> to vector<16xf32>
        %swap3A_608 = vector.shape_cast %rev3A_528 : vector<16xf32> to vector<1x16xf32>
        tpu.vector_store %arg8[%swap3A_604, %swap3A_605], %swap3A_608 {strides = array<i32>} : memref<8x1024xf32, #tpu.memory_space<vmem>>, vector<1x16xf32>,
        %swap3A_609 = arith.index_cast %scan3A_183 : i32 to index
        %swap3A_610 = arith.constant 448 : index
        %swap3A_611 = tpu.vector_load %arg8[%swap3A_609, %swap3A_610] {strides = array<i32>} : memref<8x1024xf32, #tpu.memory_space<vmem>>, vector<1x16xf32>,
        %swap3A_612 = vector.shape_cast %swap3A_611 : vector<1x16xf32> to vector<16xf32>
        %swap3A_613 = vector.shape_cast %rev3A_533 : vector<16xf32> to vector<1x16xf32>
        tpu.vector_store %arg8[%swap3A_609, %swap3A_610], %swap3A_613 {strides = array<i32>} : memref<8x1024xf32, #tpu.memory_space<vmem>>, vector<1x16xf32>,
        %swap3A_614 = arith.index_cast %scan3A_183 : i32 to index
        %swap3A_615 = arith.constant 464 : index
        %swap3A_616 = tpu.vector_load %arg8[%swap3A_614, %swap3A_615] {strides = array<i32>} : memref<8x1024xf32, #tpu.memory_space<vmem>>, vector<1x16xf32>,
        %swap3A_617 = vector.shape_cast %swap3A_616 : vector<1x16xf32> to vector<16xf32>
        %swap3A_618 = vector.shape_cast %rev3A_538 : vector<16xf32> to vector<1x16xf32>
        tpu.vector_store %arg8[%swap3A_614, %swap3A_615], %swap3A_618 {strides = array<i32>} : memref<8x1024xf32, #tpu.memory_space<vmem>>, vector<1x16xf32>,
        %swap3A_619 = arith.index_cast %scan3A_183 : i32 to index
        %swap3A_620 = arith.constant 480 : index
        %swap3A_621 = tpu.vector_load %arg8[%swap3A_619, %swap3A_620] {strides = array<i32>} : memref<8x1024xf32, #tpu.memory_space<vmem>>, vector<1x16xf32>,
        %swap3A_622 = vector.shape_cast %swap3A_621 : vector<1x16xf32> to vector<16xf32>
        %swap3A_623 = vector.shape_cast %rev3A_543 : vector<16xf32> to vector<1x16xf32>
        tpu.vector_store %arg8[%swap3A_619, %swap3A_620], %swap3A_623 {strides = array<i32>} : memref<8x1024xf32, #tpu.memory_space<vmem>>, vector<1x16xf32>,
        %swap3A_624 = arith.index_cast %scan3A_183 : i32 to index
        %swap3A_625 = arith.constant 496 : index
        %swap3A_626 = tpu.vector_load %arg8[%swap3A_624, %swap3A_625] {strides = array<i32>} : memref<8x1024xf32, #tpu.memory_space<vmem>>, vector<1x16xf32>,
        %swap3A_627 = vector.shape_cast %swap3A_626 : vector<1x16xf32> to vector<16xf32>
        %swap3A_628 = vector.shape_cast %rev3A_548 : vector<16xf32> to vector<1x16xf32>
        tpu.vector_store %arg8[%swap3A_624, %swap3A_625], %swap3A_628 {strides = array<i32>} : memref<8x1024xf32, #tpu.memory_space<vmem>>, vector<1x16xf32>,
        %get3A_629 = arith.index_cast %scan3A_183 : i32 to index
        %get3A_630 = arith.constant 496 : index
        %get3A_631 = tpu.vector_load %arg4[%get3A_629, %get3A_630] {strides = array<i32>} : memref<8x1024xf32, #tpu.memory_space<vmem>>, vector<1x16xf32>,
        %get3A_632 = vector.shape_cast %get3A_631 : vector<1x16xf32> to vector<16xf32>
        %get3A_633 = arith.index_cast %scan3A_183 : i32 to index
        %get3A_634 = arith.constant 480 : index
        %get3A_635 = tpu.vector_load %arg4[%get3A_633, %get3A_634] {strides = array<i32>} : memref<8x1024xf32, #tpu.memory_space<vmem>>, vector<1x16xf32>,
        %get3A_636 = vector.shape_cast %get3A_635 : vector<1x16xf32> to vector<16xf32>
        %get3A_637 = arith.index_cast %scan3A_183 : i32 to index
        %get3A_638 = arith.constant 464 : index
        %get3A_639 = tpu.vector_load %arg4[%get3A_637, %get3A_638] {strides = array<i32>} : memref<8x1024xf32, #tpu.memory_space<vmem>>, vector<1x16xf32>,
        %get3A_640 = vector.shape_cast %get3A_639 : vector<1x16xf32> to vector<16xf32>
        %get3A_641 = arith.index_cast %scan3A_183 : i32 to index
        %get3A_642 = arith.constant 448 : index
        %get3A_643 = tpu.vector_load %arg4[%get3A_641, %get3A_642] {strides = array<i32>} : memref<8x1024xf32, #tpu.memory_space<vmem>>, vector<1x16xf32>,
        %get3A_644 = vector.shape_cast %get3A_643 : vector<1x16xf32> to vector<16xf32>
        %get3A_645 = arith.index_cast %scan3A_183 : i32 to index
        %get3A_646 = arith.constant 432 : index
        %get3A_647 = tpu.vector_load %arg4[%get3A_645, %get3A_646] {strides = array<i32>} : memref<8x1024xf32, #tpu.memory_space<vmem>>, vector<1x16xf32>,
        %get3A_648 = vector.shape_cast %get3A_647 : vector<1x16xf32> to vector<16xf32>
        %get3A_649 = arith.index_cast %scan3A_183 : i32 to index
        %get3A_650 = arith.constant 416 : index
        %get3A_651 = tpu.vector_load %arg4[%get3A_649, %get3A_650] {strides = array<i32>} : memref<8x1024xf32, #tpu.memory_space<vmem>>, vector<1x16xf32>,
        %get3A_652 = vector.shape_cast %get3A_651 : vector<1x16xf32> to vector<16xf32>
        %get3A_653 = arith.index_cast %scan3A_183 : i32 to index
        %get3A_654 = arith.constant 400 : index
        %get3A_655 = tpu.vector_load %arg4[%get3A_653, %get3A_654] {strides = array<i32>} : memref<8x1024xf32, #tpu.memory_space<vmem>>, vector<1x16xf32>,
        %get3A_656 = vector.shape_cast %get3A_655 : vector<1x16xf32> to vector<16xf32>
        %get3A_657 = arith.index_cast %scan3A_183 : i32 to index
        %get3A_658 = arith.constant 384 : index
        %get3A_659 = tpu.vector_load %arg4[%get3A_657, %get3A_658] {strides = array<i32>} : memref<8x1024xf32, #tpu.memory_space<vmem>>, vector<1x16xf32>,
        %get3A_660 = vector.shape_cast %get3A_659 : vector<1x16xf32> to vector<16xf32>
        %get3A_661 = arith.index_cast %scan3A_183 : i32 to index
        %get3A_662 = arith.constant 368 : index
        %get3A_663 = tpu.vector_load %arg4[%get3A_661, %get3A_662] {strides = array<i32>} : memref<8x1024xf32, #tpu.memory_space<vmem>>, vector<1x16xf32>,
        %get3A_664 = vector.shape_cast %get3A_663 : vector<1x16xf32> to vector<16xf32>
        %get3A_665 = arith.index_cast %scan3A_183 : i32 to index
        %get3A_666 = arith.constant 352 : index
        %get3A_667 = tpu.vector_load %arg4[%get3A_665, %get3A_666] {strides = array<i32>} : memref<8x1024xf32, #tpu.memory_space<vmem>>, vector<1x16xf32>,
        %get3A_668 = vector.shape_cast %get3A_667 : vector<1x16xf32> to vector<16xf32>
        %get3A_669 = arith.index_cast %scan3A_183 : i32 to index
        %get3A_670 = arith.constant 336 : index
        %get3A_671 = tpu.vector_load %arg4[%get3A_669, %get3A_670] {strides = array<i32>} : memref<8x1024xf32, #tpu.memory_space<vmem>>, vector<1x16xf32>,
        %get3A_672 = vector.shape_cast %get3A_671 : vector<1x16xf32> to vector<16xf32>
        %get3A_673 = arith.index_cast %scan3A_183 : i32 to index
        %get3A_674 = arith.constant 320 : index
        %get3A_675 = tpu.vector_load %arg4[%get3A_673, %get3A_674] {strides = array<i32>} : memref<8x1024xf32, #tpu.memory_space<vmem>>, vector<1x16xf32>,
        %get3A_676 = vector.shape_cast %get3A_675 : vector<1x16xf32> to vector<16xf32>
        %get3A_677 = arith.index_cast %scan3A_183 : i32 to index
        %get3A_678 = arith.constant 304 : index
        %get3A_679 = tpu.vector_load %arg4[%get3A_677, %get3A_678] {strides = array<i32>} : memref<8x1024xf32, #tpu.memory_space<vmem>>, vector<1x16xf32>,
        %get3A_680 = vector.shape_cast %get3A_679 : vector<1x16xf32> to vector<16xf32>
        %get3A_681 = arith.index_cast %scan3A_183 : i32 to index
        %get3A_682 = arith.constant 288 : index
        %get3A_683 = tpu.vector_load %arg4[%get3A_681, %get3A_682] {strides = array<i32>} : memref<8x1024xf32, #tpu.memory_space<vmem>>, vector<1x16xf32>,
        %get3A_684 = vector.shape_cast %get3A_683 : vector<1x16xf32> to vector<16xf32>
        %get3A_685 = arith.index_cast %scan3A_183 : i32 to index
        %get3A_686 = arith.constant 272 : index
        %get3A_687 = tpu.vector_load %arg4[%get3A_685, %get3A_686] {strides = array<i32>} : memref<8x1024xf32, #tpu.memory_space<vmem>>, vector<1x16xf32>,
        %get3A_688 = vector.shape_cast %get3A_687 : vector<1x16xf32> to vector<16xf32>
        %get3A_689 = arith.index_cast %scan3A_183 : i32 to index
        %get3A_690 = arith.constant 256 : index
        %get3A_691 = tpu.vector_load %arg4[%get3A_689, %get3A_690] {strides = array<i32>} : memref<8x1024xf32, #tpu.memory_space<vmem>>, vector<1x16xf32>,
        %get3A_692 = vector.shape_cast %get3A_691 : vector<1x16xf32> to vector<16xf32>
        %rev3A_693 = arith.constant 15 : i32
        %rev3A_694 = vector.broadcast %rev3A_693 : i32 to vector<16xi32>
        %rev3A_695 = tpu.iota {dimensions = array<i32: 0>} : vector<16xi32>
        %rev3A_696 = arith.subi %rev3A_694, %rev3A_695 : vector<16xi32>
        %rev3A_697 = tpu.dynamic_gather %get3A_632[%rev3A_696] in [0] : vector<16xf32>, vector<16xi32> -> vector<16xf32>
        %rev3A_698 = arith.constant 15 : i32
        %rev3A_699 = vector.broadcast %rev3A_698 : i32 to vector<16xi32>
        %rev3A_700 = tpu.iota {dimensions = array<i32: 0>} : vector<16xi32>
        %rev3A_701 = arith.subi %rev3A_699, %rev3A_700 : vector<16xi32>
        %rev3A_702 = tpu.dynamic_gather %get3A_636[%rev3A_701] in [0] : vector<16xf32>, vector<16xi32> -> vector<16xf32>
        %rev3A_703 = arith.constant 15 : i32
        %rev3A_704 = vector.broadcast %rev3A_703 : i32 to vector<16xi32>
        %rev3A_705 = tpu.iota {dimensions = array<i32: 0>} : vector<16xi32>
        %rev3A_706 = arith.subi %rev3A_704, %rev3A_705 : vector<16xi32>
        %rev3A_707 = tpu.dynamic_gather %get3A_640[%rev3A_706] in [0] : vector<16xf32>, vector<16xi32> -> vector<16xf32>
        %rev3A_708 = arith.constant 15 : i32
        %rev3A_709 = vector.broadcast %rev3A_708 : i32 to vector<16xi32>
        %rev3A_710 = tpu.iota {dimensions = array<i32: 0>} : vector<16xi32>
        %rev3A_711 = arith.subi %rev3A_709, %rev3A_710 : vector<16xi32>
        %rev3A_712 = tpu.dynamic_gather %get3A_644[%rev3A_711] in [0] : vector<16xf32>, vector<16xi32> -> vector<16xf32>
        %rev3A_713 = arith.constant 15 : i32
        %rev3A_714 = vector.broadcast %rev3A_713 : i32 to vector<16xi32>
        %rev3A_715 = tpu.iota {dimensions = array<i32: 0>} : vector<16xi32>
        %rev3A_716 = arith.subi %rev3A_714, %rev3A_715 : vector<16xi32>
        %rev3A_717 = tpu.dynamic_gather %get3A_648[%rev3A_716] in [0] : vector<16xf32>, vector<16xi32> -> vector<16xf32>
        %rev3A_718 = arith.constant 15 : i32
        %rev3A_719 = vector.broadcast %rev3A_718 : i32 to vector<16xi32>
        %rev3A_720 = tpu.iota {dimensions = array<i32: 0>} : vector<16xi32>
        %rev3A_721 = arith.subi %rev3A_719, %rev3A_720 : vector<16xi32>
        %rev3A_722 = tpu.dynamic_gather %get3A_652[%rev3A_721] in [0] : vector<16xf32>, vector<16xi32> -> vector<16xf32>
        %rev3A_723 = arith.constant 15 : i32
        %rev3A_724 = vector.broadcast %rev3A_723 : i32 to vector<16xi32>
        %rev3A_725 = tpu.iota {dimensions = array<i32: 0>} : vector<16xi32>
        %rev3A_726 = arith.subi %rev3A_724, %rev3A_725 : vector<16xi32>
        %rev3A_727 = tpu.dynamic_gather %get3A_656[%rev3A_726] in [0] : vector<16xf32>, vector<16xi32> -> vector<16xf32>
        %rev3A_728 = arith.constant 15 : i32
        %rev3A_729 = vector.broadcast %rev3A_728 : i32 to vector<16xi32>
        %rev3A_730 = tpu.iota {dimensions = array<i32: 0>} : vector<16xi32>
        %rev3A_731 = arith.subi %rev3A_729, %rev3A_730 : vector<16xi32>
        %rev3A_732 = tpu.dynamic_gather %get3A_660[%rev3A_731] in [0] : vector<16xf32>, vector<16xi32> -> vector<16xf32>
        %rev3A_733 = arith.constant 15 : i32
        %rev3A_734 = vector.broadcast %rev3A_733 : i32 to vector<16xi32>
        %rev3A_735 = tpu.iota {dimensions = array<i32: 0>} : vector<16xi32>
        %rev3A_736 = arith.subi %rev3A_734, %rev3A_735 : vector<16xi32>
        %rev3A_737 = tpu.dynamic_gather %get3A_664[%rev3A_736] in [0] : vector<16xf32>, vector<16xi32> -> vector<16xf32>
        %rev3A_738 = arith.constant 15 : i32
        %rev3A_739 = vector.broadcast %rev3A_738 : i32 to vector<16xi32>
        %rev3A_740 = tpu.iota {dimensions = array<i32: 0>} : vector<16xi32>
        %rev3A_741 = arith.subi %rev3A_739, %rev3A_740 : vector<16xi32>
        %rev3A_742 = tpu.dynamic_gather %get3A_668[%rev3A_741] in [0] : vector<16xf32>, vector<16xi32> -> vector<16xf32>
        %rev3A_743 = arith.constant 15 : i32
        %rev3A_744 = vector.broadcast %rev3A_743 : i32 to vector<16xi32>
        %rev3A_745 = tpu.iota {dimensions = array<i32: 0>} : vector<16xi32>
        %rev3A_746 = arith.subi %rev3A_744, %rev3A_745 : vector<16xi32>
        %rev3A_747 = tpu.dynamic_gather %get3A_672[%rev3A_746] in [0] : vector<16xf32>, vector<16xi32> -> vector<16xf32>
        %rev3A_748 = arith.constant 15 : i32
        %rev3A_749 = vector.broadcast %rev3A_748 : i32 to vector<16xi32>
        %rev3A_750 = tpu.iota {dimensions = array<i32: 0>} : vector<16xi32>
        %rev3A_751 = arith.subi %rev3A_749, %rev3A_750 : vector<16xi32>
        %rev3A_752 = tpu.dynamic_gather %get3A_676[%rev3A_751] in [0] : vector<16xf32>, vector<16xi32> -> vector<16xf32>
        %rev3A_753 = arith.constant 15 : i32
        %rev3A_754 = vector.broadcast %rev3A_753 : i32 to vector<16xi32>
        %rev3A_755 = tpu.iota {dimensions = array<i32: 0>} : vector<16xi32>
        %rev3A_756 = arith.subi %rev3A_754, %rev3A_755 : vector<16xi32>
        %rev3A_757 = tpu.dynamic_gather %get3A_680[%rev3A_756] in [0] : vector<16xf32>, vector<16xi32> -> vector<16xf32>
        %rev3A_758 = arith.constant 15 : i32
        %rev3A_759 = vector.broadcast %rev3A_758 : i32 to vector<16xi32>
        %rev3A_760 = tpu.iota {dimensions = array<i32: 0>} : vector<16xi32>
        %rev3A_761 = arith.subi %rev3A_759, %rev3A_760 : vector<16xi32>
        %rev3A_762 = tpu.dynamic_gather %get3A_684[%rev3A_761] in [0] : vector<16xf32>, vector<16xi32> -> vector<16xf32>
        %rev3A_763 = arith.constant 15 : i32
        %rev3A_764 = vector.broadcast %rev3A_763 : i32 to vector<16xi32>
        %rev3A_765 = tpu.iota {dimensions = array<i32: 0>} : vector<16xi32>
        %rev3A_766 = arith.subi %rev3A_764, %rev3A_765 : vector<16xi32>
        %rev3A_767 = tpu.dynamic_gather %get3A_688[%rev3A_766] in [0] : vector<16xf32>, vector<16xi32> -> vector<16xf32>
        %rev3A_768 = arith.constant 15 : i32
        %rev3A_769 = vector.broadcast %rev3A_768 : i32 to vector<16xi32>
        %rev3A_770 = tpu.iota {dimensions = array<i32: 0>} : vector<16xi32>
        %rev3A_771 = arith.subi %rev3A_769, %rev3A_770 : vector<16xi32>
        %rev3A_772 = tpu.dynamic_gather %get3A_692[%rev3A_771] in [0] : vector<16xf32>, vector<16xi32> -> vector<16xf32>
        %swap3A_773 = arith.index_cast %scan3A_183 : i32 to index
        %swap3A_774 = arith.constant 512 : index
        %swap3A_775 = tpu.vector_load %arg8[%swap3A_773, %swap3A_774] {strides = array<i32>} : memref<8x1024xf32, #tpu.memory_space<vmem>>, vector<1x16xf32>,
        %swap3A_776 = vector.shape_cast %swap3A_775 : vector<1x16xf32> to vector<16xf32>
        %swap3A_777 = vector.shape_cast %rev3A_697 : vector<16xf32> to vector<1x16xf32>
        tpu.vector_store %arg8[%swap3A_773, %swap3A_774], %swap3A_777 {strides = array<i32>} : memref<8x1024xf32, #tpu.memory_space<vmem>>, vector<1x16xf32>,
        %swap3A_778 = arith.index_cast %scan3A_183 : i32 to index
        %swap3A_779 = arith.constant 528 : index
        %swap3A_780 = tpu.vector_load %arg8[%swap3A_778, %swap3A_779] {strides = array<i32>} : memref<8x1024xf32, #tpu.memory_space<vmem>>, vector<1x16xf32>,
        %swap3A_781 = vector.shape_cast %swap3A_780 : vector<1x16xf32> to vector<16xf32>
        %swap3A_782 = vector.shape_cast %rev3A_702 : vector<16xf32> to vector<1x16xf32>
        tpu.vector_store %arg8[%swap3A_778, %swap3A_779], %swap3A_782 {strides = array<i32>} : memref<8x1024xf32, #tpu.memory_space<vmem>>, vector<1x16xf32>,
        %swap3A_783 = arith.index_cast %scan3A_183 : i32 to index
        %swap3A_784 = arith.constant 544 : index
        %swap3A_785 = tpu.vector_load %arg8[%swap3A_783, %swap3A_784] {strides = array<i32>} : memref<8x1024xf32, #tpu.memory_space<vmem>>, vector<1x16xf32>,
        %swap3A_786 = vector.shape_cast %swap3A_785 : vector<1x16xf32> to vector<16xf32>
        %swap3A_787 = vector.shape_cast %rev3A_707 : vector<16xf32> to vector<1x16xf32>
        tpu.vector_store %arg8[%swap3A_783, %swap3A_784], %swap3A_787 {strides = array<i32>} : memref<8x1024xf32, #tpu.memory_space<vmem>>, vector<1x16xf32>,
        %swap3A_788 = arith.index_cast %scan3A_183 : i32 to index
        %swap3A_789 = arith.constant 560 : index
        %swap3A_790 = tpu.vector_load %arg8[%swap3A_788, %swap3A_789] {strides = array<i32>} : memref<8x1024xf32, #tpu.memory_space<vmem>>, vector<1x16xf32>,
        %swap3A_791 = vector.shape_cast %swap3A_790 : vector<1x16xf32> to vector<16xf32>
        %swap3A_792 = vector.shape_cast %rev3A_712 : vector<16xf32> to vector<1x16xf32>
        tpu.vector_store %arg8[%swap3A_788, %swap3A_789], %swap3A_792 {strides = array<i32>} : memref<8x1024xf32, #tpu.memory_space<vmem>>, vector<1x16xf32>,
        %swap3A_793 = arith.index_cast %scan3A_183 : i32 to index
        %swap3A_794 = arith.constant 576 : index
        %swap3A_795 = tpu.vector_load %arg8[%swap3A_793, %swap3A_794] {strides = array<i32>} : memref<8x1024xf32, #tpu.memory_space<vmem>>, vector<1x16xf32>,
        %swap3A_796 = vector.shape_cast %swap3A_795 : vector<1x16xf32> to vector<16xf32>
        %swap3A_797 = vector.shape_cast %rev3A_717 : vector<16xf32> to vector<1x16xf32>
        tpu.vector_store %arg8[%swap3A_793, %swap3A_794], %swap3A_797 {strides = array<i32>} : memref<8x1024xf32, #tpu.memory_space<vmem>>, vector<1x16xf32>,
        %swap3A_798 = arith.index_cast %scan3A_183 : i32 to index
        %swap3A_799 = arith.constant 592 : index
        %swap3A_800 = tpu.vector_load %arg8[%swap3A_798, %swap3A_799] {strides = array<i32>} : memref<8x1024xf32, #tpu.memory_space<vmem>>, vector<1x16xf32>,
        %swap3A_801 = vector.shape_cast %swap3A_800 : vector<1x16xf32> to vector<16xf32>
        %swap3A_802 = vector.shape_cast %rev3A_722 : vector<16xf32> to vector<1x16xf32>
        tpu.vector_store %arg8[%swap3A_798, %swap3A_799], %swap3A_802 {strides = array<i32>} : memref<8x1024xf32, #tpu.memory_space<vmem>>, vector<1x16xf32>,
        %swap3A_803 = arith.index_cast %scan3A_183 : i32 to index
        %swap3A_804 = arith.constant 608 : index
        %swap3A_805 = tpu.vector_load %arg8[%swap3A_803, %swap3A_804] {strides = array<i32>} : memref<8x1024xf32, #tpu.memory_space<vmem>>, vector<1x16xf32>,
        %swap3A_806 = vector.shape_cast %swap3A_805 : vector<1x16xf32> to vector<16xf32>
        %swap3A_807 = vector.shape_cast %rev3A_727 : vector<16xf32> to vector<1x16xf32>
        tpu.vector_store %arg8[%swap3A_803, %swap3A_804], %swap3A_807 {strides = array<i32>} : memref<8x1024xf32, #tpu.memory_space<vmem>>, vector<1x16xf32>,
        %swap3A_808 = arith.index_cast %scan3A_183 : i32 to index
        %swap3A_809 = arith.constant 624 : index
        %swap3A_810 = tpu.vector_load %arg8[%swap3A_808, %swap3A_809] {strides = array<i32>} : memref<8x1024xf32, #tpu.memory_space<vmem>>, vector<1x16xf32>,
        %swap3A_811 = vector.shape_cast %swap3A_810 : vector<1x16xf32> to vector<16xf32>
        %swap3A_812 = vector.shape_cast %rev3A_732 : vector<16xf32> to vector<1x16xf32>
        tpu.vector_store %arg8[%swap3A_808, %swap3A_809], %swap3A_812 {strides = array<i32>} : memref<8x1024xf32, #tpu.memory_space<vmem>>, vector<1x16xf32>,
        %swap3A_813 = arith.index_cast %scan3A_183 : i32 to index
        %swap3A_814 = arith.constant 640 : index
        %swap3A_815 = tpu.vector_load %arg8[%swap3A_813, %swap3A_814] {strides = array<i32>} : memref<8x1024xf32, #tpu.memory_space<vmem>>, vector<1x16xf32>,
        %swap3A_816 = vector.shape_cast %swap3A_815 : vector<1x16xf32> to vector<16xf32>
        %swap3A_817 = vector.shape_cast %rev3A_737 : vector<16xf32> to vector<1x16xf32>
        tpu.vector_store %arg8[%swap3A_813, %swap3A_814], %swap3A_817 {strides = array<i32>} : memref<8x1024xf32, #tpu.memory_space<vmem>>, vector<1x16xf32>,
        %swap3A_818 = arith.index_cast %scan3A_183 : i32 to index
        %swap3A_819 = arith.constant 656 : index
        %swap3A_820 = tpu.vector_load %arg8[%swap3A_818, %swap3A_819] {strides = array<i32>} : memref<8x1024xf32, #tpu.memory_space<vmem>>, vector<1x16xf32>,
        %swap3A_821 = vector.shape_cast %swap3A_820 : vector<1x16xf32> to vector<16xf32>
        %swap3A_822 = vector.shape_cast %rev3A_742 : vector<16xf32> to vector<1x16xf32>
        tpu.vector_store %arg8[%swap3A_818, %swap3A_819], %swap3A_822 {strides = array<i32>} : memref<8x1024xf32, #tpu.memory_space<vmem>>, vector<1x16xf32>,
        %swap3A_823 = arith.index_cast %scan3A_183 : i32 to index
        %swap3A_824 = arith.constant 672 : index
        %swap3A_825 = tpu.vector_load %arg8[%swap3A_823, %swap3A_824] {strides = array<i32>} : memref<8x1024xf32, #tpu.memory_space<vmem>>, vector<1x16xf32>,
        %swap3A_826 = vector.shape_cast %swap3A_825 : vector<1x16xf32> to vector<16xf32>
        %swap3A_827 = vector.shape_cast %rev3A_747 : vector<16xf32> to vector<1x16xf32>
        tpu.vector_store %arg8[%swap3A_823, %swap3A_824], %swap3A_827 {strides = array<i32>} : memref<8x1024xf32, #tpu.memory_space<vmem>>, vector<1x16xf32>,
        %swap3A_828 = arith.index_cast %scan3A_183 : i32 to index
        %swap3A_829 = arith.constant 688 : index
        %swap3A_830 = tpu.vector_load %arg8[%swap3A_828, %swap3A_829] {strides = array<i32>} : memref<8x1024xf32, #tpu.memory_space<vmem>>, vector<1x16xf32>,
        %swap3A_831 = vector.shape_cast %swap3A_830 : vector<1x16xf32> to vector<16xf32>
        %swap3A_832 = vector.shape_cast %rev3A_752 : vector<16xf32> to vector<1x16xf32>
        tpu.vector_store %arg8[%swap3A_828, %swap3A_829], %swap3A_832 {strides = array<i32>} : memref<8x1024xf32, #tpu.memory_space<vmem>>, vector<1x16xf32>,
        %swap3A_833 = arith.index_cast %scan3A_183 : i32 to index
        %swap3A_834 = arith.constant 704 : index
        %swap3A_835 = tpu.vector_load %arg8[%swap3A_833, %swap3A_834] {strides = array<i32>} : memref<8x1024xf32, #tpu.memory_space<vmem>>, vector<1x16xf32>,
        %swap3A_836 = vector.shape_cast %swap3A_835 : vector<1x16xf32> to vector<16xf32>
        %swap3A_837 = vector.shape_cast %rev3A_757 : vector<16xf32> to vector<1x16xf32>
        tpu.vector_store %arg8[%swap3A_833, %swap3A_834], %swap3A_837 {strides = array<i32>} : memref<8x1024xf32, #tpu.memory_space<vmem>>, vector<1x16xf32>,
        %swap3A_838 = arith.index_cast %scan3A_183 : i32 to index
        %swap3A_839 = arith.constant 720 : index
        %swap3A_840 = tpu.vector_load %arg8[%swap3A_838, %swap3A_839] {strides = array<i32>} : memref<8x1024xf32, #tpu.memory_space<vmem>>, vector<1x16xf32>,
        %swap3A_841 = vector.shape_cast %swap3A_840 : vector<1x16xf32> to vector<16xf32>
        %swap3A_842 = vector.shape_cast %rev3A_762 : vector<16xf32> to vector<1x16xf32>
        tpu.vector_store %arg8[%swap3A_838, %swap3A_839], %swap3A_842 {strides = array<i32>} : memref<8x1024xf32, #tpu.memory_space<vmem>>, vector<1x16xf32>,
        %swap3A_843 = arith.index_cast %scan3A_183 : i32 to index
        %swap3A_844 = arith.constant 736 : index
        %swap3A_845 = tpu.vector_load %arg8[%swap3A_843, %swap3A_844] {strides = array<i32>} : memref<8x1024xf32, #tpu.memory_space<vmem>>, vector<1x16xf32>,
        %swap3A_846 = vector.shape_cast %swap3A_845 : vector<1x16xf32> to vector<16xf32>
        %swap3A_847 = vector.shape_cast %rev3A_767 : vector<16xf32> to vector<1x16xf32>
        tpu.vector_store %arg8[%swap3A_843, %swap3A_844], %swap3A_847 {strides = array<i32>} : memref<8x1024xf32, #tpu.memory_space<vmem>>, vector<1x16xf32>,
        %swap3A_848 = arith.index_cast %scan3A_183 : i32 to index
        %swap3A_849 = arith.constant 752 : index
        %swap3A_850 = tpu.vector_load %arg8[%swap3A_848, %swap3A_849] {strides = array<i32>} : memref<8x1024xf32, #tpu.memory_space<vmem>>, vector<1x16xf32>,
        %swap3A_851 = vector.shape_cast %swap3A_850 : vector<1x16xf32> to vector<16xf32>
        %swap3A_852 = vector.shape_cast %rev3A_772 : vector<16xf32> to vector<1x16xf32>
        tpu.vector_store %arg8[%swap3A_848, %swap3A_849], %swap3A_852 {strides = array<i32>} : memref<8x1024xf32, #tpu.memory_space<vmem>>, vector<1x16xf32>,
        %get3A_853 = arith.index_cast %scan3A_183 : i32 to index
        %get3A_854 = arith.constant 240 : index
        %get3A_855 = tpu.vector_load %arg4[%get3A_853, %get3A_854] {strides = array<i32>} : memref<8x1024xf32, #tpu.memory_space<vmem>>, vector<1x16xf32>,
        %get3A_856 = vector.shape_cast %get3A_855 : vector<1x16xf32> to vector<16xf32>
        %get3A_857 = arith.index_cast %scan3A_183 : i32 to index
        %get3A_858 = arith.constant 224 : index
        %get3A_859 = tpu.vector_load %arg4[%get3A_857, %get3A_858] {strides = array<i32>} : memref<8x1024xf32, #tpu.memory_space<vmem>>, vector<1x16xf32>,
        %get3A_860 = vector.shape_cast %get3A_859 : vector<1x16xf32> to vector<16xf32>
        %get3A_861 = arith.index_cast %scan3A_183 : i32 to index
        %get3A_862 = arith.constant 208 : index
        %get3A_863 = tpu.vector_load %arg4[%get3A_861, %get3A_862] {strides = array<i32>} : memref<8x1024xf32, #tpu.memory_space<vmem>>, vector<1x16xf32>,
        %get3A_864 = vector.shape_cast %get3A_863 : vector<1x16xf32> to vector<16xf32>
        %get3A_865 = arith.index_cast %scan3A_183 : i32 to index
        %get3A_866 = arith.constant 192 : index
        %get3A_867 = tpu.vector_load %arg4[%get3A_865, %get3A_866] {strides = array<i32>} : memref<8x1024xf32, #tpu.memory_space<vmem>>, vector<1x16xf32>,
        %get3A_868 = vector.shape_cast %get3A_867 : vector<1x16xf32> to vector<16xf32>
        %get3A_869 = arith.index_cast %scan3A_183 : i32 to index
        %get3A_870 = arith.constant 176 : index
        %get3A_871 = tpu.vector_load %arg4[%get3A_869, %get3A_870] {strides = array<i32>} : memref<8x1024xf32, #tpu.memory_space<vmem>>, vector<1x16xf32>,
        %get3A_872 = vector.shape_cast %get3A_871 : vector<1x16xf32> to vector<16xf32>
        %get3A_873 = arith.index_cast %scan3A_183 : i32 to index
        %get3A_874 = arith.constant 160 : index
        %get3A_875 = tpu.vector_load %arg4[%get3A_873, %get3A_874] {strides = array<i32>} : memref<8x1024xf32, #tpu.memory_space<vmem>>, vector<1x16xf32>,
        %get3A_876 = vector.shape_cast %get3A_875 : vector<1x16xf32> to vector<16xf32>
        %get3A_877 = arith.index_cast %scan3A_183 : i32 to index
        %get3A_878 = arith.constant 144 : index
        %get3A_879 = tpu.vector_load %arg4[%get3A_877, %get3A_878] {strides = array<i32>} : memref<8x1024xf32, #tpu.memory_space<vmem>>, vector<1x16xf32>,
        %get3A_880 = vector.shape_cast %get3A_879 : vector<1x16xf32> to vector<16xf32>
        %get3A_881 = arith.index_cast %scan3A_183 : i32 to index
        %get3A_882 = arith.constant 128 : index
        %get3A_883 = tpu.vector_load %arg4[%get3A_881, %get3A_882] {strides = array<i32>} : memref<8x1024xf32, #tpu.memory_space<vmem>>, vector<1x16xf32>,
        %get3A_884 = vector.shape_cast %get3A_883 : vector<1x16xf32> to vector<16xf32>
        %get3A_885 = arith.index_cast %scan3A_183 : i32 to index
        %get3A_886 = arith.constant 112 : index
        %get3A_887 = tpu.vector_load %arg4[%get3A_885, %get3A_886] {strides = array<i32>} : memref<8x1024xf32, #tpu.memory_space<vmem>>, vector<1x16xf32>,
        %get3A_888 = vector.shape_cast %get3A_887 : vector<1x16xf32> to vector<16xf32>
        %get3A_889 = arith.index_cast %scan3A_183 : i32 to index
        %get3A_890 = arith.constant 96 : index
        %get3A_891 = tpu.vector_load %arg4[%get3A_889, %get3A_890] {strides = array<i32>} : memref<8x1024xf32, #tpu.memory_space<vmem>>, vector<1x16xf32>,
        %get3A_892 = vector.shape_cast %get3A_891 : vector<1x16xf32> to vector<16xf32>
        %get3A_893 = arith.index_cast %scan3A_183 : i32 to index
        %get3A_894 = arith.constant 80 : index
        %get3A_895 = tpu.vector_load %arg4[%get3A_893, %get3A_894] {strides = array<i32>} : memref<8x1024xf32, #tpu.memory_space<vmem>>, vector<1x16xf32>,
        %get3A_896 = vector.shape_cast %get3A_895 : vector<1x16xf32> to vector<16xf32>
        %get3A_897 = arith.index_cast %scan3A_183 : i32 to index
        %get3A_898 = arith.constant 64 : index
        %get3A_899 = tpu.vector_load %arg4[%get3A_897, %get3A_898] {strides = array<i32>} : memref<8x1024xf32, #tpu.memory_space<vmem>>, vector<1x16xf32>,
        %get3A_900 = vector.shape_cast %get3A_899 : vector<1x16xf32> to vector<16xf32>
        %get3A_901 = arith.index_cast %scan3A_183 : i32 to index
        %get3A_902 = arith.constant 48 : index
        %get3A_903 = tpu.vector_load %arg4[%get3A_901, %get3A_902] {strides = array<i32>} : memref<8x1024xf32, #tpu.memory_space<vmem>>, vector<1x16xf32>,
        %get3A_904 = vector.shape_cast %get3A_903 : vector<1x16xf32> to vector<16xf32>
        %get3A_905 = arith.index_cast %scan3A_183 : i32 to index
        %get3A_906 = arith.constant 32 : index
        %get3A_907 = tpu.vector_load %arg4[%get3A_905, %get3A_906] {strides = array<i32>} : memref<8x1024xf32, #tpu.memory_space<vmem>>, vector<1x16xf32>,
        %get3A_908 = vector.shape_cast %get3A_907 : vector<1x16xf32> to vector<16xf32>
        %get3A_909 = arith.index_cast %scan3A_183 : i32 to index
        %get3A_910 = arith.constant 16 : index
        %get3A_911 = tpu.vector_load %arg4[%get3A_909, %get3A_910] {strides = array<i32>} : memref<8x1024xf32, #tpu.memory_space<vmem>>, vector<1x16xf32>,
        %get3A_912 = vector.shape_cast %get3A_911 : vector<1x16xf32> to vector<16xf32>
        %get3A_913 = arith.index_cast %scan3A_183 : i32 to index
        %get3A_914 = arith.constant 0 : index
        %get3A_915 = tpu.vector_load %arg4[%get3A_913, %get3A_914] {strides = array<i32>} : memref<8x1024xf32, #tpu.memory_space<vmem>>, vector<1x16xf32>,
        %get3A_916 = vector.shape_cast %get3A_915 : vector<1x16xf32> to vector<16xf32>
        %rev3A_917 = arith.constant 15 : i32
        %rev3A_918 = vector.broadcast %rev3A_917 : i32 to vector<16xi32>
        %rev3A_919 = tpu.iota {dimensions = array<i32: 0>} : vector<16xi32>
        %rev3A_920 = arith.subi %rev3A_918, %rev3A_919 : vector<16xi32>
        %rev3A_921 = tpu.dynamic_gather %get3A_856[%rev3A_920] in [0] : vector<16xf32>, vector<16xi32> -> vector<16xf32>
        %rev3A_922 = arith.constant 15 : i32
        %rev3A_923 = vector.broadcast %rev3A_922 : i32 to vector<16xi32>
        %rev3A_924 = tpu.iota {dimensions = array<i32: 0>} : vector<16xi32>
        %rev3A_925 = arith.subi %rev3A_923, %rev3A_924 : vector<16xi32>
        %rev3A_926 = tpu.dynamic_gather %get3A_860[%rev3A_925] in [0] : vector<16xf32>, vector<16xi32> -> vector<16xf32>
        %rev3A_927 = arith.constant 15 : i32
        %rev3A_928 = vector.broadcast %rev3A_927 : i32 to vector<16xi32>
        %rev3A_929 = tpu.iota {dimensions = array<i32: 0>} : vector<16xi32>
        %rev3A_930 = arith.subi %rev3A_928, %rev3A_929 : vector<16xi32>
        %rev3A_931 = tpu.dynamic_gather %get3A_864[%rev3A_930] in [0] : vector<16xf32>, vector<16xi32> -> vector<16xf32>
        %rev3A_932 = arith.constant 15 : i32
        %rev3A_933 = vector.broadcast %rev3A_932 : i32 to vector<16xi32>
        %rev3A_934 = tpu.iota {dimensions = array<i32: 0>} : vector<16xi32>
        %rev3A_935 = arith.subi %rev3A_933, %rev3A_934 : vector<16xi32>
        %rev3A_936 = tpu.dynamic_gather %get3A_868[%rev3A_935] in [0] : vector<16xf32>, vector<16xi32> -> vector<16xf32>
        %rev3A_937 = arith.constant 15 : i32
        %rev3A_938 = vector.broadcast %rev3A_937 : i32 to vector<16xi32>
        %rev3A_939 = tpu.iota {dimensions = array<i32: 0>} : vector<16xi32>
        %rev3A_940 = arith.subi %rev3A_938, %rev3A_939 : vector<16xi32>
        %rev3A_941 = tpu.dynamic_gather %get3A_872[%rev3A_940] in [0] : vector<16xf32>, vector<16xi32> -> vector<16xf32>
        %rev3A_942 = arith.constant 15 : i32
        %rev3A_943 = vector.broadcast %rev3A_942 : i32 to vector<16xi32>
        %rev3A_944 = tpu.iota {dimensions = array<i32: 0>} : vector<16xi32>
        %rev3A_945 = arith.subi %rev3A_943, %rev3A_944 : vector<16xi32>
        %rev3A_946 = tpu.dynamic_gather %get3A_876[%rev3A_945] in [0] : vector<16xf32>, vector<16xi32> -> vector<16xf32>
        %rev3A_947 = arith.constant 15 : i32
        %rev3A_948 = vector.broadcast %rev3A_947 : i32 to vector<16xi32>
        %rev3A_949 = tpu.iota {dimensions = array<i32: 0>} : vector<16xi32>
        %rev3A_950 = arith.subi %rev3A_948, %rev3A_949 : vector<16xi32>
        %rev3A_951 = tpu.dynamic_gather %get3A_880[%rev3A_950] in [0] : vector<16xf32>, vector<16xi32> -> vector<16xf32>
        %rev3A_952 = arith.constant 15 : i32
        %rev3A_953 = vector.broadcast %rev3A_952 : i32 to vector<16xi32>
        %rev3A_954 = tpu.iota {dimensions = array<i32: 0>} : vector<16xi32>
        %rev3A_955 = arith.subi %rev3A_953, %rev3A_954 : vector<16xi32>
        %rev3A_956 = tpu.dynamic_gather %get3A_884[%rev3A_955] in [0] : vector<16xf32>, vector<16xi32> -> vector<16xf32>
        %rev3A_957 = arith.constant 15 : i32
        %rev3A_958 = vector.broadcast %rev3A_957 : i32 to vector<16xi32>
        %rev3A_959 = tpu.iota {dimensions = array<i32: 0>} : vector<16xi32>
        %rev3A_960 = arith.subi %rev3A_958, %rev3A_959 : vector<16xi32>
        %rev3A_961 = tpu.dynamic_gather %get3A_888[%rev3A_960] in [0] : vector<16xf32>, vector<16xi32> -> vector<16xf32>
        %rev3A_962 = arith.constant 15 : i32
        %rev3A_963 = vector.broadcast %rev3A_962 : i32 to vector<16xi32>
        %rev3A_964 = tpu.iota {dimensions = array<i32: 0>} : vector<16xi32>
        %rev3A_965 = arith.subi %rev3A_963, %rev3A_964 : vector<16xi32>
        %rev3A_966 = tpu.dynamic_gather %get3A_892[%rev3A_965] in [0] : vector<16xf32>, vector<16xi32> -> vector<16xf32>
        %rev3A_967 = arith.constant 15 : i32
        %rev3A_968 = vector.broadcast %rev3A_967 : i32 to vector<16xi32>
        %rev3A_969 = tpu.iota {dimensions = array<i32: 0>} : vector<16xi32>
        %rev3A_970 = arith.subi %rev3A_968, %rev3A_969 : vector<16xi32>
        %rev3A_971 = tpu.dynamic_gather %get3A_896[%rev3A_970] in [0] : vector<16xf32>, vector<16xi32> -> vector<16xf32>
        %rev3A_972 = arith.constant 15 : i32
        %rev3A_973 = vector.broadcast %rev3A_972 : i32 to vector<16xi32>
        %rev3A_974 = tpu.iota {dimensions = array<i32: 0>} : vector<16xi32>
        %rev3A_975 = arith.subi %rev3A_973, %rev3A_974 : vector<16xi32>
        %rev3A_976 = tpu.dynamic_gather %get3A_900[%rev3A_975] in [0] : vector<16xf32>, vector<16xi32> -> vector<16xf32>
        %rev3A_977 = arith.constant 15 : i32
        %rev3A_978 = vector.broadcast %rev3A_977 : i32 to vector<16xi32>
        %rev3A_979 = tpu.iota {dimensions = array<i32: 0>} : vector<16xi32>
        %rev3A_980 = arith.subi %rev3A_978, %rev3A_979 : vector<16xi32>
        %rev3A_981 = tpu.dynamic_gather %get3A_904[%rev3A_980] in [0] : vector<16xf32>, vector<16xi32> -> vector<16xf32>
        %rev3A_982 = arith.constant 15 : i32
        %rev3A_983 = vector.broadcast %rev3A_982 : i32 to vector<16xi32>
        %rev3A_984 = tpu.iota {dimensions = array<i32: 0>} : vector<16xi32>
        %rev3A_985 = arith.subi %rev3A_983, %rev3A_984 : vector<16xi32>
        %rev3A_986 = tpu.dynamic_gather %get3A_908[%rev3A_985] in [0] : vector<16xf32>, vector<16xi32> -> vector<16xf32>
        %rev3A_987 = arith.constant 15 : i32
        %rev3A_988 = vector.broadcast %rev3A_987 : i32 to vector<16xi32>
        %rev3A_989 = tpu.iota {dimensions = array<i32: 0>} : vector<16xi32>
        %rev3A_990 = arith.subi %rev3A_988, %rev3A_989 : vector<16xi32>
        %rev3A_991 = tpu.dynamic_gather %get3A_912[%rev3A_990] in [0] : vector<16xf32>, vector<16xi32> -> vector<16xf32>
        %rev3A_992 = arith.constant 15 : i32
        %rev3A_993 = vector.broadcast %rev3A_992 : i32 to vector<16xi32>
        %rev3A_994 = tpu.iota {dimensions = array<i32: 0>} : vector<16xi32>
        %rev3A_995 = arith.subi %rev3A_993, %rev3A_994 : vector<16xi32>
        %rev3A_996 = tpu.dynamic_gather %get3A_916[%rev3A_995] in [0] : vector<16xf32>, vector<16xi32> -> vector<16xf32>
        %swap3A_997 = arith.index_cast %scan3A_183 : i32 to index
        %swap3A_998 = arith.constant 768 : index
        %swap3A_999 = tpu.vector_load %arg8[%swap3A_997, %swap3A_998] {strides = array<i32>} : memref<8x1024xf32, #tpu.memory_space<vmem>>, vector<1x16xf32>,
        %swap3A_1000 = vector.shape_cast %swap3A_999 : vector<1x16xf32> to vector<16xf32>
        %swap3A_1001 = vector.shape_cast %rev3A_921 : vector<16xf32> to vector<1x16xf32>
        tpu.vector_store %arg8[%swap3A_997, %swap3A_998], %swap3A_1001 {strides = array<i32>} : memref<8x1024xf32, #tpu.memory_space<vmem>>, vector<1x16xf32>,
        %swap3A_1002 = arith.index_cast %scan3A_183 : i32 to index
        %swap3A_1003 = arith.constant 784 : index
        %swap3A_1004 = tpu.vector_load %arg8[%swap3A_1002, %swap3A_1003] {strides = array<i32>} : memref<8x1024xf32, #tpu.memory_space<vmem>>, vector<1x16xf32>,
        %swap3A_1005 = vector.shape_cast %swap3A_1004 : vector<1x16xf32> to vector<16xf32>
        %swap3A_1006 = vector.shape_cast %rev3A_926 : vector<16xf32> to vector<1x16xf32>
        tpu.vector_store %arg8[%swap3A_1002, %swap3A_1003], %swap3A_1006 {strides = array<i32>} : memref<8x1024xf32, #tpu.memory_space<vmem>>, vector<1x16xf32>,
        %swap3A_1007 = arith.index_cast %scan3A_183 : i32 to index
        %swap3A_1008 = arith.constant 800 : index
        %swap3A_1009 = tpu.vector_load %arg8[%swap3A_1007, %swap3A_1008] {strides = array<i32>} : memref<8x1024xf32, #tpu.memory_space<vmem>>, vector<1x16xf32>,
        %swap3A_1010 = vector.shape_cast %swap3A_1009 : vector<1x16xf32> to vector<16xf32>
        %swap3A_1011 = vector.shape_cast %rev3A_931 : vector<16xf32> to vector<1x16xf32>
        tpu.vector_store %arg8[%swap3A_1007, %swap3A_1008], %swap3A_1011 {strides = array<i32>} : memref<8x1024xf32, #tpu.memory_space<vmem>>, vector<1x16xf32>,
        %swap3A_1012 = arith.index_cast %scan3A_183 : i32 to index
        %swap3A_1013 = arith.constant 816 : index
        %swap3A_1014 = tpu.vector_load %arg8[%swap3A_1012, %swap3A_1013] {strides = array<i32>} : memref<8x1024xf32, #tpu.memory_space<vmem>>, vector<1x16xf32>,
        %swap3A_1015 = vector.shape_cast %swap3A_1014 : vector<1x16xf32> to vector<16xf32>
        %swap3A_1016 = vector.shape_cast %rev3A_936 : vector<16xf32> to vector<1x16xf32>
        tpu.vector_store %arg8[%swap3A_1012, %swap3A_1013], %swap3A_1016 {strides = array<i32>} : memref<8x1024xf32, #tpu.memory_space<vmem>>, vector<1x16xf32>,
        %swap3A_1017 = arith.index_cast %scan3A_183 : i32 to index
        %swap3A_1018 = arith.constant 832 : index
        %swap3A_1019 = tpu.vector_load %arg8[%swap3A_1017, %swap3A_1018] {strides = array<i32>} : memref<8x1024xf32, #tpu.memory_space<vmem>>, vector<1x16xf32>,
        %swap3A_1020 = vector.shape_cast %swap3A_1019 : vector<1x16xf32> to vector<16xf32>
        %swap3A_1021 = vector.shape_cast %rev3A_941 : vector<16xf32> to vector<1x16xf32>
        tpu.vector_store %arg8[%swap3A_1017, %swap3A_1018], %swap3A_1021 {strides = array<i32>} : memref<8x1024xf32, #tpu.memory_space<vmem>>, vector<1x16xf32>,
        %swap3A_1022 = arith.index_cast %scan3A_183 : i32 to index
        %swap3A_1023 = arith.constant 848 : index
        %swap3A_1024 = tpu.vector_load %arg8[%swap3A_1022, %swap3A_1023] {strides = array<i32>} : memref<8x1024xf32, #tpu.memory_space<vmem>>, vector<1x16xf32>,
        %swap3A_1025 = vector.shape_cast %swap3A_1024 : vector<1x16xf32> to vector<16xf32>
        %swap3A_1026 = vector.shape_cast %rev3A_946 : vector<16xf32> to vector<1x16xf32>
        tpu.vector_store %arg8[%swap3A_1022, %swap3A_1023], %swap3A_1026 {strides = array<i32>} : memref<8x1024xf32, #tpu.memory_space<vmem>>, vector<1x16xf32>,
        %swap3A_1027 = arith.index_cast %scan3A_183 : i32 to index
        %swap3A_1028 = arith.constant 864 : index
        %swap3A_1029 = tpu.vector_load %arg8[%swap3A_1027, %swap3A_1028] {strides = array<i32>} : memref<8x1024xf32, #tpu.memory_space<vmem>>, vector<1x16xf32>,
        %swap3A_1030 = vector.shape_cast %swap3A_1029 : vector<1x16xf32> to vector<16xf32>
        %swap3A_1031 = vector.shape_cast %rev3A_951 : vector<16xf32> to vector<1x16xf32>
        tpu.vector_store %arg8[%swap3A_1027, %swap3A_1028], %swap3A_1031 {strides = array<i32>} : memref<8x1024xf32, #tpu.memory_space<vmem>>, vector<1x16xf32>,
        %swap3A_1032 = arith.index_cast %scan3A_183 : i32 to index
        %swap3A_1033 = arith.constant 880 : index
        %swap3A_1034 = tpu.vector_load %arg8[%swap3A_1032, %swap3A_1033] {strides = array<i32>} : memref<8x1024xf32, #tpu.memory_space<vmem>>, vector<1x16xf32>,
        %swap3A_1035 = vector.shape_cast %swap3A_1034 : vector<1x16xf32> to vector<16xf32>
        %swap3A_1036 = vector.shape_cast %rev3A_956 : vector<16xf32> to vector<1x16xf32>
        tpu.vector_store %arg8[%swap3A_1032, %swap3A_1033], %swap3A_1036 {strides = array<i32>} : memref<8x1024xf32, #tpu.memory_space<vmem>>, vector<1x16xf32>,
        %swap3A_1037 = arith.index_cast %scan3A_183 : i32 to index
        %swap3A_1038 = arith.constant 896 : index
        %swap3A_1039 = tpu.vector_load %arg8[%swap3A_1037, %swap3A_1038] {strides = array<i32>} : memref<8x1024xf32, #tpu.memory_space<vmem>>, vector<1x16xf32>,
        %swap3A_1040 = vector.shape_cast %swap3A_1039 : vector<1x16xf32> to vector<16xf32>
        %swap3A_1041 = vector.shape_cast %rev3A_961 : vector<16xf32> to vector<1x16xf32>
        tpu.vector_store %arg8[%swap3A_1037, %swap3A_1038], %swap3A_1041 {strides = array<i32>} : memref<8x1024xf32, #tpu.memory_space<vmem>>, vector<1x16xf32>,
        %swap3A_1042 = arith.index_cast %scan3A_183 : i32 to index
        %swap3A_1043 = arith.constant 912 : index
        %swap3A_1044 = tpu.vector_load %arg8[%swap3A_1042, %swap3A_1043] {strides = array<i32>} : memref<8x1024xf32, #tpu.memory_space<vmem>>, vector<1x16xf32>,
        %swap3A_1045 = vector.shape_cast %swap3A_1044 : vector<1x16xf32> to vector<16xf32>
        %swap3A_1046 = vector.shape_cast %rev3A_966 : vector<16xf32> to vector<1x16xf32>
        tpu.vector_store %arg8[%swap3A_1042, %swap3A_1043], %swap3A_1046 {strides = array<i32>} : memref<8x1024xf32, #tpu.memory_space<vmem>>, vector<1x16xf32>,
        %swap3A_1047 = arith.index_cast %scan3A_183 : i32 to index
        %swap3A_1048 = arith.constant 928 : index
        %swap3A_1049 = tpu.vector_load %arg8[%swap3A_1047, %swap3A_1048] {strides = array<i32>} : memref<8x1024xf32, #tpu.memory_space<vmem>>, vector<1x16xf32>,
        %swap3A_1050 = vector.shape_cast %swap3A_1049 : vector<1x16xf32> to vector<16xf32>
        %swap3A_1051 = vector.shape_cast %rev3A_971 : vector<16xf32> to vector<1x16xf32>
        tpu.vector_store %arg8[%swap3A_1047, %swap3A_1048], %swap3A_1051 {strides = array<i32>} : memref<8x1024xf32, #tpu.memory_space<vmem>>, vector<1x16xf32>,
        %swap3A_1052 = arith.index_cast %scan3A_183 : i32 to index
        %swap3A_1053 = arith.constant 944 : index
        %swap3A_1054 = tpu.vector_load %arg8[%swap3A_1052, %swap3A_1053] {strides = array<i32>} : memref<8x1024xf32, #tpu.memory_space<vmem>>, vector<1x16xf32>,
        %swap3A_1055 = vector.shape_cast %swap3A_1054 : vector<1x16xf32> to vector<16xf32>
        %swap3A_1056 = vector.shape_cast %rev3A_976 : vector<16xf32> to vector<1x16xf32>
        tpu.vector_store %arg8[%swap3A_1052, %swap3A_1053], %swap3A_1056 {strides = array<i32>} : memref<8x1024xf32, #tpu.memory_space<vmem>>, vector<1x16xf32>,
        %swap3A_1057 = arith.index_cast %scan3A_183 : i32 to index
        %swap3A_1058 = arith.constant 960 : index
        %swap3A_1059 = tpu.vector_load %arg8[%swap3A_1057, %swap3A_1058] {strides = array<i32>} : memref<8x1024xf32, #tpu.memory_space<vmem>>, vector<1x16xf32>,
        %swap3A_1060 = vector.shape_cast %swap3A_1059 : vector<1x16xf32> to vector<16xf32>
        %swap3A_1061 = vector.shape_cast %rev3A_981 : vector<16xf32> to vector<1x16xf32>
        tpu.vector_store %arg8[%swap3A_1057, %swap3A_1058], %swap3A_1061 {strides = array<i32>} : memref<8x1024xf32, #tpu.memory_space<vmem>>, vector<1x16xf32>,
        %swap3A_1062 = arith.index_cast %scan3A_183 : i32 to index
        %swap3A_1063 = arith.constant 976 : index
        %swap3A_1064 = tpu.vector_load %arg8[%swap3A_1062, %swap3A_1063] {strides = array<i32>} : memref<8x1024xf32, #tpu.memory_space<vmem>>, vector<1x16xf32>,
        %swap3A_1065 = vector.shape_cast %swap3A_1064 : vector<1x16xf32> to vector<16xf32>
        %swap3A_1066 = vector.shape_cast %rev3A_986 : vector<16xf32> to vector<1x16xf32>
        tpu.vector_store %arg8[%swap3A_1062, %swap3A_1063], %swap3A_1066 {strides = array<i32>} : memref<8x1024xf32, #tpu.memory_space<vmem>>, vector<1x16xf32>,
        %swap3A_1067 = arith.index_cast %scan3A_183 : i32 to index
        %swap3A_1068 = arith.constant 992 : index
        %swap3A_1069 = tpu.vector_load %arg8[%swap3A_1067, %swap3A_1068] {strides = array<i32>} : memref<8x1024xf32, #tpu.memory_space<vmem>>, vector<1x16xf32>,
        %swap3A_1070 = vector.shape_cast %swap3A_1069 : vector<1x16xf32> to vector<16xf32>
        %swap3A_1071 = vector.shape_cast %rev3A_991 : vector<16xf32> to vector<1x16xf32>
        tpu.vector_store %arg8[%swap3A_1067, %swap3A_1068], %swap3A_1071 {strides = array<i32>} : memref<8x1024xf32, #tpu.memory_space<vmem>>, vector<1x16xf32>,
        %swap3A_1072 = arith.index_cast %scan3A_183 : i32 to index
        %swap3A_1073 = arith.constant 1008 : index
        %swap3A_1074 = tpu.vector_load %arg8[%swap3A_1072, %swap3A_1073] {strides = array<i32>} : memref<8x1024xf32, #tpu.memory_space<vmem>>, vector<1x16xf32>,
        %swap3A_1075 = vector.shape_cast %swap3A_1074 : vector<1x16xf32> to vector<16xf32>
        %swap3A_1076 = vector.shape_cast %rev3A_996 : vector<16xf32> to vector<1x16xf32>
        tpu.vector_store %arg8[%swap3A_1072, %swap3A_1073], %swap3A_1076 {strides = array<i32>} : memref<8x1024xf32, #tpu.memory_space<vmem>>, vector<1x16xf32>,
      }
      %scan3A_73 = arith.constant 8 : i32
      %dma_start3A_74 = arith.constant 0 : i32
      %dma_start3A_75 = tpu.memref_slice %arg3[%add3A_61, %dma_start3A_74] : memref<16384x1024xf32, #tpu.memory_space<hbm>> -> memref<8x1024xf32, #tpu.memory_space<hbm>>
      %dma_start3A_76 = arith.constant 0 : i32
      %dma_start3A_77 = tpu.memref_slice %arg3[%add3A_61, %dma_start3A_76] : memref<16384x1024xf32, #tpu.memory_space<hbm>> -> memref<8x1024xf32, #tpu.memory_space<hbm>>
      tpu.enqueue_dma source(%arg8 : memref<8x1024xf32, #tpu.memory_space<vmem>>) target(%dma_start3A_77 : memref<8x1024xf32, #tpu.memory_space<hbm>>) target_semaphore(%arg16 : memref<!tpu.dma_semaphore, #tpu.memory_space<semaphore_mem>>)
      %add3A_78 = arith.constant 4 : i32
      %add3A_79 = arith.addi %add3A_58, %add3A_78 : i32
      %lt3A = arith.constant 64 : i32
      %lt3A_80 = arith.cmpi slt, %add3A_79, %lt3A : i32
      %convert_element_type3A_81 = arith.extui %lt3A_80 : i1 to i32
      %cond3A_82 = arith.constant 0 : i32
      %cond3A_83 = arith.cmpi ne, %convert_element_type3A_81, %cond3A_82 : i32
      scf.if %cond3A_83 {
        %add3A_183 = arith.constant 32 : i32
        %add3A_184 = arith.addi %add3A_61, %add3A_183 : i32
        %dma_start3A_185 = arith.constant 0 : i32
        %dma_start3A_186 = tpu.memref_slice %arg2[%add3A_184, %dma_start3A_185] : memref<16384x1024xf32, #tpu.memory_space<hbm>> -> memref<8x1024xf32, #tpu.memory_space<hbm>>
        %dma_start3A_187 = arith.constant 0 : i32
        %dma_start3A_188 = tpu.memref_slice %arg2[%add3A_184, %dma_start3A_187] : memref<16384x1024xf32, #tpu.memory_space<hbm>> -> memref<8x1024xf32, #tpu.memory_space<hbm>>
        tpu.enqueue_dma source(%dma_start3A_188 : memref<8x1024xf32, #tpu.memory_space<hbm>>) target(%arg4 : memref<8x1024xf32, #tpu.memory_space<vmem>>) target_semaphore(%arg12 : memref<!tpu.dma_semaphore, #tpu.memory_space<semaphore_mem>>)
      } else {
      }
      %mul3A_84 = arith.constant 4 : i32
      %mul3A_85 = arith.muli %mul3A_84, %scan3A_54 : i32
      %add3A_86 = arith.constant 1 : i32
      %add3A_87 = arith.addi %mul3A_85, %add3A_86 : i32
      %mul3A_88 = arith.constant 8 : i32
      %mul3A_89 = arith.muli %add3A_87, %mul3A_88 : i32
      %add3A_90 = arith.addi %mul3A_2, %mul3A_89 : i32
      %dma_wait3A_91 = arith.constant 0 : i32
      %dma_wait3A_92 = tpu.memref_slice %arg2[%add3A_90, %dma_wait3A_91] : memref<16384x1024xf32, #tpu.memory_space<hbm>> -> memref<8x1024xf32, #tpu.memory_space<hbm>>
      %dma_wait3A_93 = arith.constant 0 : i32
      %dma_wait3A_94 = tpu.memref_slice %arg2[%add3A_90, %dma_wait3A_93] : memref<16384x1024xf32, #tpu.memory_space<hbm>> -> memref<8x1024xf32, #tpu.memory_space<hbm>>
      tpu.wait_dma2 semaphore(%arg13 : memref<!tpu.dma_semaphore, #tpu.memory_space<semaphore_mem>>) src(%dma_wait3A_94 : memref<8x1024xf32, #tpu.memory_space<hbm>>) dst(%arg5 : memref<8x1024xf32, #tpu.memory_space<vmem>>)
      %ge3A_95 = arith.constant 4 : i32
      %ge3A_96 = arith.cmpi sge, %add3A_87, %ge3A_95 : i32
      %convert_element_type3A_97 = arith.extui %ge3A_96 : i1 to i32
      %cond3A_98 = arith.constant 0 : i32
      %cond3A_99 = arith.cmpi ne, %convert_element_type3A_97, %cond3A_98 : i32
      scf.if %cond3A_99 {
        %sub3A = arith.constant 32 : i32
        %sub3A_183 = arith.subi %add3A_90, %sub3A : i32
        %dma_wait3A_184 = arith.constant 0 : i32
        %dma_wait3A_185 = tpu.memref_slice %arg3[%sub3A_183, %dma_wait3A_184] : memref<16384x1024xf32, #tpu.memory_space<hbm>> -> memref<8x1024xf32, #tpu.memory_space<hbm>>
        %dma_wait3A_186 = arith.constant 0 : i32
        %dma_wait3A_187 = tpu.memref_slice %arg3[%sub3A_183, %dma_wait3A_186] : memref<16384x1024xf32, #tpu.memory_space<hbm>> -> memref<8x1024xf32, #tpu.memory_space<hbm>>
        tpu.wait_dma2 semaphore(%arg17 : memref<!tpu.dma_semaphore, #tpu.memory_space<semaphore_mem>>) src(%arg9 : memref<8x1024xf32, #tpu.memory_space<vmem>>) dst(%dma_wait3A_187 : memref<8x1024xf32, #tpu.memory_space<hbm>>)
      } else {
      }
      %scan3A_100 = arith.constant 0 : i32
      %scan3A_101 = arith.constant 0 : i32
      %scan3A_102 = arith.constant 8 : i32
      %scan3A_103 = arith.addi %scan3A_101, %scan3A_102 : i32
      %scan3A_104 = arith.constant 1 : i32
      scf.for %scan3A_183 = %scan3A_101 to %scan3A_103 step %scan3A_104  : i32 {
        %get3A = arith.index_cast %scan3A_183 : i32 to index
        %get3A_184 = arith.constant 1008 : index
        %get3A_185 = tpu.vector_load %arg5[%get3A, %get3A_184] {strides = array<i32>} : memref<8x1024xf32, #tpu.memory_space<vmem>>, vector<1x16xf32>,
        %get3A_186 = vector.shape_cast %get3A_185 : vector<1x16xf32> to vector<16xf32>
        %get3A_187 = arith.index_cast %scan3A_183 : i32 to index
        %get3A_188 = arith.constant 992 : index
        %get3A_189 = tpu.vector_load %arg5[%get3A_187, %get3A_188] {strides = array<i32>} : memref<8x1024xf32, #tpu.memory_space<vmem>>, vector<1x16xf32>,
        %get3A_190 = vector.shape_cast %get3A_189 : vector<1x16xf32> to vector<16xf32>
        %get3A_191 = arith.index_cast %scan3A_183 : i32 to index
        %get3A_192 = arith.constant 976 : index
        %get3A_193 = tpu.vector_load %arg5[%get3A_191, %get3A_192] {strides = array<i32>} : memref<8x1024xf32, #tpu.memory_space<vmem>>, vector<1x16xf32>,
        %get3A_194 = vector.shape_cast %get3A_193 : vector<1x16xf32> to vector<16xf32>
        %get3A_195 = arith.index_cast %scan3A_183 : i32 to index
        %get3A_196 = arith.constant 960 : index
        %get3A_197 = tpu.vector_load %arg5[%get3A_195, %get3A_196] {strides = array<i32>} : memref<8x1024xf32, #tpu.memory_space<vmem>>, vector<1x16xf32>,
        %get3A_198 = vector.shape_cast %get3A_197 : vector<1x16xf32> to vector<16xf32>
        %get3A_199 = arith.index_cast %scan3A_183 : i32 to index
        %get3A_200 = arith.constant 944 : index
        %get3A_201 = tpu.vector_load %arg5[%get3A_199, %get3A_200] {strides = array<i32>} : memref<8x1024xf32, #tpu.memory_space<vmem>>, vector<1x16xf32>,
        %get3A_202 = vector.shape_cast %get3A_201 : vector<1x16xf32> to vector<16xf32>
        %get3A_203 = arith.index_cast %scan3A_183 : i32 to index
        %get3A_204 = arith.constant 928 : index
        %get3A_205 = tpu.vector_load %arg5[%get3A_203, %get3A_204] {strides = array<i32>} : memref<8x1024xf32, #tpu.memory_space<vmem>>, vector<1x16xf32>,
        %get3A_206 = vector.shape_cast %get3A_205 : vector<1x16xf32> to vector<16xf32>
        %get3A_207 = arith.index_cast %scan3A_183 : i32 to index
        %get3A_208 = arith.constant 912 : index
        %get3A_209 = tpu.vector_load %arg5[%get3A_207, %get3A_208] {strides = array<i32>} : memref<8x1024xf32, #tpu.memory_space<vmem>>, vector<1x16xf32>,
        %get3A_210 = vector.shape_cast %get3A_209 : vector<1x16xf32> to vector<16xf32>
        %get3A_211 = arith.index_cast %scan3A_183 : i32 to index
        %get3A_212 = arith.constant 896 : index
        %get3A_213 = tpu.vector_load %arg5[%get3A_211, %get3A_212] {strides = array<i32>} : memref<8x1024xf32, #tpu.memory_space<vmem>>, vector<1x16xf32>,
        %get3A_214 = vector.shape_cast %get3A_213 : vector<1x16xf32> to vector<16xf32>
        %get3A_215 = arith.index_cast %scan3A_183 : i32 to index
        %get3A_216 = arith.constant 880 : index
        %get3A_217 = tpu.vector_load %arg5[%get3A_215, %get3A_216] {strides = array<i32>} : memref<8x1024xf32, #tpu.memory_space<vmem>>, vector<1x16xf32>,
        %get3A_218 = vector.shape_cast %get3A_217 : vector<1x16xf32> to vector<16xf32>
        %get3A_219 = arith.index_cast %scan3A_183 : i32 to index
        %get3A_220 = arith.constant 864 : index
        %get3A_221 = tpu.vector_load %arg5[%get3A_219, %get3A_220] {strides = array<i32>} : memref<8x1024xf32, #tpu.memory_space<vmem>>, vector<1x16xf32>,
        %get3A_222 = vector.shape_cast %get3A_221 : vector<1x16xf32> to vector<16xf32>
        %get3A_223 = arith.index_cast %scan3A_183 : i32 to index
        %get3A_224 = arith.constant 848 : index
        %get3A_225 = tpu.vector_load %arg5[%get3A_223, %get3A_224] {strides = array<i32>} : memref<8x1024xf32, #tpu.memory_space<vmem>>, vector<1x16xf32>,
        %get3A_226 = vector.shape_cast %get3A_225 : vector<1x16xf32> to vector<16xf32>
        %get3A_227 = arith.index_cast %scan3A_183 : i32 to index
        %get3A_228 = arith.constant 832 : index
        %get3A_229 = tpu.vector_load %arg5[%get3A_227, %get3A_228] {strides = array<i32>} : memref<8x1024xf32, #tpu.memory_space<vmem>>, vector<1x16xf32>,
        %get3A_230 = vector.shape_cast %get3A_229 : vector<1x16xf32> to vector<16xf32>
        %get3A_231 = arith.index_cast %scan3A_183 : i32 to index
        %get3A_232 = arith.constant 816 : index
        %get3A_233 = tpu.vector_load %arg5[%get3A_231, %get3A_232] {strides = array<i32>} : memref<8x1024xf32, #tpu.memory_space<vmem>>, vector<1x16xf32>,
        %get3A_234 = vector.shape_cast %get3A_233 : vector<1x16xf32> to vector<16xf32>
        %get3A_235 = arith.index_cast %scan3A_183 : i32 to index
        %get3A_236 = arith.constant 800 : index
        %get3A_237 = tpu.vector_load %arg5[%get3A_235, %get3A_236] {strides = array<i32>} : memref<8x1024xf32, #tpu.memory_space<vmem>>, vector<1x16xf32>,
        %get3A_238 = vector.shape_cast %get3A_237 : vector<1x16xf32> to vector<16xf32>
        %get3A_239 = arith.index_cast %scan3A_183 : i32 to index
        %get3A_240 = arith.constant 784 : index
        %get3A_241 = tpu.vector_load %arg5[%get3A_239, %get3A_240] {strides = array<i32>} : memref<8x1024xf32, #tpu.memory_space<vmem>>, vector<1x16xf32>,
        %get3A_242 = vector.shape_cast %get3A_241 : vector<1x16xf32> to vector<16xf32>
        %get3A_243 = arith.index_cast %scan3A_183 : i32 to index
        %get3A_244 = arith.constant 768 : index
        %get3A_245 = tpu.vector_load %arg5[%get3A_243, %get3A_244] {strides = array<i32>} : memref<8x1024xf32, #tpu.memory_space<vmem>>, vector<1x16xf32>,
        %get3A_246 = vector.shape_cast %get3A_245 : vector<1x16xf32> to vector<16xf32>
        %rev3A = arith.constant 15 : i32
        %rev3A_247 = vector.broadcast %rev3A : i32 to vector<16xi32>
        %rev3A_248 = tpu.iota {dimensions = array<i32: 0>} : vector<16xi32>
        %rev3A_249 = arith.subi %rev3A_247, %rev3A_248 : vector<16xi32>
        %rev3A_250 = tpu.dynamic_gather %get3A_186[%rev3A_249] in [0] : vector<16xf32>, vector<16xi32> -> vector<16xf32>
        %rev3A_251 = arith.constant 15 : i32
        %rev3A_252 = vector.broadcast %rev3A_251 : i32 to vector<16xi32>
        %rev3A_253 = tpu.iota {dimensions = array<i32: 0>} : vector<16xi32>
        %rev3A_254 = arith.subi %rev3A_252, %rev3A_253 : vector<16xi32>
        %rev3A_255 = tpu.dynamic_gather %get3A_190[%rev3A_254] in [0] : vector<16xf32>, vector<16xi32> -> vector<16xf32>
        %rev3A_256 = arith.constant 15 : i32
        %rev3A_257 = vector.broadcast %rev3A_256 : i32 to vector<16xi32>
        %rev3A_258 = tpu.iota {dimensions = array<i32: 0>} : vector<16xi32>
        %rev3A_259 = arith.subi %rev3A_257, %rev3A_258 : vector<16xi32>
        %rev3A_260 = tpu.dynamic_gather %get3A_194[%rev3A_259] in [0] : vector<16xf32>, vector<16xi32> -> vector<16xf32>
        %rev3A_261 = arith.constant 15 : i32
        %rev3A_262 = vector.broadcast %rev3A_261 : i32 to vector<16xi32>
        %rev3A_263 = tpu.iota {dimensions = array<i32: 0>} : vector<16xi32>
        %rev3A_264 = arith.subi %rev3A_262, %rev3A_263 : vector<16xi32>
        %rev3A_265 = tpu.dynamic_gather %get3A_198[%rev3A_264] in [0] : vector<16xf32>, vector<16xi32> -> vector<16xf32>
        %rev3A_266 = arith.constant 15 : i32
        %rev3A_267 = vector.broadcast %rev3A_266 : i32 to vector<16xi32>
        %rev3A_268 = tpu.iota {dimensions = array<i32: 0>} : vector<16xi32>
        %rev3A_269 = arith.subi %rev3A_267, %rev3A_268 : vector<16xi32>
        %rev3A_270 = tpu.dynamic_gather %get3A_202[%rev3A_269] in [0] : vector<16xf32>, vector<16xi32> -> vector<16xf32>
        %rev3A_271 = arith.constant 15 : i32
        %rev3A_272 = vector.broadcast %rev3A_271 : i32 to vector<16xi32>
        %rev3A_273 = tpu.iota {dimensions = array<i32: 0>} : vector<16xi32>
        %rev3A_274 = arith.subi %rev3A_272, %rev3A_273 : vector<16xi32>
        %rev3A_275 = tpu.dynamic_gather %get3A_206[%rev3A_274] in [0] : vector<16xf32>, vector<16xi32> -> vector<16xf32>
        %rev3A_276 = arith.constant 15 : i32
        %rev3A_277 = vector.broadcast %rev3A_276 : i32 to vector<16xi32>
        %rev3A_278 = tpu.iota {dimensions = array<i32: 0>} : vector<16xi32>
        %rev3A_279 = arith.subi %rev3A_277, %rev3A_278 : vector<16xi32>
        %rev3A_280 = tpu.dynamic_gather %get3A_210[%rev3A_279] in [0] : vector<16xf32>, vector<16xi32> -> vector<16xf32>
        %rev3A_281 = arith.constant 15 : i32
        %rev3A_282 = vector.broadcast %rev3A_281 : i32 to vector<16xi32>
        %rev3A_283 = tpu.iota {dimensions = array<i32: 0>} : vector<16xi32>
        %rev3A_284 = arith.subi %rev3A_282, %rev3A_283 : vector<16xi32>
        %rev3A_285 = tpu.dynamic_gather %get3A_214[%rev3A_284] in [0] : vector<16xf32>, vector<16xi32> -> vector<16xf32>
        %rev3A_286 = arith.constant 15 : i32
        %rev3A_287 = vector.broadcast %rev3A_286 : i32 to vector<16xi32>
        %rev3A_288 = tpu.iota {dimensions = array<i32: 0>} : vector<16xi32>
        %rev3A_289 = arith.subi %rev3A_287, %rev3A_288 : vector<16xi32>
        %rev3A_290 = tpu.dynamic_gather %get3A_218[%rev3A_289] in [0] : vector<16xf32>, vector<16xi32> -> vector<16xf32>
        %rev3A_291 = arith.constant 15 : i32
        %rev3A_292 = vector.broadcast %rev3A_291 : i32 to vector<16xi32>
        %rev3A_293 = tpu.iota {dimensions = array<i32: 0>} : vector<16xi32>
        %rev3A_294 = arith.subi %rev3A_292, %rev3A_293 : vector<16xi32>
        %rev3A_295 = tpu.dynamic_gather %get3A_222[%rev3A_294] in [0] : vector<16xf32>, vector<16xi32> -> vector<16xf32>
        %rev3A_296 = arith.constant 15 : i32
        %rev3A_297 = vector.broadcast %rev3A_296 : i32 to vector<16xi32>
        %rev3A_298 = tpu.iota {dimensions = array<i32: 0>} : vector<16xi32>
        %rev3A_299 = arith.subi %rev3A_297, %rev3A_298 : vector<16xi32>
        %rev3A_300 = tpu.dynamic_gather %get3A_226[%rev3A_299] in [0] : vector<16xf32>, vector<16xi32> -> vector<16xf32>
        %rev3A_301 = arith.constant 15 : i32
        %rev3A_302 = vector.broadcast %rev3A_301 : i32 to vector<16xi32>
        %rev3A_303 = tpu.iota {dimensions = array<i32: 0>} : vector<16xi32>
        %rev3A_304 = arith.subi %rev3A_302, %rev3A_303 : vector<16xi32>
        %rev3A_305 = tpu.dynamic_gather %get3A_230[%rev3A_304] in [0] : vector<16xf32>, vector<16xi32> -> vector<16xf32>
        %rev3A_306 = arith.constant 15 : i32
        %rev3A_307 = vector.broadcast %rev3A_306 : i32 to vector<16xi32>
        %rev3A_308 = tpu.iota {dimensions = array<i32: 0>} : vector<16xi32>
        %rev3A_309 = arith.subi %rev3A_307, %rev3A_308 : vector<16xi32>
        %rev3A_310 = tpu.dynamic_gather %get3A_234[%rev3A_309] in [0] : vector<16xf32>, vector<16xi32> -> vector<16xf32>
        %rev3A_311 = arith.constant 15 : i32
        %rev3A_312 = vector.broadcast %rev3A_311 : i32 to vector<16xi32>
        %rev3A_313 = tpu.iota {dimensions = array<i32: 0>} : vector<16xi32>
        %rev3A_314 = arith.subi %rev3A_312, %rev3A_313 : vector<16xi32>
        %rev3A_315 = tpu.dynamic_gather %get3A_238[%rev3A_314] in [0] : vector<16xf32>, vector<16xi32> -> vector<16xf32>
        %rev3A_316 = arith.constant 15 : i32
        %rev3A_317 = vector.broadcast %rev3A_316 : i32 to vector<16xi32>
        %rev3A_318 = tpu.iota {dimensions = array<i32: 0>} : vector<16xi32>
        %rev3A_319 = arith.subi %rev3A_317, %rev3A_318 : vector<16xi32>
        %rev3A_320 = tpu.dynamic_gather %get3A_242[%rev3A_319] in [0] : vector<16xf32>, vector<16xi32> -> vector<16xf32>
        %rev3A_321 = arith.constant 15 : i32
        %rev3A_322 = vector.broadcast %rev3A_321 : i32 to vector<16xi32>
        %rev3A_323 = tpu.iota {dimensions = array<i32: 0>} : vector<16xi32>
        %rev3A_324 = arith.subi %rev3A_322, %rev3A_323 : vector<16xi32>
        %rev3A_325 = tpu.dynamic_gather %get3A_246[%rev3A_324] in [0] : vector<16xf32>, vector<16xi32> -> vector<16xf32>
        %swap3A = arith.index_cast %scan3A_183 : i32 to index
        %swap3A_326 = arith.constant 0 : index
        %swap3A_327 = tpu.vector_load %arg9[%swap3A, %swap3A_326] {strides = array<i32>} : memref<8x1024xf32, #tpu.memory_space<vmem>>, vector<1x16xf32>,
        %swap3A_328 = vector.shape_cast %swap3A_327 : vector<1x16xf32> to vector<16xf32>
        %swap3A_329 = vector.shape_cast %rev3A_250 : vector<16xf32> to vector<1x16xf32>
        tpu.vector_store %arg9[%swap3A, %swap3A_326], %swap3A_329 {strides = array<i32>} : memref<8x1024xf32, #tpu.memory_space<vmem>>, vector<1x16xf32>,
        %swap3A_330 = arith.index_cast %scan3A_183 : i32 to index
        %swap3A_331 = arith.constant 16 : index
        %swap3A_332 = tpu.vector_load %arg9[%swap3A_330, %swap3A_331] {strides = array<i32>} : memref<8x1024xf32, #tpu.memory_space<vmem>>, vector<1x16xf32>,
        %swap3A_333 = vector.shape_cast %swap3A_332 : vector<1x16xf32> to vector<16xf32>
        %swap3A_334 = vector.shape_cast %rev3A_255 : vector<16xf32> to vector<1x16xf32>
        tpu.vector_store %arg9[%swap3A_330, %swap3A_331], %swap3A_334 {strides = array<i32>} : memref<8x1024xf32, #tpu.memory_space<vmem>>, vector<1x16xf32>,
        %swap3A_335 = arith.index_cast %scan3A_183 : i32 to index
        %swap3A_336 = arith.constant 32 : index
        %swap3A_337 = tpu.vector_load %arg9[%swap3A_335, %swap3A_336] {strides = array<i32>} : memref<8x1024xf32, #tpu.memory_space<vmem>>, vector<1x16xf32>,
        %swap3A_338 = vector.shape_cast %swap3A_337 : vector<1x16xf32> to vector<16xf32>
        %swap3A_339 = vector.shape_cast %rev3A_260 : vector<16xf32> to vector<1x16xf32>
        tpu.vector_store %arg9[%swap3A_335, %swap3A_336], %swap3A_339 {strides = array<i32>} : memref<8x1024xf32, #tpu.memory_space<vmem>>, vector<1x16xf32>,
        %swap3A_340 = arith.index_cast %scan3A_183 : i32 to index
        %swap3A_341 = arith.constant 48 : index
        %swap3A_342 = tpu.vector_load %arg9[%swap3A_340, %swap3A_341] {strides = array<i32>} : memref<8x1024xf32, #tpu.memory_space<vmem>>, vector<1x16xf32>,
        %swap3A_343 = vector.shape_cast %swap3A_342 : vector<1x16xf32> to vector<16xf32>
        %swap3A_344 = vector.shape_cast %rev3A_265 : vector<16xf32> to vector<1x16xf32>
        tpu.vector_store %arg9[%swap3A_340, %swap3A_341], %swap3A_344 {strides = array<i32>} : memref<8x1024xf32, #tpu.memory_space<vmem>>, vector<1x16xf32>,
        %swap3A_345 = arith.index_cast %scan3A_183 : i32 to index
        %swap3A_346 = arith.constant 64 : index
        %swap3A_347 = tpu.vector_load %arg9[%swap3A_345, %swap3A_346] {strides = array<i32>} : memref<8x1024xf32, #tpu.memory_space<vmem>>, vector<1x16xf32>,
        %swap3A_348 = vector.shape_cast %swap3A_347 : vector<1x16xf32> to vector<16xf32>
        %swap3A_349 = vector.shape_cast %rev3A_270 : vector<16xf32> to vector<1x16xf32>
        tpu.vector_store %arg9[%swap3A_345, %swap3A_346], %swap3A_349 {strides = array<i32>} : memref<8x1024xf32, #tpu.memory_space<vmem>>, vector<1x16xf32>,
        %swap3A_350 = arith.index_cast %scan3A_183 : i32 to index
        %swap3A_351 = arith.constant 80 : index
        %swap3A_352 = tpu.vector_load %arg9[%swap3A_350, %swap3A_351] {strides = array<i32>} : memref<8x1024xf32, #tpu.memory_space<vmem>>, vector<1x16xf32>,
        %swap3A_353 = vector.shape_cast %swap3A_352 : vector<1x16xf32> to vector<16xf32>
        %swap3A_354 = vector.shape_cast %rev3A_275 : vector<16xf32> to vector<1x16xf32>
        tpu.vector_store %arg9[%swap3A_350, %swap3A_351], %swap3A_354 {strides = array<i32>} : memref<8x1024xf32, #tpu.memory_space<vmem>>, vector<1x16xf32>,
        %swap3A_355 = arith.index_cast %scan3A_183 : i32 to index
        %swap3A_356 = arith.constant 96 : index
        %swap3A_357 = tpu.vector_load %arg9[%swap3A_355, %swap3A_356] {strides = array<i32>} : memref<8x1024xf32, #tpu.memory_space<vmem>>, vector<1x16xf32>,
        %swap3A_358 = vector.shape_cast %swap3A_357 : vector<1x16xf32> to vector<16xf32>
        %swap3A_359 = vector.shape_cast %rev3A_280 : vector<16xf32> to vector<1x16xf32>
        tpu.vector_store %arg9[%swap3A_355, %swap3A_356], %swap3A_359 {strides = array<i32>} : memref<8x1024xf32, #tpu.memory_space<vmem>>, vector<1x16xf32>,
        %swap3A_360 = arith.index_cast %scan3A_183 : i32 to index
        %swap3A_361 = arith.constant 112 : index
        %swap3A_362 = tpu.vector_load %arg9[%swap3A_360, %swap3A_361] {strides = array<i32>} : memref<8x1024xf32, #tpu.memory_space<vmem>>, vector<1x16xf32>,
        %swap3A_363 = vector.shape_cast %swap3A_362 : vector<1x16xf32> to vector<16xf32>
        %swap3A_364 = vector.shape_cast %rev3A_285 : vector<16xf32> to vector<1x16xf32>
        tpu.vector_store %arg9[%swap3A_360, %swap3A_361], %swap3A_364 {strides = array<i32>} : memref<8x1024xf32, #tpu.memory_space<vmem>>, vector<1x16xf32>,
        %swap3A_365 = arith.index_cast %scan3A_183 : i32 to index
        %swap3A_366 = arith.constant 128 : index
        %swap3A_367 = tpu.vector_load %arg9[%swap3A_365, %swap3A_366] {strides = array<i32>} : memref<8x1024xf32, #tpu.memory_space<vmem>>, vector<1x16xf32>,
        %swap3A_368 = vector.shape_cast %swap3A_367 : vector<1x16xf32> to vector<16xf32>
        %swap3A_369 = vector.shape_cast %rev3A_290 : vector<16xf32> to vector<1x16xf32>
        tpu.vector_store %arg9[%swap3A_365, %swap3A_366], %swap3A_369 {strides = array<i32>} : memref<8x1024xf32, #tpu.memory_space<vmem>>, vector<1x16xf32>,
        %swap3A_370 = arith.index_cast %scan3A_183 : i32 to index
        %swap3A_371 = arith.constant 144 : index
        %swap3A_372 = tpu.vector_load %arg9[%swap3A_370, %swap3A_371] {strides = array<i32>} : memref<8x1024xf32, #tpu.memory_space<vmem>>, vector<1x16xf32>,
        %swap3A_373 = vector.shape_cast %swap3A_372 : vector<1x16xf32> to vector<16xf32>
        %swap3A_374 = vector.shape_cast %rev3A_295 : vector<16xf32> to vector<1x16xf32>
        tpu.vector_store %arg9[%swap3A_370, %swap3A_371], %swap3A_374 {strides = array<i32>} : memref<8x1024xf32, #tpu.memory_space<vmem>>, vector<1x16xf32>,
        %swap3A_375 = arith.index_cast %scan3A_183 : i32 to index
        %swap3A_376 = arith.constant 160 : index
        %swap3A_377 = tpu.vector_load %arg9[%swap3A_375, %swap3A_376] {strides = array<i32>} : memref<8x1024xf32, #tpu.memory_space<vmem>>, vector<1x16xf32>,
        %swap3A_378 = vector.shape_cast %swap3A_377 : vector<1x16xf32> to vector<16xf32>
        %swap3A_379 = vector.shape_cast %rev3A_300 : vector<16xf32> to vector<1x16xf32>
        tpu.vector_store %arg9[%swap3A_375, %swap3A_376], %swap3A_379 {strides = array<i32>} : memref<8x1024xf32, #tpu.memory_space<vmem>>, vector<1x16xf32>,
        %swap3A_380 = arith.index_cast %scan3A_183 : i32 to index
        %swap3A_381 = arith.constant 176 : index
        %swap3A_382 = tpu.vector_load %arg9[%swap3A_380, %swap3A_381] {strides = array<i32>} : memref<8x1024xf32, #tpu.memory_space<vmem>>, vector<1x16xf32>,
        %swap3A_383 = vector.shape_cast %swap3A_382 : vector<1x16xf32> to vector<16xf32>
        %swap3A_384 = vector.shape_cast %rev3A_305 : vector<16xf32> to vector<1x16xf32>
        tpu.vector_store %arg9[%swap3A_380, %swap3A_381], %swap3A_384 {strides = array<i32>} : memref<8x1024xf32, #tpu.memory_space<vmem>>, vector<1x16xf32>,
        %swap3A_385 = arith.index_cast %scan3A_183 : i32 to index
        %swap3A_386 = arith.constant 192 : index
        %swap3A_387 = tpu.vector_load %arg9[%swap3A_385, %swap3A_386] {strides = array<i32>} : memref<8x1024xf32, #tpu.memory_space<vmem>>, vector<1x16xf32>,
        %swap3A_388 = vector.shape_cast %swap3A_387 : vector<1x16xf32> to vector<16xf32>
        %swap3A_389 = vector.shape_cast %rev3A_310 : vector<16xf32> to vector<1x16xf32>
        tpu.vector_store %arg9[%swap3A_385, %swap3A_386], %swap3A_389 {strides = array<i32>} : memref<8x1024xf32, #tpu.memory_space<vmem>>, vector<1x16xf32>,
        %swap3A_390 = arith.index_cast %scan3A_183 : i32 to index
        %swap3A_391 = arith.constant 208 : index
        %swap3A_392 = tpu.vector_load %arg9[%swap3A_390, %swap3A_391] {strides = array<i32>} : memref<8x1024xf32, #tpu.memory_space<vmem>>, vector<1x16xf32>,
        %swap3A_393 = vector.shape_cast %swap3A_392 : vector<1x16xf32> to vector<16xf32>
        %swap3A_394 = vector.shape_cast %rev3A_315 : vector<16xf32> to vector<1x16xf32>
        tpu.vector_store %arg9[%swap3A_390, %swap3A_391], %swap3A_394 {strides = array<i32>} : memref<8x1024xf32, #tpu.memory_space<vmem>>, vector<1x16xf32>,
        %swap3A_395 = arith.index_cast %scan3A_183 : i32 to index
        %swap3A_396 = arith.constant 224 : index
        %swap3A_397 = tpu.vector_load %arg9[%swap3A_395, %swap3A_396] {strides = array<i32>} : memref<8x1024xf32, #tpu.memory_space<vmem>>, vector<1x16xf32>,
        %swap3A_398 = vector.shape_cast %swap3A_397 : vector<1x16xf32> to vector<16xf32>
        %swap3A_399 = vector.shape_cast %rev3A_320 : vector<16xf32> to vector<1x16xf32>
        tpu.vector_store %arg9[%swap3A_395, %swap3A_396], %swap3A_399 {strides = array<i32>} : memref<8x1024xf32, #tpu.memory_space<vmem>>, vector<1x16xf32>,
        %swap3A_400 = arith.index_cast %scan3A_183 : i32 to index
        %swap3A_401 = arith.constant 240 : index
        %swap3A_402 = tpu.vector_load %arg9[%swap3A_400, %swap3A_401] {strides = array<i32>} : memref<8x1024xf32, #tpu.memory_space<vmem>>, vector<1x16xf32>,
        %swap3A_403 = vector.shape_cast %swap3A_402 : vector<1x16xf32> to vector<16xf32>
        %swap3A_404 = vector.shape_cast %rev3A_325 : vector<16xf32> to vector<1x16xf32>
        tpu.vector_store %arg9[%swap3A_400, %swap3A_401], %swap3A_404 {strides = array<i32>} : memref<8x1024xf32, #tpu.memory_space<vmem>>, vector<1x16xf32>,
        %get3A_405 = arith.index_cast %scan3A_183 : i32 to index
        %get3A_406 = arith.constant 752 : index
        %get3A_407 = tpu.vector_load %arg5[%get3A_405, %get3A_406] {strides = array<i32>} : memref<8x1024xf32, #tpu.memory_space<vmem>>, vector<1x16xf32>,
        %get3A_408 = vector.shape_cast %get3A_407 : vector<1x16xf32> to vector<16xf32>
        %get3A_409 = arith.index_cast %scan3A_183 : i32 to index
        %get3A_410 = arith.constant 736 : index
        %get3A_411 = tpu.vector_load %arg5[%get3A_409, %get3A_410] {strides = array<i32>} : memref<8x1024xf32, #tpu.memory_space<vmem>>, vector<1x16xf32>,
        %get3A_412 = vector.shape_cast %get3A_411 : vector<1x16xf32> to vector<16xf32>
        %get3A_413 = arith.index_cast %scan3A_183 : i32 to index
        %get3A_414 = arith.constant 720 : index
        %get3A_415 = tpu.vector_load %arg5[%get3A_413, %get3A_414] {strides = array<i32>} : memref<8x1024xf32, #tpu.memory_space<vmem>>, vector<1x16xf32>,
        %get3A_416 = vector.shape_cast %get3A_415 : vector<1x16xf32> to vector<16xf32>
        %get3A_417 = arith.index_cast %scan3A_183 : i32 to index
        %get3A_418 = arith.constant 704 : index
        %get3A_419 = tpu.vector_load %arg5[%get3A_417, %get3A_418] {strides = array<i32>} : memref<8x1024xf32, #tpu.memory_space<vmem>>, vector<1x16xf32>,
        %get3A_420 = vector.shape_cast %get3A_419 : vector<1x16xf32> to vector<16xf32>
        %get3A_421 = arith.index_cast %scan3A_183 : i32 to index
        %get3A_422 = arith.constant 688 : index
        %get3A_423 = tpu.vector_load %arg5[%get3A_421, %get3A_422] {strides = array<i32>} : memref<8x1024xf32, #tpu.memory_space<vmem>>, vector<1x16xf32>,
        %get3A_424 = vector.shape_cast %get3A_423 : vector<1x16xf32> to vector<16xf32>
        %get3A_425 = arith.index_cast %scan3A_183 : i32 to index
        %get3A_426 = arith.constant 672 : index
        %get3A_427 = tpu.vector_load %arg5[%get3A_425, %get3A_426] {strides = array<i32>} : memref<8x1024xf32, #tpu.memory_space<vmem>>, vector<1x16xf32>,
        %get3A_428 = vector.shape_cast %get3A_427 : vector<1x16xf32> to vector<16xf32>
        %get3A_429 = arith.index_cast %scan3A_183 : i32 to index
        %get3A_430 = arith.constant 656 : index
        %get3A_431 = tpu.vector_load %arg5[%get3A_429, %get3A_430] {strides = array<i32>} : memref<8x1024xf32, #tpu.memory_space<vmem>>, vector<1x16xf32>,
        %get3A_432 = vector.shape_cast %get3A_431 : vector<1x16xf32> to vector<16xf32>
        %get3A_433 = arith.index_cast %scan3A_183 : i32 to index
        %get3A_434 = arith.constant 640 : index
        %get3A_435 = tpu.vector_load %arg5[%get3A_433, %get3A_434] {strides = array<i32>} : memref<8x1024xf32, #tpu.memory_space<vmem>>, vector<1x16xf32>,
        %get3A_436 = vector.shape_cast %get3A_435 : vector<1x16xf32> to vector<16xf32>
        %get3A_437 = arith.index_cast %scan3A_183 : i32 to index
        %get3A_438 = arith.constant 624 : index
        %get3A_439 = tpu.vector_load %arg5[%get3A_437, %get3A_438] {strides = array<i32>} : memref<8x1024xf32, #tpu.memory_space<vmem>>, vector<1x16xf32>,
        %get3A_440 = vector.shape_cast %get3A_439 : vector<1x16xf32> to vector<16xf32>
        %get3A_441 = arith.index_cast %scan3A_183 : i32 to index
        %get3A_442 = arith.constant 608 : index
        %get3A_443 = tpu.vector_load %arg5[%get3A_441, %get3A_442] {strides = array<i32>} : memref<8x1024xf32, #tpu.memory_space<vmem>>, vector<1x16xf32>,
        %get3A_444 = vector.shape_cast %get3A_443 : vector<1x16xf32> to vector<16xf32>
        %get3A_445 = arith.index_cast %scan3A_183 : i32 to index
        %get3A_446 = arith.constant 592 : index
        %get3A_447 = tpu.vector_load %arg5[%get3A_445, %get3A_446] {strides = array<i32>} : memref<8x1024xf32, #tpu.memory_space<vmem>>, vector<1x16xf32>,
        %get3A_448 = vector.shape_cast %get3A_447 : vector<1x16xf32> to vector<16xf32>
        %get3A_449 = arith.index_cast %scan3A_183 : i32 to index
        %get3A_450 = arith.constant 576 : index
        %get3A_451 = tpu.vector_load %arg5[%get3A_449, %get3A_450] {strides = array<i32>} : memref<8x1024xf32, #tpu.memory_space<vmem>>, vector<1x16xf32>,
        %get3A_452 = vector.shape_cast %get3A_451 : vector<1x16xf32> to vector<16xf32>
        %get3A_453 = arith.index_cast %scan3A_183 : i32 to index
        %get3A_454 = arith.constant 560 : index
        %get3A_455 = tpu.vector_load %arg5[%get3A_453, %get3A_454] {strides = array<i32>} : memref<8x1024xf32, #tpu.memory_space<vmem>>, vector<1x16xf32>,
        %get3A_456 = vector.shape_cast %get3A_455 : vector<1x16xf32> to vector<16xf32>
        %get3A_457 = arith.index_cast %scan3A_183 : i32 to index
        %get3A_458 = arith.constant 544 : index
        %get3A_459 = tpu.vector_load %arg5[%get3A_457, %get3A_458] {strides = array<i32>} : memref<8x1024xf32, #tpu.memory_space<vmem>>, vector<1x16xf32>,
        %get3A_460 = vector.shape_cast %get3A_459 : vector<1x16xf32> to vector<16xf32>
        %get3A_461 = arith.index_cast %scan3A_183 : i32 to index
        %get3A_462 = arith.constant 528 : index
        %get3A_463 = tpu.vector_load %arg5[%get3A_461, %get3A_462] {strides = array<i32>} : memref<8x1024xf32, #tpu.memory_space<vmem>>, vector<1x16xf32>,
        %get3A_464 = vector.shape_cast %get3A_463 : vector<1x16xf32> to vector<16xf32>
        %get3A_465 = arith.index_cast %scan3A_183 : i32 to index
        %get3A_466 = arith.constant 512 : index
        %get3A_467 = tpu.vector_load %arg5[%get3A_465, %get3A_466] {strides = array<i32>} : memref<8x1024xf32, #tpu.memory_space<vmem>>, vector<1x16xf32>,
        %get3A_468 = vector.shape_cast %get3A_467 : vector<1x16xf32> to vector<16xf32>
        %rev3A_469 = arith.constant 15 : i32
        %rev3A_470 = vector.broadcast %rev3A_469 : i32 to vector<16xi32>
        %rev3A_471 = tpu.iota {dimensions = array<i32: 0>} : vector<16xi32>
        %rev3A_472 = arith.subi %rev3A_470, %rev3A_471 : vector<16xi32>
        %rev3A_473 = tpu.dynamic_gather %get3A_408[%rev3A_472] in [0] : vector<16xf32>, vector<16xi32> -> vector<16xf32>
        %rev3A_474 = arith.constant 15 : i32
        %rev3A_475 = vector.broadcast %rev3A_474 : i32 to vector<16xi32>
        %rev3A_476 = tpu.iota {dimensions = array<i32: 0>} : vector<16xi32>
        %rev3A_477 = arith.subi %rev3A_475, %rev3A_476 : vector<16xi32>
        %rev3A_478 = tpu.dynamic_gather %get3A_412[%rev3A_477] in [0] : vector<16xf32>, vector<16xi32> -> vector<16xf32>
        %rev3A_479 = arith.constant 15 : i32
        %rev3A_480 = vector.broadcast %rev3A_479 : i32 to vector<16xi32>
        %rev3A_481 = tpu.iota {dimensions = array<i32: 0>} : vector<16xi32>
        %rev3A_482 = arith.subi %rev3A_480, %rev3A_481 : vector<16xi32>
        %rev3A_483 = tpu.dynamic_gather %get3A_416[%rev3A_482] in [0] : vector<16xf32>, vector<16xi32> -> vector<16xf32>
        %rev3A_484 = arith.constant 15 : i32
        %rev3A_485 = vector.broadcast %rev3A_484 : i32 to vector<16xi32>
        %rev3A_486 = tpu.iota {dimensions = array<i32: 0>} : vector<16xi32>
        %rev3A_487 = arith.subi %rev3A_485, %rev3A_486 : vector<16xi32>
        %rev3A_488 = tpu.dynamic_gather %get3A_420[%rev3A_487] in [0] : vector<16xf32>, vector<16xi32> -> vector<16xf32>
        %rev3A_489 = arith.constant 15 : i32
        %rev3A_490 = vector.broadcast %rev3A_489 : i32 to vector<16xi32>
        %rev3A_491 = tpu.iota {dimensions = array<i32: 0>} : vector<16xi32>
        %rev3A_492 = arith.subi %rev3A_490, %rev3A_491 : vector<16xi32>
        %rev3A_493 = tpu.dynamic_gather %get3A_424[%rev3A_492] in [0] : vector<16xf32>, vector<16xi32> -> vector<16xf32>
        %rev3A_494 = arith.constant 15 : i32
        %rev3A_495 = vector.broadcast %rev3A_494 : i32 to vector<16xi32>
        %rev3A_496 = tpu.iota {dimensions = array<i32: 0>} : vector<16xi32>
        %rev3A_497 = arith.subi %rev3A_495, %rev3A_496 : vector<16xi32>
        %rev3A_498 = tpu.dynamic_gather %get3A_428[%rev3A_497] in [0] : vector<16xf32>, vector<16xi32> -> vector<16xf32>
        %rev3A_499 = arith.constant 15 : i32
        %rev3A_500 = vector.broadcast %rev3A_499 : i32 to vector<16xi32>
        %rev3A_501 = tpu.iota {dimensions = array<i32: 0>} : vector<16xi32>
        %rev3A_502 = arith.subi %rev3A_500, %rev3A_501 : vector<16xi32>
        %rev3A_503 = tpu.dynamic_gather %get3A_432[%rev3A_502] in [0] : vector<16xf32>, vector<16xi32> -> vector<16xf32>
        %rev3A_504 = arith.constant 15 : i32
        %rev3A_505 = vector.broadcast %rev3A_504 : i32 to vector<16xi32>
        %rev3A_506 = tpu.iota {dimensions = array<i32: 0>} : vector<16xi32>
        %rev3A_507 = arith.subi %rev3A_505, %rev3A_506 : vector<16xi32>
        %rev3A_508 = tpu.dynamic_gather %get3A_436[%rev3A_507] in [0] : vector<16xf32>, vector<16xi32> -> vector<16xf32>
        %rev3A_509 = arith.constant 15 : i32
        %rev3A_510 = vector.broadcast %rev3A_509 : i32 to vector<16xi32>
        %rev3A_511 = tpu.iota {dimensions = array<i32: 0>} : vector<16xi32>
        %rev3A_512 = arith.subi %rev3A_510, %rev3A_511 : vector<16xi32>
        %rev3A_513 = tpu.dynamic_gather %get3A_440[%rev3A_512] in [0] : vector<16xf32>, vector<16xi32> -> vector<16xf32>
        %rev3A_514 = arith.constant 15 : i32
        %rev3A_515 = vector.broadcast %rev3A_514 : i32 to vector<16xi32>
        %rev3A_516 = tpu.iota {dimensions = array<i32: 0>} : vector<16xi32>
        %rev3A_517 = arith.subi %rev3A_515, %rev3A_516 : vector<16xi32>
        %rev3A_518 = tpu.dynamic_gather %get3A_444[%rev3A_517] in [0] : vector<16xf32>, vector<16xi32> -> vector<16xf32>
        %rev3A_519 = arith.constant 15 : i32
        %rev3A_520 = vector.broadcast %rev3A_519 : i32 to vector<16xi32>
        %rev3A_521 = tpu.iota {dimensions = array<i32: 0>} : vector<16xi32>
        %rev3A_522 = arith.subi %rev3A_520, %rev3A_521 : vector<16xi32>
        %rev3A_523 = tpu.dynamic_gather %get3A_448[%rev3A_522] in [0] : vector<16xf32>, vector<16xi32> -> vector<16xf32>
        %rev3A_524 = arith.constant 15 : i32
        %rev3A_525 = vector.broadcast %rev3A_524 : i32 to vector<16xi32>
        %rev3A_526 = tpu.iota {dimensions = array<i32: 0>} : vector<16xi32>
        %rev3A_527 = arith.subi %rev3A_525, %rev3A_526 : vector<16xi32>
        %rev3A_528 = tpu.dynamic_gather %get3A_452[%rev3A_527] in [0] : vector<16xf32>, vector<16xi32> -> vector<16xf32>
        %rev3A_529 = arith.constant 15 : i32
        %rev3A_530 = vector.broadcast %rev3A_529 : i32 to vector<16xi32>
        %rev3A_531 = tpu.iota {dimensions = array<i32: 0>} : vector<16xi32>
        %rev3A_532 = arith.subi %rev3A_530, %rev3A_531 : vector<16xi32>
        %rev3A_533 = tpu.dynamic_gather %get3A_456[%rev3A_532] in [0] : vector<16xf32>, vector<16xi32> -> vector<16xf32>
        %rev3A_534 = arith.constant 15 : i32
        %rev3A_535 = vector.broadcast %rev3A_534 : i32 to vector<16xi32>
        %rev3A_536 = tpu.iota {dimensions = array<i32: 0>} : vector<16xi32>
        %rev3A_537 = arith.subi %rev3A_535, %rev3A_536 : vector<16xi32>
        %rev3A_538 = tpu.dynamic_gather %get3A_460[%rev3A_537] in [0] : vector<16xf32>, vector<16xi32> -> vector<16xf32>
        %rev3A_539 = arith.constant 15 : i32
        %rev3A_540 = vector.broadcast %rev3A_539 : i32 to vector<16xi32>
        %rev3A_541 = tpu.iota {dimensions = array<i32: 0>} : vector<16xi32>
        %rev3A_542 = arith.subi %rev3A_540, %rev3A_541 : vector<16xi32>
        %rev3A_543 = tpu.dynamic_gather %get3A_464[%rev3A_542] in [0] : vector<16xf32>, vector<16xi32> -> vector<16xf32>
        %rev3A_544 = arith.constant 15 : i32
        %rev3A_545 = vector.broadcast %rev3A_544 : i32 to vector<16xi32>
        %rev3A_546 = tpu.iota {dimensions = array<i32: 0>} : vector<16xi32>
        %rev3A_547 = arith.subi %rev3A_545, %rev3A_546 : vector<16xi32>
        %rev3A_548 = tpu.dynamic_gather %get3A_468[%rev3A_547] in [0] : vector<16xf32>, vector<16xi32> -> vector<16xf32>
        %swap3A_549 = arith.index_cast %scan3A_183 : i32 to index
        %swap3A_550 = arith.constant 256 : index
        %swap3A_551 = tpu.vector_load %arg9[%swap3A_549, %swap3A_550] {strides = array<i32>} : memref<8x1024xf32, #tpu.memory_space<vmem>>, vector<1x16xf32>,
        %swap3A_552 = vector.shape_cast %swap3A_551 : vector<1x16xf32> to vector<16xf32>
        %swap3A_553 = vector.shape_cast %rev3A_473 : vector<16xf32> to vector<1x16xf32>
        tpu.vector_store %arg9[%swap3A_549, %swap3A_550], %swap3A_553 {strides = array<i32>} : memref<8x1024xf32, #tpu.memory_space<vmem>>, vector<1x16xf32>,
        %swap3A_554 = arith.index_cast %scan3A_183 : i32 to index
        %swap3A_555 = arith.constant 272 : index
        %swap3A_556 = tpu.vector_load %arg9[%swap3A_554, %swap3A_555] {strides = array<i32>} : memref<8x1024xf32, #tpu.memory_space<vmem>>, vector<1x16xf32>,
        %swap3A_557 = vector.shape_cast %swap3A_556 : vector<1x16xf32> to vector<16xf32>
        %swap3A_558 = vector.shape_cast %rev3A_478 : vector<16xf32> to vector<1x16xf32>
        tpu.vector_store %arg9[%swap3A_554, %swap3A_555], %swap3A_558 {strides = array<i32>} : memref<8x1024xf32, #tpu.memory_space<vmem>>, vector<1x16xf32>,
        %swap3A_559 = arith.index_cast %scan3A_183 : i32 to index
        %swap3A_560 = arith.constant 288 : index
        %swap3A_561 = tpu.vector_load %arg9[%swap3A_559, %swap3A_560] {strides = array<i32>} : memref<8x1024xf32, #tpu.memory_space<vmem>>, vector<1x16xf32>,
        %swap3A_562 = vector.shape_cast %swap3A_561 : vector<1x16xf32> to vector<16xf32>
        %swap3A_563 = vector.shape_cast %rev3A_483 : vector<16xf32> to vector<1x16xf32>
        tpu.vector_store %arg9[%swap3A_559, %swap3A_560], %swap3A_563 {strides = array<i32>} : memref<8x1024xf32, #tpu.memory_space<vmem>>, vector<1x16xf32>,
        %swap3A_564 = arith.index_cast %scan3A_183 : i32 to index
        %swap3A_565 = arith.constant 304 : index
        %swap3A_566 = tpu.vector_load %arg9[%swap3A_564, %swap3A_565] {strides = array<i32>} : memref<8x1024xf32, #tpu.memory_space<vmem>>, vector<1x16xf32>,
        %swap3A_567 = vector.shape_cast %swap3A_566 : vector<1x16xf32> to vector<16xf32>
        %swap3A_568 = vector.shape_cast %rev3A_488 : vector<16xf32> to vector<1x16xf32>
        tpu.vector_store %arg9[%swap3A_564, %swap3A_565], %swap3A_568 {strides = array<i32>} : memref<8x1024xf32, #tpu.memory_space<vmem>>, vector<1x16xf32>,
        %swap3A_569 = arith.index_cast %scan3A_183 : i32 to index
        %swap3A_570 = arith.constant 320 : index
        %swap3A_571 = tpu.vector_load %arg9[%swap3A_569, %swap3A_570] {strides = array<i32>} : memref<8x1024xf32, #tpu.memory_space<vmem>>, vector<1x16xf32>,
        %swap3A_572 = vector.shape_cast %swap3A_571 : vector<1x16xf32> to vector<16xf32>
        %swap3A_573 = vector.shape_cast %rev3A_493 : vector<16xf32> to vector<1x16xf32>
        tpu.vector_store %arg9[%swap3A_569, %swap3A_570], %swap3A_573 {strides = array<i32>} : memref<8x1024xf32, #tpu.memory_space<vmem>>, vector<1x16xf32>,
        %swap3A_574 = arith.index_cast %scan3A_183 : i32 to index
        %swap3A_575 = arith.constant 336 : index
        %swap3A_576 = tpu.vector_load %arg9[%swap3A_574, %swap3A_575] {strides = array<i32>} : memref<8x1024xf32, #tpu.memory_space<vmem>>, vector<1x16xf32>,
        %swap3A_577 = vector.shape_cast %swap3A_576 : vector<1x16xf32> to vector<16xf32>
        %swap3A_578 = vector.shape_cast %rev3A_498 : vector<16xf32> to vector<1x16xf32>
        tpu.vector_store %arg9[%swap3A_574, %swap3A_575], %swap3A_578 {strides = array<i32>} : memref<8x1024xf32, #tpu.memory_space<vmem>>, vector<1x16xf32>,
        %swap3A_579 = arith.index_cast %scan3A_183 : i32 to index
        %swap3A_580 = arith.constant 352 : index
        %swap3A_581 = tpu.vector_load %arg9[%swap3A_579, %swap3A_580] {strides = array<i32>} : memref<8x1024xf32, #tpu.memory_space<vmem>>, vector<1x16xf32>,
        %swap3A_582 = vector.shape_cast %swap3A_581 : vector<1x16xf32> to vector<16xf32>
        %swap3A_583 = vector.shape_cast %rev3A_503 : vector<16xf32> to vector<1x16xf32>
        tpu.vector_store %arg9[%swap3A_579, %swap3A_580], %swap3A_583 {strides = array<i32>} : memref<8x1024xf32, #tpu.memory_space<vmem>>, vector<1x16xf32>,
        %swap3A_584 = arith.index_cast %scan3A_183 : i32 to index
        %swap3A_585 = arith.constant 368 : index
        %swap3A_586 = tpu.vector_load %arg9[%swap3A_584, %swap3A_585] {strides = array<i32>} : memref<8x1024xf32, #tpu.memory_space<vmem>>, vector<1x16xf32>,
        %swap3A_587 = vector.shape_cast %swap3A_586 : vector<1x16xf32> to vector<16xf32>
        %swap3A_588 = vector.shape_cast %rev3A_508 : vector<16xf32> to vector<1x16xf32>
        tpu.vector_store %arg9[%swap3A_584, %swap3A_585], %swap3A_588 {strides = array<i32>} : memref<8x1024xf32, #tpu.memory_space<vmem>>, vector<1x16xf32>,
        %swap3A_589 = arith.index_cast %scan3A_183 : i32 to index
        %swap3A_590 = arith.constant 384 : index
        %swap3A_591 = tpu.vector_load %arg9[%swap3A_589, %swap3A_590] {strides = array<i32>} : memref<8x1024xf32, #tpu.memory_space<vmem>>, vector<1x16xf32>,
        %swap3A_592 = vector.shape_cast %swap3A_591 : vector<1x16xf32> to vector<16xf32>
        %swap3A_593 = vector.shape_cast %rev3A_513 : vector<16xf32> to vector<1x16xf32>
        tpu.vector_store %arg9[%swap3A_589, %swap3A_590], %swap3A_593 {strides = array<i32>} : memref<8x1024xf32, #tpu.memory_space<vmem>>, vector<1x16xf32>,
        %swap3A_594 = arith.index_cast %scan3A_183 : i32 to index
        %swap3A_595 = arith.constant 400 : index
        %swap3A_596 = tpu.vector_load %arg9[%swap3A_594, %swap3A_595] {strides = array<i32>} : memref<8x1024xf32, #tpu.memory_space<vmem>>, vector<1x16xf32>,
        %swap3A_597 = vector.shape_cast %swap3A_596 : vector<1x16xf32> to vector<16xf32>
        %swap3A_598 = vector.shape_cast %rev3A_518 : vector<16xf32> to vector<1x16xf32>
        tpu.vector_store %arg9[%swap3A_594, %swap3A_595], %swap3A_598 {strides = array<i32>} : memref<8x1024xf32, #tpu.memory_space<vmem>>, vector<1x16xf32>,
        %swap3A_599 = arith.index_cast %scan3A_183 : i32 to index
        %swap3A_600 = arith.constant 416 : index
        %swap3A_601 = tpu.vector_load %arg9[%swap3A_599, %swap3A_600] {strides = array<i32>} : memref<8x1024xf32, #tpu.memory_space<vmem>>, vector<1x16xf32>,
        %swap3A_602 = vector.shape_cast %swap3A_601 : vector<1x16xf32> to vector<16xf32>
        %swap3A_603 = vector.shape_cast %rev3A_523 : vector<16xf32> to vector<1x16xf32>
        tpu.vector_store %arg9[%swap3A_599, %swap3A_600], %swap3A_603 {strides = array<i32>} : memref<8x1024xf32, #tpu.memory_space<vmem>>, vector<1x16xf32>,
        %swap3A_604 = arith.index_cast %scan3A_183 : i32 to index
        %swap3A_605 = arith.constant 432 : index
        %swap3A_606 = tpu.vector_load %arg9[%swap3A_604, %swap3A_605] {strides = array<i32>} : memref<8x1024xf32, #tpu.memory_space<vmem>>, vector<1x16xf32>,
        %swap3A_607 = vector.shape_cast %swap3A_606 : vector<1x16xf32> to vector<16xf32>
        %swap3A_608 = vector.shape_cast %rev3A_528 : vector<16xf32> to vector<1x16xf32>
        tpu.vector_store %arg9[%swap3A_604, %swap3A_605], %swap3A_608 {strides = array<i32>} : memref<8x1024xf32, #tpu.memory_space<vmem>>, vector<1x16xf32>,
        %swap3A_609 = arith.index_cast %scan3A_183 : i32 to index
        %swap3A_610 = arith.constant 448 : index
        %swap3A_611 = tpu.vector_load %arg9[%swap3A_609, %swap3A_610] {strides = array<i32>} : memref<8x1024xf32, #tpu.memory_space<vmem>>, vector<1x16xf32>,
        %swap3A_612 = vector.shape_cast %swap3A_611 : vector<1x16xf32> to vector<16xf32>
        %swap3A_613 = vector.shape_cast %rev3A_533 : vector<16xf32> to vector<1x16xf32>
        tpu.vector_store %arg9[%swap3A_609, %swap3A_610], %swap3A_613 {strides = array<i32>} : memref<8x1024xf32, #tpu.memory_space<vmem>>, vector<1x16xf32>,
        %swap3A_614 = arith.index_cast %scan3A_183 : i32 to index
        %swap3A_615 = arith.constant 464 : index
        %swap3A_616 = tpu.vector_load %arg9[%swap3A_614, %swap3A_615] {strides = array<i32>} : memref<8x1024xf32, #tpu.memory_space<vmem>>, vector<1x16xf32>,
        %swap3A_617 = vector.shape_cast %swap3A_616 : vector<1x16xf32> to vector<16xf32>
        %swap3A_618 = vector.shape_cast %rev3A_538 : vector<16xf32> to vector<1x16xf32>
        tpu.vector_store %arg9[%swap3A_614, %swap3A_615], %swap3A_618 {strides = array<i32>} : memref<8x1024xf32, #tpu.memory_space<vmem>>, vector<1x16xf32>,
        %swap3A_619 = arith.index_cast %scan3A_183 : i32 to index
        %swap3A_620 = arith.constant 480 : index
        %swap3A_621 = tpu.vector_load %arg9[%swap3A_619, %swap3A_620] {strides = array<i32>} : memref<8x1024xf32, #tpu.memory_space<vmem>>, vector<1x16xf32>,
        %swap3A_622 = vector.shape_cast %swap3A_621 : vector<1x16xf32> to vector<16xf32>
        %swap3A_623 = vector.shape_cast %rev3A_543 : vector<16xf32> to vector<1x16xf32>
        tpu.vector_store %arg9[%swap3A_619, %swap3A_620], %swap3A_623 {strides = array<i32>} : memref<8x1024xf32, #tpu.memory_space<vmem>>, vector<1x16xf32>,
        %swap3A_624 = arith.index_cast %scan3A_183 : i32 to index
        %swap3A_625 = arith.constant 496 : index
        %swap3A_626 = tpu.vector_load %arg9[%swap3A_624, %swap3A_625] {strides = array<i32>} : memref<8x1024xf32, #tpu.memory_space<vmem>>, vector<1x16xf32>,
        %swap3A_627 = vector.shape_cast %swap3A_626 : vector<1x16xf32> to vector<16xf32>
        %swap3A_628 = vector.shape_cast %rev3A_548 : vector<16xf32> to vector<1x16xf32>
        tpu.vector_store %arg9[%swap3A_624, %swap3A_625], %swap3A_628 {strides = array<i32>} : memref<8x1024xf32, #tpu.memory_space<vmem>>, vector<1x16xf32>,
        %get3A_629 = arith.index_cast %scan3A_183 : i32 to index
        %get3A_630 = arith.constant 496 : index
        %get3A_631 = tpu.vector_load %arg5[%get3A_629, %get3A_630] {strides = array<i32>} : memref<8x1024xf32, #tpu.memory_space<vmem>>, vector<1x16xf32>,
        %get3A_632 = vector.shape_cast %get3A_631 : vector<1x16xf32> to vector<16xf32>
        %get3A_633 = arith.index_cast %scan3A_183 : i32 to index
        %get3A_634 = arith.constant 480 : index
        %get3A_635 = tpu.vector_load %arg5[%get3A_633, %get3A_634] {strides = array<i32>} : memref<8x1024xf32, #tpu.memory_space<vmem>>, vector<1x16xf32>,
        %get3A_636 = vector.shape_cast %get3A_635 : vector<1x16xf32> to vector<16xf32>
        %get3A_637 = arith.index_cast %scan3A_183 : i32 to index
        %get3A_638 = arith.constant 464 : index
        %get3A_639 = tpu.vector_load %arg5[%get3A_637, %get3A_638] {strides = array<i32>} : memref<8x1024xf32, #tpu.memory_space<vmem>>, vector<1x16xf32>,
        %get3A_640 = vector.shape_cast %get3A_639 : vector<1x16xf32> to vector<16xf32>
        %get3A_641 = arith.index_cast %scan3A_183 : i32 to index
        %get3A_642 = arith.constant 448 : index
        %get3A_643 = tpu.vector_load %arg5[%get3A_641, %get3A_642] {strides = array<i32>} : memref<8x1024xf32, #tpu.memory_space<vmem>>, vector<1x16xf32>,
        %get3A_644 = vector.shape_cast %get3A_643 : vector<1x16xf32> to vector<16xf32>
        %get3A_645 = arith.index_cast %scan3A_183 : i32 to index
        %get3A_646 = arith.constant 432 : index
        %get3A_647 = tpu.vector_load %arg5[%get3A_645, %get3A_646] {strides = array<i32>} : memref<8x1024xf32, #tpu.memory_space<vmem>>, vector<1x16xf32>,
        %get3A_648 = vector.shape_cast %get3A_647 : vector<1x16xf32> to vector<16xf32>
        %get3A_649 = arith.index_cast %scan3A_183 : i32 to index
        %get3A_650 = arith.constant 416 : index
        %get3A_651 = tpu.vector_load %arg5[%get3A_649, %get3A_650] {strides = array<i32>} : memref<8x1024xf32, #tpu.memory_space<vmem>>, vector<1x16xf32>,
        %get3A_652 = vector.shape_cast %get3A_651 : vector<1x16xf32> to vector<16xf32>
        %get3A_653 = arith.index_cast %scan3A_183 : i32 to index
        %get3A_654 = arith.constant 400 : index
        %get3A_655 = tpu.vector_load %arg5[%get3A_653, %get3A_654] {strides = array<i32>} : memref<8x1024xf32, #tpu.memory_space<vmem>>, vector<1x16xf32>,
        %get3A_656 = vector.shape_cast %get3A_655 : vector<1x16xf32> to vector<16xf32>
        %get3A_657 = arith.index_cast %scan3A_183 : i32 to index
        %get3A_658 = arith.constant 384 : index
        %get3A_659 = tpu.vector_load %arg5[%get3A_657, %get3A_658] {strides = array<i32>} : memref<8x1024xf32, #tpu.memory_space<vmem>>, vector<1x16xf32>,
        %get3A_660 = vector.shape_cast %get3A_659 : vector<1x16xf32> to vector<16xf32>
        %get3A_661 = arith.index_cast %scan3A_183 : i32 to index
        %get3A_662 = arith.constant 368 : index
        %get3A_663 = tpu.vector_load %arg5[%get3A_661, %get3A_662] {strides = array<i32>} : memref<8x1024xf32, #tpu.memory_space<vmem>>, vector<1x16xf32>,
        %get3A_664 = vector.shape_cast %get3A_663 : vector<1x16xf32> to vector<16xf32>
        %get3A_665 = arith.index_cast %scan3A_183 : i32 to index
        %get3A_666 = arith.constant 352 : index
        %get3A_667 = tpu.vector_load %arg5[%get3A_665, %get3A_666] {strides = array<i32>} : memref<8x1024xf32, #tpu.memory_space<vmem>>, vector<1x16xf32>,
        %get3A_668 = vector.shape_cast %get3A_667 : vector<1x16xf32> to vector<16xf32>
        %get3A_669 = arith.index_cast %scan3A_183 : i32 to index
        %get3A_670 = arith.constant 336 : index
        %get3A_671 = tpu.vector_load %arg5[%get3A_669, %get3A_670] {strides = array<i32>} : memref<8x1024xf32, #tpu.memory_space<vmem>>, vector<1x16xf32>,
        %get3A_672 = vector.shape_cast %get3A_671 : vector<1x16xf32> to vector<16xf32>
        %get3A_673 = arith.index_cast %scan3A_183 : i32 to index
        %get3A_674 = arith.constant 320 : index
        %get3A_675 = tpu.vector_load %arg5[%get3A_673, %get3A_674] {strides = array<i32>} : memref<8x1024xf32, #tpu.memory_space<vmem>>, vector<1x16xf32>,
        %get3A_676 = vector.shape_cast %get3A_675 : vector<1x16xf32> to vector<16xf32>
        %get3A_677 = arith.index_cast %scan3A_183 : i32 to index
        %get3A_678 = arith.constant 304 : index
        %get3A_679 = tpu.vector_load %arg5[%get3A_677, %get3A_678] {strides = array<i32>} : memref<8x1024xf32, #tpu.memory_space<vmem>>, vector<1x16xf32>,
        %get3A_680 = vector.shape_cast %get3A_679 : vector<1x16xf32> to vector<16xf32>
        %get3A_681 = arith.index_cast %scan3A_183 : i32 to index
        %get3A_682 = arith.constant 288 : index
        %get3A_683 = tpu.vector_load %arg5[%get3A_681, %get3A_682] {strides = array<i32>} : memref<8x1024xf32, #tpu.memory_space<vmem>>, vector<1x16xf32>,
        %get3A_684 = vector.shape_cast %get3A_683 : vector<1x16xf32> to vector<16xf32>
        %get3A_685 = arith.index_cast %scan3A_183 : i32 to index
        %get3A_686 = arith.constant 272 : index
        %get3A_687 = tpu.vector_load %arg5[%get3A_685, %get3A_686] {strides = array<i32>} : memref<8x1024xf32, #tpu.memory_space<vmem>>, vector<1x16xf32>,
        %get3A_688 = vector.shape_cast %get3A_687 : vector<1x16xf32> to vector<16xf32>
        %get3A_689 = arith.index_cast %scan3A_183 : i32 to index
        %get3A_690 = arith.constant 256 : index
        %get3A_691 = tpu.vector_load %arg5[%get3A_689, %get3A_690] {strides = array<i32>} : memref<8x1024xf32, #tpu.memory_space<vmem>>, vector<1x16xf32>,
        %get3A_692 = vector.shape_cast %get3A_691 : vector<1x16xf32> to vector<16xf32>
        %rev3A_693 = arith.constant 15 : i32
        %rev3A_694 = vector.broadcast %rev3A_693 : i32 to vector<16xi32>
        %rev3A_695 = tpu.iota {dimensions = array<i32: 0>} : vector<16xi32>
        %rev3A_696 = arith.subi %rev3A_694, %rev3A_695 : vector<16xi32>
        %rev3A_697 = tpu.dynamic_gather %get3A_632[%rev3A_696] in [0] : vector<16xf32>, vector<16xi32> -> vector<16xf32>
        %rev3A_698 = arith.constant 15 : i32
        %rev3A_699 = vector.broadcast %rev3A_698 : i32 to vector<16xi32>
        %rev3A_700 = tpu.iota {dimensions = array<i32: 0>} : vector<16xi32>
        %rev3A_701 = arith.subi %rev3A_699, %rev3A_700 : vector<16xi32>
        %rev3A_702 = tpu.dynamic_gather %get3A_636[%rev3A_701] in [0] : vector<16xf32>, vector<16xi32> -> vector<16xf32>
        %rev3A_703 = arith.constant 15 : i32
        %rev3A_704 = vector.broadcast %rev3A_703 : i32 to vector<16xi32>
        %rev3A_705 = tpu.iota {dimensions = array<i32: 0>} : vector<16xi32>
        %rev3A_706 = arith.subi %rev3A_704, %rev3A_705 : vector<16xi32>
        %rev3A_707 = tpu.dynamic_gather %get3A_640[%rev3A_706] in [0] : vector<16xf32>, vector<16xi32> -> vector<16xf32>
        %rev3A_708 = arith.constant 15 : i32
        %rev3A_709 = vector.broadcast %rev3A_708 : i32 to vector<16xi32>
        %rev3A_710 = tpu.iota {dimensions = array<i32: 0>} : vector<16xi32>
        %rev3A_711 = arith.subi %rev3A_709, %rev3A_710 : vector<16xi32>
        %rev3A_712 = tpu.dynamic_gather %get3A_644[%rev3A_711] in [0] : vector<16xf32>, vector<16xi32> -> vector<16xf32>
        %rev3A_713 = arith.constant 15 : i32
        %rev3A_714 = vector.broadcast %rev3A_713 : i32 to vector<16xi32>
        %rev3A_715 = tpu.iota {dimensions = array<i32: 0>} : vector<16xi32>
        %rev3A_716 = arith.subi %rev3A_714, %rev3A_715 : vector<16xi32>
        %rev3A_717 = tpu.dynamic_gather %get3A_648[%rev3A_716] in [0] : vector<16xf32>, vector<16xi32> -> vector<16xf32>
        %rev3A_718 = arith.constant 15 : i32
        %rev3A_719 = vector.broadcast %rev3A_718 : i32 to vector<16xi32>
        %rev3A_720 = tpu.iota {dimensions = array<i32: 0>} : vector<16xi32>
        %rev3A_721 = arith.subi %rev3A_719, %rev3A_720 : vector<16xi32>
        %rev3A_722 = tpu.dynamic_gather %get3A_652[%rev3A_721] in [0] : vector<16xf32>, vector<16xi32> -> vector<16xf32>
        %rev3A_723 = arith.constant 15 : i32
        %rev3A_724 = vector.broadcast %rev3A_723 : i32 to vector<16xi32>
        %rev3A_725 = tpu.iota {dimensions = array<i32: 0>} : vector<16xi32>
        %rev3A_726 = arith.subi %rev3A_724, %rev3A_725 : vector<16xi32>
        %rev3A_727 = tpu.dynamic_gather %get3A_656[%rev3A_726] in [0] : vector<16xf32>, vector<16xi32> -> vector<16xf32>
        %rev3A_728 = arith.constant 15 : i32
        %rev3A_729 = vector.broadcast %rev3A_728 : i32 to vector<16xi32>
        %rev3A_730 = tpu.iota {dimensions = array<i32: 0>} : vector<16xi32>
        %rev3A_731 = arith.subi %rev3A_729, %rev3A_730 : vector<16xi32>
        %rev3A_732 = tpu.dynamic_gather %get3A_660[%rev3A_731] in [0] : vector<16xf32>, vector<16xi32> -> vector<16xf32>
        %rev3A_733 = arith.constant 15 : i32
        %rev3A_734 = vector.broadcast %rev3A_733 : i32 to vector<16xi32>
        %rev3A_735 = tpu.iota {dimensions = array<i32: 0>} : vector<16xi32>
        %rev3A_736 = arith.subi %rev3A_734, %rev3A_735 : vector<16xi32>
        %rev3A_737 = tpu.dynamic_gather %get3A_664[%rev3A_736] in [0] : vector<16xf32>, vector<16xi32> -> vector<16xf32>
        %rev3A_738 = arith.constant 15 : i32
        %rev3A_739 = vector.broadcast %rev3A_738 : i32 to vector<16xi32>
        %rev3A_740 = tpu.iota {dimensions = array<i32: 0>} : vector<16xi32>
        %rev3A_741 = arith.subi %rev3A_739, %rev3A_740 : vector<16xi32>
        %rev3A_742 = tpu.dynamic_gather %get3A_668[%rev3A_741] in [0] : vector<16xf32>, vector<16xi32> -> vector<16xf32>
        %rev3A_743 = arith.constant 15 : i32
        %rev3A_744 = vector.broadcast %rev3A_743 : i32 to vector<16xi32>
        %rev3A_745 = tpu.iota {dimensions = array<i32: 0>} : vector<16xi32>
        %rev3A_746 = arith.subi %rev3A_744, %rev3A_745 : vector<16xi32>
        %rev3A_747 = tpu.dynamic_gather %get3A_672[%rev3A_746] in [0] : vector<16xf32>, vector<16xi32> -> vector<16xf32>
        %rev3A_748 = arith.constant 15 : i32
        %rev3A_749 = vector.broadcast %rev3A_748 : i32 to vector<16xi32>
        %rev3A_750 = tpu.iota {dimensions = array<i32: 0>} : vector<16xi32>
        %rev3A_751 = arith.subi %rev3A_749, %rev3A_750 : vector<16xi32>
        %rev3A_752 = tpu.dynamic_gather %get3A_676[%rev3A_751] in [0] : vector<16xf32>, vector<16xi32> -> vector<16xf32>
        %rev3A_753 = arith.constant 15 : i32
        %rev3A_754 = vector.broadcast %rev3A_753 : i32 to vector<16xi32>
        %rev3A_755 = tpu.iota {dimensions = array<i32: 0>} : vector<16xi32>
        %rev3A_756 = arith.subi %rev3A_754, %rev3A_755 : vector<16xi32>
        %rev3A_757 = tpu.dynamic_gather %get3A_680[%rev3A_756] in [0] : vector<16xf32>, vector<16xi32> -> vector<16xf32>
        %rev3A_758 = arith.constant 15 : i32
        %rev3A_759 = vector.broadcast %rev3A_758 : i32 to vector<16xi32>
        %rev3A_760 = tpu.iota {dimensions = array<i32: 0>} : vector<16xi32>
        %rev3A_761 = arith.subi %rev3A_759, %rev3A_760 : vector<16xi32>
        %rev3A_762 = tpu.dynamic_gather %get3A_684[%rev3A_761] in [0] : vector<16xf32>, vector<16xi32> -> vector<16xf32>
        %rev3A_763 = arith.constant 15 : i32
        %rev3A_764 = vector.broadcast %rev3A_763 : i32 to vector<16xi32>
        %rev3A_765 = tpu.iota {dimensions = array<i32: 0>} : vector<16xi32>
        %rev3A_766 = arith.subi %rev3A_764, %rev3A_765 : vector<16xi32>
        %rev3A_767 = tpu.dynamic_gather %get3A_688[%rev3A_766] in [0] : vector<16xf32>, vector<16xi32> -> vector<16xf32>
        %rev3A_768 = arith.constant 15 : i32
        %rev3A_769 = vector.broadcast %rev3A_768 : i32 to vector<16xi32>
        %rev3A_770 = tpu.iota {dimensions = array<i32: 0>} : vector<16xi32>
        %rev3A_771 = arith.subi %rev3A_769, %rev3A_770 : vector<16xi32>
        %rev3A_772 = tpu.dynamic_gather %get3A_692[%rev3A_771] in [0] : vector<16xf32>, vector<16xi32> -> vector<16xf32>
        %swap3A_773 = arith.index_cast %scan3A_183 : i32 to index
        %swap3A_774 = arith.constant 512 : index
        %swap3A_775 = tpu.vector_load %arg9[%swap3A_773, %swap3A_774] {strides = array<i32>} : memref<8x1024xf32, #tpu.memory_space<vmem>>, vector<1x16xf32>,
        %swap3A_776 = vector.shape_cast %swap3A_775 : vector<1x16xf32> to vector<16xf32>
        %swap3A_777 = vector.shape_cast %rev3A_697 : vector<16xf32> to vector<1x16xf32>
        tpu.vector_store %arg9[%swap3A_773, %swap3A_774], %swap3A_777 {strides = array<i32>} : memref<8x1024xf32, #tpu.memory_space<vmem>>, vector<1x16xf32>,
        %swap3A_778 = arith.index_cast %scan3A_183 : i32 to index
        %swap3A_779 = arith.constant 528 : index
        %swap3A_780 = tpu.vector_load %arg9[%swap3A_778, %swap3A_779] {strides = array<i32>} : memref<8x1024xf32, #tpu.memory_space<vmem>>, vector<1x16xf32>,
        %swap3A_781 = vector.shape_cast %swap3A_780 : vector<1x16xf32> to vector<16xf32>
        %swap3A_782 = vector.shape_cast %rev3A_702 : vector<16xf32> to vector<1x16xf32>
        tpu.vector_store %arg9[%swap3A_778, %swap3A_779], %swap3A_782 {strides = array<i32>} : memref<8x1024xf32, #tpu.memory_space<vmem>>, vector<1x16xf32>,
        %swap3A_783 = arith.index_cast %scan3A_183 : i32 to index
        %swap3A_784 = arith.constant 544 : index
        %swap3A_785 = tpu.vector_load %arg9[%swap3A_783, %swap3A_784] {strides = array<i32>} : memref<8x1024xf32, #tpu.memory_space<vmem>>, vector<1x16xf32>,
        %swap3A_786 = vector.shape_cast %swap3A_785 : vector<1x16xf32> to vector<16xf32>
        %swap3A_787 = vector.shape_cast %rev3A_707 : vector<16xf32> to vector<1x16xf32>
        tpu.vector_store %arg9[%swap3A_783, %swap3A_784], %swap3A_787 {strides = array<i32>} : memref<8x1024xf32, #tpu.memory_space<vmem>>, vector<1x16xf32>,
        %swap3A_788 = arith.index_cast %scan3A_183 : i32 to index
        %swap3A_789 = arith.constant 560 : index
        %swap3A_790 = tpu.vector_load %arg9[%swap3A_788, %swap3A_789] {strides = array<i32>} : memref<8x1024xf32, #tpu.memory_space<vmem>>, vector<1x16xf32>,
        %swap3A_791 = vector.shape_cast %swap3A_790 : vector<1x16xf32> to vector<16xf32>
        %swap3A_792 = vector.shape_cast %rev3A_712 : vector<16xf32> to vector<1x16xf32>
        tpu.vector_store %arg9[%swap3A_788, %swap3A_789], %swap3A_792 {strides = array<i32>} : memref<8x1024xf32, #tpu.memory_space<vmem>>, vector<1x16xf32>,
        %swap3A_793 = arith.index_cast %scan3A_183 : i32 to index
        %swap3A_794 = arith.constant 576 : index
        %swap3A_795 = tpu.vector_load %arg9[%swap3A_793, %swap3A_794] {strides = array<i32>} : memref<8x1024xf32, #tpu.memory_space<vmem>>, vector<1x16xf32>,
        %swap3A_796 = vector.shape_cast %swap3A_795 : vector<1x16xf32> to vector<16xf32>
        %swap3A_797 = vector.shape_cast %rev3A_717 : vector<16xf32> to vector<1x16xf32>
        tpu.vector_store %arg9[%swap3A_793, %swap3A_794], %swap3A_797 {strides = array<i32>} : memref<8x1024xf32, #tpu.memory_space<vmem>>, vector<1x16xf32>,
        %swap3A_798 = arith.index_cast %scan3A_183 : i32 to index
        %swap3A_799 = arith.constant 592 : index
        %swap3A_800 = tpu.vector_load %arg9[%swap3A_798, %swap3A_799] {strides = array<i32>} : memref<8x1024xf32, #tpu.memory_space<vmem>>, vector<1x16xf32>,
        %swap3A_801 = vector.shape_cast %swap3A_800 : vector<1x16xf32> to vector<16xf32>
        %swap3A_802 = vector.shape_cast %rev3A_722 : vector<16xf32> to vector<1x16xf32>
        tpu.vector_store %arg9[%swap3A_798, %swap3A_799], %swap3A_802 {strides = array<i32>} : memref<8x1024xf32, #tpu.memory_space<vmem>>, vector<1x16xf32>,
        %swap3A_803 = arith.index_cast %scan3A_183 : i32 to index
        %swap3A_804 = arith.constant 608 : index
        %swap3A_805 = tpu.vector_load %arg9[%swap3A_803, %swap3A_804] {strides = array<i32>} : memref<8x1024xf32, #tpu.memory_space<vmem>>, vector<1x16xf32>,
        %swap3A_806 = vector.shape_cast %swap3A_805 : vector<1x16xf32> to vector<16xf32>
        %swap3A_807 = vector.shape_cast %rev3A_727 : vector<16xf32> to vector<1x16xf32>
        tpu.vector_store %arg9[%swap3A_803, %swap3A_804], %swap3A_807 {strides = array<i32>} : memref<8x1024xf32, #tpu.memory_space<vmem>>, vector<1x16xf32>,
        %swap3A_808 = arith.index_cast %scan3A_183 : i32 to index
        %swap3A_809 = arith.constant 624 : index
        %swap3A_810 = tpu.vector_load %arg9[%swap3A_808, %swap3A_809] {strides = array<i32>} : memref<8x1024xf32, #tpu.memory_space<vmem>>, vector<1x16xf32>,
        %swap3A_811 = vector.shape_cast %swap3A_810 : vector<1x16xf32> to vector<16xf32>
        %swap3A_812 = vector.shape_cast %rev3A_732 : vector<16xf32> to vector<1x16xf32>
        tpu.vector_store %arg9[%swap3A_808, %swap3A_809], %swap3A_812 {strides = array<i32>} : memref<8x1024xf32, #tpu.memory_space<vmem>>, vector<1x16xf32>,
        %swap3A_813 = arith.index_cast %scan3A_183 : i32 to index
        %swap3A_814 = arith.constant 640 : index
        %swap3A_815 = tpu.vector_load %arg9[%swap3A_813, %swap3A_814] {strides = array<i32>} : memref<8x1024xf32, #tpu.memory_space<vmem>>, vector<1x16xf32>,
        %swap3A_816 = vector.shape_cast %swap3A_815 : vector<1x16xf32> to vector<16xf32>
        %swap3A_817 = vector.shape_cast %rev3A_737 : vector<16xf32> to vector<1x16xf32>
        tpu.vector_store %arg9[%swap3A_813, %swap3A_814], %swap3A_817 {strides = array<i32>} : memref<8x1024xf32, #tpu.memory_space<vmem>>, vector<1x16xf32>,
        %swap3A_818 = arith.index_cast %scan3A_183 : i32 to index
        %swap3A_819 = arith.constant 656 : index
        %swap3A_820 = tpu.vector_load %arg9[%swap3A_818, %swap3A_819] {strides = array<i32>} : memref<8x1024xf32, #tpu.memory_space<vmem>>, vector<1x16xf32>,
        %swap3A_821 = vector.shape_cast %swap3A_820 : vector<1x16xf32> to vector<16xf32>
        %swap3A_822 = vector.shape_cast %rev3A_742 : vector<16xf32> to vector<1x16xf32>
        tpu.vector_store %arg9[%swap3A_818, %swap3A_819], %swap3A_822 {strides = array<i32>} : memref<8x1024xf32, #tpu.memory_space<vmem>>, vector<1x16xf32>,
        %swap3A_823 = arith.index_cast %scan3A_183 : i32 to index
        %swap3A_824 = arith.constant 672 : index
        %swap3A_825 = tpu.vector_load %arg9[%swap3A_823, %swap3A_824] {strides = array<i32>} : memref<8x1024xf32, #tpu.memory_space<vmem>>, vector<1x16xf32>,
        %swap3A_826 = vector.shape_cast %swap3A_825 : vector<1x16xf32> to vector<16xf32>
        %swap3A_827 = vector.shape_cast %rev3A_747 : vector<16xf32> to vector<1x16xf32>
        tpu.vector_store %arg9[%swap3A_823, %swap3A_824], %swap3A_827 {strides = array<i32>} : memref<8x1024xf32, #tpu.memory_space<vmem>>, vector<1x16xf32>,
        %swap3A_828 = arith.index_cast %scan3A_183 : i32 to index
        %swap3A_829 = arith.constant 688 : index
        %swap3A_830 = tpu.vector_load %arg9[%swap3A_828, %swap3A_829] {strides = array<i32>} : memref<8x1024xf32, #tpu.memory_space<vmem>>, vector<1x16xf32>,
        %swap3A_831 = vector.shape_cast %swap3A_830 : vector<1x16xf32> to vector<16xf32>
        %swap3A_832 = vector.shape_cast %rev3A_752 : vector<16xf32> to vector<1x16xf32>
        tpu.vector_store %arg9[%swap3A_828, %swap3A_829], %swap3A_832 {strides = array<i32>} : memref<8x1024xf32, #tpu.memory_space<vmem>>, vector<1x16xf32>,
        %swap3A_833 = arith.index_cast %scan3A_183 : i32 to index
        %swap3A_834 = arith.constant 704 : index
        %swap3A_835 = tpu.vector_load %arg9[%swap3A_833, %swap3A_834] {strides = array<i32>} : memref<8x1024xf32, #tpu.memory_space<vmem>>, vector<1x16xf32>,
        %swap3A_836 = vector.shape_cast %swap3A_835 : vector<1x16xf32> to vector<16xf32>
        %swap3A_837 = vector.shape_cast %rev3A_757 : vector<16xf32> to vector<1x16xf32>
        tpu.vector_store %arg9[%swap3A_833, %swap3A_834], %swap3A_837 {strides = array<i32>} : memref<8x1024xf32, #tpu.memory_space<vmem>>, vector<1x16xf32>,
        %swap3A_838 = arith.index_cast %scan3A_183 : i32 to index
        %swap3A_839 = arith.constant 720 : index
        %swap3A_840 = tpu.vector_load %arg9[%swap3A_838, %swap3A_839] {strides = array<i32>} : memref<8x1024xf32, #tpu.memory_space<vmem>>, vector<1x16xf32>,
        %swap3A_841 = vector.shape_cast %swap3A_840 : vector<1x16xf32> to vector<16xf32>
        %swap3A_842 = vector.shape_cast %rev3A_762 : vector<16xf32> to vector<1x16xf32>
        tpu.vector_store %arg9[%swap3A_838, %swap3A_839], %swap3A_842 {strides = array<i32>} : memref<8x1024xf32, #tpu.memory_space<vmem>>, vector<1x16xf32>,
        %swap3A_843 = arith.index_cast %scan3A_183 : i32 to index
        %swap3A_844 = arith.constant 736 : index
        %swap3A_845 = tpu.vector_load %arg9[%swap3A_843, %swap3A_844] {strides = array<i32>} : memref<8x1024xf32, #tpu.memory_space<vmem>>, vector<1x16xf32>,
        %swap3A_846 = vector.shape_cast %swap3A_845 : vector<1x16xf32> to vector<16xf32>
        %swap3A_847 = vector.shape_cast %rev3A_767 : vector<16xf32> to vector<1x16xf32>
        tpu.vector_store %arg9[%swap3A_843, %swap3A_844], %swap3A_847 {strides = array<i32>} : memref<8x1024xf32, #tpu.memory_space<vmem>>, vector<1x16xf32>,
        %swap3A_848 = arith.index_cast %scan3A_183 : i32 to index
        %swap3A_849 = arith.constant 752 : index
        %swap3A_850 = tpu.vector_load %arg9[%swap3A_848, %swap3A_849] {strides = array<i32>} : memref<8x1024xf32, #tpu.memory_space<vmem>>, vector<1x16xf32>,
        %swap3A_851 = vector.shape_cast %swap3A_850 : vector<1x16xf32> to vector<16xf32>
        %swap3A_852 = vector.shape_cast %rev3A_772 : vector<16xf32> to vector<1x16xf32>
        tpu.vector_store %arg9[%swap3A_848, %swap3A_849], %swap3A_852 {strides = array<i32>} : memref<8x1024xf32, #tpu.memory_space<vmem>>, vector<1x16xf32>,
        %get3A_853 = arith.index_cast %scan3A_183 : i32 to index
        %get3A_854 = arith.constant 240 : index
        %get3A_855 = tpu.vector_load %arg5[%get3A_853, %get3A_854] {strides = array<i32>} : memref<8x1024xf32, #tpu.memory_space<vmem>>, vector<1x16xf32>,
        %get3A_856 = vector.shape_cast %get3A_855 : vector<1x16xf32> to vector<16xf32>
        %get3A_857 = arith.index_cast %scan3A_183 : i32 to index
        %get3A_858 = arith.constant 224 : index
        %get3A_859 = tpu.vector_load %arg5[%get3A_857, %get3A_858] {strides = array<i32>} : memref<8x1024xf32, #tpu.memory_space<vmem>>, vector<1x16xf32>,
        %get3A_860 = vector.shape_cast %get3A_859 : vector<1x16xf32> to vector<16xf32>
        %get3A_861 = arith.index_cast %scan3A_183 : i32 to index
        %get3A_862 = arith.constant 208 : index
        %get3A_863 = tpu.vector_load %arg5[%get3A_861, %get3A_862] {strides = array<i32>} : memref<8x1024xf32, #tpu.memory_space<vmem>>, vector<1x16xf32>,
        %get3A_864 = vector.shape_cast %get3A_863 : vector<1x16xf32> to vector<16xf32>
        %get3A_865 = arith.index_cast %scan3A_183 : i32 to index
        %get3A_866 = arith.constant 192 : index
        %get3A_867 = tpu.vector_load %arg5[%get3A_865, %get3A_866] {strides = array<i32>} : memref<8x1024xf32, #tpu.memory_space<vmem>>, vector<1x16xf32>,
        %get3A_868 = vector.shape_cast %get3A_867 : vector<1x16xf32> to vector<16xf32>
        %get3A_869 = arith.index_cast %scan3A_183 : i32 to index
        %get3A_870 = arith.constant 176 : index
        %get3A_871 = tpu.vector_load %arg5[%get3A_869, %get3A_870] {strides = array<i32>} : memref<8x1024xf32, #tpu.memory_space<vmem>>, vector<1x16xf32>,
        %get3A_872 = vector.shape_cast %get3A_871 : vector<1x16xf32> to vector<16xf32>
        %get3A_873 = arith.index_cast %scan3A_183 : i32 to index
        %get3A_874 = arith.constant 160 : index
        %get3A_875 = tpu.vector_load %arg5[%get3A_873, %get3A_874] {strides = array<i32>} : memref<8x1024xf32, #tpu.memory_space<vmem>>, vector<1x16xf32>,
        %get3A_876 = vector.shape_cast %get3A_875 : vector<1x16xf32> to vector<16xf32>
        %get3A_877 = arith.index_cast %scan3A_183 : i32 to index
        %get3A_878 = arith.constant 144 : index
        %get3A_879 = tpu.vector_load %arg5[%get3A_877, %get3A_878] {strides = array<i32>} : memref<8x1024xf32, #tpu.memory_space<vmem>>, vector<1x16xf32>,
        %get3A_880 = vector.shape_cast %get3A_879 : vector<1x16xf32> to vector<16xf32>
        %get3A_881 = arith.index_cast %scan3A_183 : i32 to index
        %get3A_882 = arith.constant 128 : index
        %get3A_883 = tpu.vector_load %arg5[%get3A_881, %get3A_882] {strides = array<i32>} : memref<8x1024xf32, #tpu.memory_space<vmem>>, vector<1x16xf32>,
        %get3A_884 = vector.shape_cast %get3A_883 : vector<1x16xf32> to vector<16xf32>
        %get3A_885 = arith.index_cast %scan3A_183 : i32 to index
        %get3A_886 = arith.constant 112 : index
        %get3A_887 = tpu.vector_load %arg5[%get3A_885, %get3A_886] {strides = array<i32>} : memref<8x1024xf32, #tpu.memory_space<vmem>>, vector<1x16xf32>,
        %get3A_888 = vector.shape_cast %get3A_887 : vector<1x16xf32> to vector<16xf32>
        %get3A_889 = arith.index_cast %scan3A_183 : i32 to index
        %get3A_890 = arith.constant 96 : index
        %get3A_891 = tpu.vector_load %arg5[%get3A_889, %get3A_890] {strides = array<i32>} : memref<8x1024xf32, #tpu.memory_space<vmem>>, vector<1x16xf32>,
        %get3A_892 = vector.shape_cast %get3A_891 : vector<1x16xf32> to vector<16xf32>
        %get3A_893 = arith.index_cast %scan3A_183 : i32 to index
        %get3A_894 = arith.constant 80 : index
        %get3A_895 = tpu.vector_load %arg5[%get3A_893, %get3A_894] {strides = array<i32>} : memref<8x1024xf32, #tpu.memory_space<vmem>>, vector<1x16xf32>,
        %get3A_896 = vector.shape_cast %get3A_895 : vector<1x16xf32> to vector<16xf32>
        %get3A_897 = arith.index_cast %scan3A_183 : i32 to index
        %get3A_898 = arith.constant 64 : index
        %get3A_899 = tpu.vector_load %arg5[%get3A_897, %get3A_898] {strides = array<i32>} : memref<8x1024xf32, #tpu.memory_space<vmem>>, vector<1x16xf32>,
        %get3A_900 = vector.shape_cast %get3A_899 : vector<1x16xf32> to vector<16xf32>
        %get3A_901 = arith.index_cast %scan3A_183 : i32 to index
        %get3A_902 = arith.constant 48 : index
        %get3A_903 = tpu.vector_load %arg5[%get3A_901, %get3A_902] {strides = array<i32>} : memref<8x1024xf32, #tpu.memory_space<vmem>>, vector<1x16xf32>,
        %get3A_904 = vector.shape_cast %get3A_903 : vector<1x16xf32> to vector<16xf32>
        %get3A_905 = arith.index_cast %scan3A_183 : i32 to index
        %get3A_906 = arith.constant 32 : index
        %get3A_907 = tpu.vector_load %arg5[%get3A_905, %get3A_906] {strides = array<i32>} : memref<8x1024xf32, #tpu.memory_space<vmem>>, vector<1x16xf32>,
        %get3A_908 = vector.shape_cast %get3A_907 : vector<1x16xf32> to vector<16xf32>
        %get3A_909 = arith.index_cast %scan3A_183 : i32 to index
        %get3A_910 = arith.constant 16 : index
        %get3A_911 = tpu.vector_load %arg5[%get3A_909, %get3A_910] {strides = array<i32>} : memref<8x1024xf32, #tpu.memory_space<vmem>>, vector<1x16xf32>,
        %get3A_912 = vector.shape_cast %get3A_911 : vector<1x16xf32> to vector<16xf32>
        %get3A_913 = arith.index_cast %scan3A_183 : i32 to index
        %get3A_914 = arith.constant 0 : index
        %get3A_915 = tpu.vector_load %arg5[%get3A_913, %get3A_914] {strides = array<i32>} : memref<8x1024xf32, #tpu.memory_space<vmem>>, vector<1x16xf32>,
        %get3A_916 = vector.shape_cast %get3A_915 : vector<1x16xf32> to vector<16xf32>
        %rev3A_917 = arith.constant 15 : i32
        %rev3A_918 = vector.broadcast %rev3A_917 : i32 to vector<16xi32>
        %rev3A_919 = tpu.iota {dimensions = array<i32: 0>} : vector<16xi32>
        %rev3A_920 = arith.subi %rev3A_918, %rev3A_919 : vector<16xi32>
        %rev3A_921 = tpu.dynamic_gather %get3A_856[%rev3A_920] in [0] : vector<16xf32>, vector<16xi32> -> vector<16xf32>
        %rev3A_922 = arith.constant 15 : i32
        %rev3A_923 = vector.broadcast %rev3A_922 : i32 to vector<16xi32>
        %rev3A_924 = tpu.iota {dimensions = array<i32: 0>} : vector<16xi32>
        %rev3A_925 = arith.subi %rev3A_923, %rev3A_924 : vector<16xi32>
        %rev3A_926 = tpu.dynamic_gather %get3A_860[%rev3A_925] in [0] : vector<16xf32>, vector<16xi32> -> vector<16xf32>
        %rev3A_927 = arith.constant 15 : i32
        %rev3A_928 = vector.broadcast %rev3A_927 : i32 to vector<16xi32>
        %rev3A_929 = tpu.iota {dimensions = array<i32: 0>} : vector<16xi32>
        %rev3A_930 = arith.subi %rev3A_928, %rev3A_929 : vector<16xi32>
        %rev3A_931 = tpu.dynamic_gather %get3A_864[%rev3A_930] in [0] : vector<16xf32>, vector<16xi32> -> vector<16xf32>
        %rev3A_932 = arith.constant 15 : i32
        %rev3A_933 = vector.broadcast %rev3A_932 : i32 to vector<16xi32>
        %rev3A_934 = tpu.iota {dimensions = array<i32: 0>} : vector<16xi32>
        %rev3A_935 = arith.subi %rev3A_933, %rev3A_934 : vector<16xi32>
        %rev3A_936 = tpu.dynamic_gather %get3A_868[%rev3A_935] in [0] : vector<16xf32>, vector<16xi32> -> vector<16xf32>
        %rev3A_937 = arith.constant 15 : i32
        %rev3A_938 = vector.broadcast %rev3A_937 : i32 to vector<16xi32>
        %rev3A_939 = tpu.iota {dimensions = array<i32: 0>} : vector<16xi32>
        %rev3A_940 = arith.subi %rev3A_938, %rev3A_939 : vector<16xi32>
        %rev3A_941 = tpu.dynamic_gather %get3A_872[%rev3A_940] in [0] : vector<16xf32>, vector<16xi32> -> vector<16xf32>
        %rev3A_942 = arith.constant 15 : i32
        %rev3A_943 = vector.broadcast %rev3A_942 : i32 to vector<16xi32>
        %rev3A_944 = tpu.iota {dimensions = array<i32: 0>} : vector<16xi32>
        %rev3A_945 = arith.subi %rev3A_943, %rev3A_944 : vector<16xi32>
        %rev3A_946 = tpu.dynamic_gather %get3A_876[%rev3A_945] in [0] : vector<16xf32>, vector<16xi32> -> vector<16xf32>
        %rev3A_947 = arith.constant 15 : i32
        %rev3A_948 = vector.broadcast %rev3A_947 : i32 to vector<16xi32>
        %rev3A_949 = tpu.iota {dimensions = array<i32: 0>} : vector<16xi32>
        %rev3A_950 = arith.subi %rev3A_948, %rev3A_949 : vector<16xi32>
        %rev3A_951 = tpu.dynamic_gather %get3A_880[%rev3A_950] in [0] : vector<16xf32>, vector<16xi32> -> vector<16xf32>
        %rev3A_952 = arith.constant 15 : i32
        %rev3A_953 = vector.broadcast %rev3A_952 : i32 to vector<16xi32>
        %rev3A_954 = tpu.iota {dimensions = array<i32: 0>} : vector<16xi32>
        %rev3A_955 = arith.subi %rev3A_953, %rev3A_954 : vector<16xi32>
        %rev3A_956 = tpu.dynamic_gather %get3A_884[%rev3A_955] in [0] : vector<16xf32>, vector<16xi32> -> vector<16xf32>
        %rev3A_957 = arith.constant 15 : i32
        %rev3A_958 = vector.broadcast %rev3A_957 : i32 to vector<16xi32>
        %rev3A_959 = tpu.iota {dimensions = array<i32: 0>} : vector<16xi32>
        %rev3A_960 = arith.subi %rev3A_958, %rev3A_959 : vector<16xi32>
        %rev3A_961 = tpu.dynamic_gather %get3A_888[%rev3A_960] in [0] : vector<16xf32>, vector<16xi32> -> vector<16xf32>
        %rev3A_962 = arith.constant 15 : i32
        %rev3A_963 = vector.broadcast %rev3A_962 : i32 to vector<16xi32>
        %rev3A_964 = tpu.iota {dimensions = array<i32: 0>} : vector<16xi32>
        %rev3A_965 = arith.subi %rev3A_963, %rev3A_964 : vector<16xi32>
        %rev3A_966 = tpu.dynamic_gather %get3A_892[%rev3A_965] in [0] : vector<16xf32>, vector<16xi32> -> vector<16xf32>
        %rev3A_967 = arith.constant 15 : i32
        %rev3A_968 = vector.broadcast %rev3A_967 : i32 to vector<16xi32>
        %rev3A_969 = tpu.iota {dimensions = array<i32: 0>} : vector<16xi32>
        %rev3A_970 = arith.subi %rev3A_968, %rev3A_969 : vector<16xi32>
        %rev3A_971 = tpu.dynamic_gather %get3A_896[%rev3A_970] in [0] : vector<16xf32>, vector<16xi32> -> vector<16xf32>
        %rev3A_972 = arith.constant 15 : i32
        %rev3A_973 = vector.broadcast %rev3A_972 : i32 to vector<16xi32>
        %rev3A_974 = tpu.iota {dimensions = array<i32: 0>} : vector<16xi32>
        %rev3A_975 = arith.subi %rev3A_973, %rev3A_974 : vector<16xi32>
        %rev3A_976 = tpu.dynamic_gather %get3A_900[%rev3A_975] in [0] : vector<16xf32>, vector<16xi32> -> vector<16xf32>
        %rev3A_977 = arith.constant 15 : i32
        %rev3A_978 = vector.broadcast %rev3A_977 : i32 to vector<16xi32>
        %rev3A_979 = tpu.iota {dimensions = array<i32: 0>} : vector<16xi32>
        %rev3A_980 = arith.subi %rev3A_978, %rev3A_979 : vector<16xi32>
        %rev3A_981 = tpu.dynamic_gather %get3A_904[%rev3A_980] in [0] : vector<16xf32>, vector<16xi32> -> vector<16xf32>
        %rev3A_982 = arith.constant 15 : i32
        %rev3A_983 = vector.broadcast %rev3A_982 : i32 to vector<16xi32>
        %rev3A_984 = tpu.iota {dimensions = array<i32: 0>} : vector<16xi32>
        %rev3A_985 = arith.subi %rev3A_983, %rev3A_984 : vector<16xi32>
        %rev3A_986 = tpu.dynamic_gather %get3A_908[%rev3A_985] in [0] : vector<16xf32>, vector<16xi32> -> vector<16xf32>
        %rev3A_987 = arith.constant 15 : i32
        %rev3A_988 = vector.broadcast %rev3A_987 : i32 to vector<16xi32>
        %rev3A_989 = tpu.iota {dimensions = array<i32: 0>} : vector<16xi32>
        %rev3A_990 = arith.subi %rev3A_988, %rev3A_989 : vector<16xi32>
        %rev3A_991 = tpu.dynamic_gather %get3A_912[%rev3A_990] in [0] : vector<16xf32>, vector<16xi32> -> vector<16xf32>
        %rev3A_992 = arith.constant 15 : i32
        %rev3A_993 = vector.broadcast %rev3A_992 : i32 to vector<16xi32>
        %rev3A_994 = tpu.iota {dimensions = array<i32: 0>} : vector<16xi32>
        %rev3A_995 = arith.subi %rev3A_993, %rev3A_994 : vector<16xi32>
        %rev3A_996 = tpu.dynamic_gather %get3A_916[%rev3A_995] in [0] : vector<16xf32>, vector<16xi32> -> vector<16xf32>
        %swap3A_997 = arith.index_cast %scan3A_183 : i32 to index
        %swap3A_998 = arith.constant 768 : index
        %swap3A_999 = tpu.vector_load %arg9[%swap3A_997, %swap3A_998] {strides = array<i32>} : memref<8x1024xf32, #tpu.memory_space<vmem>>, vector<1x16xf32>,
        %swap3A_1000 = vector.shape_cast %swap3A_999 : vector<1x16xf32> to vector<16xf32>
        %swap3A_1001 = vector.shape_cast %rev3A_921 : vector<16xf32> to vector<1x16xf32>
        tpu.vector_store %arg9[%swap3A_997, %swap3A_998], %swap3A_1001 {strides = array<i32>} : memref<8x1024xf32, #tpu.memory_space<vmem>>, vector<1x16xf32>,
        %swap3A_1002 = arith.index_cast %scan3A_183 : i32 to index
        %swap3A_1003 = arith.constant 784 : index
        %swap3A_1004 = tpu.vector_load %arg9[%swap3A_1002, %swap3A_1003] {strides = array<i32>} : memref<8x1024xf32, #tpu.memory_space<vmem>>, vector<1x16xf32>,
        %swap3A_1005 = vector.shape_cast %swap3A_1004 : vector<1x16xf32> to vector<16xf32>
        %swap3A_1006 = vector.shape_cast %rev3A_926 : vector<16xf32> to vector<1x16xf32>
        tpu.vector_store %arg9[%swap3A_1002, %swap3A_1003], %swap3A_1006 {strides = array<i32>} : memref<8x1024xf32, #tpu.memory_space<vmem>>, vector<1x16xf32>,
        %swap3A_1007 = arith.index_cast %scan3A_183 : i32 to index
        %swap3A_1008 = arith.constant 800 : index
        %swap3A_1009 = tpu.vector_load %arg9[%swap3A_1007, %swap3A_1008] {strides = array<i32>} : memref<8x1024xf32, #tpu.memory_space<vmem>>, vector<1x16xf32>,
        %swap3A_1010 = vector.shape_cast %swap3A_1009 : vector<1x16xf32> to vector<16xf32>
        %swap3A_1011 = vector.shape_cast %rev3A_931 : vector<16xf32> to vector<1x16xf32>
        tpu.vector_store %arg9[%swap3A_1007, %swap3A_1008], %swap3A_1011 {strides = array<i32>} : memref<8x1024xf32, #tpu.memory_space<vmem>>, vector<1x16xf32>,
        %swap3A_1012 = arith.index_cast %scan3A_183 : i32 to index
        %swap3A_1013 = arith.constant 816 : index
        %swap3A_1014 = tpu.vector_load %arg9[%swap3A_1012, %swap3A_1013] {strides = array<i32>} : memref<8x1024xf32, #tpu.memory_space<vmem>>, vector<1x16xf32>,
        %swap3A_1015 = vector.shape_cast %swap3A_1014 : vector<1x16xf32> to vector<16xf32>
        %swap3A_1016 = vector.shape_cast %rev3A_936 : vector<16xf32> to vector<1x16xf32>
        tpu.vector_store %arg9[%swap3A_1012, %swap3A_1013], %swap3A_1016 {strides = array<i32>} : memref<8x1024xf32, #tpu.memory_space<vmem>>, vector<1x16xf32>,
        %swap3A_1017 = arith.index_cast %scan3A_183 : i32 to index
        %swap3A_1018 = arith.constant 832 : index
        %swap3A_1019 = tpu.vector_load %arg9[%swap3A_1017, %swap3A_1018] {strides = array<i32>} : memref<8x1024xf32, #tpu.memory_space<vmem>>, vector<1x16xf32>,
        %swap3A_1020 = vector.shape_cast %swap3A_1019 : vector<1x16xf32> to vector<16xf32>
        %swap3A_1021 = vector.shape_cast %rev3A_941 : vector<16xf32> to vector<1x16xf32>
        tpu.vector_store %arg9[%swap3A_1017, %swap3A_1018], %swap3A_1021 {strides = array<i32>} : memref<8x1024xf32, #tpu.memory_space<vmem>>, vector<1x16xf32>,
        %swap3A_1022 = arith.index_cast %scan3A_183 : i32 to index
        %swap3A_1023 = arith.constant 848 : index
        %swap3A_1024 = tpu.vector_load %arg9[%swap3A_1022, %swap3A_1023] {strides = array<i32>} : memref<8x1024xf32, #tpu.memory_space<vmem>>, vector<1x16xf32>,
        %swap3A_1025 = vector.shape_cast %swap3A_1024 : vector<1x16xf32> to vector<16xf32>
        %swap3A_1026 = vector.shape_cast %rev3A_946 : vector<16xf32> to vector<1x16xf32>
        tpu.vector_store %arg9[%swap3A_1022, %swap3A_1023], %swap3A_1026 {strides = array<i32>} : memref<8x1024xf32, #tpu.memory_space<vmem>>, vector<1x16xf32>,
        %swap3A_1027 = arith.index_cast %scan3A_183 : i32 to index
        %swap3A_1028 = arith.constant 864 : index
        %swap3A_1029 = tpu.vector_load %arg9[%swap3A_1027, %swap3A_1028] {strides = array<i32>} : memref<8x1024xf32, #tpu.memory_space<vmem>>, vector<1x16xf32>,
        %swap3A_1030 = vector.shape_cast %swap3A_1029 : vector<1x16xf32> to vector<16xf32>
        %swap3A_1031 = vector.shape_cast %rev3A_951 : vector<16xf32> to vector<1x16xf32>
        tpu.vector_store %arg9[%swap3A_1027, %swap3A_1028], %swap3A_1031 {strides = array<i32>} : memref<8x1024xf32, #tpu.memory_space<vmem>>, vector<1x16xf32>,
        %swap3A_1032 = arith.index_cast %scan3A_183 : i32 to index
        %swap3A_1033 = arith.constant 880 : index
        %swap3A_1034 = tpu.vector_load %arg9[%swap3A_1032, %swap3A_1033] {strides = array<i32>} : memref<8x1024xf32, #tpu.memory_space<vmem>>, vector<1x16xf32>,
        %swap3A_1035 = vector.shape_cast %swap3A_1034 : vector<1x16xf32> to vector<16xf32>
        %swap3A_1036 = vector.shape_cast %rev3A_956 : vector<16xf32> to vector<1x16xf32>
        tpu.vector_store %arg9[%swap3A_1032, %swap3A_1033], %swap3A_1036 {strides = array<i32>} : memref<8x1024xf32, #tpu.memory_space<vmem>>, vector<1x16xf32>,
        %swap3A_1037 = arith.index_cast %scan3A_183 : i32 to index
        %swap3A_1038 = arith.constant 896 : index
        %swap3A_1039 = tpu.vector_load %arg9[%swap3A_1037, %swap3A_1038] {strides = array<i32>} : memref<8x1024xf32, #tpu.memory_space<vmem>>, vector<1x16xf32>,
        %swap3A_1040 = vector.shape_cast %swap3A_1039 : vector<1x16xf32> to vector<16xf32>
        %swap3A_1041 = vector.shape_cast %rev3A_961 : vector<16xf32> to vector<1x16xf32>
        tpu.vector_store %arg9[%swap3A_1037, %swap3A_1038], %swap3A_1041 {strides = array<i32>} : memref<8x1024xf32, #tpu.memory_space<vmem>>, vector<1x16xf32>,
        %swap3A_1042 = arith.index_cast %scan3A_183 : i32 to index
        %swap3A_1043 = arith.constant 912 : index
        %swap3A_1044 = tpu.vector_load %arg9[%swap3A_1042, %swap3A_1043] {strides = array<i32>} : memref<8x1024xf32, #tpu.memory_space<vmem>>, vector<1x16xf32>,
        %swap3A_1045 = vector.shape_cast %swap3A_1044 : vector<1x16xf32> to vector<16xf32>
        %swap3A_1046 = vector.shape_cast %rev3A_966 : vector<16xf32> to vector<1x16xf32>
        tpu.vector_store %arg9[%swap3A_1042, %swap3A_1043], %swap3A_1046 {strides = array<i32>} : memref<8x1024xf32, #tpu.memory_space<vmem>>, vector<1x16xf32>,
        %swap3A_1047 = arith.index_cast %scan3A_183 : i32 to index
        %swap3A_1048 = arith.constant 928 : index
        %swap3A_1049 = tpu.vector_load %arg9[%swap3A_1047, %swap3A_1048] {strides = array<i32>} : memref<8x1024xf32, #tpu.memory_space<vmem>>, vector<1x16xf32>,
        %swap3A_1050 = vector.shape_cast %swap3A_1049 : vector<1x16xf32> to vector<16xf32>
        %swap3A_1051 = vector.shape_cast %rev3A_971 : vector<16xf32> to vector<1x16xf32>
        tpu.vector_store %arg9[%swap3A_1047, %swap3A_1048], %swap3A_1051 {strides = array<i32>} : memref<8x1024xf32, #tpu.memory_space<vmem>>, vector<1x16xf32>,
        %swap3A_1052 = arith.index_cast %scan3A_183 : i32 to index
        %swap3A_1053 = arith.constant 944 : index
        %swap3A_1054 = tpu.vector_load %arg9[%swap3A_1052, %swap3A_1053] {strides = array<i32>} : memref<8x1024xf32, #tpu.memory_space<vmem>>, vector<1x16xf32>,
        %swap3A_1055 = vector.shape_cast %swap3A_1054 : vector<1x16xf32> to vector<16xf32>
        %swap3A_1056 = vector.shape_cast %rev3A_976 : vector<16xf32> to vector<1x16xf32>
        tpu.vector_store %arg9[%swap3A_1052, %swap3A_1053], %swap3A_1056 {strides = array<i32>} : memref<8x1024xf32, #tpu.memory_space<vmem>>, vector<1x16xf32>,
        %swap3A_1057 = arith.index_cast %scan3A_183 : i32 to index
        %swap3A_1058 = arith.constant 960 : index
        %swap3A_1059 = tpu.vector_load %arg9[%swap3A_1057, %swap3A_1058] {strides = array<i32>} : memref<8x1024xf32, #tpu.memory_space<vmem>>, vector<1x16xf32>,
        %swap3A_1060 = vector.shape_cast %swap3A_1059 : vector<1x16xf32> to vector<16xf32>
        %swap3A_1061 = vector.shape_cast %rev3A_981 : vector<16xf32> to vector<1x16xf32>
        tpu.vector_store %arg9[%swap3A_1057, %swap3A_1058], %swap3A_1061 {strides = array<i32>} : memref<8x1024xf32, #tpu.memory_space<vmem>>, vector<1x16xf32>,
        %swap3A_1062 = arith.index_cast %scan3A_183 : i32 to index
        %swap3A_1063 = arith.constant 976 : index
        %swap3A_1064 = tpu.vector_load %arg9[%swap3A_1062, %swap3A_1063] {strides = array<i32>} : memref<8x1024xf32, #tpu.memory_space<vmem>>, vector<1x16xf32>,
        %swap3A_1065 = vector.shape_cast %swap3A_1064 : vector<1x16xf32> to vector<16xf32>
        %swap3A_1066 = vector.shape_cast %rev3A_986 : vector<16xf32> to vector<1x16xf32>
        tpu.vector_store %arg9[%swap3A_1062, %swap3A_1063], %swap3A_1066 {strides = array<i32>} : memref<8x1024xf32, #tpu.memory_space<vmem>>, vector<1x16xf32>,
        %swap3A_1067 = arith.index_cast %scan3A_183 : i32 to index
        %swap3A_1068 = arith.constant 992 : index
        %swap3A_1069 = tpu.vector_load %arg9[%swap3A_1067, %swap3A_1068] {strides = array<i32>} : memref<8x1024xf32, #tpu.memory_space<vmem>>, vector<1x16xf32>,
        %swap3A_1070 = vector.shape_cast %swap3A_1069 : vector<1x16xf32> to vector<16xf32>
        %swap3A_1071 = vector.shape_cast %rev3A_991 : vector<16xf32> to vector<1x16xf32>
        tpu.vector_store %arg9[%swap3A_1067, %swap3A_1068], %swap3A_1071 {strides = array<i32>} : memref<8x1024xf32, #tpu.memory_space<vmem>>, vector<1x16xf32>,
        %swap3A_1072 = arith.index_cast %scan3A_183 : i32 to index
        %swap3A_1073 = arith.constant 1008 : index
        %swap3A_1074 = tpu.vector_load %arg9[%swap3A_1072, %swap3A_1073] {strides = array<i32>} : memref<8x1024xf32, #tpu.memory_space<vmem>>, vector<1x16xf32>,
        %swap3A_1075 = vector.shape_cast %swap3A_1074 : vector<1x16xf32> to vector<16xf32>
        %swap3A_1076 = vector.shape_cast %rev3A_996 : vector<16xf32> to vector<1x16xf32>
        tpu.vector_store %arg9[%swap3A_1072, %swap3A_1073], %swap3A_1076 {strides = array<i32>} : memref<8x1024xf32, #tpu.memory_space<vmem>>, vector<1x16xf32>,
      }
      %scan3A_105 = arith.constant 8 : i32
      %dma_start3A_106 = arith.constant 0 : i32
      %dma_start3A_107 = tpu.memref_slice %arg3[%add3A_90, %dma_start3A_106] : memref<16384x1024xf32, #tpu.memory_space<hbm>> -> memref<8x1024xf32, #tpu.memory_space<hbm>>
      %dma_start3A_108 = arith.constant 0 : i32
      %dma_start3A_109 = tpu.memref_slice %arg3[%add3A_90, %dma_start3A_108] : memref<16384x1024xf32, #tpu.memory_space<hbm>> -> memref<8x1024xf32, #tpu.memory_space<hbm>>
      tpu.enqueue_dma source(%arg9 : memref<8x1024xf32, #tpu.memory_space<vmem>>) target(%dma_start3A_109 : memref<8x1024xf32, #tpu.memory_space<hbm>>) target_semaphore(%arg17 : memref<!tpu.dma_semaphore, #tpu.memory_space<semaphore_mem>>)
      %add3A_110 = arith.constant 4 : i32
      %add3A_111 = arith.addi %add3A_87, %add3A_110 : i32
      %lt3A_112 = arith.constant 64 : i32
      %lt3A_113 = arith.cmpi slt, %add3A_111, %lt3A_112 : i32
      %convert_element_type3A_114 = arith.extui %lt3A_113 : i1 to i32
      %cond3A_115 = arith.constant 0 : i32
      %cond3A_116 = arith.cmpi ne, %convert_element_type3A_114, %cond3A_115 : i32
      scf.if %cond3A_116 {
        %add3A_183 = arith.constant 32 : i32
        %add3A_184 = arith.addi %add3A_90, %add3A_183 : i32
        %dma_start3A_185 = arith.constant 0 : i32
        %dma_start3A_186 = tpu.memref_slice %arg2[%add3A_184, %dma_start3A_185] : memref<16384x1024xf32, #tpu.memory_space<hbm>> -> memref<8x1024xf32, #tpu.memory_space<hbm>>
        %dma_start3A_187 = arith.constant 0 : i32
        %dma_start3A_188 = tpu.memref_slice %arg2[%add3A_184, %dma_start3A_187] : memref<16384x1024xf32, #tpu.memory_space<hbm>> -> memref<8x1024xf32, #tpu.memory_space<hbm>>
        tpu.enqueue_dma source(%dma_start3A_188 : memref<8x1024xf32, #tpu.memory_space<hbm>>) target(%arg5 : memref<8x1024xf32, #tpu.memory_space<vmem>>) target_semaphore(%arg13 : memref<!tpu.dma_semaphore, #tpu.memory_space<semaphore_mem>>)
      } else {
      }
      %mul3A_117 = arith.constant 4 : i32
      %mul3A_118 = arith.muli %mul3A_117, %scan3A_54 : i32
      %add3A_119 = arith.constant 2 : i32
      %add3A_120 = arith.addi %mul3A_118, %add3A_119 : i32
      %mul3A_121 = arith.constant 8 : i32
      %mul3A_122 = arith.muli %add3A_120, %mul3A_121 : i32
      %add3A_123 = arith.addi %mul3A_2, %mul3A_122 : i32
      %dma_wait3A_124 = arith.constant 0 : i32
      %dma_wait3A_125 = tpu.memref_slice %arg2[%add3A_123, %dma_wait3A_124] : memref<16384x1024xf32, #tpu.memory_space<hbm>> -> memref<8x1024xf32, #tpu.memory_space<hbm>>
      %dma_wait3A_126 = arith.constant 0 : i32
      %dma_wait3A_127 = tpu.memref_slice %arg2[%add3A_123, %dma_wait3A_126] : memref<16384x1024xf32, #tpu.memory_space<hbm>> -> memref<8x1024xf32, #tpu.memory_space<hbm>>
      tpu.wait_dma2 semaphore(%arg14 : memref<!tpu.dma_semaphore, #tpu.memory_space<semaphore_mem>>) src(%dma_wait3A_127 : memref<8x1024xf32, #tpu.memory_space<hbm>>) dst(%arg6 : memref<8x1024xf32, #tpu.memory_space<vmem>>)
      %ge3A_128 = arith.constant 4 : i32
      %ge3A_129 = arith.cmpi sge, %add3A_120, %ge3A_128 : i32
      %convert_element_type3A_130 = arith.extui %ge3A_129 : i1 to i32
      %cond3A_131 = arith.constant 0 : i32
      %cond3A_132 = arith.cmpi ne, %convert_element_type3A_130, %cond3A_131 : i32
      scf.if %cond3A_132 {
        %sub3A = arith.constant 32 : i32
        %sub3A_183 = arith.subi %add3A_123, %sub3A : i32
        %dma_wait3A_184 = arith.constant 0 : i32
        %dma_wait3A_185 = tpu.memref_slice %arg3[%sub3A_183, %dma_wait3A_184] : memref<16384x1024xf32, #tpu.memory_space<hbm>> -> memref<8x1024xf32, #tpu.memory_space<hbm>>
        %dma_wait3A_186 = arith.constant 0 : i32
        %dma_wait3A_187 = tpu.memref_slice %arg3[%sub3A_183, %dma_wait3A_186] : memref<16384x1024xf32, #tpu.memory_space<hbm>> -> memref<8x1024xf32, #tpu.memory_space<hbm>>
        tpu.wait_dma2 semaphore(%arg18 : memref<!tpu.dma_semaphore, #tpu.memory_space<semaphore_mem>>) src(%arg10 : memref<8x1024xf32, #tpu.memory_space<vmem>>) dst(%dma_wait3A_187 : memref<8x1024xf32, #tpu.memory_space<hbm>>)
      } else {
      }
      %scan3A_133 = arith.constant 0 : i32
      %scan3A_134 = arith.constant 0 : i32
      %scan3A_135 = arith.constant 8 : i32
      %scan3A_136 = arith.addi %scan3A_134, %scan3A_135 : i32
      %scan3A_137 = arith.constant 1 : i32
      scf.for %scan3A_183 = %scan3A_134 to %scan3A_136 step %scan3A_137  : i32 {
        %get3A = arith.index_cast %scan3A_183 : i32 to index
        %get3A_184 = arith.constant 1008 : index
        %get3A_185 = tpu.vector_load %arg6[%get3A, %get3A_184] {strides = array<i32>} : memref<8x1024xf32, #tpu.memory_space<vmem>>, vector<1x16xf32>,
        %get3A_186 = vector.shape_cast %get3A_185 : vector<1x16xf32> to vector<16xf32>
        %get3A_187 = arith.index_cast %scan3A_183 : i32 to index
        %get3A_188 = arith.constant 992 : index
        %get3A_189 = tpu.vector_load %arg6[%get3A_187, %get3A_188] {strides = array<i32>} : memref<8x1024xf32, #tpu.memory_space<vmem>>, vector<1x16xf32>,
        %get3A_190 = vector.shape_cast %get3A_189 : vector<1x16xf32> to vector<16xf32>
        %get3A_191 = arith.index_cast %scan3A_183 : i32 to index
        %get3A_192 = arith.constant 976 : index
        %get3A_193 = tpu.vector_load %arg6[%get3A_191, %get3A_192] {strides = array<i32>} : memref<8x1024xf32, #tpu.memory_space<vmem>>, vector<1x16xf32>,
        %get3A_194 = vector.shape_cast %get3A_193 : vector<1x16xf32> to vector<16xf32>
        %get3A_195 = arith.index_cast %scan3A_183 : i32 to index
        %get3A_196 = arith.constant 960 : index
        %get3A_197 = tpu.vector_load %arg6[%get3A_195, %get3A_196] {strides = array<i32>} : memref<8x1024xf32, #tpu.memory_space<vmem>>, vector<1x16xf32>,
        %get3A_198 = vector.shape_cast %get3A_197 : vector<1x16xf32> to vector<16xf32>
        %get3A_199 = arith.index_cast %scan3A_183 : i32 to index
        %get3A_200 = arith.constant 944 : index
        %get3A_201 = tpu.vector_load %arg6[%get3A_199, %get3A_200] {strides = array<i32>} : memref<8x1024xf32, #tpu.memory_space<vmem>>, vector<1x16xf32>,
        %get3A_202 = vector.shape_cast %get3A_201 : vector<1x16xf32> to vector<16xf32>
        %get3A_203 = arith.index_cast %scan3A_183 : i32 to index
        %get3A_204 = arith.constant 928 : index
        %get3A_205 = tpu.vector_load %arg6[%get3A_203, %get3A_204] {strides = array<i32>} : memref<8x1024xf32, #tpu.memory_space<vmem>>, vector<1x16xf32>,
        %get3A_206 = vector.shape_cast %get3A_205 : vector<1x16xf32> to vector<16xf32>
        %get3A_207 = arith.index_cast %scan3A_183 : i32 to index
        %get3A_208 = arith.constant 912 : index
        %get3A_209 = tpu.vector_load %arg6[%get3A_207, %get3A_208] {strides = array<i32>} : memref<8x1024xf32, #tpu.memory_space<vmem>>, vector<1x16xf32>,
        %get3A_210 = vector.shape_cast %get3A_209 : vector<1x16xf32> to vector<16xf32>
        %get3A_211 = arith.index_cast %scan3A_183 : i32 to index
        %get3A_212 = arith.constant 896 : index
        %get3A_213 = tpu.vector_load %arg6[%get3A_211, %get3A_212] {strides = array<i32>} : memref<8x1024xf32, #tpu.memory_space<vmem>>, vector<1x16xf32>,
        %get3A_214 = vector.shape_cast %get3A_213 : vector<1x16xf32> to vector<16xf32>
        %get3A_215 = arith.index_cast %scan3A_183 : i32 to index
        %get3A_216 = arith.constant 880 : index
        %get3A_217 = tpu.vector_load %arg6[%get3A_215, %get3A_216] {strides = array<i32>} : memref<8x1024xf32, #tpu.memory_space<vmem>>, vector<1x16xf32>,
        %get3A_218 = vector.shape_cast %get3A_217 : vector<1x16xf32> to vector<16xf32>
        %get3A_219 = arith.index_cast %scan3A_183 : i32 to index
        %get3A_220 = arith.constant 864 : index
        %get3A_221 = tpu.vector_load %arg6[%get3A_219, %get3A_220] {strides = array<i32>} : memref<8x1024xf32, #tpu.memory_space<vmem>>, vector<1x16xf32>,
        %get3A_222 = vector.shape_cast %get3A_221 : vector<1x16xf32> to vector<16xf32>
        %get3A_223 = arith.index_cast %scan3A_183 : i32 to index
        %get3A_224 = arith.constant 848 : index
        %get3A_225 = tpu.vector_load %arg6[%get3A_223, %get3A_224] {strides = array<i32>} : memref<8x1024xf32, #tpu.memory_space<vmem>>, vector<1x16xf32>,
        %get3A_226 = vector.shape_cast %get3A_225 : vector<1x16xf32> to vector<16xf32>
        %get3A_227 = arith.index_cast %scan3A_183 : i32 to index
        %get3A_228 = arith.constant 832 : index
        %get3A_229 = tpu.vector_load %arg6[%get3A_227, %get3A_228] {strides = array<i32>} : memref<8x1024xf32, #tpu.memory_space<vmem>>, vector<1x16xf32>,
        %get3A_230 = vector.shape_cast %get3A_229 : vector<1x16xf32> to vector<16xf32>
        %get3A_231 = arith.index_cast %scan3A_183 : i32 to index
        %get3A_232 = arith.constant 816 : index
        %get3A_233 = tpu.vector_load %arg6[%get3A_231, %get3A_232] {strides = array<i32>} : memref<8x1024xf32, #tpu.memory_space<vmem>>, vector<1x16xf32>,
        %get3A_234 = vector.shape_cast %get3A_233 : vector<1x16xf32> to vector<16xf32>
        %get3A_235 = arith.index_cast %scan3A_183 : i32 to index
        %get3A_236 = arith.constant 800 : index
        %get3A_237 = tpu.vector_load %arg6[%get3A_235, %get3A_236] {strides = array<i32>} : memref<8x1024xf32, #tpu.memory_space<vmem>>, vector<1x16xf32>,
        %get3A_238 = vector.shape_cast %get3A_237 : vector<1x16xf32> to vector<16xf32>
        %get3A_239 = arith.index_cast %scan3A_183 : i32 to index
        %get3A_240 = arith.constant 784 : index
        %get3A_241 = tpu.vector_load %arg6[%get3A_239, %get3A_240] {strides = array<i32>} : memref<8x1024xf32, #tpu.memory_space<vmem>>, vector<1x16xf32>,
        %get3A_242 = vector.shape_cast %get3A_241 : vector<1x16xf32> to vector<16xf32>
        %get3A_243 = arith.index_cast %scan3A_183 : i32 to index
        %get3A_244 = arith.constant 768 : index
        %get3A_245 = tpu.vector_load %arg6[%get3A_243, %get3A_244] {strides = array<i32>} : memref<8x1024xf32, #tpu.memory_space<vmem>>, vector<1x16xf32>,
        %get3A_246 = vector.shape_cast %get3A_245 : vector<1x16xf32> to vector<16xf32>
        %rev3A = arith.constant 15 : i32
        %rev3A_247 = vector.broadcast %rev3A : i32 to vector<16xi32>
        %rev3A_248 = tpu.iota {dimensions = array<i32: 0>} : vector<16xi32>
        %rev3A_249 = arith.subi %rev3A_247, %rev3A_248 : vector<16xi32>
        %rev3A_250 = tpu.dynamic_gather %get3A_186[%rev3A_249] in [0] : vector<16xf32>, vector<16xi32> -> vector<16xf32>
        %rev3A_251 = arith.constant 15 : i32
        %rev3A_252 = vector.broadcast %rev3A_251 : i32 to vector<16xi32>
        %rev3A_253 = tpu.iota {dimensions = array<i32: 0>} : vector<16xi32>
        %rev3A_254 = arith.subi %rev3A_252, %rev3A_253 : vector<16xi32>
        %rev3A_255 = tpu.dynamic_gather %get3A_190[%rev3A_254] in [0] : vector<16xf32>, vector<16xi32> -> vector<16xf32>
        %rev3A_256 = arith.constant 15 : i32
        %rev3A_257 = vector.broadcast %rev3A_256 : i32 to vector<16xi32>
        %rev3A_258 = tpu.iota {dimensions = array<i32: 0>} : vector<16xi32>
        %rev3A_259 = arith.subi %rev3A_257, %rev3A_258 : vector<16xi32>
        %rev3A_260 = tpu.dynamic_gather %get3A_194[%rev3A_259] in [0] : vector<16xf32>, vector<16xi32> -> vector<16xf32>
        %rev3A_261 = arith.constant 15 : i32
        %rev3A_262 = vector.broadcast %rev3A_261 : i32 to vector<16xi32>
        %rev3A_263 = tpu.iota {dimensions = array<i32: 0>} : vector<16xi32>
        %rev3A_264 = arith.subi %rev3A_262, %rev3A_263 : vector<16xi32>
        %rev3A_265 = tpu.dynamic_gather %get3A_198[%rev3A_264] in [0] : vector<16xf32>, vector<16xi32> -> vector<16xf32>
        %rev3A_266 = arith.constant 15 : i32
        %rev3A_267 = vector.broadcast %rev3A_266 : i32 to vector<16xi32>
        %rev3A_268 = tpu.iota {dimensions = array<i32: 0>} : vector<16xi32>
        %rev3A_269 = arith.subi %rev3A_267, %rev3A_268 : vector<16xi32>
        %rev3A_270 = tpu.dynamic_gather %get3A_202[%rev3A_269] in [0] : vector<16xf32>, vector<16xi32> -> vector<16xf32>
        %rev3A_271 = arith.constant 15 : i32
        %rev3A_272 = vector.broadcast %rev3A_271 : i32 to vector<16xi32>
        %rev3A_273 = tpu.iota {dimensions = array<i32: 0>} : vector<16xi32>
        %rev3A_274 = arith.subi %rev3A_272, %rev3A_273 : vector<16xi32>
        %rev3A_275 = tpu.dynamic_gather %get3A_206[%rev3A_274] in [0] : vector<16xf32>, vector<16xi32> -> vector<16xf32>
        %rev3A_276 = arith.constant 15 : i32
        %rev3A_277 = vector.broadcast %rev3A_276 : i32 to vector<16xi32>
        %rev3A_278 = tpu.iota {dimensions = array<i32: 0>} : vector<16xi32>
        %rev3A_279 = arith.subi %rev3A_277, %rev3A_278 : vector<16xi32>
        %rev3A_280 = tpu.dynamic_gather %get3A_210[%rev3A_279] in [0] : vector<16xf32>, vector<16xi32> -> vector<16xf32>
        %rev3A_281 = arith.constant 15 : i32
        %rev3A_282 = vector.broadcast %rev3A_281 : i32 to vector<16xi32>
        %rev3A_283 = tpu.iota {dimensions = array<i32: 0>} : vector<16xi32>
        %rev3A_284 = arith.subi %rev3A_282, %rev3A_283 : vector<16xi32>
        %rev3A_285 = tpu.dynamic_gather %get3A_214[%rev3A_284] in [0] : vector<16xf32>, vector<16xi32> -> vector<16xf32>
        %rev3A_286 = arith.constant 15 : i32
        %rev3A_287 = vector.broadcast %rev3A_286 : i32 to vector<16xi32>
        %rev3A_288 = tpu.iota {dimensions = array<i32: 0>} : vector<16xi32>
        %rev3A_289 = arith.subi %rev3A_287, %rev3A_288 : vector<16xi32>
        %rev3A_290 = tpu.dynamic_gather %get3A_218[%rev3A_289] in [0] : vector<16xf32>, vector<16xi32> -> vector<16xf32>
        %rev3A_291 = arith.constant 15 : i32
        %rev3A_292 = vector.broadcast %rev3A_291 : i32 to vector<16xi32>
        %rev3A_293 = tpu.iota {dimensions = array<i32: 0>} : vector<16xi32>
        %rev3A_294 = arith.subi %rev3A_292, %rev3A_293 : vector<16xi32>
        %rev3A_295 = tpu.dynamic_gather %get3A_222[%rev3A_294] in [0] : vector<16xf32>, vector<16xi32> -> vector<16xf32>
        %rev3A_296 = arith.constant 15 : i32
        %rev3A_297 = vector.broadcast %rev3A_296 : i32 to vector<16xi32>
        %rev3A_298 = tpu.iota {dimensions = array<i32: 0>} : vector<16xi32>
        %rev3A_299 = arith.subi %rev3A_297, %rev3A_298 : vector<16xi32>
        %rev3A_300 = tpu.dynamic_gather %get3A_226[%rev3A_299] in [0] : vector<16xf32>, vector<16xi32> -> vector<16xf32>
        %rev3A_301 = arith.constant 15 : i32
        %rev3A_302 = vector.broadcast %rev3A_301 : i32 to vector<16xi32>
        %rev3A_303 = tpu.iota {dimensions = array<i32: 0>} : vector<16xi32>
        %rev3A_304 = arith.subi %rev3A_302, %rev3A_303 : vector<16xi32>
        %rev3A_305 = tpu.dynamic_gather %get3A_230[%rev3A_304] in [0] : vector<16xf32>, vector<16xi32> -> vector<16xf32>
        %rev3A_306 = arith.constant 15 : i32
        %rev3A_307 = vector.broadcast %rev3A_306 : i32 to vector<16xi32>
        %rev3A_308 = tpu.iota {dimensions = array<i32: 0>} : vector<16xi32>
        %rev3A_309 = arith.subi %rev3A_307, %rev3A_308 : vector<16xi32>
        %rev3A_310 = tpu.dynamic_gather %get3A_234[%rev3A_309] in [0] : vector<16xf32>, vector<16xi32> -> vector<16xf32>
        %rev3A_311 = arith.constant 15 : i32
        %rev3A_312 = vector.broadcast %rev3A_311 : i32 to vector<16xi32>
        %rev3A_313 = tpu.iota {dimensions = array<i32: 0>} : vector<16xi32>
        %rev3A_314 = arith.subi %rev3A_312, %rev3A_313 : vector<16xi32>
        %rev3A_315 = tpu.dynamic_gather %get3A_238[%rev3A_314] in [0] : vector<16xf32>, vector<16xi32> -> vector<16xf32>
        %rev3A_316 = arith.constant 15 : i32
        %rev3A_317 = vector.broadcast %rev3A_316 : i32 to vector<16xi32>
        %rev3A_318 = tpu.iota {dimensions = array<i32: 0>} : vector<16xi32>
        %rev3A_319 = arith.subi %rev3A_317, %rev3A_318 : vector<16xi32>
        %rev3A_320 = tpu.dynamic_gather %get3A_242[%rev3A_319] in [0] : vector<16xf32>, vector<16xi32> -> vector<16xf32>
        %rev3A_321 = arith.constant 15 : i32
        %rev3A_322 = vector.broadcast %rev3A_321 : i32 to vector<16xi32>
        %rev3A_323 = tpu.iota {dimensions = array<i32: 0>} : vector<16xi32>
        %rev3A_324 = arith.subi %rev3A_322, %rev3A_323 : vector<16xi32>
        %rev3A_325 = tpu.dynamic_gather %get3A_246[%rev3A_324] in [0] : vector<16xf32>, vector<16xi32> -> vector<16xf32>
        %swap3A = arith.index_cast %scan3A_183 : i32 to index
        %swap3A_326 = arith.constant 0 : index
        %swap3A_327 = tpu.vector_load %arg10[%swap3A, %swap3A_326] {strides = array<i32>} : memref<8x1024xf32, #tpu.memory_space<vmem>>, vector<1x16xf32>,
        %swap3A_328 = vector.shape_cast %swap3A_327 : vector<1x16xf32> to vector<16xf32>
        %swap3A_329 = vector.shape_cast %rev3A_250 : vector<16xf32> to vector<1x16xf32>
        tpu.vector_store %arg10[%swap3A, %swap3A_326], %swap3A_329 {strides = array<i32>} : memref<8x1024xf32, #tpu.memory_space<vmem>>, vector<1x16xf32>,
        %swap3A_330 = arith.index_cast %scan3A_183 : i32 to index
        %swap3A_331 = arith.constant 16 : index
        %swap3A_332 = tpu.vector_load %arg10[%swap3A_330, %swap3A_331] {strides = array<i32>} : memref<8x1024xf32, #tpu.memory_space<vmem>>, vector<1x16xf32>,
        %swap3A_333 = vector.shape_cast %swap3A_332 : vector<1x16xf32> to vector<16xf32>
        %swap3A_334 = vector.shape_cast %rev3A_255 : vector<16xf32> to vector<1x16xf32>
        tpu.vector_store %arg10[%swap3A_330, %swap3A_331], %swap3A_334 {strides = array<i32>} : memref<8x1024xf32, #tpu.memory_space<vmem>>, vector<1x16xf32>,
        %swap3A_335 = arith.index_cast %scan3A_183 : i32 to index
        %swap3A_336 = arith.constant 32 : index
        %swap3A_337 = tpu.vector_load %arg10[%swap3A_335, %swap3A_336] {strides = array<i32>} : memref<8x1024xf32, #tpu.memory_space<vmem>>, vector<1x16xf32>,
        %swap3A_338 = vector.shape_cast %swap3A_337 : vector<1x16xf32> to vector<16xf32>
        %swap3A_339 = vector.shape_cast %rev3A_260 : vector<16xf32> to vector<1x16xf32>
        tpu.vector_store %arg10[%swap3A_335, %swap3A_336], %swap3A_339 {strides = array<i32>} : memref<8x1024xf32, #tpu.memory_space<vmem>>, vector<1x16xf32>,
        %swap3A_340 = arith.index_cast %scan3A_183 : i32 to index
        %swap3A_341 = arith.constant 48 : index
        %swap3A_342 = tpu.vector_load %arg10[%swap3A_340, %swap3A_341] {strides = array<i32>} : memref<8x1024xf32, #tpu.memory_space<vmem>>, vector<1x16xf32>,
        %swap3A_343 = vector.shape_cast %swap3A_342 : vector<1x16xf32> to vector<16xf32>
        %swap3A_344 = vector.shape_cast %rev3A_265 : vector<16xf32> to vector<1x16xf32>
        tpu.vector_store %arg10[%swap3A_340, %swap3A_341], %swap3A_344 {strides = array<i32>} : memref<8x1024xf32, #tpu.memory_space<vmem>>, vector<1x16xf32>,
        %swap3A_345 = arith.index_cast %scan3A_183 : i32 to index
        %swap3A_346 = arith.constant 64 : index
        %swap3A_347 = tpu.vector_load %arg10[%swap3A_345, %swap3A_346] {strides = array<i32>} : memref<8x1024xf32, #tpu.memory_space<vmem>>, vector<1x16xf32>,
        %swap3A_348 = vector.shape_cast %swap3A_347 : vector<1x16xf32> to vector<16xf32>
        %swap3A_349 = vector.shape_cast %rev3A_270 : vector<16xf32> to vector<1x16xf32>
        tpu.vector_store %arg10[%swap3A_345, %swap3A_346], %swap3A_349 {strides = array<i32>} : memref<8x1024xf32, #tpu.memory_space<vmem>>, vector<1x16xf32>,
        %swap3A_350 = arith.index_cast %scan3A_183 : i32 to index
        %swap3A_351 = arith.constant 80 : index
        %swap3A_352 = tpu.vector_load %arg10[%swap3A_350, %swap3A_351] {strides = array<i32>} : memref<8x1024xf32, #tpu.memory_space<vmem>>, vector<1x16xf32>,
        %swap3A_353 = vector.shape_cast %swap3A_352 : vector<1x16xf32> to vector<16xf32>
        %swap3A_354 = vector.shape_cast %rev3A_275 : vector<16xf32> to vector<1x16xf32>
        tpu.vector_store %arg10[%swap3A_350, %swap3A_351], %swap3A_354 {strides = array<i32>} : memref<8x1024xf32, #tpu.memory_space<vmem>>, vector<1x16xf32>,
        %swap3A_355 = arith.index_cast %scan3A_183 : i32 to index
        %swap3A_356 = arith.constant 96 : index
        %swap3A_357 = tpu.vector_load %arg10[%swap3A_355, %swap3A_356] {strides = array<i32>} : memref<8x1024xf32, #tpu.memory_space<vmem>>, vector<1x16xf32>,
        %swap3A_358 = vector.shape_cast %swap3A_357 : vector<1x16xf32> to vector<16xf32>
        %swap3A_359 = vector.shape_cast %rev3A_280 : vector<16xf32> to vector<1x16xf32>
        tpu.vector_store %arg10[%swap3A_355, %swap3A_356], %swap3A_359 {strides = array<i32>} : memref<8x1024xf32, #tpu.memory_space<vmem>>, vector<1x16xf32>,
        %swap3A_360 = arith.index_cast %scan3A_183 : i32 to index
        %swap3A_361 = arith.constant 112 : index
        %swap3A_362 = tpu.vector_load %arg10[%swap3A_360, %swap3A_361] {strides = array<i32>} : memref<8x1024xf32, #tpu.memory_space<vmem>>, vector<1x16xf32>,
        %swap3A_363 = vector.shape_cast %swap3A_362 : vector<1x16xf32> to vector<16xf32>
        %swap3A_364 = vector.shape_cast %rev3A_285 : vector<16xf32> to vector<1x16xf32>
        tpu.vector_store %arg10[%swap3A_360, %swap3A_361], %swap3A_364 {strides = array<i32>} : memref<8x1024xf32, #tpu.memory_space<vmem>>, vector<1x16xf32>,
        %swap3A_365 = arith.index_cast %scan3A_183 : i32 to index
        %swap3A_366 = arith.constant 128 : index
        %swap3A_367 = tpu.vector_load %arg10[%swap3A_365, %swap3A_366] {strides = array<i32>} : memref<8x1024xf32, #tpu.memory_space<vmem>>, vector<1x16xf32>,
        %swap3A_368 = vector.shape_cast %swap3A_367 : vector<1x16xf32> to vector<16xf32>
        %swap3A_369 = vector.shape_cast %rev3A_290 : vector<16xf32> to vector<1x16xf32>
        tpu.vector_store %arg10[%swap3A_365, %swap3A_366], %swap3A_369 {strides = array<i32>} : memref<8x1024xf32, #tpu.memory_space<vmem>>, vector<1x16xf32>,
        %swap3A_370 = arith.index_cast %scan3A_183 : i32 to index
        %swap3A_371 = arith.constant 144 : index
        %swap3A_372 = tpu.vector_load %arg10[%swap3A_370, %swap3A_371] {strides = array<i32>} : memref<8x1024xf32, #tpu.memory_space<vmem>>, vector<1x16xf32>,
        %swap3A_373 = vector.shape_cast %swap3A_372 : vector<1x16xf32> to vector<16xf32>
        %swap3A_374 = vector.shape_cast %rev3A_295 : vector<16xf32> to vector<1x16xf32>
        tpu.vector_store %arg10[%swap3A_370, %swap3A_371], %swap3A_374 {strides = array<i32>} : memref<8x1024xf32, #tpu.memory_space<vmem>>, vector<1x16xf32>,
        %swap3A_375 = arith.index_cast %scan3A_183 : i32 to index
        %swap3A_376 = arith.constant 160 : index
        %swap3A_377 = tpu.vector_load %arg10[%swap3A_375, %swap3A_376] {strides = array<i32>} : memref<8x1024xf32, #tpu.memory_space<vmem>>, vector<1x16xf32>,
        %swap3A_378 = vector.shape_cast %swap3A_377 : vector<1x16xf32> to vector<16xf32>
        %swap3A_379 = vector.shape_cast %rev3A_300 : vector<16xf32> to vector<1x16xf32>
        tpu.vector_store %arg10[%swap3A_375, %swap3A_376], %swap3A_379 {strides = array<i32>} : memref<8x1024xf32, #tpu.memory_space<vmem>>, vector<1x16xf32>,
        %swap3A_380 = arith.index_cast %scan3A_183 : i32 to index
        %swap3A_381 = arith.constant 176 : index
        %swap3A_382 = tpu.vector_load %arg10[%swap3A_380, %swap3A_381] {strides = array<i32>} : memref<8x1024xf32, #tpu.memory_space<vmem>>, vector<1x16xf32>,
        %swap3A_383 = vector.shape_cast %swap3A_382 : vector<1x16xf32> to vector<16xf32>
        %swap3A_384 = vector.shape_cast %rev3A_305 : vector<16xf32> to vector<1x16xf32>
        tpu.vector_store %arg10[%swap3A_380, %swap3A_381], %swap3A_384 {strides = array<i32>} : memref<8x1024xf32, #tpu.memory_space<vmem>>, vector<1x16xf32>,
        %swap3A_385 = arith.index_cast %scan3A_183 : i32 to index
        %swap3A_386 = arith.constant 192 : index
        %swap3A_387 = tpu.vector_load %arg10[%swap3A_385, %swap3A_386] {strides = array<i32>} : memref<8x1024xf32, #tpu.memory_space<vmem>>, vector<1x16xf32>,
        %swap3A_388 = vector.shape_cast %swap3A_387 : vector<1x16xf32> to vector<16xf32>
        %swap3A_389 = vector.shape_cast %rev3A_310 : vector<16xf32> to vector<1x16xf32>
        tpu.vector_store %arg10[%swap3A_385, %swap3A_386], %swap3A_389 {strides = array<i32>} : memref<8x1024xf32, #tpu.memory_space<vmem>>, vector<1x16xf32>,
        %swap3A_390 = arith.index_cast %scan3A_183 : i32 to index
        %swap3A_391 = arith.constant 208 : index
        %swap3A_392 = tpu.vector_load %arg10[%swap3A_390, %swap3A_391] {strides = array<i32>} : memref<8x1024xf32, #tpu.memory_space<vmem>>, vector<1x16xf32>,
        %swap3A_393 = vector.shape_cast %swap3A_392 : vector<1x16xf32> to vector<16xf32>
        %swap3A_394 = vector.shape_cast %rev3A_315 : vector<16xf32> to vector<1x16xf32>
        tpu.vector_store %arg10[%swap3A_390, %swap3A_391], %swap3A_394 {strides = array<i32>} : memref<8x1024xf32, #tpu.memory_space<vmem>>, vector<1x16xf32>,
        %swap3A_395 = arith.index_cast %scan3A_183 : i32 to index
        %swap3A_396 = arith.constant 224 : index
        %swap3A_397 = tpu.vector_load %arg10[%swap3A_395, %swap3A_396] {strides = array<i32>} : memref<8x1024xf32, #tpu.memory_space<vmem>>, vector<1x16xf32>,
        %swap3A_398 = vector.shape_cast %swap3A_397 : vector<1x16xf32> to vector<16xf32>
        %swap3A_399 = vector.shape_cast %rev3A_320 : vector<16xf32> to vector<1x16xf32>
        tpu.vector_store %arg10[%swap3A_395, %swap3A_396], %swap3A_399 {strides = array<i32>} : memref<8x1024xf32, #tpu.memory_space<vmem>>, vector<1x16xf32>,
        %swap3A_400 = arith.index_cast %scan3A_183 : i32 to index
        %swap3A_401 = arith.constant 240 : index
        %swap3A_402 = tpu.vector_load %arg10[%swap3A_400, %swap3A_401] {strides = array<i32>} : memref<8x1024xf32, #tpu.memory_space<vmem>>, vector<1x16xf32>,
        %swap3A_403 = vector.shape_cast %swap3A_402 : vector<1x16xf32> to vector<16xf32>
        %swap3A_404 = vector.shape_cast %rev3A_325 : vector<16xf32> to vector<1x16xf32>
        tpu.vector_store %arg10[%swap3A_400, %swap3A_401], %swap3A_404 {strides = array<i32>} : memref<8x1024xf32, #tpu.memory_space<vmem>>, vector<1x16xf32>,
        %get3A_405 = arith.index_cast %scan3A_183 : i32 to index
        %get3A_406 = arith.constant 752 : index
        %get3A_407 = tpu.vector_load %arg6[%get3A_405, %get3A_406] {strides = array<i32>} : memref<8x1024xf32, #tpu.memory_space<vmem>>, vector<1x16xf32>,
        %get3A_408 = vector.shape_cast %get3A_407 : vector<1x16xf32> to vector<16xf32>
        %get3A_409 = arith.index_cast %scan3A_183 : i32 to index
        %get3A_410 = arith.constant 736 : index
        %get3A_411 = tpu.vector_load %arg6[%get3A_409, %get3A_410] {strides = array<i32>} : memref<8x1024xf32, #tpu.memory_space<vmem>>, vector<1x16xf32>,
        %get3A_412 = vector.shape_cast %get3A_411 : vector<1x16xf32> to vector<16xf32>
        %get3A_413 = arith.index_cast %scan3A_183 : i32 to index
        %get3A_414 = arith.constant 720 : index
        %get3A_415 = tpu.vector_load %arg6[%get3A_413, %get3A_414] {strides = array<i32>} : memref<8x1024xf32, #tpu.memory_space<vmem>>, vector<1x16xf32>,
        %get3A_416 = vector.shape_cast %get3A_415 : vector<1x16xf32> to vector<16xf32>
        %get3A_417 = arith.index_cast %scan3A_183 : i32 to index
        %get3A_418 = arith.constant 704 : index
        %get3A_419 = tpu.vector_load %arg6[%get3A_417, %get3A_418] {strides = array<i32>} : memref<8x1024xf32, #tpu.memory_space<vmem>>, vector<1x16xf32>,
        %get3A_420 = vector.shape_cast %get3A_419 : vector<1x16xf32> to vector<16xf32>
        %get3A_421 = arith.index_cast %scan3A_183 : i32 to index
        %get3A_422 = arith.constant 688 : index
        %get3A_423 = tpu.vector_load %arg6[%get3A_421, %get3A_422] {strides = array<i32>} : memref<8x1024xf32, #tpu.memory_space<vmem>>, vector<1x16xf32>,
        %get3A_424 = vector.shape_cast %get3A_423 : vector<1x16xf32> to vector<16xf32>
        %get3A_425 = arith.index_cast %scan3A_183 : i32 to index
        %get3A_426 = arith.constant 672 : index
        %get3A_427 = tpu.vector_load %arg6[%get3A_425, %get3A_426] {strides = array<i32>} : memref<8x1024xf32, #tpu.memory_space<vmem>>, vector<1x16xf32>,
        %get3A_428 = vector.shape_cast %get3A_427 : vector<1x16xf32> to vector<16xf32>
        %get3A_429 = arith.index_cast %scan3A_183 : i32 to index
        %get3A_430 = arith.constant 656 : index
        %get3A_431 = tpu.vector_load %arg6[%get3A_429, %get3A_430] {strides = array<i32>} : memref<8x1024xf32, #tpu.memory_space<vmem>>, vector<1x16xf32>,
        %get3A_432 = vector.shape_cast %get3A_431 : vector<1x16xf32> to vector<16xf32>
        %get3A_433 = arith.index_cast %scan3A_183 : i32 to index
        %get3A_434 = arith.constant 640 : index
        %get3A_435 = tpu.vector_load %arg6[%get3A_433, %get3A_434] {strides = array<i32>} : memref<8x1024xf32, #tpu.memory_space<vmem>>, vector<1x16xf32>,
        %get3A_436 = vector.shape_cast %get3A_435 : vector<1x16xf32> to vector<16xf32>
        %get3A_437 = arith.index_cast %scan3A_183 : i32 to index
        %get3A_438 = arith.constant 624 : index
        %get3A_439 = tpu.vector_load %arg6[%get3A_437, %get3A_438] {strides = array<i32>} : memref<8x1024xf32, #tpu.memory_space<vmem>>, vector<1x16xf32>,
        %get3A_440 = vector.shape_cast %get3A_439 : vector<1x16xf32> to vector<16xf32>
        %get3A_441 = arith.index_cast %scan3A_183 : i32 to index
        %get3A_442 = arith.constant 608 : index
        %get3A_443 = tpu.vector_load %arg6[%get3A_441, %get3A_442] {strides = array<i32>} : memref<8x1024xf32, #tpu.memory_space<vmem>>, vector<1x16xf32>,
        %get3A_444 = vector.shape_cast %get3A_443 : vector<1x16xf32> to vector<16xf32>
        %get3A_445 = arith.index_cast %scan3A_183 : i32 to index
        %get3A_446 = arith.constant 592 : index
        %get3A_447 = tpu.vector_load %arg6[%get3A_445, %get3A_446] {strides = array<i32>} : memref<8x1024xf32, #tpu.memory_space<vmem>>, vector<1x16xf32>,
        %get3A_448 = vector.shape_cast %get3A_447 : vector<1x16xf32> to vector<16xf32>
        %get3A_449 = arith.index_cast %scan3A_183 : i32 to index
        %get3A_450 = arith.constant 576 : index
        %get3A_451 = tpu.vector_load %arg6[%get3A_449, %get3A_450] {strides = array<i32>} : memref<8x1024xf32, #tpu.memory_space<vmem>>, vector<1x16xf32>,
        %get3A_452 = vector.shape_cast %get3A_451 : vector<1x16xf32> to vector<16xf32>
        %get3A_453 = arith.index_cast %scan3A_183 : i32 to index
        %get3A_454 = arith.constant 560 : index
        %get3A_455 = tpu.vector_load %arg6[%get3A_453, %get3A_454] {strides = array<i32>} : memref<8x1024xf32, #tpu.memory_space<vmem>>, vector<1x16xf32>,
        %get3A_456 = vector.shape_cast %get3A_455 : vector<1x16xf32> to vector<16xf32>
        %get3A_457 = arith.index_cast %scan3A_183 : i32 to index
        %get3A_458 = arith.constant 544 : index
        %get3A_459 = tpu.vector_load %arg6[%get3A_457, %get3A_458] {strides = array<i32>} : memref<8x1024xf32, #tpu.memory_space<vmem>>, vector<1x16xf32>,
        %get3A_460 = vector.shape_cast %get3A_459 : vector<1x16xf32> to vector<16xf32>
        %get3A_461 = arith.index_cast %scan3A_183 : i32 to index
        %get3A_462 = arith.constant 528 : index
        %get3A_463 = tpu.vector_load %arg6[%get3A_461, %get3A_462] {strides = array<i32>} : memref<8x1024xf32, #tpu.memory_space<vmem>>, vector<1x16xf32>,
        %get3A_464 = vector.shape_cast %get3A_463 : vector<1x16xf32> to vector<16xf32>
        %get3A_465 = arith.index_cast %scan3A_183 : i32 to index
        %get3A_466 = arith.constant 512 : index
        %get3A_467 = tpu.vector_load %arg6[%get3A_465, %get3A_466] {strides = array<i32>} : memref<8x1024xf32, #tpu.memory_space<vmem>>, vector<1x16xf32>,
        %get3A_468 = vector.shape_cast %get3A_467 : vector<1x16xf32> to vector<16xf32>
        %rev3A_469 = arith.constant 15 : i32
        %rev3A_470 = vector.broadcast %rev3A_469 : i32 to vector<16xi32>
        %rev3A_471 = tpu.iota {dimensions = array<i32: 0>} : vector<16xi32>
        %rev3A_472 = arith.subi %rev3A_470, %rev3A_471 : vector<16xi32>
        %rev3A_473 = tpu.dynamic_gather %get3A_408[%rev3A_472] in [0] : vector<16xf32>, vector<16xi32> -> vector<16xf32>
        %rev3A_474 = arith.constant 15 : i32
        %rev3A_475 = vector.broadcast %rev3A_474 : i32 to vector<16xi32>
        %rev3A_476 = tpu.iota {dimensions = array<i32: 0>} : vector<16xi32>
        %rev3A_477 = arith.subi %rev3A_475, %rev3A_476 : vector<16xi32>
        %rev3A_478 = tpu.dynamic_gather %get3A_412[%rev3A_477] in [0] : vector<16xf32>, vector<16xi32> -> vector<16xf32>
        %rev3A_479 = arith.constant 15 : i32
        %rev3A_480 = vector.broadcast %rev3A_479 : i32 to vector<16xi32>
        %rev3A_481 = tpu.iota {dimensions = array<i32: 0>} : vector<16xi32>
        %rev3A_482 = arith.subi %rev3A_480, %rev3A_481 : vector<16xi32>
        %rev3A_483 = tpu.dynamic_gather %get3A_416[%rev3A_482] in [0] : vector<16xf32>, vector<16xi32> -> vector<16xf32>
        %rev3A_484 = arith.constant 15 : i32
        %rev3A_485 = vector.broadcast %rev3A_484 : i32 to vector<16xi32>
        %rev3A_486 = tpu.iota {dimensions = array<i32: 0>} : vector<16xi32>
        %rev3A_487 = arith.subi %rev3A_485, %rev3A_486 : vector<16xi32>
        %rev3A_488 = tpu.dynamic_gather %get3A_420[%rev3A_487] in [0] : vector<16xf32>, vector<16xi32> -> vector<16xf32>
        %rev3A_489 = arith.constant 15 : i32
        %rev3A_490 = vector.broadcast %rev3A_489 : i32 to vector<16xi32>
        %rev3A_491 = tpu.iota {dimensions = array<i32: 0>} : vector<16xi32>
        %rev3A_492 = arith.subi %rev3A_490, %rev3A_491 : vector<16xi32>
        %rev3A_493 = tpu.dynamic_gather %get3A_424[%rev3A_492] in [0] : vector<16xf32>, vector<16xi32> -> vector<16xf32>
        %rev3A_494 = arith.constant 15 : i32
        %rev3A_495 = vector.broadcast %rev3A_494 : i32 to vector<16xi32>
        %rev3A_496 = tpu.iota {dimensions = array<i32: 0>} : vector<16xi32>
        %rev3A_497 = arith.subi %rev3A_495, %rev3A_496 : vector<16xi32>
        %rev3A_498 = tpu.dynamic_gather %get3A_428[%rev3A_497] in [0] : vector<16xf32>, vector<16xi32> -> vector<16xf32>
        %rev3A_499 = arith.constant 15 : i32
        %rev3A_500 = vector.broadcast %rev3A_499 : i32 to vector<16xi32>
        %rev3A_501 = tpu.iota {dimensions = array<i32: 0>} : vector<16xi32>
        %rev3A_502 = arith.subi %rev3A_500, %rev3A_501 : vector<16xi32>
        %rev3A_503 = tpu.dynamic_gather %get3A_432[%rev3A_502] in [0] : vector<16xf32>, vector<16xi32> -> vector<16xf32>
        %rev3A_504 = arith.constant 15 : i32
        %rev3A_505 = vector.broadcast %rev3A_504 : i32 to vector<16xi32>
        %rev3A_506 = tpu.iota {dimensions = array<i32: 0>} : vector<16xi32>
        %rev3A_507 = arith.subi %rev3A_505, %rev3A_506 : vector<16xi32>
        %rev3A_508 = tpu.dynamic_gather %get3A_436[%rev3A_507] in [0] : vector<16xf32>, vector<16xi32> -> vector<16xf32>
        %rev3A_509 = arith.constant 15 : i32
        %rev3A_510 = vector.broadcast %rev3A_509 : i32 to vector<16xi32>
        %rev3A_511 = tpu.iota {dimensions = array<i32: 0>} : vector<16xi32>
        %rev3A_512 = arith.subi %rev3A_510, %rev3A_511 : vector<16xi32>
        %rev3A_513 = tpu.dynamic_gather %get3A_440[%rev3A_512] in [0] : vector<16xf32>, vector<16xi32> -> vector<16xf32>
        %rev3A_514 = arith.constant 15 : i32
        %rev3A_515 = vector.broadcast %rev3A_514 : i32 to vector<16xi32>
        %rev3A_516 = tpu.iota {dimensions = array<i32: 0>} : vector<16xi32>
        %rev3A_517 = arith.subi %rev3A_515, %rev3A_516 : vector<16xi32>
        %rev3A_518 = tpu.dynamic_gather %get3A_444[%rev3A_517] in [0] : vector<16xf32>, vector<16xi32> -> vector<16xf32>
        %rev3A_519 = arith.constant 15 : i32
        %rev3A_520 = vector.broadcast %rev3A_519 : i32 to vector<16xi32>
        %rev3A_521 = tpu.iota {dimensions = array<i32: 0>} : vector<16xi32>
        %rev3A_522 = arith.subi %rev3A_520, %rev3A_521 : vector<16xi32>
        %rev3A_523 = tpu.dynamic_gather %get3A_448[%rev3A_522] in [0] : vector<16xf32>, vector<16xi32> -> vector<16xf32>
        %rev3A_524 = arith.constant 15 : i32
        %rev3A_525 = vector.broadcast %rev3A_524 : i32 to vector<16xi32>
        %rev3A_526 = tpu.iota {dimensions = array<i32: 0>} : vector<16xi32>
        %rev3A_527 = arith.subi %rev3A_525, %rev3A_526 : vector<16xi32>
        %rev3A_528 = tpu.dynamic_gather %get3A_452[%rev3A_527] in [0] : vector<16xf32>, vector<16xi32> -> vector<16xf32>
        %rev3A_529 = arith.constant 15 : i32
        %rev3A_530 = vector.broadcast %rev3A_529 : i32 to vector<16xi32>
        %rev3A_531 = tpu.iota {dimensions = array<i32: 0>} : vector<16xi32>
        %rev3A_532 = arith.subi %rev3A_530, %rev3A_531 : vector<16xi32>
        %rev3A_533 = tpu.dynamic_gather %get3A_456[%rev3A_532] in [0] : vector<16xf32>, vector<16xi32> -> vector<16xf32>
        %rev3A_534 = arith.constant 15 : i32
        %rev3A_535 = vector.broadcast %rev3A_534 : i32 to vector<16xi32>
        %rev3A_536 = tpu.iota {dimensions = array<i32: 0>} : vector<16xi32>
        %rev3A_537 = arith.subi %rev3A_535, %rev3A_536 : vector<16xi32>
        %rev3A_538 = tpu.dynamic_gather %get3A_460[%rev3A_537] in [0] : vector<16xf32>, vector<16xi32> -> vector<16xf32>
        %rev3A_539 = arith.constant 15 : i32
        %rev3A_540 = vector.broadcast %rev3A_539 : i32 to vector<16xi32>
        %rev3A_541 = tpu.iota {dimensions = array<i32: 0>} : vector<16xi32>
        %rev3A_542 = arith.subi %rev3A_540, %rev3A_541 : vector<16xi32>
        %rev3A_543 = tpu.dynamic_gather %get3A_464[%rev3A_542] in [0] : vector<16xf32>, vector<16xi32> -> vector<16xf32>
        %rev3A_544 = arith.constant 15 : i32
        %rev3A_545 = vector.broadcast %rev3A_544 : i32 to vector<16xi32>
        %rev3A_546 = tpu.iota {dimensions = array<i32: 0>} : vector<16xi32>
        %rev3A_547 = arith.subi %rev3A_545, %rev3A_546 : vector<16xi32>
        %rev3A_548 = tpu.dynamic_gather %get3A_468[%rev3A_547] in [0] : vector<16xf32>, vector<16xi32> -> vector<16xf32>
        %swap3A_549 = arith.index_cast %scan3A_183 : i32 to index
        %swap3A_550 = arith.constant 256 : index
        %swap3A_551 = tpu.vector_load %arg10[%swap3A_549, %swap3A_550] {strides = array<i32>} : memref<8x1024xf32, #tpu.memory_space<vmem>>, vector<1x16xf32>,
        %swap3A_552 = vector.shape_cast %swap3A_551 : vector<1x16xf32> to vector<16xf32>
        %swap3A_553 = vector.shape_cast %rev3A_473 : vector<16xf32> to vector<1x16xf32>
        tpu.vector_store %arg10[%swap3A_549, %swap3A_550], %swap3A_553 {strides = array<i32>} : memref<8x1024xf32, #tpu.memory_space<vmem>>, vector<1x16xf32>,
        %swap3A_554 = arith.index_cast %scan3A_183 : i32 to index
        %swap3A_555 = arith.constant 272 : index
        %swap3A_556 = tpu.vector_load %arg10[%swap3A_554, %swap3A_555] {strides = array<i32>} : memref<8x1024xf32, #tpu.memory_space<vmem>>, vector<1x16xf32>,
        %swap3A_557 = vector.shape_cast %swap3A_556 : vector<1x16xf32> to vector<16xf32>
        %swap3A_558 = vector.shape_cast %rev3A_478 : vector<16xf32> to vector<1x16xf32>
        tpu.vector_store %arg10[%swap3A_554, %swap3A_555], %swap3A_558 {strides = array<i32>} : memref<8x1024xf32, #tpu.memory_space<vmem>>, vector<1x16xf32>,
        %swap3A_559 = arith.index_cast %scan3A_183 : i32 to index
        %swap3A_560 = arith.constant 288 : index
        %swap3A_561 = tpu.vector_load %arg10[%swap3A_559, %swap3A_560] {strides = array<i32>} : memref<8x1024xf32, #tpu.memory_space<vmem>>, vector<1x16xf32>,
        %swap3A_562 = vector.shape_cast %swap3A_561 : vector<1x16xf32> to vector<16xf32>
        %swap3A_563 = vector.shape_cast %rev3A_483 : vector<16xf32> to vector<1x16xf32>
        tpu.vector_store %arg10[%swap3A_559, %swap3A_560], %swap3A_563 {strides = array<i32>} : memref<8x1024xf32, #tpu.memory_space<vmem>>, vector<1x16xf32>,
        %swap3A_564 = arith.index_cast %scan3A_183 : i32 to index
        %swap3A_565 = arith.constant 304 : index
        %swap3A_566 = tpu.vector_load %arg10[%swap3A_564, %swap3A_565] {strides = array<i32>} : memref<8x1024xf32, #tpu.memory_space<vmem>>, vector<1x16xf32>,
        %swap3A_567 = vector.shape_cast %swap3A_566 : vector<1x16xf32> to vector<16xf32>
        %swap3A_568 = vector.shape_cast %rev3A_488 : vector<16xf32> to vector<1x16xf32>
        tpu.vector_store %arg10[%swap3A_564, %swap3A_565], %swap3A_568 {strides = array<i32>} : memref<8x1024xf32, #tpu.memory_space<vmem>>, vector<1x16xf32>,
        %swap3A_569 = arith.index_cast %scan3A_183 : i32 to index
        %swap3A_570 = arith.constant 320 : index
        %swap3A_571 = tpu.vector_load %arg10[%swap3A_569, %swap3A_570] {strides = array<i32>} : memref<8x1024xf32, #tpu.memory_space<vmem>>, vector<1x16xf32>,
        %swap3A_572 = vector.shape_cast %swap3A_571 : vector<1x16xf32> to vector<16xf32>
        %swap3A_573 = vector.shape_cast %rev3A_493 : vector<16xf32> to vector<1x16xf32>
        tpu.vector_store %arg10[%swap3A_569, %swap3A_570], %swap3A_573 {strides = array<i32>} : memref<8x1024xf32, #tpu.memory_space<vmem>>, vector<1x16xf32>,
        %swap3A_574 = arith.index_cast %scan3A_183 : i32 to index
        %swap3A_575 = arith.constant 336 : index
        %swap3A_576 = tpu.vector_load %arg10[%swap3A_574, %swap3A_575] {strides = array<i32>} : memref<8x1024xf32, #tpu.memory_space<vmem>>, vector<1x16xf32>,
        %swap3A_577 = vector.shape_cast %swap3A_576 : vector<1x16xf32> to vector<16xf32>
        %swap3A_578 = vector.shape_cast %rev3A_498 : vector<16xf32> to vector<1x16xf32>
        tpu.vector_store %arg10[%swap3A_574, %swap3A_575], %swap3A_578 {strides = array<i32>} : memref<8x1024xf32, #tpu.memory_space<vmem>>, vector<1x16xf32>,
        %swap3A_579 = arith.index_cast %scan3A_183 : i32 to index
        %swap3A_580 = arith.constant 352 : index
        %swap3A_581 = tpu.vector_load %arg10[%swap3A_579, %swap3A_580] {strides = array<i32>} : memref<8x1024xf32, #tpu.memory_space<vmem>>, vector<1x16xf32>,
        %swap3A_582 = vector.shape_cast %swap3A_581 : vector<1x16xf32> to vector<16xf32>
        %swap3A_583 = vector.shape_cast %rev3A_503 : vector<16xf32> to vector<1x16xf32>
        tpu.vector_store %arg10[%swap3A_579, %swap3A_580], %swap3A_583 {strides = array<i32>} : memref<8x1024xf32, #tpu.memory_space<vmem>>, vector<1x16xf32>,
        %swap3A_584 = arith.index_cast %scan3A_183 : i32 to index
        %swap3A_585 = arith.constant 368 : index
        %swap3A_586 = tpu.vector_load %arg10[%swap3A_584, %swap3A_585] {strides = array<i32>} : memref<8x1024xf32, #tpu.memory_space<vmem>>, vector<1x16xf32>,
        %swap3A_587 = vector.shape_cast %swap3A_586 : vector<1x16xf32> to vector<16xf32>
        %swap3A_588 = vector.shape_cast %rev3A_508 : vector<16xf32> to vector<1x16xf32>
        tpu.vector_store %arg10[%swap3A_584, %swap3A_585], %swap3A_588 {strides = array<i32>} : memref<8x1024xf32, #tpu.memory_space<vmem>>, vector<1x16xf32>,
        %swap3A_589 = arith.index_cast %scan3A_183 : i32 to index
        %swap3A_590 = arith.constant 384 : index
        %swap3A_591 = tpu.vector_load %arg10[%swap3A_589, %swap3A_590] {strides = array<i32>} : memref<8x1024xf32, #tpu.memory_space<vmem>>, vector<1x16xf32>,
        %swap3A_592 = vector.shape_cast %swap3A_591 : vector<1x16xf32> to vector<16xf32>
        %swap3A_593 = vector.shape_cast %rev3A_513 : vector<16xf32> to vector<1x16xf32>
        tpu.vector_store %arg10[%swap3A_589, %swap3A_590], %swap3A_593 {strides = array<i32>} : memref<8x1024xf32, #tpu.memory_space<vmem>>, vector<1x16xf32>,
        %swap3A_594 = arith.index_cast %scan3A_183 : i32 to index
        %swap3A_595 = arith.constant 400 : index
        %swap3A_596 = tpu.vector_load %arg10[%swap3A_594, %swap3A_595] {strides = array<i32>} : memref<8x1024xf32, #tpu.memory_space<vmem>>, vector<1x16xf32>,
        %swap3A_597 = vector.shape_cast %swap3A_596 : vector<1x16xf32> to vector<16xf32>
        %swap3A_598 = vector.shape_cast %rev3A_518 : vector<16xf32> to vector<1x16xf32>
        tpu.vector_store %arg10[%swap3A_594, %swap3A_595], %swap3A_598 {strides = array<i32>} : memref<8x1024xf32, #tpu.memory_space<vmem>>, vector<1x16xf32>,
        %swap3A_599 = arith.index_cast %scan3A_183 : i32 to index
        %swap3A_600 = arith.constant 416 : index
        %swap3A_601 = tpu.vector_load %arg10[%swap3A_599, %swap3A_600] {strides = array<i32>} : memref<8x1024xf32, #tpu.memory_space<vmem>>, vector<1x16xf32>,
        %swap3A_602 = vector.shape_cast %swap3A_601 : vector<1x16xf32> to vector<16xf32>
        %swap3A_603 = vector.shape_cast %rev3A_523 : vector<16xf32> to vector<1x16xf32>
        tpu.vector_store %arg10[%swap3A_599, %swap3A_600], %swap3A_603 {strides = array<i32>} : memref<8x1024xf32, #tpu.memory_space<vmem>>, vector<1x16xf32>,
        %swap3A_604 = arith.index_cast %scan3A_183 : i32 to index
        %swap3A_605 = arith.constant 432 : index
        %swap3A_606 = tpu.vector_load %arg10[%swap3A_604, %swap3A_605] {strides = array<i32>} : memref<8x1024xf32, #tpu.memory_space<vmem>>, vector<1x16xf32>,
        %swap3A_607 = vector.shape_cast %swap3A_606 : vector<1x16xf32> to vector<16xf32>
        %swap3A_608 = vector.shape_cast %rev3A_528 : vector<16xf32> to vector<1x16xf32>
        tpu.vector_store %arg10[%swap3A_604, %swap3A_605], %swap3A_608 {strides = array<i32>} : memref<8x1024xf32, #tpu.memory_space<vmem>>, vector<1x16xf32>,
        %swap3A_609 = arith.index_cast %scan3A_183 : i32 to index
        %swap3A_610 = arith.constant 448 : index
        %swap3A_611 = tpu.vector_load %arg10[%swap3A_609, %swap3A_610] {strides = array<i32>} : memref<8x1024xf32, #tpu.memory_space<vmem>>, vector<1x16xf32>,
        %swap3A_612 = vector.shape_cast %swap3A_611 : vector<1x16xf32> to vector<16xf32>
        %swap3A_613 = vector.shape_cast %rev3A_533 : vector<16xf32> to vector<1x16xf32>
        tpu.vector_store %arg10[%swap3A_609, %swap3A_610], %swap3A_613 {strides = array<i32>} : memref<8x1024xf32, #tpu.memory_space<vmem>>, vector<1x16xf32>,
        %swap3A_614 = arith.index_cast %scan3A_183 : i32 to index
        %swap3A_615 = arith.constant 464 : index
        %swap3A_616 = tpu.vector_load %arg10[%swap3A_614, %swap3A_615] {strides = array<i32>} : memref<8x1024xf32, #tpu.memory_space<vmem>>, vector<1x16xf32>,
        %swap3A_617 = vector.shape_cast %swap3A_616 : vector<1x16xf32> to vector<16xf32>
        %swap3A_618 = vector.shape_cast %rev3A_538 : vector<16xf32> to vector<1x16xf32>
        tpu.vector_store %arg10[%swap3A_614, %swap3A_615], %swap3A_618 {strides = array<i32>} : memref<8x1024xf32, #tpu.memory_space<vmem>>, vector<1x16xf32>,
        %swap3A_619 = arith.index_cast %scan3A_183 : i32 to index
        %swap3A_620 = arith.constant 480 : index
        %swap3A_621 = tpu.vector_load %arg10[%swap3A_619, %swap3A_620] {strides = array<i32>} : memref<8x1024xf32, #tpu.memory_space<vmem>>, vector<1x16xf32>,
        %swap3A_622 = vector.shape_cast %swap3A_621 : vector<1x16xf32> to vector<16xf32>
        %swap3A_623 = vector.shape_cast %rev3A_543 : vector<16xf32> to vector<1x16xf32>
        tpu.vector_store %arg10[%swap3A_619, %swap3A_620], %swap3A_623 {strides = array<i32>} : memref<8x1024xf32, #tpu.memory_space<vmem>>, vector<1x16xf32>,
        %swap3A_624 = arith.index_cast %scan3A_183 : i32 to index
        %swap3A_625 = arith.constant 496 : index
        %swap3A_626 = tpu.vector_load %arg10[%swap3A_624, %swap3A_625] {strides = array<i32>} : memref<8x1024xf32, #tpu.memory_space<vmem>>, vector<1x16xf32>,
        %swap3A_627 = vector.shape_cast %swap3A_626 : vector<1x16xf32> to vector<16xf32>
        %swap3A_628 = vector.shape_cast %rev3A_548 : vector<16xf32> to vector<1x16xf32>
        tpu.vector_store %arg10[%swap3A_624, %swap3A_625], %swap3A_628 {strides = array<i32>} : memref<8x1024xf32, #tpu.memory_space<vmem>>, vector<1x16xf32>,
        %get3A_629 = arith.index_cast %scan3A_183 : i32 to index
        %get3A_630 = arith.constant 496 : index
        %get3A_631 = tpu.vector_load %arg6[%get3A_629, %get3A_630] {strides = array<i32>} : memref<8x1024xf32, #tpu.memory_space<vmem>>, vector<1x16xf32>,
        %get3A_632 = vector.shape_cast %get3A_631 : vector<1x16xf32> to vector<16xf32>
        %get3A_633 = arith.index_cast %scan3A_183 : i32 to index
        %get3A_634 = arith.constant 480 : index
        %get3A_635 = tpu.vector_load %arg6[%get3A_633, %get3A_634] {strides = array<i32>} : memref<8x1024xf32, #tpu.memory_space<vmem>>, vector<1x16xf32>,
        %get3A_636 = vector.shape_cast %get3A_635 : vector<1x16xf32> to vector<16xf32>
        %get3A_637 = arith.index_cast %scan3A_183 : i32 to index
        %get3A_638 = arith.constant 464 : index
        %get3A_639 = tpu.vector_load %arg6[%get3A_637, %get3A_638] {strides = array<i32>} : memref<8x1024xf32, #tpu.memory_space<vmem>>, vector<1x16xf32>,
        %get3A_640 = vector.shape_cast %get3A_639 : vector<1x16xf32> to vector<16xf32>
        %get3A_641 = arith.index_cast %scan3A_183 : i32 to index
        %get3A_642 = arith.constant 448 : index
        %get3A_643 = tpu.vector_load %arg6[%get3A_641, %get3A_642] {strides = array<i32>} : memref<8x1024xf32, #tpu.memory_space<vmem>>, vector<1x16xf32>,
        %get3A_644 = vector.shape_cast %get3A_643 : vector<1x16xf32> to vector<16xf32>
        %get3A_645 = arith.index_cast %scan3A_183 : i32 to index
        %get3A_646 = arith.constant 432 : index
        %get3A_647 = tpu.vector_load %arg6[%get3A_645, %get3A_646] {strides = array<i32>} : memref<8x1024xf32, #tpu.memory_space<vmem>>, vector<1x16xf32>,
        %get3A_648 = vector.shape_cast %get3A_647 : vector<1x16xf32> to vector<16xf32>
        %get3A_649 = arith.index_cast %scan3A_183 : i32 to index
        %get3A_650 = arith.constant 416 : index
        %get3A_651 = tpu.vector_load %arg6[%get3A_649, %get3A_650] {strides = array<i32>} : memref<8x1024xf32, #tpu.memory_space<vmem>>, vector<1x16xf32>,
        %get3A_652 = vector.shape_cast %get3A_651 : vector<1x16xf32> to vector<16xf32>
        %get3A_653 = arith.index_cast %scan3A_183 : i32 to index
        %get3A_654 = arith.constant 400 : index
        %get3A_655 = tpu.vector_load %arg6[%get3A_653, %get3A_654] {strides = array<i32>} : memref<8x1024xf32, #tpu.memory_space<vmem>>, vector<1x16xf32>,
        %get3A_656 = vector.shape_cast %get3A_655 : vector<1x16xf32> to vector<16xf32>
        %get3A_657 = arith.index_cast %scan3A_183 : i32 to index
        %get3A_658 = arith.constant 384 : index
        %get3A_659 = tpu.vector_load %arg6[%get3A_657, %get3A_658] {strides = array<i32>} : memref<8x1024xf32, #tpu.memory_space<vmem>>, vector<1x16xf32>,
        %get3A_660 = vector.shape_cast %get3A_659 : vector<1x16xf32> to vector<16xf32>
        %get3A_661 = arith.index_cast %scan3A_183 : i32 to index
        %get3A_662 = arith.constant 368 : index
        %get3A_663 = tpu.vector_load %arg6[%get3A_661, %get3A_662] {strides = array<i32>} : memref<8x1024xf32, #tpu.memory_space<vmem>>, vector<1x16xf32>,
        %get3A_664 = vector.shape_cast %get3A_663 : vector<1x16xf32> to vector<16xf32>
        %get3A_665 = arith.index_cast %scan3A_183 : i32 to index
        %get3A_666 = arith.constant 352 : index
        %get3A_667 = tpu.vector_load %arg6[%get3A_665, %get3A_666] {strides = array<i32>} : memref<8x1024xf32, #tpu.memory_space<vmem>>, vector<1x16xf32>,
        %get3A_668 = vector.shape_cast %get3A_667 : vector<1x16xf32> to vector<16xf32>
        %get3A_669 = arith.index_cast %scan3A_183 : i32 to index
        %get3A_670 = arith.constant 336 : index
        %get3A_671 = tpu.vector_load %arg6[%get3A_669, %get3A_670] {strides = array<i32>} : memref<8x1024xf32, #tpu.memory_space<vmem>>, vector<1x16xf32>,
        %get3A_672 = vector.shape_cast %get3A_671 : vector<1x16xf32> to vector<16xf32>
        %get3A_673 = arith.index_cast %scan3A_183 : i32 to index
        %get3A_674 = arith.constant 320 : index
        %get3A_675 = tpu.vector_load %arg6[%get3A_673, %get3A_674] {strides = array<i32>} : memref<8x1024xf32, #tpu.memory_space<vmem>>, vector<1x16xf32>,
        %get3A_676 = vector.shape_cast %get3A_675 : vector<1x16xf32> to vector<16xf32>
        %get3A_677 = arith.index_cast %scan3A_183 : i32 to index
        %get3A_678 = arith.constant 304 : index
        %get3A_679 = tpu.vector_load %arg6[%get3A_677, %get3A_678] {strides = array<i32>} : memref<8x1024xf32, #tpu.memory_space<vmem>>, vector<1x16xf32>,
        %get3A_680 = vector.shape_cast %get3A_679 : vector<1x16xf32> to vector<16xf32>
        %get3A_681 = arith.index_cast %scan3A_183 : i32 to index
        %get3A_682 = arith.constant 288 : index
        %get3A_683 = tpu.vector_load %arg6[%get3A_681, %get3A_682] {strides = array<i32>} : memref<8x1024xf32, #tpu.memory_space<vmem>>, vector<1x16xf32>,
        %get3A_684 = vector.shape_cast %get3A_683 : vector<1x16xf32> to vector<16xf32>
        %get3A_685 = arith.index_cast %scan3A_183 : i32 to index
        %get3A_686 = arith.constant 272 : index
        %get3A_687 = tpu.vector_load %arg6[%get3A_685, %get3A_686] {strides = array<i32>} : memref<8x1024xf32, #tpu.memory_space<vmem>>, vector<1x16xf32>,
        %get3A_688 = vector.shape_cast %get3A_687 : vector<1x16xf32> to vector<16xf32>
        %get3A_689 = arith.index_cast %scan3A_183 : i32 to index
        %get3A_690 = arith.constant 256 : index
        %get3A_691 = tpu.vector_load %arg6[%get3A_689, %get3A_690] {strides = array<i32>} : memref<8x1024xf32, #tpu.memory_space<vmem>>, vector<1x16xf32>,
        %get3A_692 = vector.shape_cast %get3A_691 : vector<1x16xf32> to vector<16xf32>
        %rev3A_693 = arith.constant 15 : i32
        %rev3A_694 = vector.broadcast %rev3A_693 : i32 to vector<16xi32>
        %rev3A_695 = tpu.iota {dimensions = array<i32: 0>} : vector<16xi32>
        %rev3A_696 = arith.subi %rev3A_694, %rev3A_695 : vector<16xi32>
        %rev3A_697 = tpu.dynamic_gather %get3A_632[%rev3A_696] in [0] : vector<16xf32>, vector<16xi32> -> vector<16xf32>
        %rev3A_698 = arith.constant 15 : i32
        %rev3A_699 = vector.broadcast %rev3A_698 : i32 to vector<16xi32>
        %rev3A_700 = tpu.iota {dimensions = array<i32: 0>} : vector<16xi32>
        %rev3A_701 = arith.subi %rev3A_699, %rev3A_700 : vector<16xi32>
        %rev3A_702 = tpu.dynamic_gather %get3A_636[%rev3A_701] in [0] : vector<16xf32>, vector<16xi32> -> vector<16xf32>
        %rev3A_703 = arith.constant 15 : i32
        %rev3A_704 = vector.broadcast %rev3A_703 : i32 to vector<16xi32>
        %rev3A_705 = tpu.iota {dimensions = array<i32: 0>} : vector<16xi32>
        %rev3A_706 = arith.subi %rev3A_704, %rev3A_705 : vector<16xi32>
        %rev3A_707 = tpu.dynamic_gather %get3A_640[%rev3A_706] in [0] : vector<16xf32>, vector<16xi32> -> vector<16xf32>
        %rev3A_708 = arith.constant 15 : i32
        %rev3A_709 = vector.broadcast %rev3A_708 : i32 to vector<16xi32>
        %rev3A_710 = tpu.iota {dimensions = array<i32: 0>} : vector<16xi32>
        %rev3A_711 = arith.subi %rev3A_709, %rev3A_710 : vector<16xi32>
        %rev3A_712 = tpu.dynamic_gather %get3A_644[%rev3A_711] in [0] : vector<16xf32>, vector<16xi32> -> vector<16xf32>
        %rev3A_713 = arith.constant 15 : i32
        %rev3A_714 = vector.broadcast %rev3A_713 : i32 to vector<16xi32>
        %rev3A_715 = tpu.iota {dimensions = array<i32: 0>} : vector<16xi32>
        %rev3A_716 = arith.subi %rev3A_714, %rev3A_715 : vector<16xi32>
        %rev3A_717 = tpu.dynamic_gather %get3A_648[%rev3A_716] in [0] : vector<16xf32>, vector<16xi32> -> vector<16xf32>
        %rev3A_718 = arith.constant 15 : i32
        %rev3A_719 = vector.broadcast %rev3A_718 : i32 to vector<16xi32>
        %rev3A_720 = tpu.iota {dimensions = array<i32: 0>} : vector<16xi32>
        %rev3A_721 = arith.subi %rev3A_719, %rev3A_720 : vector<16xi32>
        %rev3A_722 = tpu.dynamic_gather %get3A_652[%rev3A_721] in [0] : vector<16xf32>, vector<16xi32> -> vector<16xf32>
        %rev3A_723 = arith.constant 15 : i32
        %rev3A_724 = vector.broadcast %rev3A_723 : i32 to vector<16xi32>
        %rev3A_725 = tpu.iota {dimensions = array<i32: 0>} : vector<16xi32>
        %rev3A_726 = arith.subi %rev3A_724, %rev3A_725 : vector<16xi32>
        %rev3A_727 = tpu.dynamic_gather %get3A_656[%rev3A_726] in [0] : vector<16xf32>, vector<16xi32> -> vector<16xf32>
        %rev3A_728 = arith.constant 15 : i32
        %rev3A_729 = vector.broadcast %rev3A_728 : i32 to vector<16xi32>
        %rev3A_730 = tpu.iota {dimensions = array<i32: 0>} : vector<16xi32>
        %rev3A_731 = arith.subi %rev3A_729, %rev3A_730 : vector<16xi32>
        %rev3A_732 = tpu.dynamic_gather %get3A_660[%rev3A_731] in [0] : vector<16xf32>, vector<16xi32> -> vector<16xf32>
        %rev3A_733 = arith.constant 15 : i32
        %rev3A_734 = vector.broadcast %rev3A_733 : i32 to vector<16xi32>
        %rev3A_735 = tpu.iota {dimensions = array<i32: 0>} : vector<16xi32>
        %rev3A_736 = arith.subi %rev3A_734, %rev3A_735 : vector<16xi32>
        %rev3A_737 = tpu.dynamic_gather %get3A_664[%rev3A_736] in [0] : vector<16xf32>, vector<16xi32> -> vector<16xf32>
        %rev3A_738 = arith.constant 15 : i32
        %rev3A_739 = vector.broadcast %rev3A_738 : i32 to vector<16xi32>
        %rev3A_740 = tpu.iota {dimensions = array<i32: 0>} : vector<16xi32>
        %rev3A_741 = arith.subi %rev3A_739, %rev3A_740 : vector<16xi32>
        %rev3A_742 = tpu.dynamic_gather %get3A_668[%rev3A_741] in [0] : vector<16xf32>, vector<16xi32> -> vector<16xf32>
        %rev3A_743 = arith.constant 15 : i32
        %rev3A_744 = vector.broadcast %rev3A_743 : i32 to vector<16xi32>
        %rev3A_745 = tpu.iota {dimensions = array<i32: 0>} : vector<16xi32>
        %rev3A_746 = arith.subi %rev3A_744, %rev3A_745 : vector<16xi32>
        %rev3A_747 = tpu.dynamic_gather %get3A_672[%rev3A_746] in [0] : vector<16xf32>, vector<16xi32> -> vector<16xf32>
        %rev3A_748 = arith.constant 15 : i32
        %rev3A_749 = vector.broadcast %rev3A_748 : i32 to vector<16xi32>
        %rev3A_750 = tpu.iota {dimensions = array<i32: 0>} : vector<16xi32>
        %rev3A_751 = arith.subi %rev3A_749, %rev3A_750 : vector<16xi32>
        %rev3A_752 = tpu.dynamic_gather %get3A_676[%rev3A_751] in [0] : vector<16xf32>, vector<16xi32> -> vector<16xf32>
        %rev3A_753 = arith.constant 15 : i32
        %rev3A_754 = vector.broadcast %rev3A_753 : i32 to vector<16xi32>
        %rev3A_755 = tpu.iota {dimensions = array<i32: 0>} : vector<16xi32>
        %rev3A_756 = arith.subi %rev3A_754, %rev3A_755 : vector<16xi32>
        %rev3A_757 = tpu.dynamic_gather %get3A_680[%rev3A_756] in [0] : vector<16xf32>, vector<16xi32> -> vector<16xf32>
        %rev3A_758 = arith.constant 15 : i32
        %rev3A_759 = vector.broadcast %rev3A_758 : i32 to vector<16xi32>
        %rev3A_760 = tpu.iota {dimensions = array<i32: 0>} : vector<16xi32>
        %rev3A_761 = arith.subi %rev3A_759, %rev3A_760 : vector<16xi32>
        %rev3A_762 = tpu.dynamic_gather %get3A_684[%rev3A_761] in [0] : vector<16xf32>, vector<16xi32> -> vector<16xf32>
        %rev3A_763 = arith.constant 15 : i32
        %rev3A_764 = vector.broadcast %rev3A_763 : i32 to vector<16xi32>
        %rev3A_765 = tpu.iota {dimensions = array<i32: 0>} : vector<16xi32>
        %rev3A_766 = arith.subi %rev3A_764, %rev3A_765 : vector<16xi32>
        %rev3A_767 = tpu.dynamic_gather %get3A_688[%rev3A_766] in [0] : vector<16xf32>, vector<16xi32> -> vector<16xf32>
        %rev3A_768 = arith.constant 15 : i32
        %rev3A_769 = vector.broadcast %rev3A_768 : i32 to vector<16xi32>
        %rev3A_770 = tpu.iota {dimensions = array<i32: 0>} : vector<16xi32>
        %rev3A_771 = arith.subi %rev3A_769, %rev3A_770 : vector<16xi32>
        %rev3A_772 = tpu.dynamic_gather %get3A_692[%rev3A_771] in [0] : vector<16xf32>, vector<16xi32> -> vector<16xf32>
        %swap3A_773 = arith.index_cast %scan3A_183 : i32 to index
        %swap3A_774 = arith.constant 512 : index
        %swap3A_775 = tpu.vector_load %arg10[%swap3A_773, %swap3A_774] {strides = array<i32>} : memref<8x1024xf32, #tpu.memory_space<vmem>>, vector<1x16xf32>,
        %swap3A_776 = vector.shape_cast %swap3A_775 : vector<1x16xf32> to vector<16xf32>
        %swap3A_777 = vector.shape_cast %rev3A_697 : vector<16xf32> to vector<1x16xf32>
        tpu.vector_store %arg10[%swap3A_773, %swap3A_774], %swap3A_777 {strides = array<i32>} : memref<8x1024xf32, #tpu.memory_space<vmem>>, vector<1x16xf32>,
        %swap3A_778 = arith.index_cast %scan3A_183 : i32 to index
        %swap3A_779 = arith.constant 528 : index
        %swap3A_780 = tpu.vector_load %arg10[%swap3A_778, %swap3A_779] {strides = array<i32>} : memref<8x1024xf32, #tpu.memory_space<vmem>>, vector<1x16xf32>,
        %swap3A_781 = vector.shape_cast %swap3A_780 : vector<1x16xf32> to vector<16xf32>
        %swap3A_782 = vector.shape_cast %rev3A_702 : vector<16xf32> to vector<1x16xf32>
        tpu.vector_store %arg10[%swap3A_778, %swap3A_779], %swap3A_782 {strides = array<i32>} : memref<8x1024xf32, #tpu.memory_space<vmem>>, vector<1x16xf32>,
        %swap3A_783 = arith.index_cast %scan3A_183 : i32 to index
        %swap3A_784 = arith.constant 544 : index
        %swap3A_785 = tpu.vector_load %arg10[%swap3A_783, %swap3A_784] {strides = array<i32>} : memref<8x1024xf32, #tpu.memory_space<vmem>>, vector<1x16xf32>,
        %swap3A_786 = vector.shape_cast %swap3A_785 : vector<1x16xf32> to vector<16xf32>
        %swap3A_787 = vector.shape_cast %rev3A_707 : vector<16xf32> to vector<1x16xf32>
        tpu.vector_store %arg10[%swap3A_783, %swap3A_784], %swap3A_787 {strides = array<i32>} : memref<8x1024xf32, #tpu.memory_space<vmem>>, vector<1x16xf32>,
        %swap3A_788 = arith.index_cast %scan3A_183 : i32 to index
        %swap3A_789 = arith.constant 560 : index
        %swap3A_790 = tpu.vector_load %arg10[%swap3A_788, %swap3A_789] {strides = array<i32>} : memref<8x1024xf32, #tpu.memory_space<vmem>>, vector<1x16xf32>,
        %swap3A_791 = vector.shape_cast %swap3A_790 : vector<1x16xf32> to vector<16xf32>
        %swap3A_792 = vector.shape_cast %rev3A_712 : vector<16xf32> to vector<1x16xf32>
        tpu.vector_store %arg10[%swap3A_788, %swap3A_789], %swap3A_792 {strides = array<i32>} : memref<8x1024xf32, #tpu.memory_space<vmem>>, vector<1x16xf32>,
        %swap3A_793 = arith.index_cast %scan3A_183 : i32 to index
        %swap3A_794 = arith.constant 576 : index
        %swap3A_795 = tpu.vector_load %arg10[%swap3A_793, %swap3A_794] {strides = array<i32>} : memref<8x1024xf32, #tpu.memory_space<vmem>>, vector<1x16xf32>,
        %swap3A_796 = vector.shape_cast %swap3A_795 : vector<1x16xf32> to vector<16xf32>
        %swap3A_797 = vector.shape_cast %rev3A_717 : vector<16xf32> to vector<1x16xf32>
        tpu.vector_store %arg10[%swap3A_793, %swap3A_794], %swap3A_797 {strides = array<i32>} : memref<8x1024xf32, #tpu.memory_space<vmem>>, vector<1x16xf32>,
        %swap3A_798 = arith.index_cast %scan3A_183 : i32 to index
        %swap3A_799 = arith.constant 592 : index
        %swap3A_800 = tpu.vector_load %arg10[%swap3A_798, %swap3A_799] {strides = array<i32>} : memref<8x1024xf32, #tpu.memory_space<vmem>>, vector<1x16xf32>,
        %swap3A_801 = vector.shape_cast %swap3A_800 : vector<1x16xf32> to vector<16xf32>
        %swap3A_802 = vector.shape_cast %rev3A_722 : vector<16xf32> to vector<1x16xf32>
        tpu.vector_store %arg10[%swap3A_798, %swap3A_799], %swap3A_802 {strides = array<i32>} : memref<8x1024xf32, #tpu.memory_space<vmem>>, vector<1x16xf32>,
        %swap3A_803 = arith.index_cast %scan3A_183 : i32 to index
        %swap3A_804 = arith.constant 608 : index
        %swap3A_805 = tpu.vector_load %arg10[%swap3A_803, %swap3A_804] {strides = array<i32>} : memref<8x1024xf32, #tpu.memory_space<vmem>>, vector<1x16xf32>,
        %swap3A_806 = vector.shape_cast %swap3A_805 : vector<1x16xf32> to vector<16xf32>
        %swap3A_807 = vector.shape_cast %rev3A_727 : vector<16xf32> to vector<1x16xf32>
        tpu.vector_store %arg10[%swap3A_803, %swap3A_804], %swap3A_807 {strides = array<i32>} : memref<8x1024xf32, #tpu.memory_space<vmem>>, vector<1x16xf32>,
        %swap3A_808 = arith.index_cast %scan3A_183 : i32 to index
        %swap3A_809 = arith.constant 624 : index
        %swap3A_810 = tpu.vector_load %arg10[%swap3A_808, %swap3A_809] {strides = array<i32>} : memref<8x1024xf32, #tpu.memory_space<vmem>>, vector<1x16xf32>,
        %swap3A_811 = vector.shape_cast %swap3A_810 : vector<1x16xf32> to vector<16xf32>
        %swap3A_812 = vector.shape_cast %rev3A_732 : vector<16xf32> to vector<1x16xf32>
        tpu.vector_store %arg10[%swap3A_808, %swap3A_809], %swap3A_812 {strides = array<i32>} : memref<8x1024xf32, #tpu.memory_space<vmem>>, vector<1x16xf32>,
        %swap3A_813 = arith.index_cast %scan3A_183 : i32 to index
        %swap3A_814 = arith.constant 640 : index
        %swap3A_815 = tpu.vector_load %arg10[%swap3A_813, %swap3A_814] {strides = array<i32>} : memref<8x1024xf32, #tpu.memory_space<vmem>>, vector<1x16xf32>,
        %swap3A_816 = vector.shape_cast %swap3A_815 : vector<1x16xf32> to vector<16xf32>
        %swap3A_817 = vector.shape_cast %rev3A_737 : vector<16xf32> to vector<1x16xf32>
        tpu.vector_store %arg10[%swap3A_813, %swap3A_814], %swap3A_817 {strides = array<i32>} : memref<8x1024xf32, #tpu.memory_space<vmem>>, vector<1x16xf32>,
        %swap3A_818 = arith.index_cast %scan3A_183 : i32 to index
        %swap3A_819 = arith.constant 656 : index
        %swap3A_820 = tpu.vector_load %arg10[%swap3A_818, %swap3A_819] {strides = array<i32>} : memref<8x1024xf32, #tpu.memory_space<vmem>>, vector<1x16xf32>,
        %swap3A_821 = vector.shape_cast %swap3A_820 : vector<1x16xf32> to vector<16xf32>
        %swap3A_822 = vector.shape_cast %rev3A_742 : vector<16xf32> to vector<1x16xf32>
        tpu.vector_store %arg10[%swap3A_818, %swap3A_819], %swap3A_822 {strides = array<i32>} : memref<8x1024xf32, #tpu.memory_space<vmem>>, vector<1x16xf32>,
        %swap3A_823 = arith.index_cast %scan3A_183 : i32 to index
        %swap3A_824 = arith.constant 672 : index
        %swap3A_825 = tpu.vector_load %arg10[%swap3A_823, %swap3A_824] {strides = array<i32>} : memref<8x1024xf32, #tpu.memory_space<vmem>>, vector<1x16xf32>,
        %swap3A_826 = vector.shape_cast %swap3A_825 : vector<1x16xf32> to vector<16xf32>
        %swap3A_827 = vector.shape_cast %rev3A_747 : vector<16xf32> to vector<1x16xf32>
        tpu.vector_store %arg10[%swap3A_823, %swap3A_824], %swap3A_827 {strides = array<i32>} : memref<8x1024xf32, #tpu.memory_space<vmem>>, vector<1x16xf32>,
        %swap3A_828 = arith.index_cast %scan3A_183 : i32 to index
        %swap3A_829 = arith.constant 688 : index
        %swap3A_830 = tpu.vector_load %arg10[%swap3A_828, %swap3A_829] {strides = array<i32>} : memref<8x1024xf32, #tpu.memory_space<vmem>>, vector<1x16xf32>,
        %swap3A_831 = vector.shape_cast %swap3A_830 : vector<1x16xf32> to vector<16xf32>
        %swap3A_832 = vector.shape_cast %rev3A_752 : vector<16xf32> to vector<1x16xf32>
        tpu.vector_store %arg10[%swap3A_828, %swap3A_829], %swap3A_832 {strides = array<i32>} : memref<8x1024xf32, #tpu.memory_space<vmem>>, vector<1x16xf32>,
        %swap3A_833 = arith.index_cast %scan3A_183 : i32 to index
        %swap3A_834 = arith.constant 704 : index
        %swap3A_835 = tpu.vector_load %arg10[%swap3A_833, %swap3A_834] {strides = array<i32>} : memref<8x1024xf32, #tpu.memory_space<vmem>>, vector<1x16xf32>,
        %swap3A_836 = vector.shape_cast %swap3A_835 : vector<1x16xf32> to vector<16xf32>
        %swap3A_837 = vector.shape_cast %rev3A_757 : vector<16xf32> to vector<1x16xf32>
        tpu.vector_store %arg10[%swap3A_833, %swap3A_834], %swap3A_837 {strides = array<i32>} : memref<8x1024xf32, #tpu.memory_space<vmem>>, vector<1x16xf32>,
        %swap3A_838 = arith.index_cast %scan3A_183 : i32 to index
        %swap3A_839 = arith.constant 720 : index
        %swap3A_840 = tpu.vector_load %arg10[%swap3A_838, %swap3A_839] {strides = array<i32>} : memref<8x1024xf32, #tpu.memory_space<vmem>>, vector<1x16xf32>,
        %swap3A_841 = vector.shape_cast %swap3A_840 : vector<1x16xf32> to vector<16xf32>
        %swap3A_842 = vector.shape_cast %rev3A_762 : vector<16xf32> to vector<1x16xf32>
        tpu.vector_store %arg10[%swap3A_838, %swap3A_839], %swap3A_842 {strides = array<i32>} : memref<8x1024xf32, #tpu.memory_space<vmem>>, vector<1x16xf32>,
        %swap3A_843 = arith.index_cast %scan3A_183 : i32 to index
        %swap3A_844 = arith.constant 736 : index
        %swap3A_845 = tpu.vector_load %arg10[%swap3A_843, %swap3A_844] {strides = array<i32>} : memref<8x1024xf32, #tpu.memory_space<vmem>>, vector<1x16xf32>,
        %swap3A_846 = vector.shape_cast %swap3A_845 : vector<1x16xf32> to vector<16xf32>
        %swap3A_847 = vector.shape_cast %rev3A_767 : vector<16xf32> to vector<1x16xf32>
        tpu.vector_store %arg10[%swap3A_843, %swap3A_844], %swap3A_847 {strides = array<i32>} : memref<8x1024xf32, #tpu.memory_space<vmem>>, vector<1x16xf32>,
        %swap3A_848 = arith.index_cast %scan3A_183 : i32 to index
        %swap3A_849 = arith.constant 752 : index
        %swap3A_850 = tpu.vector_load %arg10[%swap3A_848, %swap3A_849] {strides = array<i32>} : memref<8x1024xf32, #tpu.memory_space<vmem>>, vector<1x16xf32>,
        %swap3A_851 = vector.shape_cast %swap3A_850 : vector<1x16xf32> to vector<16xf32>
        %swap3A_852 = vector.shape_cast %rev3A_772 : vector<16xf32> to vector<1x16xf32>
        tpu.vector_store %arg10[%swap3A_848, %swap3A_849], %swap3A_852 {strides = array<i32>} : memref<8x1024xf32, #tpu.memory_space<vmem>>, vector<1x16xf32>,
        %get3A_853 = arith.index_cast %scan3A_183 : i32 to index
        %get3A_854 = arith.constant 240 : index
        %get3A_855 = tpu.vector_load %arg6[%get3A_853, %get3A_854] {strides = array<i32>} : memref<8x1024xf32, #tpu.memory_space<vmem>>, vector<1x16xf32>,
        %get3A_856 = vector.shape_cast %get3A_855 : vector<1x16xf32> to vector<16xf32>
        %get3A_857 = arith.index_cast %scan3A_183 : i32 to index
        %get3A_858 = arith.constant 224 : index
        %get3A_859 = tpu.vector_load %arg6[%get3A_857, %get3A_858] {strides = array<i32>} : memref<8x1024xf32, #tpu.memory_space<vmem>>, vector<1x16xf32>,
        %get3A_860 = vector.shape_cast %get3A_859 : vector<1x16xf32> to vector<16xf32>
        %get3A_861 = arith.index_cast %scan3A_183 : i32 to index
        %get3A_862 = arith.constant 208 : index
        %get3A_863 = tpu.vector_load %arg6[%get3A_861, %get3A_862] {strides = array<i32>} : memref<8x1024xf32, #tpu.memory_space<vmem>>, vector<1x16xf32>,
        %get3A_864 = vector.shape_cast %get3A_863 : vector<1x16xf32> to vector<16xf32>
        %get3A_865 = arith.index_cast %scan3A_183 : i32 to index
        %get3A_866 = arith.constant 192 : index
        %get3A_867 = tpu.vector_load %arg6[%get3A_865, %get3A_866] {strides = array<i32>} : memref<8x1024xf32, #tpu.memory_space<vmem>>, vector<1x16xf32>,
        %get3A_868 = vector.shape_cast %get3A_867 : vector<1x16xf32> to vector<16xf32>
        %get3A_869 = arith.index_cast %scan3A_183 : i32 to index
        %get3A_870 = arith.constant 176 : index
        %get3A_871 = tpu.vector_load %arg6[%get3A_869, %get3A_870] {strides = array<i32>} : memref<8x1024xf32, #tpu.memory_space<vmem>>, vector<1x16xf32>,
        %get3A_872 = vector.shape_cast %get3A_871 : vector<1x16xf32> to vector<16xf32>
        %get3A_873 = arith.index_cast %scan3A_183 : i32 to index
        %get3A_874 = arith.constant 160 : index
        %get3A_875 = tpu.vector_load %arg6[%get3A_873, %get3A_874] {strides = array<i32>} : memref<8x1024xf32, #tpu.memory_space<vmem>>, vector<1x16xf32>,
        %get3A_876 = vector.shape_cast %get3A_875 : vector<1x16xf32> to vector<16xf32>
        %get3A_877 = arith.index_cast %scan3A_183 : i32 to index
        %get3A_878 = arith.constant 144 : index
        %get3A_879 = tpu.vector_load %arg6[%get3A_877, %get3A_878] {strides = array<i32>} : memref<8x1024xf32, #tpu.memory_space<vmem>>, vector<1x16xf32>,
        %get3A_880 = vector.shape_cast %get3A_879 : vector<1x16xf32> to vector<16xf32>
        %get3A_881 = arith.index_cast %scan3A_183 : i32 to index
        %get3A_882 = arith.constant 128 : index
        %get3A_883 = tpu.vector_load %arg6[%get3A_881, %get3A_882] {strides = array<i32>} : memref<8x1024xf32, #tpu.memory_space<vmem>>, vector<1x16xf32>,
        %get3A_884 = vector.shape_cast %get3A_883 : vector<1x16xf32> to vector<16xf32>
        %get3A_885 = arith.index_cast %scan3A_183 : i32 to index
        %get3A_886 = arith.constant 112 : index
        %get3A_887 = tpu.vector_load %arg6[%get3A_885, %get3A_886] {strides = array<i32>} : memref<8x1024xf32, #tpu.memory_space<vmem>>, vector<1x16xf32>,
        %get3A_888 = vector.shape_cast %get3A_887 : vector<1x16xf32> to vector<16xf32>
        %get3A_889 = arith.index_cast %scan3A_183 : i32 to index
        %get3A_890 = arith.constant 96 : index
        %get3A_891 = tpu.vector_load %arg6[%get3A_889, %get3A_890] {strides = array<i32>} : memref<8x1024xf32, #tpu.memory_space<vmem>>, vector<1x16xf32>,
        %get3A_892 = vector.shape_cast %get3A_891 : vector<1x16xf32> to vector<16xf32>
        %get3A_893 = arith.index_cast %scan3A_183 : i32 to index
        %get3A_894 = arith.constant 80 : index
        %get3A_895 = tpu.vector_load %arg6[%get3A_893, %get3A_894] {strides = array<i32>} : memref<8x1024xf32, #tpu.memory_space<vmem>>, vector<1x16xf32>,
        %get3A_896 = vector.shape_cast %get3A_895 : vector<1x16xf32> to vector<16xf32>
        %get3A_897 = arith.index_cast %scan3A_183 : i32 to index
        %get3A_898 = arith.constant 64 : index
        %get3A_899 = tpu.vector_load %arg6[%get3A_897, %get3A_898] {strides = array<i32>} : memref<8x1024xf32, #tpu.memory_space<vmem>>, vector<1x16xf32>,
        %get3A_900 = vector.shape_cast %get3A_899 : vector<1x16xf32> to vector<16xf32>
        %get3A_901 = arith.index_cast %scan3A_183 : i32 to index
        %get3A_902 = arith.constant 48 : index
        %get3A_903 = tpu.vector_load %arg6[%get3A_901, %get3A_902] {strides = array<i32>} : memref<8x1024xf32, #tpu.memory_space<vmem>>, vector<1x16xf32>,
        %get3A_904 = vector.shape_cast %get3A_903 : vector<1x16xf32> to vector<16xf32>
        %get3A_905 = arith.index_cast %scan3A_183 : i32 to index
        %get3A_906 = arith.constant 32 : index
        %get3A_907 = tpu.vector_load %arg6[%get3A_905, %get3A_906] {strides = array<i32>} : memref<8x1024xf32, #tpu.memory_space<vmem>>, vector<1x16xf32>,
        %get3A_908 = vector.shape_cast %get3A_907 : vector<1x16xf32> to vector<16xf32>
        %get3A_909 = arith.index_cast %scan3A_183 : i32 to index
        %get3A_910 = arith.constant 16 : index
        %get3A_911 = tpu.vector_load %arg6[%get3A_909, %get3A_910] {strides = array<i32>} : memref<8x1024xf32, #tpu.memory_space<vmem>>, vector<1x16xf32>,
        %get3A_912 = vector.shape_cast %get3A_911 : vector<1x16xf32> to vector<16xf32>
        %get3A_913 = arith.index_cast %scan3A_183 : i32 to index
        %get3A_914 = arith.constant 0 : index
        %get3A_915 = tpu.vector_load %arg6[%get3A_913, %get3A_914] {strides = array<i32>} : memref<8x1024xf32, #tpu.memory_space<vmem>>, vector<1x16xf32>,
        %get3A_916 = vector.shape_cast %get3A_915 : vector<1x16xf32> to vector<16xf32>
        %rev3A_917 = arith.constant 15 : i32
        %rev3A_918 = vector.broadcast %rev3A_917 : i32 to vector<16xi32>
        %rev3A_919 = tpu.iota {dimensions = array<i32: 0>} : vector<16xi32>
        %rev3A_920 = arith.subi %rev3A_918, %rev3A_919 : vector<16xi32>
        %rev3A_921 = tpu.dynamic_gather %get3A_856[%rev3A_920] in [0] : vector<16xf32>, vector<16xi32> -> vector<16xf32>
        %rev3A_922 = arith.constant 15 : i32
        %rev3A_923 = vector.broadcast %rev3A_922 : i32 to vector<16xi32>
        %rev3A_924 = tpu.iota {dimensions = array<i32: 0>} : vector<16xi32>
        %rev3A_925 = arith.subi %rev3A_923, %rev3A_924 : vector<16xi32>
        %rev3A_926 = tpu.dynamic_gather %get3A_860[%rev3A_925] in [0] : vector<16xf32>, vector<16xi32> -> vector<16xf32>
        %rev3A_927 = arith.constant 15 : i32
        %rev3A_928 = vector.broadcast %rev3A_927 : i32 to vector<16xi32>
        %rev3A_929 = tpu.iota {dimensions = array<i32: 0>} : vector<16xi32>
        %rev3A_930 = arith.subi %rev3A_928, %rev3A_929 : vector<16xi32>
        %rev3A_931 = tpu.dynamic_gather %get3A_864[%rev3A_930] in [0] : vector<16xf32>, vector<16xi32> -> vector<16xf32>
        %rev3A_932 = arith.constant 15 : i32
        %rev3A_933 = vector.broadcast %rev3A_932 : i32 to vector<16xi32>
        %rev3A_934 = tpu.iota {dimensions = array<i32: 0>} : vector<16xi32>
        %rev3A_935 = arith.subi %rev3A_933, %rev3A_934 : vector<16xi32>
        %rev3A_936 = tpu.dynamic_gather %get3A_868[%rev3A_935] in [0] : vector<16xf32>, vector<16xi32> -> vector<16xf32>
        %rev3A_937 = arith.constant 15 : i32
        %rev3A_938 = vector.broadcast %rev3A_937 : i32 to vector<16xi32>
        %rev3A_939 = tpu.iota {dimensions = array<i32: 0>} : vector<16xi32>
        %rev3A_940 = arith.subi %rev3A_938, %rev3A_939 : vector<16xi32>
        %rev3A_941 = tpu.dynamic_gather %get3A_872[%rev3A_940] in [0] : vector<16xf32>, vector<16xi32> -> vector<16xf32>
        %rev3A_942 = arith.constant 15 : i32
        %rev3A_943 = vector.broadcast %rev3A_942 : i32 to vector<16xi32>
        %rev3A_944 = tpu.iota {dimensions = array<i32: 0>} : vector<16xi32>
        %rev3A_945 = arith.subi %rev3A_943, %rev3A_944 : vector<16xi32>
        %rev3A_946 = tpu.dynamic_gather %get3A_876[%rev3A_945] in [0] : vector<16xf32>, vector<16xi32> -> vector<16xf32>
        %rev3A_947 = arith.constant 15 : i32
        %rev3A_948 = vector.broadcast %rev3A_947 : i32 to vector<16xi32>
        %rev3A_949 = tpu.iota {dimensions = array<i32: 0>} : vector<16xi32>
        %rev3A_950 = arith.subi %rev3A_948, %rev3A_949 : vector<16xi32>
        %rev3A_951 = tpu.dynamic_gather %get3A_880[%rev3A_950] in [0] : vector<16xf32>, vector<16xi32> -> vector<16xf32>
        %rev3A_952 = arith.constant 15 : i32
        %rev3A_953 = vector.broadcast %rev3A_952 : i32 to vector<16xi32>
        %rev3A_954 = tpu.iota {dimensions = array<i32: 0>} : vector<16xi32>
        %rev3A_955 = arith.subi %rev3A_953, %rev3A_954 : vector<16xi32>
        %rev3A_956 = tpu.dynamic_gather %get3A_884[%rev3A_955] in [0] : vector<16xf32>, vector<16xi32> -> vector<16xf32>
        %rev3A_957 = arith.constant 15 : i32
        %rev3A_958 = vector.broadcast %rev3A_957 : i32 to vector<16xi32>
        %rev3A_959 = tpu.iota {dimensions = array<i32: 0>} : vector<16xi32>
        %rev3A_960 = arith.subi %rev3A_958, %rev3A_959 : vector<16xi32>
        %rev3A_961 = tpu.dynamic_gather %get3A_888[%rev3A_960] in [0] : vector<16xf32>, vector<16xi32> -> vector<16xf32>
        %rev3A_962 = arith.constant 15 : i32
        %rev3A_963 = vector.broadcast %rev3A_962 : i32 to vector<16xi32>
        %rev3A_964 = tpu.iota {dimensions = array<i32: 0>} : vector<16xi32>
        %rev3A_965 = arith.subi %rev3A_963, %rev3A_964 : vector<16xi32>
        %rev3A_966 = tpu.dynamic_gather %get3A_892[%rev3A_965] in [0] : vector<16xf32>, vector<16xi32> -> vector<16xf32>
        %rev3A_967 = arith.constant 15 : i32
        %rev3A_968 = vector.broadcast %rev3A_967 : i32 to vector<16xi32>
        %rev3A_969 = tpu.iota {dimensions = array<i32: 0>} : vector<16xi32>
        %rev3A_970 = arith.subi %rev3A_968, %rev3A_969 : vector<16xi32>
        %rev3A_971 = tpu.dynamic_gather %get3A_896[%rev3A_970] in [0] : vector<16xf32>, vector<16xi32> -> vector<16xf32>
        %rev3A_972 = arith.constant 15 : i32
        %rev3A_973 = vector.broadcast %rev3A_972 : i32 to vector<16xi32>
        %rev3A_974 = tpu.iota {dimensions = array<i32: 0>} : vector<16xi32>
        %rev3A_975 = arith.subi %rev3A_973, %rev3A_974 : vector<16xi32>
        %rev3A_976 = tpu.dynamic_gather %get3A_900[%rev3A_975] in [0] : vector<16xf32>, vector<16xi32> -> vector<16xf32>
        %rev3A_977 = arith.constant 15 : i32
        %rev3A_978 = vector.broadcast %rev3A_977 : i32 to vector<16xi32>
        %rev3A_979 = tpu.iota {dimensions = array<i32: 0>} : vector<16xi32>
        %rev3A_980 = arith.subi %rev3A_978, %rev3A_979 : vector<16xi32>
        %rev3A_981 = tpu.dynamic_gather %get3A_904[%rev3A_980] in [0] : vector<16xf32>, vector<16xi32> -> vector<16xf32>
        %rev3A_982 = arith.constant 15 : i32
        %rev3A_983 = vector.broadcast %rev3A_982 : i32 to vector<16xi32>
        %rev3A_984 = tpu.iota {dimensions = array<i32: 0>} : vector<16xi32>
        %rev3A_985 = arith.subi %rev3A_983, %rev3A_984 : vector<16xi32>
        %rev3A_986 = tpu.dynamic_gather %get3A_908[%rev3A_985] in [0] : vector<16xf32>, vector<16xi32> -> vector<16xf32>
        %rev3A_987 = arith.constant 15 : i32
        %rev3A_988 = vector.broadcast %rev3A_987 : i32 to vector<16xi32>
        %rev3A_989 = tpu.iota {dimensions = array<i32: 0>} : vector<16xi32>
        %rev3A_990 = arith.subi %rev3A_988, %rev3A_989 : vector<16xi32>
        %rev3A_991 = tpu.dynamic_gather %get3A_912[%rev3A_990] in [0] : vector<16xf32>, vector<16xi32> -> vector<16xf32>
        %rev3A_992 = arith.constant 15 : i32
        %rev3A_993 = vector.broadcast %rev3A_992 : i32 to vector<16xi32>
        %rev3A_994 = tpu.iota {dimensions = array<i32: 0>} : vector<16xi32>
        %rev3A_995 = arith.subi %rev3A_993, %rev3A_994 : vector<16xi32>
        %rev3A_996 = tpu.dynamic_gather %get3A_916[%rev3A_995] in [0] : vector<16xf32>, vector<16xi32> -> vector<16xf32>
        %swap3A_997 = arith.index_cast %scan3A_183 : i32 to index
        %swap3A_998 = arith.constant 768 : index
        %swap3A_999 = tpu.vector_load %arg10[%swap3A_997, %swap3A_998] {strides = array<i32>} : memref<8x1024xf32, #tpu.memory_space<vmem>>, vector<1x16xf32>,
        %swap3A_1000 = vector.shape_cast %swap3A_999 : vector<1x16xf32> to vector<16xf32>
        %swap3A_1001 = vector.shape_cast %rev3A_921 : vector<16xf32> to vector<1x16xf32>
        tpu.vector_store %arg10[%swap3A_997, %swap3A_998], %swap3A_1001 {strides = array<i32>} : memref<8x1024xf32, #tpu.memory_space<vmem>>, vector<1x16xf32>,
        %swap3A_1002 = arith.index_cast %scan3A_183 : i32 to index
        %swap3A_1003 = arith.constant 784 : index
        %swap3A_1004 = tpu.vector_load %arg10[%swap3A_1002, %swap3A_1003] {strides = array<i32>} : memref<8x1024xf32, #tpu.memory_space<vmem>>, vector<1x16xf32>,
        %swap3A_1005 = vector.shape_cast %swap3A_1004 : vector<1x16xf32> to vector<16xf32>
        %swap3A_1006 = vector.shape_cast %rev3A_926 : vector<16xf32> to vector<1x16xf32>
        tpu.vector_store %arg10[%swap3A_1002, %swap3A_1003], %swap3A_1006 {strides = array<i32>} : memref<8x1024xf32, #tpu.memory_space<vmem>>, vector<1x16xf32>,
        %swap3A_1007 = arith.index_cast %scan3A_183 : i32 to index
        %swap3A_1008 = arith.constant 800 : index
        %swap3A_1009 = tpu.vector_load %arg10[%swap3A_1007, %swap3A_1008] {strides = array<i32>} : memref<8x1024xf32, #tpu.memory_space<vmem>>, vector<1x16xf32>,
        %swap3A_1010 = vector.shape_cast %swap3A_1009 : vector<1x16xf32> to vector<16xf32>
        %swap3A_1011 = vector.shape_cast %rev3A_931 : vector<16xf32> to vector<1x16xf32>
        tpu.vector_store %arg10[%swap3A_1007, %swap3A_1008], %swap3A_1011 {strides = array<i32>} : memref<8x1024xf32, #tpu.memory_space<vmem>>, vector<1x16xf32>,
        %swap3A_1012 = arith.index_cast %scan3A_183 : i32 to index
        %swap3A_1013 = arith.constant 816 : index
        %swap3A_1014 = tpu.vector_load %arg10[%swap3A_1012, %swap3A_1013] {strides = array<i32>} : memref<8x1024xf32, #tpu.memory_space<vmem>>, vector<1x16xf32>,
        %swap3A_1015 = vector.shape_cast %swap3A_1014 : vector<1x16xf32> to vector<16xf32>
        %swap3A_1016 = vector.shape_cast %rev3A_936 : vector<16xf32> to vector<1x16xf32>
        tpu.vector_store %arg10[%swap3A_1012, %swap3A_1013], %swap3A_1016 {strides = array<i32>} : memref<8x1024xf32, #tpu.memory_space<vmem>>, vector<1x16xf32>,
        %swap3A_1017 = arith.index_cast %scan3A_183 : i32 to index
        %swap3A_1018 = arith.constant 832 : index
        %swap3A_1019 = tpu.vector_load %arg10[%swap3A_1017, %swap3A_1018] {strides = array<i32>} : memref<8x1024xf32, #tpu.memory_space<vmem>>, vector<1x16xf32>,
        %swap3A_1020 = vector.shape_cast %swap3A_1019 : vector<1x16xf32> to vector<16xf32>
        %swap3A_1021 = vector.shape_cast %rev3A_941 : vector<16xf32> to vector<1x16xf32>
        tpu.vector_store %arg10[%swap3A_1017, %swap3A_1018], %swap3A_1021 {strides = array<i32>} : memref<8x1024xf32, #tpu.memory_space<vmem>>, vector<1x16xf32>,
        %swap3A_1022 = arith.index_cast %scan3A_183 : i32 to index
        %swap3A_1023 = arith.constant 848 : index
        %swap3A_1024 = tpu.vector_load %arg10[%swap3A_1022, %swap3A_1023] {strides = array<i32>} : memref<8x1024xf32, #tpu.memory_space<vmem>>, vector<1x16xf32>,
        %swap3A_1025 = vector.shape_cast %swap3A_1024 : vector<1x16xf32> to vector<16xf32>
        %swap3A_1026 = vector.shape_cast %rev3A_946 : vector<16xf32> to vector<1x16xf32>
        tpu.vector_store %arg10[%swap3A_1022, %swap3A_1023], %swap3A_1026 {strides = array<i32>} : memref<8x1024xf32, #tpu.memory_space<vmem>>, vector<1x16xf32>,
        %swap3A_1027 = arith.index_cast %scan3A_183 : i32 to index
        %swap3A_1028 = arith.constant 864 : index
        %swap3A_1029 = tpu.vector_load %arg10[%swap3A_1027, %swap3A_1028] {strides = array<i32>} : memref<8x1024xf32, #tpu.memory_space<vmem>>, vector<1x16xf32>,
        %swap3A_1030 = vector.shape_cast %swap3A_1029 : vector<1x16xf32> to vector<16xf32>
        %swap3A_1031 = vector.shape_cast %rev3A_951 : vector<16xf32> to vector<1x16xf32>
        tpu.vector_store %arg10[%swap3A_1027, %swap3A_1028], %swap3A_1031 {strides = array<i32>} : memref<8x1024xf32, #tpu.memory_space<vmem>>, vector<1x16xf32>,
        %swap3A_1032 = arith.index_cast %scan3A_183 : i32 to index
        %swap3A_1033 = arith.constant 880 : index
        %swap3A_1034 = tpu.vector_load %arg10[%swap3A_1032, %swap3A_1033] {strides = array<i32>} : memref<8x1024xf32, #tpu.memory_space<vmem>>, vector<1x16xf32>,
        %swap3A_1035 = vector.shape_cast %swap3A_1034 : vector<1x16xf32> to vector<16xf32>
        %swap3A_1036 = vector.shape_cast %rev3A_956 : vector<16xf32> to vector<1x16xf32>
        tpu.vector_store %arg10[%swap3A_1032, %swap3A_1033], %swap3A_1036 {strides = array<i32>} : memref<8x1024xf32, #tpu.memory_space<vmem>>, vector<1x16xf32>,
        %swap3A_1037 = arith.index_cast %scan3A_183 : i32 to index
        %swap3A_1038 = arith.constant 896 : index
        %swap3A_1039 = tpu.vector_load %arg10[%swap3A_1037, %swap3A_1038] {strides = array<i32>} : memref<8x1024xf32, #tpu.memory_space<vmem>>, vector<1x16xf32>,
        %swap3A_1040 = vector.shape_cast %swap3A_1039 : vector<1x16xf32> to vector<16xf32>
        %swap3A_1041 = vector.shape_cast %rev3A_961 : vector<16xf32> to vector<1x16xf32>
        tpu.vector_store %arg10[%swap3A_1037, %swap3A_1038], %swap3A_1041 {strides = array<i32>} : memref<8x1024xf32, #tpu.memory_space<vmem>>, vector<1x16xf32>,
        %swap3A_1042 = arith.index_cast %scan3A_183 : i32 to index
        %swap3A_1043 = arith.constant 912 : index
        %swap3A_1044 = tpu.vector_load %arg10[%swap3A_1042, %swap3A_1043] {strides = array<i32>} : memref<8x1024xf32, #tpu.memory_space<vmem>>, vector<1x16xf32>,
        %swap3A_1045 = vector.shape_cast %swap3A_1044 : vector<1x16xf32> to vector<16xf32>
        %swap3A_1046 = vector.shape_cast %rev3A_966 : vector<16xf32> to vector<1x16xf32>
        tpu.vector_store %arg10[%swap3A_1042, %swap3A_1043], %swap3A_1046 {strides = array<i32>} : memref<8x1024xf32, #tpu.memory_space<vmem>>, vector<1x16xf32>,
        %swap3A_1047 = arith.index_cast %scan3A_183 : i32 to index
        %swap3A_1048 = arith.constant 928 : index
        %swap3A_1049 = tpu.vector_load %arg10[%swap3A_1047, %swap3A_1048] {strides = array<i32>} : memref<8x1024xf32, #tpu.memory_space<vmem>>, vector<1x16xf32>,
        %swap3A_1050 = vector.shape_cast %swap3A_1049 : vector<1x16xf32> to vector<16xf32>
        %swap3A_1051 = vector.shape_cast %rev3A_971 : vector<16xf32> to vector<1x16xf32>
        tpu.vector_store %arg10[%swap3A_1047, %swap3A_1048], %swap3A_1051 {strides = array<i32>} : memref<8x1024xf32, #tpu.memory_space<vmem>>, vector<1x16xf32>,
        %swap3A_1052 = arith.index_cast %scan3A_183 : i32 to index
        %swap3A_1053 = arith.constant 944 : index
        %swap3A_1054 = tpu.vector_load %arg10[%swap3A_1052, %swap3A_1053] {strides = array<i32>} : memref<8x1024xf32, #tpu.memory_space<vmem>>, vector<1x16xf32>,
        %swap3A_1055 = vector.shape_cast %swap3A_1054 : vector<1x16xf32> to vector<16xf32>
        %swap3A_1056 = vector.shape_cast %rev3A_976 : vector<16xf32> to vector<1x16xf32>
        tpu.vector_store %arg10[%swap3A_1052, %swap3A_1053], %swap3A_1056 {strides = array<i32>} : memref<8x1024xf32, #tpu.memory_space<vmem>>, vector<1x16xf32>,
        %swap3A_1057 = arith.index_cast %scan3A_183 : i32 to index
        %swap3A_1058 = arith.constant 960 : index
        %swap3A_1059 = tpu.vector_load %arg10[%swap3A_1057, %swap3A_1058] {strides = array<i32>} : memref<8x1024xf32, #tpu.memory_space<vmem>>, vector<1x16xf32>,
        %swap3A_1060 = vector.shape_cast %swap3A_1059 : vector<1x16xf32> to vector<16xf32>
        %swap3A_1061 = vector.shape_cast %rev3A_981 : vector<16xf32> to vector<1x16xf32>
        tpu.vector_store %arg10[%swap3A_1057, %swap3A_1058], %swap3A_1061 {strides = array<i32>} : memref<8x1024xf32, #tpu.memory_space<vmem>>, vector<1x16xf32>,
        %swap3A_1062 = arith.index_cast %scan3A_183 : i32 to index
        %swap3A_1063 = arith.constant 976 : index
        %swap3A_1064 = tpu.vector_load %arg10[%swap3A_1062, %swap3A_1063] {strides = array<i32>} : memref<8x1024xf32, #tpu.memory_space<vmem>>, vector<1x16xf32>,
        %swap3A_1065 = vector.shape_cast %swap3A_1064 : vector<1x16xf32> to vector<16xf32>
        %swap3A_1066 = vector.shape_cast %rev3A_986 : vector<16xf32> to vector<1x16xf32>
        tpu.vector_store %arg10[%swap3A_1062, %swap3A_1063], %swap3A_1066 {strides = array<i32>} : memref<8x1024xf32, #tpu.memory_space<vmem>>, vector<1x16xf32>,
        %swap3A_1067 = arith.index_cast %scan3A_183 : i32 to index
        %swap3A_1068 = arith.constant 992 : index
        %swap3A_1069 = tpu.vector_load %arg10[%swap3A_1067, %swap3A_1068] {strides = array<i32>} : memref<8x1024xf32, #tpu.memory_space<vmem>>, vector<1x16xf32>,
        %swap3A_1070 = vector.shape_cast %swap3A_1069 : vector<1x16xf32> to vector<16xf32>
        %swap3A_1071 = vector.shape_cast %rev3A_991 : vector<16xf32> to vector<1x16xf32>
        tpu.vector_store %arg10[%swap3A_1067, %swap3A_1068], %swap3A_1071 {strides = array<i32>} : memref<8x1024xf32, #tpu.memory_space<vmem>>, vector<1x16xf32>,
        %swap3A_1072 = arith.index_cast %scan3A_183 : i32 to index
        %swap3A_1073 = arith.constant 1008 : index
        %swap3A_1074 = tpu.vector_load %arg10[%swap3A_1072, %swap3A_1073] {strides = array<i32>} : memref<8x1024xf32, #tpu.memory_space<vmem>>, vector<1x16xf32>,
        %swap3A_1075 = vector.shape_cast %swap3A_1074 : vector<1x16xf32> to vector<16xf32>
        %swap3A_1076 = vector.shape_cast %rev3A_996 : vector<16xf32> to vector<1x16xf32>
        tpu.vector_store %arg10[%swap3A_1072, %swap3A_1073], %swap3A_1076 {strides = array<i32>} : memref<8x1024xf32, #tpu.memory_space<vmem>>, vector<1x16xf32>,
      }
      %scan3A_138 = arith.constant 8 : i32
      %dma_start3A_139 = arith.constant 0 : i32
      %dma_start3A_140 = tpu.memref_slice %arg3[%add3A_123, %dma_start3A_139] : memref<16384x1024xf32, #tpu.memory_space<hbm>> -> memref<8x1024xf32, #tpu.memory_space<hbm>>
      %dma_start3A_141 = arith.constant 0 : i32
      %dma_start3A_142 = tpu.memref_slice %arg3[%add3A_123, %dma_start3A_141] : memref<16384x1024xf32, #tpu.memory_space<hbm>> -> memref<8x1024xf32, #tpu.memory_space<hbm>>
      tpu.enqueue_dma source(%arg10 : memref<8x1024xf32, #tpu.memory_space<vmem>>) target(%dma_start3A_142 : memref<8x1024xf32, #tpu.memory_space<hbm>>) target_semaphore(%arg18 : memref<!tpu.dma_semaphore, #tpu.memory_space<semaphore_mem>>)
      %add3A_143 = arith.constant 4 : i32
      %add3A_144 = arith.addi %add3A_120, %add3A_143 : i32
      %lt3A_145 = arith.constant 64 : i32
      %lt3A_146 = arith.cmpi slt, %add3A_144, %lt3A_145 : i32
      %convert_element_type3A_147 = arith.extui %lt3A_146 : i1 to i32
      %cond3A_148 = arith.constant 0 : i32
      %cond3A_149 = arith.cmpi ne, %convert_element_type3A_147, %cond3A_148 : i32
      scf.if %cond3A_149 {
        %add3A_183 = arith.constant 32 : i32
        %add3A_184 = arith.addi %add3A_123, %add3A_183 : i32
        %dma_start3A_185 = arith.constant 0 : i32
        %dma_start3A_186 = tpu.memref_slice %arg2[%add3A_184, %dma_start3A_185] : memref<16384x1024xf32, #tpu.memory_space<hbm>> -> memref<8x1024xf32, #tpu.memory_space<hbm>>
        %dma_start3A_187 = arith.constant 0 : i32
        %dma_start3A_188 = tpu.memref_slice %arg2[%add3A_184, %dma_start3A_187] : memref<16384x1024xf32, #tpu.memory_space<hbm>> -> memref<8x1024xf32, #tpu.memory_space<hbm>>
        tpu.enqueue_dma source(%dma_start3A_188 : memref<8x1024xf32, #tpu.memory_space<hbm>>) target(%arg6 : memref<8x1024xf32, #tpu.memory_space<vmem>>) target_semaphore(%arg14 : memref<!tpu.dma_semaphore, #tpu.memory_space<semaphore_mem>>)
      } else {
      }
      %mul3A_150 = arith.constant 4 : i32
      %mul3A_151 = arith.muli %mul3A_150, %scan3A_54 : i32
      %add3A_152 = arith.constant 3 : i32
      %add3A_153 = arith.addi %mul3A_151, %add3A_152 : i32
      %mul3A_154 = arith.constant 8 : i32
      %mul3A_155 = arith.muli %add3A_153, %mul3A_154 : i32
      %add3A_156 = arith.addi %mul3A_2, %mul3A_155 : i32
      %dma_wait3A_157 = arith.constant 0 : i32
      %dma_wait3A_158 = tpu.memref_slice %arg2[%add3A_156, %dma_wait3A_157] : memref<16384x1024xf32, #tpu.memory_space<hbm>> -> memref<8x1024xf32, #tpu.memory_space<hbm>>
      %dma_wait3A_159 = arith.constant 0 : i32
      %dma_wait3A_160 = tpu.memref_slice %arg2[%add3A_156, %dma_wait3A_159] : memref<16384x1024xf32, #tpu.memory_space<hbm>> -> memref<8x1024xf32, #tpu.memory_space<hbm>>
      tpu.wait_dma2 semaphore(%arg15 : memref<!tpu.dma_semaphore, #tpu.memory_space<semaphore_mem>>) src(%dma_wait3A_160 : memref<8x1024xf32, #tpu.memory_space<hbm>>) dst(%arg7 : memref<8x1024xf32, #tpu.memory_space<vmem>>)
      %ge3A_161 = arith.constant 4 : i32
      %ge3A_162 = arith.cmpi sge, %add3A_153, %ge3A_161 : i32
      %convert_element_type3A_163 = arith.extui %ge3A_162 : i1 to i32
      %cond3A_164 = arith.constant 0 : i32
      %cond3A_165 = arith.cmpi ne, %convert_element_type3A_163, %cond3A_164 : i32
      scf.if %cond3A_165 {
        %sub3A = arith.constant 32 : i32
        %sub3A_183 = arith.subi %add3A_156, %sub3A : i32
        %dma_wait3A_184 = arith.constant 0 : i32
        %dma_wait3A_185 = tpu.memref_slice %arg3[%sub3A_183, %dma_wait3A_184] : memref<16384x1024xf32, #tpu.memory_space<hbm>> -> memref<8x1024xf32, #tpu.memory_space<hbm>>
        %dma_wait3A_186 = arith.constant 0 : i32
        %dma_wait3A_187 = tpu.memref_slice %arg3[%sub3A_183, %dma_wait3A_186] : memref<16384x1024xf32, #tpu.memory_space<hbm>> -> memref<8x1024xf32, #tpu.memory_space<hbm>>
        tpu.wait_dma2 semaphore(%arg19 : memref<!tpu.dma_semaphore, #tpu.memory_space<semaphore_mem>>) src(%arg11 : memref<8x1024xf32, #tpu.memory_space<vmem>>) dst(%dma_wait3A_187 : memref<8x1024xf32, #tpu.memory_space<hbm>>)
      } else {
      }
      %scan3A_166 = arith.constant 0 : i32
      %scan3A_167 = arith.constant 0 : i32
      %scan3A_168 = arith.constant 8 : i32
      %scan3A_169 = arith.addi %scan3A_167, %scan3A_168 : i32
      %scan3A_170 = arith.constant 1 : i32
      scf.for %scan3A_183 = %scan3A_167 to %scan3A_169 step %scan3A_170  : i32 {
        %get3A = arith.index_cast %scan3A_183 : i32 to index
        %get3A_184 = arith.constant 1008 : index
        %get3A_185 = tpu.vector_load %arg7[%get3A, %get3A_184] {strides = array<i32>} : memref<8x1024xf32, #tpu.memory_space<vmem>>, vector<1x16xf32>,
        %get3A_186 = vector.shape_cast %get3A_185 : vector<1x16xf32> to vector<16xf32>
        %get3A_187 = arith.index_cast %scan3A_183 : i32 to index
        %get3A_188 = arith.constant 992 : index
        %get3A_189 = tpu.vector_load %arg7[%get3A_187, %get3A_188] {strides = array<i32>} : memref<8x1024xf32, #tpu.memory_space<vmem>>, vector<1x16xf32>,
        %get3A_190 = vector.shape_cast %get3A_189 : vector<1x16xf32> to vector<16xf32>
        %get3A_191 = arith.index_cast %scan3A_183 : i32 to index
        %get3A_192 = arith.constant 976 : index
        %get3A_193 = tpu.vector_load %arg7[%get3A_191, %get3A_192] {strides = array<i32>} : memref<8x1024xf32, #tpu.memory_space<vmem>>, vector<1x16xf32>,
        %get3A_194 = vector.shape_cast %get3A_193 : vector<1x16xf32> to vector<16xf32>
        %get3A_195 = arith.index_cast %scan3A_183 : i32 to index
        %get3A_196 = arith.constant 960 : index
        %get3A_197 = tpu.vector_load %arg7[%get3A_195, %get3A_196] {strides = array<i32>} : memref<8x1024xf32, #tpu.memory_space<vmem>>, vector<1x16xf32>,
        %get3A_198 = vector.shape_cast %get3A_197 : vector<1x16xf32> to vector<16xf32>
        %get3A_199 = arith.index_cast %scan3A_183 : i32 to index
        %get3A_200 = arith.constant 944 : index
        %get3A_201 = tpu.vector_load %arg7[%get3A_199, %get3A_200] {strides = array<i32>} : memref<8x1024xf32, #tpu.memory_space<vmem>>, vector<1x16xf32>,
        %get3A_202 = vector.shape_cast %get3A_201 : vector<1x16xf32> to vector<16xf32>
        %get3A_203 = arith.index_cast %scan3A_183 : i32 to index
        %get3A_204 = arith.constant 928 : index
        %get3A_205 = tpu.vector_load %arg7[%get3A_203, %get3A_204] {strides = array<i32>} : memref<8x1024xf32, #tpu.memory_space<vmem>>, vector<1x16xf32>,
        %get3A_206 = vector.shape_cast %get3A_205 : vector<1x16xf32> to vector<16xf32>
        %get3A_207 = arith.index_cast %scan3A_183 : i32 to index
        %get3A_208 = arith.constant 912 : index
        %get3A_209 = tpu.vector_load %arg7[%get3A_207, %get3A_208] {strides = array<i32>} : memref<8x1024xf32, #tpu.memory_space<vmem>>, vector<1x16xf32>,
        %get3A_210 = vector.shape_cast %get3A_209 : vector<1x16xf32> to vector<16xf32>
        %get3A_211 = arith.index_cast %scan3A_183 : i32 to index
        %get3A_212 = arith.constant 896 : index
        %get3A_213 = tpu.vector_load %arg7[%get3A_211, %get3A_212] {strides = array<i32>} : memref<8x1024xf32, #tpu.memory_space<vmem>>, vector<1x16xf32>,
        %get3A_214 = vector.shape_cast %get3A_213 : vector<1x16xf32> to vector<16xf32>
        %get3A_215 = arith.index_cast %scan3A_183 : i32 to index
        %get3A_216 = arith.constant 880 : index
        %get3A_217 = tpu.vector_load %arg7[%get3A_215, %get3A_216] {strides = array<i32>} : memref<8x1024xf32, #tpu.memory_space<vmem>>, vector<1x16xf32>,
        %get3A_218 = vector.shape_cast %get3A_217 : vector<1x16xf32> to vector<16xf32>
        %get3A_219 = arith.index_cast %scan3A_183 : i32 to index
        %get3A_220 = arith.constant 864 : index
        %get3A_221 = tpu.vector_load %arg7[%get3A_219, %get3A_220] {strides = array<i32>} : memref<8x1024xf32, #tpu.memory_space<vmem>>, vector<1x16xf32>,
        %get3A_222 = vector.shape_cast %get3A_221 : vector<1x16xf32> to vector<16xf32>
        %get3A_223 = arith.index_cast %scan3A_183 : i32 to index
        %get3A_224 = arith.constant 848 : index
        %get3A_225 = tpu.vector_load %arg7[%get3A_223, %get3A_224] {strides = array<i32>} : memref<8x1024xf32, #tpu.memory_space<vmem>>, vector<1x16xf32>,
        %get3A_226 = vector.shape_cast %get3A_225 : vector<1x16xf32> to vector<16xf32>
        %get3A_227 = arith.index_cast %scan3A_183 : i32 to index
        %get3A_228 = arith.constant 832 : index
        %get3A_229 = tpu.vector_load %arg7[%get3A_227, %get3A_228] {strides = array<i32>} : memref<8x1024xf32, #tpu.memory_space<vmem>>, vector<1x16xf32>,
        %get3A_230 = vector.shape_cast %get3A_229 : vector<1x16xf32> to vector<16xf32>
        %get3A_231 = arith.index_cast %scan3A_183 : i32 to index
        %get3A_232 = arith.constant 816 : index
        %get3A_233 = tpu.vector_load %arg7[%get3A_231, %get3A_232] {strides = array<i32>} : memref<8x1024xf32, #tpu.memory_space<vmem>>, vector<1x16xf32>,
        %get3A_234 = vector.shape_cast %get3A_233 : vector<1x16xf32> to vector<16xf32>
        %get3A_235 = arith.index_cast %scan3A_183 : i32 to index
        %get3A_236 = arith.constant 800 : index
        %get3A_237 = tpu.vector_load %arg7[%get3A_235, %get3A_236] {strides = array<i32>} : memref<8x1024xf32, #tpu.memory_space<vmem>>, vector<1x16xf32>,
        %get3A_238 = vector.shape_cast %get3A_237 : vector<1x16xf32> to vector<16xf32>
        %get3A_239 = arith.index_cast %scan3A_183 : i32 to index
        %get3A_240 = arith.constant 784 : index
        %get3A_241 = tpu.vector_load %arg7[%get3A_239, %get3A_240] {strides = array<i32>} : memref<8x1024xf32, #tpu.memory_space<vmem>>, vector<1x16xf32>,
        %get3A_242 = vector.shape_cast %get3A_241 : vector<1x16xf32> to vector<16xf32>
        %get3A_243 = arith.index_cast %scan3A_183 : i32 to index
        %get3A_244 = arith.constant 768 : index
        %get3A_245 = tpu.vector_load %arg7[%get3A_243, %get3A_244] {strides = array<i32>} : memref<8x1024xf32, #tpu.memory_space<vmem>>, vector<1x16xf32>,
        %get3A_246 = vector.shape_cast %get3A_245 : vector<1x16xf32> to vector<16xf32>
        %rev3A = arith.constant 15 : i32
        %rev3A_247 = vector.broadcast %rev3A : i32 to vector<16xi32>
        %rev3A_248 = tpu.iota {dimensions = array<i32: 0>} : vector<16xi32>
        %rev3A_249 = arith.subi %rev3A_247, %rev3A_248 : vector<16xi32>
        %rev3A_250 = tpu.dynamic_gather %get3A_186[%rev3A_249] in [0] : vector<16xf32>, vector<16xi32> -> vector<16xf32>
        %rev3A_251 = arith.constant 15 : i32
        %rev3A_252 = vector.broadcast %rev3A_251 : i32 to vector<16xi32>
        %rev3A_253 = tpu.iota {dimensions = array<i32: 0>} : vector<16xi32>
        %rev3A_254 = arith.subi %rev3A_252, %rev3A_253 : vector<16xi32>
        %rev3A_255 = tpu.dynamic_gather %get3A_190[%rev3A_254] in [0] : vector<16xf32>, vector<16xi32> -> vector<16xf32>
        %rev3A_256 = arith.constant 15 : i32
        %rev3A_257 = vector.broadcast %rev3A_256 : i32 to vector<16xi32>
        %rev3A_258 = tpu.iota {dimensions = array<i32: 0>} : vector<16xi32>
        %rev3A_259 = arith.subi %rev3A_257, %rev3A_258 : vector<16xi32>
        %rev3A_260 = tpu.dynamic_gather %get3A_194[%rev3A_259] in [0] : vector<16xf32>, vector<16xi32> -> vector<16xf32>
        %rev3A_261 = arith.constant 15 : i32
        %rev3A_262 = vector.broadcast %rev3A_261 : i32 to vector<16xi32>
        %rev3A_263 = tpu.iota {dimensions = array<i32: 0>} : vector<16xi32>
        %rev3A_264 = arith.subi %rev3A_262, %rev3A_263 : vector<16xi32>
        %rev3A_265 = tpu.dynamic_gather %get3A_198[%rev3A_264] in [0] : vector<16xf32>, vector<16xi32> -> vector<16xf32>
        %rev3A_266 = arith.constant 15 : i32
        %rev3A_267 = vector.broadcast %rev3A_266 : i32 to vector<16xi32>
        %rev3A_268 = tpu.iota {dimensions = array<i32: 0>} : vector<16xi32>
        %rev3A_269 = arith.subi %rev3A_267, %rev3A_268 : vector<16xi32>
        %rev3A_270 = tpu.dynamic_gather %get3A_202[%rev3A_269] in [0] : vector<16xf32>, vector<16xi32> -> vector<16xf32>
        %rev3A_271 = arith.constant 15 : i32
        %rev3A_272 = vector.broadcast %rev3A_271 : i32 to vector<16xi32>
        %rev3A_273 = tpu.iota {dimensions = array<i32: 0>} : vector<16xi32>
        %rev3A_274 = arith.subi %rev3A_272, %rev3A_273 : vector<16xi32>
        %rev3A_275 = tpu.dynamic_gather %get3A_206[%rev3A_274] in [0] : vector<16xf32>, vector<16xi32> -> vector<16xf32>
        %rev3A_276 = arith.constant 15 : i32
        %rev3A_277 = vector.broadcast %rev3A_276 : i32 to vector<16xi32>
        %rev3A_278 = tpu.iota {dimensions = array<i32: 0>} : vector<16xi32>
        %rev3A_279 = arith.subi %rev3A_277, %rev3A_278 : vector<16xi32>
        %rev3A_280 = tpu.dynamic_gather %get3A_210[%rev3A_279] in [0] : vector<16xf32>, vector<16xi32> -> vector<16xf32>
        %rev3A_281 = arith.constant 15 : i32
        %rev3A_282 = vector.broadcast %rev3A_281 : i32 to vector<16xi32>
        %rev3A_283 = tpu.iota {dimensions = array<i32: 0>} : vector<16xi32>
        %rev3A_284 = arith.subi %rev3A_282, %rev3A_283 : vector<16xi32>
        %rev3A_285 = tpu.dynamic_gather %get3A_214[%rev3A_284] in [0] : vector<16xf32>, vector<16xi32> -> vector<16xf32>
        %rev3A_286 = arith.constant 15 : i32
        %rev3A_287 = vector.broadcast %rev3A_286 : i32 to vector<16xi32>
        %rev3A_288 = tpu.iota {dimensions = array<i32: 0>} : vector<16xi32>
        %rev3A_289 = arith.subi %rev3A_287, %rev3A_288 : vector<16xi32>
        %rev3A_290 = tpu.dynamic_gather %get3A_218[%rev3A_289] in [0] : vector<16xf32>, vector<16xi32> -> vector<16xf32>
        %rev3A_291 = arith.constant 15 : i32
        %rev3A_292 = vector.broadcast %rev3A_291 : i32 to vector<16xi32>
        %rev3A_293 = tpu.iota {dimensions = array<i32: 0>} : vector<16xi32>
        %rev3A_294 = arith.subi %rev3A_292, %rev3A_293 : vector<16xi32>
        %rev3A_295 = tpu.dynamic_gather %get3A_222[%rev3A_294] in [0] : vector<16xf32>, vector<16xi32> -> vector<16xf32>
        %rev3A_296 = arith.constant 15 : i32
        %rev3A_297 = vector.broadcast %rev3A_296 : i32 to vector<16xi32>
        %rev3A_298 = tpu.iota {dimensions = array<i32: 0>} : vector<16xi32>
        %rev3A_299 = arith.subi %rev3A_297, %rev3A_298 : vector<16xi32>
        %rev3A_300 = tpu.dynamic_gather %get3A_226[%rev3A_299] in [0] : vector<16xf32>, vector<16xi32> -> vector<16xf32>
        %rev3A_301 = arith.constant 15 : i32
        %rev3A_302 = vector.broadcast %rev3A_301 : i32 to vector<16xi32>
        %rev3A_303 = tpu.iota {dimensions = array<i32: 0>} : vector<16xi32>
        %rev3A_304 = arith.subi %rev3A_302, %rev3A_303 : vector<16xi32>
        %rev3A_305 = tpu.dynamic_gather %get3A_230[%rev3A_304] in [0] : vector<16xf32>, vector<16xi32> -> vector<16xf32>
        %rev3A_306 = arith.constant 15 : i32
        %rev3A_307 = vector.broadcast %rev3A_306 : i32 to vector<16xi32>
        %rev3A_308 = tpu.iota {dimensions = array<i32: 0>} : vector<16xi32>
        %rev3A_309 = arith.subi %rev3A_307, %rev3A_308 : vector<16xi32>
        %rev3A_310 = tpu.dynamic_gather %get3A_234[%rev3A_309] in [0] : vector<16xf32>, vector<16xi32> -> vector<16xf32>
        %rev3A_311 = arith.constant 15 : i32
        %rev3A_312 = vector.broadcast %rev3A_311 : i32 to vector<16xi32>
        %rev3A_313 = tpu.iota {dimensions = array<i32: 0>} : vector<16xi32>
        %rev3A_314 = arith.subi %rev3A_312, %rev3A_313 : vector<16xi32>
        %rev3A_315 = tpu.dynamic_gather %get3A_238[%rev3A_314] in [0] : vector<16xf32>, vector<16xi32> -> vector<16xf32>
        %rev3A_316 = arith.constant 15 : i32
        %rev3A_317 = vector.broadcast %rev3A_316 : i32 to vector<16xi32>
        %rev3A_318 = tpu.iota {dimensions = array<i32: 0>} : vector<16xi32>
        %rev3A_319 = arith.subi %rev3A_317, %rev3A_318 : vector<16xi32>
        %rev3A_320 = tpu.dynamic_gather %get3A_242[%rev3A_319] in [0] : vector<16xf32>, vector<16xi32> -> vector<16xf32>
        %rev3A_321 = arith.constant 15 : i32
        %rev3A_322 = vector.broadcast %rev3A_321 : i32 to vector<16xi32>
        %rev3A_323 = tpu.iota {dimensions = array<i32: 0>} : vector<16xi32>
        %rev3A_324 = arith.subi %rev3A_322, %rev3A_323 : vector<16xi32>
        %rev3A_325 = tpu.dynamic_gather %get3A_246[%rev3A_324] in [0] : vector<16xf32>, vector<16xi32> -> vector<16xf32>
        %swap3A = arith.index_cast %scan3A_183 : i32 to index
        %swap3A_326 = arith.constant 0 : index
        %swap3A_327 = tpu.vector_load %arg11[%swap3A, %swap3A_326] {strides = array<i32>} : memref<8x1024xf32, #tpu.memory_space<vmem>>, vector<1x16xf32>,
        %swap3A_328 = vector.shape_cast %swap3A_327 : vector<1x16xf32> to vector<16xf32>
        %swap3A_329 = vector.shape_cast %rev3A_250 : vector<16xf32> to vector<1x16xf32>
        tpu.vector_store %arg11[%swap3A, %swap3A_326], %swap3A_329 {strides = array<i32>} : memref<8x1024xf32, #tpu.memory_space<vmem>>, vector<1x16xf32>,
        %swap3A_330 = arith.index_cast %scan3A_183 : i32 to index
        %swap3A_331 = arith.constant 16 : index
        %swap3A_332 = tpu.vector_load %arg11[%swap3A_330, %swap3A_331] {strides = array<i32>} : memref<8x1024xf32, #tpu.memory_space<vmem>>, vector<1x16xf32>,
        %swap3A_333 = vector.shape_cast %swap3A_332 : vector<1x16xf32> to vector<16xf32>
        %swap3A_334 = vector.shape_cast %rev3A_255 : vector<16xf32> to vector<1x16xf32>
        tpu.vector_store %arg11[%swap3A_330, %swap3A_331], %swap3A_334 {strides = array<i32>} : memref<8x1024xf32, #tpu.memory_space<vmem>>, vector<1x16xf32>,
        %swap3A_335 = arith.index_cast %scan3A_183 : i32 to index
        %swap3A_336 = arith.constant 32 : index
        %swap3A_337 = tpu.vector_load %arg11[%swap3A_335, %swap3A_336] {strides = array<i32>} : memref<8x1024xf32, #tpu.memory_space<vmem>>, vector<1x16xf32>,
        %swap3A_338 = vector.shape_cast %swap3A_337 : vector<1x16xf32> to vector<16xf32>
        %swap3A_339 = vector.shape_cast %rev3A_260 : vector<16xf32> to vector<1x16xf32>
        tpu.vector_store %arg11[%swap3A_335, %swap3A_336], %swap3A_339 {strides = array<i32>} : memref<8x1024xf32, #tpu.memory_space<vmem>>, vector<1x16xf32>,
        %swap3A_340 = arith.index_cast %scan3A_183 : i32 to index
        %swap3A_341 = arith.constant 48 : index
        %swap3A_342 = tpu.vector_load %arg11[%swap3A_340, %swap3A_341] {strides = array<i32>} : memref<8x1024xf32, #tpu.memory_space<vmem>>, vector<1x16xf32>,
        %swap3A_343 = vector.shape_cast %swap3A_342 : vector<1x16xf32> to vector<16xf32>
        %swap3A_344 = vector.shape_cast %rev3A_265 : vector<16xf32> to vector<1x16xf32>
        tpu.vector_store %arg11[%swap3A_340, %swap3A_341], %swap3A_344 {strides = array<i32>} : memref<8x1024xf32, #tpu.memory_space<vmem>>, vector<1x16xf32>,
        %swap3A_345 = arith.index_cast %scan3A_183 : i32 to index
        %swap3A_346 = arith.constant 64 : index
        %swap3A_347 = tpu.vector_load %arg11[%swap3A_345, %swap3A_346] {strides = array<i32>} : memref<8x1024xf32, #tpu.memory_space<vmem>>, vector<1x16xf32>,
        %swap3A_348 = vector.shape_cast %swap3A_347 : vector<1x16xf32> to vector<16xf32>
        %swap3A_349 = vector.shape_cast %rev3A_270 : vector<16xf32> to vector<1x16xf32>
        tpu.vector_store %arg11[%swap3A_345, %swap3A_346], %swap3A_349 {strides = array<i32>} : memref<8x1024xf32, #tpu.memory_space<vmem>>, vector<1x16xf32>,
        %swap3A_350 = arith.index_cast %scan3A_183 : i32 to index
        %swap3A_351 = arith.constant 80 : index
        %swap3A_352 = tpu.vector_load %arg11[%swap3A_350, %swap3A_351] {strides = array<i32>} : memref<8x1024xf32, #tpu.memory_space<vmem>>, vector<1x16xf32>,
        %swap3A_353 = vector.shape_cast %swap3A_352 : vector<1x16xf32> to vector<16xf32>
        %swap3A_354 = vector.shape_cast %rev3A_275 : vector<16xf32> to vector<1x16xf32>
        tpu.vector_store %arg11[%swap3A_350, %swap3A_351], %swap3A_354 {strides = array<i32>} : memref<8x1024xf32, #tpu.memory_space<vmem>>, vector<1x16xf32>,
        %swap3A_355 = arith.index_cast %scan3A_183 : i32 to index
        %swap3A_356 = arith.constant 96 : index
        %swap3A_357 = tpu.vector_load %arg11[%swap3A_355, %swap3A_356] {strides = array<i32>} : memref<8x1024xf32, #tpu.memory_space<vmem>>, vector<1x16xf32>,
        %swap3A_358 = vector.shape_cast %swap3A_357 : vector<1x16xf32> to vector<16xf32>
        %swap3A_359 = vector.shape_cast %rev3A_280 : vector<16xf32> to vector<1x16xf32>
        tpu.vector_store %arg11[%swap3A_355, %swap3A_356], %swap3A_359 {strides = array<i32>} : memref<8x1024xf32, #tpu.memory_space<vmem>>, vector<1x16xf32>,
        %swap3A_360 = arith.index_cast %scan3A_183 : i32 to index
        %swap3A_361 = arith.constant 112 : index
        %swap3A_362 = tpu.vector_load %arg11[%swap3A_360, %swap3A_361] {strides = array<i32>} : memref<8x1024xf32, #tpu.memory_space<vmem>>, vector<1x16xf32>,
        %swap3A_363 = vector.shape_cast %swap3A_362 : vector<1x16xf32> to vector<16xf32>
        %swap3A_364 = vector.shape_cast %rev3A_285 : vector<16xf32> to vector<1x16xf32>
        tpu.vector_store %arg11[%swap3A_360, %swap3A_361], %swap3A_364 {strides = array<i32>} : memref<8x1024xf32, #tpu.memory_space<vmem>>, vector<1x16xf32>,
        %swap3A_365 = arith.index_cast %scan3A_183 : i32 to index
        %swap3A_366 = arith.constant 128 : index
        %swap3A_367 = tpu.vector_load %arg11[%swap3A_365, %swap3A_366] {strides = array<i32>} : memref<8x1024xf32, #tpu.memory_space<vmem>>, vector<1x16xf32>,
        %swap3A_368 = vector.shape_cast %swap3A_367 : vector<1x16xf32> to vector<16xf32>
        %swap3A_369 = vector.shape_cast %rev3A_290 : vector<16xf32> to vector<1x16xf32>
        tpu.vector_store %arg11[%swap3A_365, %swap3A_366], %swap3A_369 {strides = array<i32>} : memref<8x1024xf32, #tpu.memory_space<vmem>>, vector<1x16xf32>,
        %swap3A_370 = arith.index_cast %scan3A_183 : i32 to index
        %swap3A_371 = arith.constant 144 : index
        %swap3A_372 = tpu.vector_load %arg11[%swap3A_370, %swap3A_371] {strides = array<i32>} : memref<8x1024xf32, #tpu.memory_space<vmem>>, vector<1x16xf32>,
        %swap3A_373 = vector.shape_cast %swap3A_372 : vector<1x16xf32> to vector<16xf32>
        %swap3A_374 = vector.shape_cast %rev3A_295 : vector<16xf32> to vector<1x16xf32>
        tpu.vector_store %arg11[%swap3A_370, %swap3A_371], %swap3A_374 {strides = array<i32>} : memref<8x1024xf32, #tpu.memory_space<vmem>>, vector<1x16xf32>,
        %swap3A_375 = arith.index_cast %scan3A_183 : i32 to index
        %swap3A_376 = arith.constant 160 : index
        %swap3A_377 = tpu.vector_load %arg11[%swap3A_375, %swap3A_376] {strides = array<i32>} : memref<8x1024xf32, #tpu.memory_space<vmem>>, vector<1x16xf32>,
        %swap3A_378 = vector.shape_cast %swap3A_377 : vector<1x16xf32> to vector<16xf32>
        %swap3A_379 = vector.shape_cast %rev3A_300 : vector<16xf32> to vector<1x16xf32>
        tpu.vector_store %arg11[%swap3A_375, %swap3A_376], %swap3A_379 {strides = array<i32>} : memref<8x1024xf32, #tpu.memory_space<vmem>>, vector<1x16xf32>,
        %swap3A_380 = arith.index_cast %scan3A_183 : i32 to index
        %swap3A_381 = arith.constant 176 : index
        %swap3A_382 = tpu.vector_load %arg11[%swap3A_380, %swap3A_381] {strides = array<i32>} : memref<8x1024xf32, #tpu.memory_space<vmem>>, vector<1x16xf32>,
        %swap3A_383 = vector.shape_cast %swap3A_382 : vector<1x16xf32> to vector<16xf32>
        %swap3A_384 = vector.shape_cast %rev3A_305 : vector<16xf32> to vector<1x16xf32>
        tpu.vector_store %arg11[%swap3A_380, %swap3A_381], %swap3A_384 {strides = array<i32>} : memref<8x1024xf32, #tpu.memory_space<vmem>>, vector<1x16xf32>,
        %swap3A_385 = arith.index_cast %scan3A_183 : i32 to index
        %swap3A_386 = arith.constant 192 : index
        %swap3A_387 = tpu.vector_load %arg11[%swap3A_385, %swap3A_386] {strides = array<i32>} : memref<8x1024xf32, #tpu.memory_space<vmem>>, vector<1x16xf32>,
        %swap3A_388 = vector.shape_cast %swap3A_387 : vector<1x16xf32> to vector<16xf32>
        %swap3A_389 = vector.shape_cast %rev3A_310 : vector<16xf32> to vector<1x16xf32>
        tpu.vector_store %arg11[%swap3A_385, %swap3A_386], %swap3A_389 {strides = array<i32>} : memref<8x1024xf32, #tpu.memory_space<vmem>>, vector<1x16xf32>,
        %swap3A_390 = arith.index_cast %scan3A_183 : i32 to index
        %swap3A_391 = arith.constant 208 : index
        %swap3A_392 = tpu.vector_load %arg11[%swap3A_390, %swap3A_391] {strides = array<i32>} : memref<8x1024xf32, #tpu.memory_space<vmem>>, vector<1x16xf32>,
        %swap3A_393 = vector.shape_cast %swap3A_392 : vector<1x16xf32> to vector<16xf32>
        %swap3A_394 = vector.shape_cast %rev3A_315 : vector<16xf32> to vector<1x16xf32>
        tpu.vector_store %arg11[%swap3A_390, %swap3A_391], %swap3A_394 {strides = array<i32>} : memref<8x1024xf32, #tpu.memory_space<vmem>>, vector<1x16xf32>,
        %swap3A_395 = arith.index_cast %scan3A_183 : i32 to index
        %swap3A_396 = arith.constant 224 : index
        %swap3A_397 = tpu.vector_load %arg11[%swap3A_395, %swap3A_396] {strides = array<i32>} : memref<8x1024xf32, #tpu.memory_space<vmem>>, vector<1x16xf32>,
        %swap3A_398 = vector.shape_cast %swap3A_397 : vector<1x16xf32> to vector<16xf32>
        %swap3A_399 = vector.shape_cast %rev3A_320 : vector<16xf32> to vector<1x16xf32>
        tpu.vector_store %arg11[%swap3A_395, %swap3A_396], %swap3A_399 {strides = array<i32>} : memref<8x1024xf32, #tpu.memory_space<vmem>>, vector<1x16xf32>,
        %swap3A_400 = arith.index_cast %scan3A_183 : i32 to index
        %swap3A_401 = arith.constant 240 : index
        %swap3A_402 = tpu.vector_load %arg11[%swap3A_400, %swap3A_401] {strides = array<i32>} : memref<8x1024xf32, #tpu.memory_space<vmem>>, vector<1x16xf32>,
        %swap3A_403 = vector.shape_cast %swap3A_402 : vector<1x16xf32> to vector<16xf32>
        %swap3A_404 = vector.shape_cast %rev3A_325 : vector<16xf32> to vector<1x16xf32>
        tpu.vector_store %arg11[%swap3A_400, %swap3A_401], %swap3A_404 {strides = array<i32>} : memref<8x1024xf32, #tpu.memory_space<vmem>>, vector<1x16xf32>,
        %get3A_405 = arith.index_cast %scan3A_183 : i32 to index
        %get3A_406 = arith.constant 752 : index
        %get3A_407 = tpu.vector_load %arg7[%get3A_405, %get3A_406] {strides = array<i32>} : memref<8x1024xf32, #tpu.memory_space<vmem>>, vector<1x16xf32>,
        %get3A_408 = vector.shape_cast %get3A_407 : vector<1x16xf32> to vector<16xf32>
        %get3A_409 = arith.index_cast %scan3A_183 : i32 to index
        %get3A_410 = arith.constant 736 : index
        %get3A_411 = tpu.vector_load %arg7[%get3A_409, %get3A_410] {strides = array<i32>} : memref<8x1024xf32, #tpu.memory_space<vmem>>, vector<1x16xf32>,
        %get3A_412 = vector.shape_cast %get3A_411 : vector<1x16xf32> to vector<16xf32>
        %get3A_413 = arith.index_cast %scan3A_183 : i32 to index
        %get3A_414 = arith.constant 720 : index
        %get3A_415 = tpu.vector_load %arg7[%get3A_413, %get3A_414] {strides = array<i32>} : memref<8x1024xf32, #tpu.memory_space<vmem>>, vector<1x16xf32>,
        %get3A_416 = vector.shape_cast %get3A_415 : vector<1x16xf32> to vector<16xf32>
        %get3A_417 = arith.index_cast %scan3A_183 : i32 to index
        %get3A_418 = arith.constant 704 : index
        %get3A_419 = tpu.vector_load %arg7[%get3A_417, %get3A_418] {strides = array<i32>} : memref<8x1024xf32, #tpu.memory_space<vmem>>, vector<1x16xf32>,
        %get3A_420 = vector.shape_cast %get3A_419 : vector<1x16xf32> to vector<16xf32>
        %get3A_421 = arith.index_cast %scan3A_183 : i32 to index
        %get3A_422 = arith.constant 688 : index
        %get3A_423 = tpu.vector_load %arg7[%get3A_421, %get3A_422] {strides = array<i32>} : memref<8x1024xf32, #tpu.memory_space<vmem>>, vector<1x16xf32>,
        %get3A_424 = vector.shape_cast %get3A_423 : vector<1x16xf32> to vector<16xf32>
        %get3A_425 = arith.index_cast %scan3A_183 : i32 to index
        %get3A_426 = arith.constant 672 : index
        %get3A_427 = tpu.vector_load %arg7[%get3A_425, %get3A_426] {strides = array<i32>} : memref<8x1024xf32, #tpu.memory_space<vmem>>, vector<1x16xf32>,
        %get3A_428 = vector.shape_cast %get3A_427 : vector<1x16xf32> to vector<16xf32>
        %get3A_429 = arith.index_cast %scan3A_183 : i32 to index
        %get3A_430 = arith.constant 656 : index
        %get3A_431 = tpu.vector_load %arg7[%get3A_429, %get3A_430] {strides = array<i32>} : memref<8x1024xf32, #tpu.memory_space<vmem>>, vector<1x16xf32>,
        %get3A_432 = vector.shape_cast %get3A_431 : vector<1x16xf32> to vector<16xf32>
        %get3A_433 = arith.index_cast %scan3A_183 : i32 to index
        %get3A_434 = arith.constant 640 : index
        %get3A_435 = tpu.vector_load %arg7[%get3A_433, %get3A_434] {strides = array<i32>} : memref<8x1024xf32, #tpu.memory_space<vmem>>, vector<1x16xf32>,
        %get3A_436 = vector.shape_cast %get3A_435 : vector<1x16xf32> to vector<16xf32>
        %get3A_437 = arith.index_cast %scan3A_183 : i32 to index
        %get3A_438 = arith.constant 624 : index
        %get3A_439 = tpu.vector_load %arg7[%get3A_437, %get3A_438] {strides = array<i32>} : memref<8x1024xf32, #tpu.memory_space<vmem>>, vector<1x16xf32>,
        %get3A_440 = vector.shape_cast %get3A_439 : vector<1x16xf32> to vector<16xf32>
        %get3A_441 = arith.index_cast %scan3A_183 : i32 to index
        %get3A_442 = arith.constant 608 : index
        %get3A_443 = tpu.vector_load %arg7[%get3A_441, %get3A_442] {strides = array<i32>} : memref<8x1024xf32, #tpu.memory_space<vmem>>, vector<1x16xf32>,
        %get3A_444 = vector.shape_cast %get3A_443 : vector<1x16xf32> to vector<16xf32>
        %get3A_445 = arith.index_cast %scan3A_183 : i32 to index
        %get3A_446 = arith.constant 592 : index
        %get3A_447 = tpu.vector_load %arg7[%get3A_445, %get3A_446] {strides = array<i32>} : memref<8x1024xf32, #tpu.memory_space<vmem>>, vector<1x16xf32>,
        %get3A_448 = vector.shape_cast %get3A_447 : vector<1x16xf32> to vector<16xf32>
        %get3A_449 = arith.index_cast %scan3A_183 : i32 to index
        %get3A_450 = arith.constant 576 : index
        %get3A_451 = tpu.vector_load %arg7[%get3A_449, %get3A_450] {strides = array<i32>} : memref<8x1024xf32, #tpu.memory_space<vmem>>, vector<1x16xf32>,
        %get3A_452 = vector.shape_cast %get3A_451 : vector<1x16xf32> to vector<16xf32>
        %get3A_453 = arith.index_cast %scan3A_183 : i32 to index
        %get3A_454 = arith.constant 560 : index
        %get3A_455 = tpu.vector_load %arg7[%get3A_453, %get3A_454] {strides = array<i32>} : memref<8x1024xf32, #tpu.memory_space<vmem>>, vector<1x16xf32>,
        %get3A_456 = vector.shape_cast %get3A_455 : vector<1x16xf32> to vector<16xf32>
        %get3A_457 = arith.index_cast %scan3A_183 : i32 to index
        %get3A_458 = arith.constant 544 : index
        %get3A_459 = tpu.vector_load %arg7[%get3A_457, %get3A_458] {strides = array<i32>} : memref<8x1024xf32, #tpu.memory_space<vmem>>, vector<1x16xf32>,
        %get3A_460 = vector.shape_cast %get3A_459 : vector<1x16xf32> to vector<16xf32>
        %get3A_461 = arith.index_cast %scan3A_183 : i32 to index
        %get3A_462 = arith.constant 528 : index
        %get3A_463 = tpu.vector_load %arg7[%get3A_461, %get3A_462] {strides = array<i32>} : memref<8x1024xf32, #tpu.memory_space<vmem>>, vector<1x16xf32>,
        %get3A_464 = vector.shape_cast %get3A_463 : vector<1x16xf32> to vector<16xf32>
        %get3A_465 = arith.index_cast %scan3A_183 : i32 to index
        %get3A_466 = arith.constant 512 : index
        %get3A_467 = tpu.vector_load %arg7[%get3A_465, %get3A_466] {strides = array<i32>} : memref<8x1024xf32, #tpu.memory_space<vmem>>, vector<1x16xf32>,
        %get3A_468 = vector.shape_cast %get3A_467 : vector<1x16xf32> to vector<16xf32>
        %rev3A_469 = arith.constant 15 : i32
        %rev3A_470 = vector.broadcast %rev3A_469 : i32 to vector<16xi32>
        %rev3A_471 = tpu.iota {dimensions = array<i32: 0>} : vector<16xi32>
        %rev3A_472 = arith.subi %rev3A_470, %rev3A_471 : vector<16xi32>
        %rev3A_473 = tpu.dynamic_gather %get3A_408[%rev3A_472] in [0] : vector<16xf32>, vector<16xi32> -> vector<16xf32>
        %rev3A_474 = arith.constant 15 : i32
        %rev3A_475 = vector.broadcast %rev3A_474 : i32 to vector<16xi32>
        %rev3A_476 = tpu.iota {dimensions = array<i32: 0>} : vector<16xi32>
        %rev3A_477 = arith.subi %rev3A_475, %rev3A_476 : vector<16xi32>
        %rev3A_478 = tpu.dynamic_gather %get3A_412[%rev3A_477] in [0] : vector<16xf32>, vector<16xi32> -> vector<16xf32>
        %rev3A_479 = arith.constant 15 : i32
        %rev3A_480 = vector.broadcast %rev3A_479 : i32 to vector<16xi32>
        %rev3A_481 = tpu.iota {dimensions = array<i32: 0>} : vector<16xi32>
        %rev3A_482 = arith.subi %rev3A_480, %rev3A_481 : vector<16xi32>
        %rev3A_483 = tpu.dynamic_gather %get3A_416[%rev3A_482] in [0] : vector<16xf32>, vector<16xi32> -> vector<16xf32>
        %rev3A_484 = arith.constant 15 : i32
        %rev3A_485 = vector.broadcast %rev3A_484 : i32 to vector<16xi32>
        %rev3A_486 = tpu.iota {dimensions = array<i32: 0>} : vector<16xi32>
        %rev3A_487 = arith.subi %rev3A_485, %rev3A_486 : vector<16xi32>
        %rev3A_488 = tpu.dynamic_gather %get3A_420[%rev3A_487] in [0] : vector<16xf32>, vector<16xi32> -> vector<16xf32>
        %rev3A_489 = arith.constant 15 : i32
        %rev3A_490 = vector.broadcast %rev3A_489 : i32 to vector<16xi32>
        %rev3A_491 = tpu.iota {dimensions = array<i32: 0>} : vector<16xi32>
        %rev3A_492 = arith.subi %rev3A_490, %rev3A_491 : vector<16xi32>
        %rev3A_493 = tpu.dynamic_gather %get3A_424[%rev3A_492] in [0] : vector<16xf32>, vector<16xi32> -> vector<16xf32>
        %rev3A_494 = arith.constant 15 : i32
        %rev3A_495 = vector.broadcast %rev3A_494 : i32 to vector<16xi32>
        %rev3A_496 = tpu.iota {dimensions = array<i32: 0>} : vector<16xi32>
        %rev3A_497 = arith.subi %rev3A_495, %rev3A_496 : vector<16xi32>
        %rev3A_498 = tpu.dynamic_gather %get3A_428[%rev3A_497] in [0] : vector<16xf32>, vector<16xi32> -> vector<16xf32>
        %rev3A_499 = arith.constant 15 : i32
        %rev3A_500 = vector.broadcast %rev3A_499 : i32 to vector<16xi32>
        %rev3A_501 = tpu.iota {dimensions = array<i32: 0>} : vector<16xi32>
        %rev3A_502 = arith.subi %rev3A_500, %rev3A_501 : vector<16xi32>
        %rev3A_503 = tpu.dynamic_gather %get3A_432[%rev3A_502] in [0] : vector<16xf32>, vector<16xi32> -> vector<16xf32>
        %rev3A_504 = arith.constant 15 : i32
        %rev3A_505 = vector.broadcast %rev3A_504 : i32 to vector<16xi32>
        %rev3A_506 = tpu.iota {dimensions = array<i32: 0>} : vector<16xi32>
        %rev3A_507 = arith.subi %rev3A_505, %rev3A_506 : vector<16xi32>
        %rev3A_508 = tpu.dynamic_gather %get3A_436[%rev3A_507] in [0] : vector<16xf32>, vector<16xi32> -> vector<16xf32>
        %rev3A_509 = arith.constant 15 : i32
        %rev3A_510 = vector.broadcast %rev3A_509 : i32 to vector<16xi32>
        %rev3A_511 = tpu.iota {dimensions = array<i32: 0>} : vector<16xi32>
        %rev3A_512 = arith.subi %rev3A_510, %rev3A_511 : vector<16xi32>
        %rev3A_513 = tpu.dynamic_gather %get3A_440[%rev3A_512] in [0] : vector<16xf32>, vector<16xi32> -> vector<16xf32>
        %rev3A_514 = arith.constant 15 : i32
        %rev3A_515 = vector.broadcast %rev3A_514 : i32 to vector<16xi32>
        %rev3A_516 = tpu.iota {dimensions = array<i32: 0>} : vector<16xi32>
        %rev3A_517 = arith.subi %rev3A_515, %rev3A_516 : vector<16xi32>
        %rev3A_518 = tpu.dynamic_gather %get3A_444[%rev3A_517] in [0] : vector<16xf32>, vector<16xi32> -> vector<16xf32>
        %rev3A_519 = arith.constant 15 : i32
        %rev3A_520 = vector.broadcast %rev3A_519 : i32 to vector<16xi32>
        %rev3A_521 = tpu.iota {dimensions = array<i32: 0>} : vector<16xi32>
        %rev3A_522 = arith.subi %rev3A_520, %rev3A_521 : vector<16xi32>
        %rev3A_523 = tpu.dynamic_gather %get3A_448[%rev3A_522] in [0] : vector<16xf32>, vector<16xi32> -> vector<16xf32>
        %rev3A_524 = arith.constant 15 : i32
        %rev3A_525 = vector.broadcast %rev3A_524 : i32 to vector<16xi32>
        %rev3A_526 = tpu.iota {dimensions = array<i32: 0>} : vector<16xi32>
        %rev3A_527 = arith.subi %rev3A_525, %rev3A_526 : vector<16xi32>
        %rev3A_528 = tpu.dynamic_gather %get3A_452[%rev3A_527] in [0] : vector<16xf32>, vector<16xi32> -> vector<16xf32>
        %rev3A_529 = arith.constant 15 : i32
        %rev3A_530 = vector.broadcast %rev3A_529 : i32 to vector<16xi32>
        %rev3A_531 = tpu.iota {dimensions = array<i32: 0>} : vector<16xi32>
        %rev3A_532 = arith.subi %rev3A_530, %rev3A_531 : vector<16xi32>
        %rev3A_533 = tpu.dynamic_gather %get3A_456[%rev3A_532] in [0] : vector<16xf32>, vector<16xi32> -> vector<16xf32>
        %rev3A_534 = arith.constant 15 : i32
        %rev3A_535 = vector.broadcast %rev3A_534 : i32 to vector<16xi32>
        %rev3A_536 = tpu.iota {dimensions = array<i32: 0>} : vector<16xi32>
        %rev3A_537 = arith.subi %rev3A_535, %rev3A_536 : vector<16xi32>
        %rev3A_538 = tpu.dynamic_gather %get3A_460[%rev3A_537] in [0] : vector<16xf32>, vector<16xi32> -> vector<16xf32>
        %rev3A_539 = arith.constant 15 : i32
        %rev3A_540 = vector.broadcast %rev3A_539 : i32 to vector<16xi32>
        %rev3A_541 = tpu.iota {dimensions = array<i32: 0>} : vector<16xi32>
        %rev3A_542 = arith.subi %rev3A_540, %rev3A_541 : vector<16xi32>
        %rev3A_543 = tpu.dynamic_gather %get3A_464[%rev3A_542] in [0] : vector<16xf32>, vector<16xi32> -> vector<16xf32>
        %rev3A_544 = arith.constant 15 : i32
        %rev3A_545 = vector.broadcast %rev3A_544 : i32 to vector<16xi32>
        %rev3A_546 = tpu.iota {dimensions = array<i32: 0>} : vector<16xi32>
        %rev3A_547 = arith.subi %rev3A_545, %rev3A_546 : vector<16xi32>
        %rev3A_548 = tpu.dynamic_gather %get3A_468[%rev3A_547] in [0] : vector<16xf32>, vector<16xi32> -> vector<16xf32>
        %swap3A_549 = arith.index_cast %scan3A_183 : i32 to index
        %swap3A_550 = arith.constant 256 : index
        %swap3A_551 = tpu.vector_load %arg11[%swap3A_549, %swap3A_550] {strides = array<i32>} : memref<8x1024xf32, #tpu.memory_space<vmem>>, vector<1x16xf32>,
        %swap3A_552 = vector.shape_cast %swap3A_551 : vector<1x16xf32> to vector<16xf32>
        %swap3A_553 = vector.shape_cast %rev3A_473 : vector<16xf32> to vector<1x16xf32>
        tpu.vector_store %arg11[%swap3A_549, %swap3A_550], %swap3A_553 {strides = array<i32>} : memref<8x1024xf32, #tpu.memory_space<vmem>>, vector<1x16xf32>,
        %swap3A_554 = arith.index_cast %scan3A_183 : i32 to index
        %swap3A_555 = arith.constant 272 : index
        %swap3A_556 = tpu.vector_load %arg11[%swap3A_554, %swap3A_555] {strides = array<i32>} : memref<8x1024xf32, #tpu.memory_space<vmem>>, vector<1x16xf32>,
        %swap3A_557 = vector.shape_cast %swap3A_556 : vector<1x16xf32> to vector<16xf32>
        %swap3A_558 = vector.shape_cast %rev3A_478 : vector<16xf32> to vector<1x16xf32>
        tpu.vector_store %arg11[%swap3A_554, %swap3A_555], %swap3A_558 {strides = array<i32>} : memref<8x1024xf32, #tpu.memory_space<vmem>>, vector<1x16xf32>,
        %swap3A_559 = arith.index_cast %scan3A_183 : i32 to index
        %swap3A_560 = arith.constant 288 : index
        %swap3A_561 = tpu.vector_load %arg11[%swap3A_559, %swap3A_560] {strides = array<i32>} : memref<8x1024xf32, #tpu.memory_space<vmem>>, vector<1x16xf32>,
        %swap3A_562 = vector.shape_cast %swap3A_561 : vector<1x16xf32> to vector<16xf32>
        %swap3A_563 = vector.shape_cast %rev3A_483 : vector<16xf32> to vector<1x16xf32>
        tpu.vector_store %arg11[%swap3A_559, %swap3A_560], %swap3A_563 {strides = array<i32>} : memref<8x1024xf32, #tpu.memory_space<vmem>>, vector<1x16xf32>,
        %swap3A_564 = arith.index_cast %scan3A_183 : i32 to index
        %swap3A_565 = arith.constant 304 : index
        %swap3A_566 = tpu.vector_load %arg11[%swap3A_564, %swap3A_565] {strides = array<i32>} : memref<8x1024xf32, #tpu.memory_space<vmem>>, vector<1x16xf32>,
        %swap3A_567 = vector.shape_cast %swap3A_566 : vector<1x16xf32> to vector<16xf32>
        %swap3A_568 = vector.shape_cast %rev3A_488 : vector<16xf32> to vector<1x16xf32>
        tpu.vector_store %arg11[%swap3A_564, %swap3A_565], %swap3A_568 {strides = array<i32>} : memref<8x1024xf32, #tpu.memory_space<vmem>>, vector<1x16xf32>,
        %swap3A_569 = arith.index_cast %scan3A_183 : i32 to index
        %swap3A_570 = arith.constant 320 : index
        %swap3A_571 = tpu.vector_load %arg11[%swap3A_569, %swap3A_570] {strides = array<i32>} : memref<8x1024xf32, #tpu.memory_space<vmem>>, vector<1x16xf32>,
        %swap3A_572 = vector.shape_cast %swap3A_571 : vector<1x16xf32> to vector<16xf32>
        %swap3A_573 = vector.shape_cast %rev3A_493 : vector<16xf32> to vector<1x16xf32>
        tpu.vector_store %arg11[%swap3A_569, %swap3A_570], %swap3A_573 {strides = array<i32>} : memref<8x1024xf32, #tpu.memory_space<vmem>>, vector<1x16xf32>,
        %swap3A_574 = arith.index_cast %scan3A_183 : i32 to index
        %swap3A_575 = arith.constant 336 : index
        %swap3A_576 = tpu.vector_load %arg11[%swap3A_574, %swap3A_575] {strides = array<i32>} : memref<8x1024xf32, #tpu.memory_space<vmem>>, vector<1x16xf32>,
        %swap3A_577 = vector.shape_cast %swap3A_576 : vector<1x16xf32> to vector<16xf32>
        %swap3A_578 = vector.shape_cast %rev3A_498 : vector<16xf32> to vector<1x16xf32>
        tpu.vector_store %arg11[%swap3A_574, %swap3A_575], %swap3A_578 {strides = array<i32>} : memref<8x1024xf32, #tpu.memory_space<vmem>>, vector<1x16xf32>,
        %swap3A_579 = arith.index_cast %scan3A_183 : i32 to index
        %swap3A_580 = arith.constant 352 : index
        %swap3A_581 = tpu.vector_load %arg11[%swap3A_579, %swap3A_580] {strides = array<i32>} : memref<8x1024xf32, #tpu.memory_space<vmem>>, vector<1x16xf32>,
        %swap3A_582 = vector.shape_cast %swap3A_581 : vector<1x16xf32> to vector<16xf32>
        %swap3A_583 = vector.shape_cast %rev3A_503 : vector<16xf32> to vector<1x16xf32>
        tpu.vector_store %arg11[%swap3A_579, %swap3A_580], %swap3A_583 {strides = array<i32>} : memref<8x1024xf32, #tpu.memory_space<vmem>>, vector<1x16xf32>,
        %swap3A_584 = arith.index_cast %scan3A_183 : i32 to index
        %swap3A_585 = arith.constant 368 : index
        %swap3A_586 = tpu.vector_load %arg11[%swap3A_584, %swap3A_585] {strides = array<i32>} : memref<8x1024xf32, #tpu.memory_space<vmem>>, vector<1x16xf32>,
        %swap3A_587 = vector.shape_cast %swap3A_586 : vector<1x16xf32> to vector<16xf32>
        %swap3A_588 = vector.shape_cast %rev3A_508 : vector<16xf32> to vector<1x16xf32>
        tpu.vector_store %arg11[%swap3A_584, %swap3A_585], %swap3A_588 {strides = array<i32>} : memref<8x1024xf32, #tpu.memory_space<vmem>>, vector<1x16xf32>,
        %swap3A_589 = arith.index_cast %scan3A_183 : i32 to index
        %swap3A_590 = arith.constant 384 : index
        %swap3A_591 = tpu.vector_load %arg11[%swap3A_589, %swap3A_590] {strides = array<i32>} : memref<8x1024xf32, #tpu.memory_space<vmem>>, vector<1x16xf32>,
        %swap3A_592 = vector.shape_cast %swap3A_591 : vector<1x16xf32> to vector<16xf32>
        %swap3A_593 = vector.shape_cast %rev3A_513 : vector<16xf32> to vector<1x16xf32>
        tpu.vector_store %arg11[%swap3A_589, %swap3A_590], %swap3A_593 {strides = array<i32>} : memref<8x1024xf32, #tpu.memory_space<vmem>>, vector<1x16xf32>,
        %swap3A_594 = arith.index_cast %scan3A_183 : i32 to index
        %swap3A_595 = arith.constant 400 : index
        %swap3A_596 = tpu.vector_load %arg11[%swap3A_594, %swap3A_595] {strides = array<i32>} : memref<8x1024xf32, #tpu.memory_space<vmem>>, vector<1x16xf32>,
        %swap3A_597 = vector.shape_cast %swap3A_596 : vector<1x16xf32> to vector<16xf32>
        %swap3A_598 = vector.shape_cast %rev3A_518 : vector<16xf32> to vector<1x16xf32>
        tpu.vector_store %arg11[%swap3A_594, %swap3A_595], %swap3A_598 {strides = array<i32>} : memref<8x1024xf32, #tpu.memory_space<vmem>>, vector<1x16xf32>,
        %swap3A_599 = arith.index_cast %scan3A_183 : i32 to index
        %swap3A_600 = arith.constant 416 : index
        %swap3A_601 = tpu.vector_load %arg11[%swap3A_599, %swap3A_600] {strides = array<i32>} : memref<8x1024xf32, #tpu.memory_space<vmem>>, vector<1x16xf32>,
        %swap3A_602 = vector.shape_cast %swap3A_601 : vector<1x16xf32> to vector<16xf32>
        %swap3A_603 = vector.shape_cast %rev3A_523 : vector<16xf32> to vector<1x16xf32>
        tpu.vector_store %arg11[%swap3A_599, %swap3A_600], %swap3A_603 {strides = array<i32>} : memref<8x1024xf32, #tpu.memory_space<vmem>>, vector<1x16xf32>,
        %swap3A_604 = arith.index_cast %scan3A_183 : i32 to index
        %swap3A_605 = arith.constant 432 : index
        %swap3A_606 = tpu.vector_load %arg11[%swap3A_604, %swap3A_605] {strides = array<i32>} : memref<8x1024xf32, #tpu.memory_space<vmem>>, vector<1x16xf32>,
        %swap3A_607 = vector.shape_cast %swap3A_606 : vector<1x16xf32> to vector<16xf32>
        %swap3A_608 = vector.shape_cast %rev3A_528 : vector<16xf32> to vector<1x16xf32>
        tpu.vector_store %arg11[%swap3A_604, %swap3A_605], %swap3A_608 {strides = array<i32>} : memref<8x1024xf32, #tpu.memory_space<vmem>>, vector<1x16xf32>,
        %swap3A_609 = arith.index_cast %scan3A_183 : i32 to index
        %swap3A_610 = arith.constant 448 : index
        %swap3A_611 = tpu.vector_load %arg11[%swap3A_609, %swap3A_610] {strides = array<i32>} : memref<8x1024xf32, #tpu.memory_space<vmem>>, vector<1x16xf32>,
        %swap3A_612 = vector.shape_cast %swap3A_611 : vector<1x16xf32> to vector<16xf32>
        %swap3A_613 = vector.shape_cast %rev3A_533 : vector<16xf32> to vector<1x16xf32>
        tpu.vector_store %arg11[%swap3A_609, %swap3A_610], %swap3A_613 {strides = array<i32>} : memref<8x1024xf32, #tpu.memory_space<vmem>>, vector<1x16xf32>,
        %swap3A_614 = arith.index_cast %scan3A_183 : i32 to index
        %swap3A_615 = arith.constant 464 : index
        %swap3A_616 = tpu.vector_load %arg11[%swap3A_614, %swap3A_615] {strides = array<i32>} : memref<8x1024xf32, #tpu.memory_space<vmem>>, vector<1x16xf32>,
        %swap3A_617 = vector.shape_cast %swap3A_616 : vector<1x16xf32> to vector<16xf32>
        %swap3A_618 = vector.shape_cast %rev3A_538 : vector<16xf32> to vector<1x16xf32>
        tpu.vector_store %arg11[%swap3A_614, %swap3A_615], %swap3A_618 {strides = array<i32>} : memref<8x1024xf32, #tpu.memory_space<vmem>>, vector<1x16xf32>,
        %swap3A_619 = arith.index_cast %scan3A_183 : i32 to index
        %swap3A_620 = arith.constant 480 : index
        %swap3A_621 = tpu.vector_load %arg11[%swap3A_619, %swap3A_620] {strides = array<i32>} : memref<8x1024xf32, #tpu.memory_space<vmem>>, vector<1x16xf32>,
        %swap3A_622 = vector.shape_cast %swap3A_621 : vector<1x16xf32> to vector<16xf32>
        %swap3A_623 = vector.shape_cast %rev3A_543 : vector<16xf32> to vector<1x16xf32>
        tpu.vector_store %arg11[%swap3A_619, %swap3A_620], %swap3A_623 {strides = array<i32>} : memref<8x1024xf32, #tpu.memory_space<vmem>>, vector<1x16xf32>,
        %swap3A_624 = arith.index_cast %scan3A_183 : i32 to index
        %swap3A_625 = arith.constant 496 : index
        %swap3A_626 = tpu.vector_load %arg11[%swap3A_624, %swap3A_625] {strides = array<i32>} : memref<8x1024xf32, #tpu.memory_space<vmem>>, vector<1x16xf32>,
        %swap3A_627 = vector.shape_cast %swap3A_626 : vector<1x16xf32> to vector<16xf32>
        %swap3A_628 = vector.shape_cast %rev3A_548 : vector<16xf32> to vector<1x16xf32>
        tpu.vector_store %arg11[%swap3A_624, %swap3A_625], %swap3A_628 {strides = array<i32>} : memref<8x1024xf32, #tpu.memory_space<vmem>>, vector<1x16xf32>,
        %get3A_629 = arith.index_cast %scan3A_183 : i32 to index
        %get3A_630 = arith.constant 496 : index
        %get3A_631 = tpu.vector_load %arg7[%get3A_629, %get3A_630] {strides = array<i32>} : memref<8x1024xf32, #tpu.memory_space<vmem>>, vector<1x16xf32>,
        %get3A_632 = vector.shape_cast %get3A_631 : vector<1x16xf32> to vector<16xf32>
        %get3A_633 = arith.index_cast %scan3A_183 : i32 to index
        %get3A_634 = arith.constant 480 : index
        %get3A_635 = tpu.vector_load %arg7[%get3A_633, %get3A_634] {strides = array<i32>} : memref<8x1024xf32, #tpu.memory_space<vmem>>, vector<1x16xf32>,
        %get3A_636 = vector.shape_cast %get3A_635 : vector<1x16xf32> to vector<16xf32>
        %get3A_637 = arith.index_cast %scan3A_183 : i32 to index
        %get3A_638 = arith.constant 464 : index
        %get3A_639 = tpu.vector_load %arg7[%get3A_637, %get3A_638] {strides = array<i32>} : memref<8x1024xf32, #tpu.memory_space<vmem>>, vector<1x16xf32>,
        %get3A_640 = vector.shape_cast %get3A_639 : vector<1x16xf32> to vector<16xf32>
        %get3A_641 = arith.index_cast %scan3A_183 : i32 to index
        %get3A_642 = arith.constant 448 : index
        %get3A_643 = tpu.vector_load %arg7[%get3A_641, %get3A_642] {strides = array<i32>} : memref<8x1024xf32, #tpu.memory_space<vmem>>, vector<1x16xf32>,
        %get3A_644 = vector.shape_cast %get3A_643 : vector<1x16xf32> to vector<16xf32>
        %get3A_645 = arith.index_cast %scan3A_183 : i32 to index
        %get3A_646 = arith.constant 432 : index
        %get3A_647 = tpu.vector_load %arg7[%get3A_645, %get3A_646] {strides = array<i32>} : memref<8x1024xf32, #tpu.memory_space<vmem>>, vector<1x16xf32>,
        %get3A_648 = vector.shape_cast %get3A_647 : vector<1x16xf32> to vector<16xf32>
        %get3A_649 = arith.index_cast %scan3A_183 : i32 to index
        %get3A_650 = arith.constant 416 : index
        %get3A_651 = tpu.vector_load %arg7[%get3A_649, %get3A_650] {strides = array<i32>} : memref<8x1024xf32, #tpu.memory_space<vmem>>, vector<1x16xf32>,
        %get3A_652 = vector.shape_cast %get3A_651 : vector<1x16xf32> to vector<16xf32>
        %get3A_653 = arith.index_cast %scan3A_183 : i32 to index
        %get3A_654 = arith.constant 400 : index
        %get3A_655 = tpu.vector_load %arg7[%get3A_653, %get3A_654] {strides = array<i32>} : memref<8x1024xf32, #tpu.memory_space<vmem>>, vector<1x16xf32>,
        %get3A_656 = vector.shape_cast %get3A_655 : vector<1x16xf32> to vector<16xf32>
        %get3A_657 = arith.index_cast %scan3A_183 : i32 to index
        %get3A_658 = arith.constant 384 : index
        %get3A_659 = tpu.vector_load %arg7[%get3A_657, %get3A_658] {strides = array<i32>} : memref<8x1024xf32, #tpu.memory_space<vmem>>, vector<1x16xf32>,
        %get3A_660 = vector.shape_cast %get3A_659 : vector<1x16xf32> to vector<16xf32>
        %get3A_661 = arith.index_cast %scan3A_183 : i32 to index
        %get3A_662 = arith.constant 368 : index
        %get3A_663 = tpu.vector_load %arg7[%get3A_661, %get3A_662] {strides = array<i32>} : memref<8x1024xf32, #tpu.memory_space<vmem>>, vector<1x16xf32>,
        %get3A_664 = vector.shape_cast %get3A_663 : vector<1x16xf32> to vector<16xf32>
        %get3A_665 = arith.index_cast %scan3A_183 : i32 to index
        %get3A_666 = arith.constant 352 : index
        %get3A_667 = tpu.vector_load %arg7[%get3A_665, %get3A_666] {strides = array<i32>} : memref<8x1024xf32, #tpu.memory_space<vmem>>, vector<1x16xf32>,
        %get3A_668 = vector.shape_cast %get3A_667 : vector<1x16xf32> to vector<16xf32>
        %get3A_669 = arith.index_cast %scan3A_183 : i32 to index
        %get3A_670 = arith.constant 336 : index
        %get3A_671 = tpu.vector_load %arg7[%get3A_669, %get3A_670] {strides = array<i32>} : memref<8x1024xf32, #tpu.memory_space<vmem>>, vector<1x16xf32>,
        %get3A_672 = vector.shape_cast %get3A_671 : vector<1x16xf32> to vector<16xf32>
        %get3A_673 = arith.index_cast %scan3A_183 : i32 to index
        %get3A_674 = arith.constant 320 : index
        %get3A_675 = tpu.vector_load %arg7[%get3A_673, %get3A_674] {strides = array<i32>} : memref<8x1024xf32, #tpu.memory_space<vmem>>, vector<1x16xf32>,
        %get3A_676 = vector.shape_cast %get3A_675 : vector<1x16xf32> to vector<16xf32>
        %get3A_677 = arith.index_cast %scan3A_183 : i32 to index
        %get3A_678 = arith.constant 304 : index
        %get3A_679 = tpu.vector_load %arg7[%get3A_677, %get3A_678] {strides = array<i32>} : memref<8x1024xf32, #tpu.memory_space<vmem>>, vector<1x16xf32>,
        %get3A_680 = vector.shape_cast %get3A_679 : vector<1x16xf32> to vector<16xf32>
        %get3A_681 = arith.index_cast %scan3A_183 : i32 to index
        %get3A_682 = arith.constant 288 : index
        %get3A_683 = tpu.vector_load %arg7[%get3A_681, %get3A_682] {strides = array<i32>} : memref<8x1024xf32, #tpu.memory_space<vmem>>, vector<1x16xf32>,
        %get3A_684 = vector.shape_cast %get3A_683 : vector<1x16xf32> to vector<16xf32>
        %get3A_685 = arith.index_cast %scan3A_183 : i32 to index
        %get3A_686 = arith.constant 272 : index
        %get3A_687 = tpu.vector_load %arg7[%get3A_685, %get3A_686] {strides = array<i32>} : memref<8x1024xf32, #tpu.memory_space<vmem>>, vector<1x16xf32>,
        %get3A_688 = vector.shape_cast %get3A_687 : vector<1x16xf32> to vector<16xf32>
        %get3A_689 = arith.index_cast %scan3A_183 : i32 to index
        %get3A_690 = arith.constant 256 : index
        %get3A_691 = tpu.vector_load %arg7[%get3A_689, %get3A_690] {strides = array<i32>} : memref<8x1024xf32, #tpu.memory_space<vmem>>, vector<1x16xf32>,
        %get3A_692 = vector.shape_cast %get3A_691 : vector<1x16xf32> to vector<16xf32>
        %rev3A_693 = arith.constant 15 : i32
        %rev3A_694 = vector.broadcast %rev3A_693 : i32 to vector<16xi32>
        %rev3A_695 = tpu.iota {dimensions = array<i32: 0>} : vector<16xi32>
        %rev3A_696 = arith.subi %rev3A_694, %rev3A_695 : vector<16xi32>
        %rev3A_697 = tpu.dynamic_gather %get3A_632[%rev3A_696] in [0] : vector<16xf32>, vector<16xi32> -> vector<16xf32>
        %rev3A_698 = arith.constant 15 : i32
        %rev3A_699 = vector.broadcast %rev3A_698 : i32 to vector<16xi32>
        %rev3A_700 = tpu.iota {dimensions = array<i32: 0>} : vector<16xi32>
        %rev3A_701 = arith.subi %rev3A_699, %rev3A_700 : vector<16xi32>
        %rev3A_702 = tpu.dynamic_gather %get3A_636[%rev3A_701] in [0] : vector<16xf32>, vector<16xi32> -> vector<16xf32>
        %rev3A_703 = arith.constant 15 : i32
        %rev3A_704 = vector.broadcast %rev3A_703 : i32 to vector<16xi32>
        %rev3A_705 = tpu.iota {dimensions = array<i32: 0>} : vector<16xi32>
        %rev3A_706 = arith.subi %rev3A_704, %rev3A_705 : vector<16xi32>
        %rev3A_707 = tpu.dynamic_gather %get3A_640[%rev3A_706] in [0] : vector<16xf32>, vector<16xi32> -> vector<16xf32>
        %rev3A_708 = arith.constant 15 : i32
        %rev3A_709 = vector.broadcast %rev3A_708 : i32 to vector<16xi32>
        %rev3A_710 = tpu.iota {dimensions = array<i32: 0>} : vector<16xi32>
        %rev3A_711 = arith.subi %rev3A_709, %rev3A_710 : vector<16xi32>
        %rev3A_712 = tpu.dynamic_gather %get3A_644[%rev3A_711] in [0] : vector<16xf32>, vector<16xi32> -> vector<16xf32>
        %rev3A_713 = arith.constant 15 : i32
        %rev3A_714 = vector.broadcast %rev3A_713 : i32 to vector<16xi32>
        %rev3A_715 = tpu.iota {dimensions = array<i32: 0>} : vector<16xi32>
        %rev3A_716 = arith.subi %rev3A_714, %rev3A_715 : vector<16xi32>
        %rev3A_717 = tpu.dynamic_gather %get3A_648[%rev3A_716] in [0] : vector<16xf32>, vector<16xi32> -> vector<16xf32>
        %rev3A_718 = arith.constant 15 : i32
        %rev3A_719 = vector.broadcast %rev3A_718 : i32 to vector<16xi32>
        %rev3A_720 = tpu.iota {dimensions = array<i32: 0>} : vector<16xi32>
        %rev3A_721 = arith.subi %rev3A_719, %rev3A_720 : vector<16xi32>
        %rev3A_722 = tpu.dynamic_gather %get3A_652[%rev3A_721] in [0] : vector<16xf32>, vector<16xi32> -> vector<16xf32>
        %rev3A_723 = arith.constant 15 : i32
        %rev3A_724 = vector.broadcast %rev3A_723 : i32 to vector<16xi32>
        %rev3A_725 = tpu.iota {dimensions = array<i32: 0>} : vector<16xi32>
        %rev3A_726 = arith.subi %rev3A_724, %rev3A_725 : vector<16xi32>
        %rev3A_727 = tpu.dynamic_gather %get3A_656[%rev3A_726] in [0] : vector<16xf32>, vector<16xi32> -> vector<16xf32>
        %rev3A_728 = arith.constant 15 : i32
        %rev3A_729 = vector.broadcast %rev3A_728 : i32 to vector<16xi32>
        %rev3A_730 = tpu.iota {dimensions = array<i32: 0>} : vector<16xi32>
        %rev3A_731 = arith.subi %rev3A_729, %rev3A_730 : vector<16xi32>
        %rev3A_732 = tpu.dynamic_gather %get3A_660[%rev3A_731] in [0] : vector<16xf32>, vector<16xi32> -> vector<16xf32>
        %rev3A_733 = arith.constant 15 : i32
        %rev3A_734 = vector.broadcast %rev3A_733 : i32 to vector<16xi32>
        %rev3A_735 = tpu.iota {dimensions = array<i32: 0>} : vector<16xi32>
        %rev3A_736 = arith.subi %rev3A_734, %rev3A_735 : vector<16xi32>
        %rev3A_737 = tpu.dynamic_gather %get3A_664[%rev3A_736] in [0] : vector<16xf32>, vector<16xi32> -> vector<16xf32>
        %rev3A_738 = arith.constant 15 : i32
        %rev3A_739 = vector.broadcast %rev3A_738 : i32 to vector<16xi32>
        %rev3A_740 = tpu.iota {dimensions = array<i32: 0>} : vector<16xi32>
        %rev3A_741 = arith.subi %rev3A_739, %rev3A_740 : vector<16xi32>
        %rev3A_742 = tpu.dynamic_gather %get3A_668[%rev3A_741] in [0] : vector<16xf32>, vector<16xi32> -> vector<16xf32>
        %rev3A_743 = arith.constant 15 : i32
        %rev3A_744 = vector.broadcast %rev3A_743 : i32 to vector<16xi32>
        %rev3A_745 = tpu.iota {dimensions = array<i32: 0>} : vector<16xi32>
        %rev3A_746 = arith.subi %rev3A_744, %rev3A_745 : vector<16xi32>
        %rev3A_747 = tpu.dynamic_gather %get3A_672[%rev3A_746] in [0] : vector<16xf32>, vector<16xi32> -> vector<16xf32>
        %rev3A_748 = arith.constant 15 : i32
        %rev3A_749 = vector.broadcast %rev3A_748 : i32 to vector<16xi32>
        %rev3A_750 = tpu.iota {dimensions = array<i32: 0>} : vector<16xi32>
        %rev3A_751 = arith.subi %rev3A_749, %rev3A_750 : vector<16xi32>
        %rev3A_752 = tpu.dynamic_gather %get3A_676[%rev3A_751] in [0] : vector<16xf32>, vector<16xi32> -> vector<16xf32>
        %rev3A_753 = arith.constant 15 : i32
        %rev3A_754 = vector.broadcast %rev3A_753 : i32 to vector<16xi32>
        %rev3A_755 = tpu.iota {dimensions = array<i32: 0>} : vector<16xi32>
        %rev3A_756 = arith.subi %rev3A_754, %rev3A_755 : vector<16xi32>
        %rev3A_757 = tpu.dynamic_gather %get3A_680[%rev3A_756] in [0] : vector<16xf32>, vector<16xi32> -> vector<16xf32>
        %rev3A_758 = arith.constant 15 : i32
        %rev3A_759 = vector.broadcast %rev3A_758 : i32 to vector<16xi32>
        %rev3A_760 = tpu.iota {dimensions = array<i32: 0>} : vector<16xi32>
        %rev3A_761 = arith.subi %rev3A_759, %rev3A_760 : vector<16xi32>
        %rev3A_762 = tpu.dynamic_gather %get3A_684[%rev3A_761] in [0] : vector<16xf32>, vector<16xi32> -> vector<16xf32>
        %rev3A_763 = arith.constant 15 : i32
        %rev3A_764 = vector.broadcast %rev3A_763 : i32 to vector<16xi32>
        %rev3A_765 = tpu.iota {dimensions = array<i32: 0>} : vector<16xi32>
        %rev3A_766 = arith.subi %rev3A_764, %rev3A_765 : vector<16xi32>
        %rev3A_767 = tpu.dynamic_gather %get3A_688[%rev3A_766] in [0] : vector<16xf32>, vector<16xi32> -> vector<16xf32>
        %rev3A_768 = arith.constant 15 : i32
        %rev3A_769 = vector.broadcast %rev3A_768 : i32 to vector<16xi32>
        %rev3A_770 = tpu.iota {dimensions = array<i32: 0>} : vector<16xi32>
        %rev3A_771 = arith.subi %rev3A_769, %rev3A_770 : vector<16xi32>
        %rev3A_772 = tpu.dynamic_gather %get3A_692[%rev3A_771] in [0] : vector<16xf32>, vector<16xi32> -> vector<16xf32>
        %swap3A_773 = arith.index_cast %scan3A_183 : i32 to index
        %swap3A_774 = arith.constant 512 : index
        %swap3A_775 = tpu.vector_load %arg11[%swap3A_773, %swap3A_774] {strides = array<i32>} : memref<8x1024xf32, #tpu.memory_space<vmem>>, vector<1x16xf32>,
        %swap3A_776 = vector.shape_cast %swap3A_775 : vector<1x16xf32> to vector<16xf32>
        %swap3A_777 = vector.shape_cast %rev3A_697 : vector<16xf32> to vector<1x16xf32>
        tpu.vector_store %arg11[%swap3A_773, %swap3A_774], %swap3A_777 {strides = array<i32>} : memref<8x1024xf32, #tpu.memory_space<vmem>>, vector<1x16xf32>,
        %swap3A_778 = arith.index_cast %scan3A_183 : i32 to index
        %swap3A_779 = arith.constant 528 : index
        %swap3A_780 = tpu.vector_load %arg11[%swap3A_778, %swap3A_779] {strides = array<i32>} : memref<8x1024xf32, #tpu.memory_space<vmem>>, vector<1x16xf32>,
        %swap3A_781 = vector.shape_cast %swap3A_780 : vector<1x16xf32> to vector<16xf32>
        %swap3A_782 = vector.shape_cast %rev3A_702 : vector<16xf32> to vector<1x16xf32>
        tpu.vector_store %arg11[%swap3A_778, %swap3A_779], %swap3A_782 {strides = array<i32>} : memref<8x1024xf32, #tpu.memory_space<vmem>>, vector<1x16xf32>,
        %swap3A_783 = arith.index_cast %scan3A_183 : i32 to index
        %swap3A_784 = arith.constant 544 : index
        %swap3A_785 = tpu.vector_load %arg11[%swap3A_783, %swap3A_784] {strides = array<i32>} : memref<8x1024xf32, #tpu.memory_space<vmem>>, vector<1x16xf32>,
        %swap3A_786 = vector.shape_cast %swap3A_785 : vector<1x16xf32> to vector<16xf32>
        %swap3A_787 = vector.shape_cast %rev3A_707 : vector<16xf32> to vector<1x16xf32>
        tpu.vector_store %arg11[%swap3A_783, %swap3A_784], %swap3A_787 {strides = array<i32>} : memref<8x1024xf32, #tpu.memory_space<vmem>>, vector<1x16xf32>,
        %swap3A_788 = arith.index_cast %scan3A_183 : i32 to index
        %swap3A_789 = arith.constant 560 : index
        %swap3A_790 = tpu.vector_load %arg11[%swap3A_788, %swap3A_789] {strides = array<i32>} : memref<8x1024xf32, #tpu.memory_space<vmem>>, vector<1x16xf32>,
        %swap3A_791 = vector.shape_cast %swap3A_790 : vector<1x16xf32> to vector<16xf32>
        %swap3A_792 = vector.shape_cast %rev3A_712 : vector<16xf32> to vector<1x16xf32>
        tpu.vector_store %arg11[%swap3A_788, %swap3A_789], %swap3A_792 {strides = array<i32>} : memref<8x1024xf32, #tpu.memory_space<vmem>>, vector<1x16xf32>,
        %swap3A_793 = arith.index_cast %scan3A_183 : i32 to index
        %swap3A_794 = arith.constant 576 : index
        %swap3A_795 = tpu.vector_load %arg11[%swap3A_793, %swap3A_794] {strides = array<i32>} : memref<8x1024xf32, #tpu.memory_space<vmem>>, vector<1x16xf32>,
        %swap3A_796 = vector.shape_cast %swap3A_795 : vector<1x16xf32> to vector<16xf32>
        %swap3A_797 = vector.shape_cast %rev3A_717 : vector<16xf32> to vector<1x16xf32>
        tpu.vector_store %arg11[%swap3A_793, %swap3A_794], %swap3A_797 {strides = array<i32>} : memref<8x1024xf32, #tpu.memory_space<vmem>>, vector<1x16xf32>,
        %swap3A_798 = arith.index_cast %scan3A_183 : i32 to index
        %swap3A_799 = arith.constant 592 : index
        %swap3A_800 = tpu.vector_load %arg11[%swap3A_798, %swap3A_799] {strides = array<i32>} : memref<8x1024xf32, #tpu.memory_space<vmem>>, vector<1x16xf32>,
        %swap3A_801 = vector.shape_cast %swap3A_800 : vector<1x16xf32> to vector<16xf32>
        %swap3A_802 = vector.shape_cast %rev3A_722 : vector<16xf32> to vector<1x16xf32>
        tpu.vector_store %arg11[%swap3A_798, %swap3A_799], %swap3A_802 {strides = array<i32>} : memref<8x1024xf32, #tpu.memory_space<vmem>>, vector<1x16xf32>,
        %swap3A_803 = arith.index_cast %scan3A_183 : i32 to index
        %swap3A_804 = arith.constant 608 : index
        %swap3A_805 = tpu.vector_load %arg11[%swap3A_803, %swap3A_804] {strides = array<i32>} : memref<8x1024xf32, #tpu.memory_space<vmem>>, vector<1x16xf32>,
        %swap3A_806 = vector.shape_cast %swap3A_805 : vector<1x16xf32> to vector<16xf32>
        %swap3A_807 = vector.shape_cast %rev3A_727 : vector<16xf32> to vector<1x16xf32>
        tpu.vector_store %arg11[%swap3A_803, %swap3A_804], %swap3A_807 {strides = array<i32>} : memref<8x1024xf32, #tpu.memory_space<vmem>>, vector<1x16xf32>,
        %swap3A_808 = arith.index_cast %scan3A_183 : i32 to index
        %swap3A_809 = arith.constant 624 : index
        %swap3A_810 = tpu.vector_load %arg11[%swap3A_808, %swap3A_809] {strides = array<i32>} : memref<8x1024xf32, #tpu.memory_space<vmem>>, vector<1x16xf32>,
        %swap3A_811 = vector.shape_cast %swap3A_810 : vector<1x16xf32> to vector<16xf32>
        %swap3A_812 = vector.shape_cast %rev3A_732 : vector<16xf32> to vector<1x16xf32>
        tpu.vector_store %arg11[%swap3A_808, %swap3A_809], %swap3A_812 {strides = array<i32>} : memref<8x1024xf32, #tpu.memory_space<vmem>>, vector<1x16xf32>,
        %swap3A_813 = arith.index_cast %scan3A_183 : i32 to index
        %swap3A_814 = arith.constant 640 : index
        %swap3A_815 = tpu.vector_load %arg11[%swap3A_813, %swap3A_814] {strides = array<i32>} : memref<8x1024xf32, #tpu.memory_space<vmem>>, vector<1x16xf32>,
        %swap3A_816 = vector.shape_cast %swap3A_815 : vector<1x16xf32> to vector<16xf32>
        %swap3A_817 = vector.shape_cast %rev3A_737 : vector<16xf32> to vector<1x16xf32>
        tpu.vector_store %arg11[%swap3A_813, %swap3A_814], %swap3A_817 {strides = array<i32>} : memref<8x1024xf32, #tpu.memory_space<vmem>>, vector<1x16xf32>,
        %swap3A_818 = arith.index_cast %scan3A_183 : i32 to index
        %swap3A_819 = arith.constant 656 : index
        %swap3A_820 = tpu.vector_load %arg11[%swap3A_818, %swap3A_819] {strides = array<i32>} : memref<8x1024xf32, #tpu.memory_space<vmem>>, vector<1x16xf32>,
        %swap3A_821 = vector.shape_cast %swap3A_820 : vector<1x16xf32> to vector<16xf32>
        %swap3A_822 = vector.shape_cast %rev3A_742 : vector<16xf32> to vector<1x16xf32>
        tpu.vector_store %arg11[%swap3A_818, %swap3A_819], %swap3A_822 {strides = array<i32>} : memref<8x1024xf32, #tpu.memory_space<vmem>>, vector<1x16xf32>,
        %swap3A_823 = arith.index_cast %scan3A_183 : i32 to index
        %swap3A_824 = arith.constant 672 : index
        %swap3A_825 = tpu.vector_load %arg11[%swap3A_823, %swap3A_824] {strides = array<i32>} : memref<8x1024xf32, #tpu.memory_space<vmem>>, vector<1x16xf32>,
        %swap3A_826 = vector.shape_cast %swap3A_825 : vector<1x16xf32> to vector<16xf32>
        %swap3A_827 = vector.shape_cast %rev3A_747 : vector<16xf32> to vector<1x16xf32>
        tpu.vector_store %arg11[%swap3A_823, %swap3A_824], %swap3A_827 {strides = array<i32>} : memref<8x1024xf32, #tpu.memory_space<vmem>>, vector<1x16xf32>,
        %swap3A_828 = arith.index_cast %scan3A_183 : i32 to index
        %swap3A_829 = arith.constant 688 : index
        %swap3A_830 = tpu.vector_load %arg11[%swap3A_828, %swap3A_829] {strides = array<i32>} : memref<8x1024xf32, #tpu.memory_space<vmem>>, vector<1x16xf32>,
        %swap3A_831 = vector.shape_cast %swap3A_830 : vector<1x16xf32> to vector<16xf32>
        %swap3A_832 = vector.shape_cast %rev3A_752 : vector<16xf32> to vector<1x16xf32>
        tpu.vector_store %arg11[%swap3A_828, %swap3A_829], %swap3A_832 {strides = array<i32>} : memref<8x1024xf32, #tpu.memory_space<vmem>>, vector<1x16xf32>,
        %swap3A_833 = arith.index_cast %scan3A_183 : i32 to index
        %swap3A_834 = arith.constant 704 : index
        %swap3A_835 = tpu.vector_load %arg11[%swap3A_833, %swap3A_834] {strides = array<i32>} : memref<8x1024xf32, #tpu.memory_space<vmem>>, vector<1x16xf32>,
        %swap3A_836 = vector.shape_cast %swap3A_835 : vector<1x16xf32> to vector<16xf32>
        %swap3A_837 = vector.shape_cast %rev3A_757 : vector<16xf32> to vector<1x16xf32>
        tpu.vector_store %arg11[%swap3A_833, %swap3A_834], %swap3A_837 {strides = array<i32>} : memref<8x1024xf32, #tpu.memory_space<vmem>>, vector<1x16xf32>,
        %swap3A_838 = arith.index_cast %scan3A_183 : i32 to index
        %swap3A_839 = arith.constant 720 : index
        %swap3A_840 = tpu.vector_load %arg11[%swap3A_838, %swap3A_839] {strides = array<i32>} : memref<8x1024xf32, #tpu.memory_space<vmem>>, vector<1x16xf32>,
        %swap3A_841 = vector.shape_cast %swap3A_840 : vector<1x16xf32> to vector<16xf32>
        %swap3A_842 = vector.shape_cast %rev3A_762 : vector<16xf32> to vector<1x16xf32>
        tpu.vector_store %arg11[%swap3A_838, %swap3A_839], %swap3A_842 {strides = array<i32>} : memref<8x1024xf32, #tpu.memory_space<vmem>>, vector<1x16xf32>,
        %swap3A_843 = arith.index_cast %scan3A_183 : i32 to index
        %swap3A_844 = arith.constant 736 : index
        %swap3A_845 = tpu.vector_load %arg11[%swap3A_843, %swap3A_844] {strides = array<i32>} : memref<8x1024xf32, #tpu.memory_space<vmem>>, vector<1x16xf32>,
        %swap3A_846 = vector.shape_cast %swap3A_845 : vector<1x16xf32> to vector<16xf32>
        %swap3A_847 = vector.shape_cast %rev3A_767 : vector<16xf32> to vector<1x16xf32>
        tpu.vector_store %arg11[%swap3A_843, %swap3A_844], %swap3A_847 {strides = array<i32>} : memref<8x1024xf32, #tpu.memory_space<vmem>>, vector<1x16xf32>,
        %swap3A_848 = arith.index_cast %scan3A_183 : i32 to index
        %swap3A_849 = arith.constant 752 : index
        %swap3A_850 = tpu.vector_load %arg11[%swap3A_848, %swap3A_849] {strides = array<i32>} : memref<8x1024xf32, #tpu.memory_space<vmem>>, vector<1x16xf32>,
        %swap3A_851 = vector.shape_cast %swap3A_850 : vector<1x16xf32> to vector<16xf32>
        %swap3A_852 = vector.shape_cast %rev3A_772 : vector<16xf32> to vector<1x16xf32>
        tpu.vector_store %arg11[%swap3A_848, %swap3A_849], %swap3A_852 {strides = array<i32>} : memref<8x1024xf32, #tpu.memory_space<vmem>>, vector<1x16xf32>,
        %get3A_853 = arith.index_cast %scan3A_183 : i32 to index
        %get3A_854 = arith.constant 240 : index
        %get3A_855 = tpu.vector_load %arg7[%get3A_853, %get3A_854] {strides = array<i32>} : memref<8x1024xf32, #tpu.memory_space<vmem>>, vector<1x16xf32>,
        %get3A_856 = vector.shape_cast %get3A_855 : vector<1x16xf32> to vector<16xf32>
        %get3A_857 = arith.index_cast %scan3A_183 : i32 to index
        %get3A_858 = arith.constant 224 : index
        %get3A_859 = tpu.vector_load %arg7[%get3A_857, %get3A_858] {strides = array<i32>} : memref<8x1024xf32, #tpu.memory_space<vmem>>, vector<1x16xf32>,
        %get3A_860 = vector.shape_cast %get3A_859 : vector<1x16xf32> to vector<16xf32>
        %get3A_861 = arith.index_cast %scan3A_183 : i32 to index
        %get3A_862 = arith.constant 208 : index
        %get3A_863 = tpu.vector_load %arg7[%get3A_861, %get3A_862] {strides = array<i32>} : memref<8x1024xf32, #tpu.memory_space<vmem>>, vector<1x16xf32>,
        %get3A_864 = vector.shape_cast %get3A_863 : vector<1x16xf32> to vector<16xf32>
        %get3A_865 = arith.index_cast %scan3A_183 : i32 to index
        %get3A_866 = arith.constant 192 : index
        %get3A_867 = tpu.vector_load %arg7[%get3A_865, %get3A_866] {strides = array<i32>} : memref<8x1024xf32, #tpu.memory_space<vmem>>, vector<1x16xf32>,
        %get3A_868 = vector.shape_cast %get3A_867 : vector<1x16xf32> to vector<16xf32>
        %get3A_869 = arith.index_cast %scan3A_183 : i32 to index
        %get3A_870 = arith.constant 176 : index
        %get3A_871 = tpu.vector_load %arg7[%get3A_869, %get3A_870] {strides = array<i32>} : memref<8x1024xf32, #tpu.memory_space<vmem>>, vector<1x16xf32>,
        %get3A_872 = vector.shape_cast %get3A_871 : vector<1x16xf32> to vector<16xf32>
        %get3A_873 = arith.index_cast %scan3A_183 : i32 to index
        %get3A_874 = arith.constant 160 : index
        %get3A_875 = tpu.vector_load %arg7[%get3A_873, %get3A_874] {strides = array<i32>} : memref<8x1024xf32, #tpu.memory_space<vmem>>, vector<1x16xf32>,
        %get3A_876 = vector.shape_cast %get3A_875 : vector<1x16xf32> to vector<16xf32>
        %get3A_877 = arith.index_cast %scan3A_183 : i32 to index
        %get3A_878 = arith.constant 144 : index
        %get3A_879 = tpu.vector_load %arg7[%get3A_877, %get3A_878] {strides = array<i32>} : memref<8x1024xf32, #tpu.memory_space<vmem>>, vector<1x16xf32>,
        %get3A_880 = vector.shape_cast %get3A_879 : vector<1x16xf32> to vector<16xf32>
        %get3A_881 = arith.index_cast %scan3A_183 : i32 to index
        %get3A_882 = arith.constant 128 : index
        %get3A_883 = tpu.vector_load %arg7[%get3A_881, %get3A_882] {strides = array<i32>} : memref<8x1024xf32, #tpu.memory_space<vmem>>, vector<1x16xf32>,
        %get3A_884 = vector.shape_cast %get3A_883 : vector<1x16xf32> to vector<16xf32>
        %get3A_885 = arith.index_cast %scan3A_183 : i32 to index
        %get3A_886 = arith.constant 112 : index
        %get3A_887 = tpu.vector_load %arg7[%get3A_885, %get3A_886] {strides = array<i32>} : memref<8x1024xf32, #tpu.memory_space<vmem>>, vector<1x16xf32>,
        %get3A_888 = vector.shape_cast %get3A_887 : vector<1x16xf32> to vector<16xf32>
        %get3A_889 = arith.index_cast %scan3A_183 : i32 to index
        %get3A_890 = arith.constant 96 : index
        %get3A_891 = tpu.vector_load %arg7[%get3A_889, %get3A_890] {strides = array<i32>} : memref<8x1024xf32, #tpu.memory_space<vmem>>, vector<1x16xf32>,
        %get3A_892 = vector.shape_cast %get3A_891 : vector<1x16xf32> to vector<16xf32>
        %get3A_893 = arith.index_cast %scan3A_183 : i32 to index
        %get3A_894 = arith.constant 80 : index
        %get3A_895 = tpu.vector_load %arg7[%get3A_893, %get3A_894] {strides = array<i32>} : memref<8x1024xf32, #tpu.memory_space<vmem>>, vector<1x16xf32>,
        %get3A_896 = vector.shape_cast %get3A_895 : vector<1x16xf32> to vector<16xf32>
        %get3A_897 = arith.index_cast %scan3A_183 : i32 to index
        %get3A_898 = arith.constant 64 : index
        %get3A_899 = tpu.vector_load %arg7[%get3A_897, %get3A_898] {strides = array<i32>} : memref<8x1024xf32, #tpu.memory_space<vmem>>, vector<1x16xf32>,
        %get3A_900 = vector.shape_cast %get3A_899 : vector<1x16xf32> to vector<16xf32>
        %get3A_901 = arith.index_cast %scan3A_183 : i32 to index
        %get3A_902 = arith.constant 48 : index
        %get3A_903 = tpu.vector_load %arg7[%get3A_901, %get3A_902] {strides = array<i32>} : memref<8x1024xf32, #tpu.memory_space<vmem>>, vector<1x16xf32>,
        %get3A_904 = vector.shape_cast %get3A_903 : vector<1x16xf32> to vector<16xf32>
        %get3A_905 = arith.index_cast %scan3A_183 : i32 to index
        %get3A_906 = arith.constant 32 : index
        %get3A_907 = tpu.vector_load %arg7[%get3A_905, %get3A_906] {strides = array<i32>} : memref<8x1024xf32, #tpu.memory_space<vmem>>, vector<1x16xf32>,
        %get3A_908 = vector.shape_cast %get3A_907 : vector<1x16xf32> to vector<16xf32>
        %get3A_909 = arith.index_cast %scan3A_183 : i32 to index
        %get3A_910 = arith.constant 16 : index
        %get3A_911 = tpu.vector_load %arg7[%get3A_909, %get3A_910] {strides = array<i32>} : memref<8x1024xf32, #tpu.memory_space<vmem>>, vector<1x16xf32>,
        %get3A_912 = vector.shape_cast %get3A_911 : vector<1x16xf32> to vector<16xf32>
        %get3A_913 = arith.index_cast %scan3A_183 : i32 to index
        %get3A_914 = arith.constant 0 : index
        %get3A_915 = tpu.vector_load %arg7[%get3A_913, %get3A_914] {strides = array<i32>} : memref<8x1024xf32, #tpu.memory_space<vmem>>, vector<1x16xf32>,
        %get3A_916 = vector.shape_cast %get3A_915 : vector<1x16xf32> to vector<16xf32>
        %rev3A_917 = arith.constant 15 : i32
        %rev3A_918 = vector.broadcast %rev3A_917 : i32 to vector<16xi32>
        %rev3A_919 = tpu.iota {dimensions = array<i32: 0>} : vector<16xi32>
        %rev3A_920 = arith.subi %rev3A_918, %rev3A_919 : vector<16xi32>
        %rev3A_921 = tpu.dynamic_gather %get3A_856[%rev3A_920] in [0] : vector<16xf32>, vector<16xi32> -> vector<16xf32>
        %rev3A_922 = arith.constant 15 : i32
        %rev3A_923 = vector.broadcast %rev3A_922 : i32 to vector<16xi32>
        %rev3A_924 = tpu.iota {dimensions = array<i32: 0>} : vector<16xi32>
        %rev3A_925 = arith.subi %rev3A_923, %rev3A_924 : vector<16xi32>
        %rev3A_926 = tpu.dynamic_gather %get3A_860[%rev3A_925] in [0] : vector<16xf32>, vector<16xi32> -> vector<16xf32>
        %rev3A_927 = arith.constant 15 : i32
        %rev3A_928 = vector.broadcast %rev3A_927 : i32 to vector<16xi32>
        %rev3A_929 = tpu.iota {dimensions = array<i32: 0>} : vector<16xi32>
        %rev3A_930 = arith.subi %rev3A_928, %rev3A_929 : vector<16xi32>
        %rev3A_931 = tpu.dynamic_gather %get3A_864[%rev3A_930] in [0] : vector<16xf32>, vector<16xi32> -> vector<16xf32>
        %rev3A_932 = arith.constant 15 : i32
        %rev3A_933 = vector.broadcast %rev3A_932 : i32 to vector<16xi32>
        %rev3A_934 = tpu.iota {dimensions = array<i32: 0>} : vector<16xi32>
        %rev3A_935 = arith.subi %rev3A_933, %rev3A_934 : vector<16xi32>
        %rev3A_936 = tpu.dynamic_gather %get3A_868[%rev3A_935] in [0] : vector<16xf32>, vector<16xi32> -> vector<16xf32>
        %rev3A_937 = arith.constant 15 : i32
        %rev3A_938 = vector.broadcast %rev3A_937 : i32 to vector<16xi32>
        %rev3A_939 = tpu.iota {dimensions = array<i32: 0>} : vector<16xi32>
        %rev3A_940 = arith.subi %rev3A_938, %rev3A_939 : vector<16xi32>
        %rev3A_941 = tpu.dynamic_gather %get3A_872[%rev3A_940] in [0] : vector<16xf32>, vector<16xi32> -> vector<16xf32>
        %rev3A_942 = arith.constant 15 : i32
        %rev3A_943 = vector.broadcast %rev3A_942 : i32 to vector<16xi32>
        %rev3A_944 = tpu.iota {dimensions = array<i32: 0>} : vector<16xi32>
        %rev3A_945 = arith.subi %rev3A_943, %rev3A_944 : vector<16xi32>
        %rev3A_946 = tpu.dynamic_gather %get3A_876[%rev3A_945] in [0] : vector<16xf32>, vector<16xi32> -> vector<16xf32>
        %rev3A_947 = arith.constant 15 : i32
        %rev3A_948 = vector.broadcast %rev3A_947 : i32 to vector<16xi32>
        %rev3A_949 = tpu.iota {dimensions = array<i32: 0>} : vector<16xi32>
        %rev3A_950 = arith.subi %rev3A_948, %rev3A_949 : vector<16xi32>
        %rev3A_951 = tpu.dynamic_gather %get3A_880[%rev3A_950] in [0] : vector<16xf32>, vector<16xi32> -> vector<16xf32>
        %rev3A_952 = arith.constant 15 : i32
        %rev3A_953 = vector.broadcast %rev3A_952 : i32 to vector<16xi32>
        %rev3A_954 = tpu.iota {dimensions = array<i32: 0>} : vector<16xi32>
        %rev3A_955 = arith.subi %rev3A_953, %rev3A_954 : vector<16xi32>
        %rev3A_956 = tpu.dynamic_gather %get3A_884[%rev3A_955] in [0] : vector<16xf32>, vector<16xi32> -> vector<16xf32>
        %rev3A_957 = arith.constant 15 : i32
        %rev3A_958 = vector.broadcast %rev3A_957 : i32 to vector<16xi32>
        %rev3A_959 = tpu.iota {dimensions = array<i32: 0>} : vector<16xi32>
        %rev3A_960 = arith.subi %rev3A_958, %rev3A_959 : vector<16xi32>
        %rev3A_961 = tpu.dynamic_gather %get3A_888[%rev3A_960] in [0] : vector<16xf32>, vector<16xi32> -> vector<16xf32>
        %rev3A_962 = arith.constant 15 : i32
        %rev3A_963 = vector.broadcast %rev3A_962 : i32 to vector<16xi32>
        %rev3A_964 = tpu.iota {dimensions = array<i32: 0>} : vector<16xi32>
        %rev3A_965 = arith.subi %rev3A_963, %rev3A_964 : vector<16xi32>
        %rev3A_966 = tpu.dynamic_gather %get3A_892[%rev3A_965] in [0] : vector<16xf32>, vector<16xi32> -> vector<16xf32>
        %rev3A_967 = arith.constant 15 : i32
        %rev3A_968 = vector.broadcast %rev3A_967 : i32 to vector<16xi32>
        %rev3A_969 = tpu.iota {dimensions = array<i32: 0>} : vector<16xi32>
        %rev3A_970 = arith.subi %rev3A_968, %rev3A_969 : vector<16xi32>
        %rev3A_971 = tpu.dynamic_gather %get3A_896[%rev3A_970] in [0] : vector<16xf32>, vector<16xi32> -> vector<16xf32>
        %rev3A_972 = arith.constant 15 : i32
        %rev3A_973 = vector.broadcast %rev3A_972 : i32 to vector<16xi32>
        %rev3A_974 = tpu.iota {dimensions = array<i32: 0>} : vector<16xi32>
        %rev3A_975 = arith.subi %rev3A_973, %rev3A_974 : vector<16xi32>
        %rev3A_976 = tpu.dynamic_gather %get3A_900[%rev3A_975] in [0] : vector<16xf32>, vector<16xi32> -> vector<16xf32>
        %rev3A_977 = arith.constant 15 : i32
        %rev3A_978 = vector.broadcast %rev3A_977 : i32 to vector<16xi32>
        %rev3A_979 = tpu.iota {dimensions = array<i32: 0>} : vector<16xi32>
        %rev3A_980 = arith.subi %rev3A_978, %rev3A_979 : vector<16xi32>
        %rev3A_981 = tpu.dynamic_gather %get3A_904[%rev3A_980] in [0] : vector<16xf32>, vector<16xi32> -> vector<16xf32>
        %rev3A_982 = arith.constant 15 : i32
        %rev3A_983 = vector.broadcast %rev3A_982 : i32 to vector<16xi32>
        %rev3A_984 = tpu.iota {dimensions = array<i32: 0>} : vector<16xi32>
        %rev3A_985 = arith.subi %rev3A_983, %rev3A_984 : vector<16xi32>
        %rev3A_986 = tpu.dynamic_gather %get3A_908[%rev3A_985] in [0] : vector<16xf32>, vector<16xi32> -> vector<16xf32>
        %rev3A_987 = arith.constant 15 : i32
        %rev3A_988 = vector.broadcast %rev3A_987 : i32 to vector<16xi32>
        %rev3A_989 = tpu.iota {dimensions = array<i32: 0>} : vector<16xi32>
        %rev3A_990 = arith.subi %rev3A_988, %rev3A_989 : vector<16xi32>
        %rev3A_991 = tpu.dynamic_gather %get3A_912[%rev3A_990] in [0] : vector<16xf32>, vector<16xi32> -> vector<16xf32>
        %rev3A_992 = arith.constant 15 : i32
        %rev3A_993 = vector.broadcast %rev3A_992 : i32 to vector<16xi32>
        %rev3A_994 = tpu.iota {dimensions = array<i32: 0>} : vector<16xi32>
        %rev3A_995 = arith.subi %rev3A_993, %rev3A_994 : vector<16xi32>
        %rev3A_996 = tpu.dynamic_gather %get3A_916[%rev3A_995] in [0] : vector<16xf32>, vector<16xi32> -> vector<16xf32>
        %swap3A_997 = arith.index_cast %scan3A_183 : i32 to index
        %swap3A_998 = arith.constant 768 : index
        %swap3A_999 = tpu.vector_load %arg11[%swap3A_997, %swap3A_998] {strides = array<i32>} : memref<8x1024xf32, #tpu.memory_space<vmem>>, vector<1x16xf32>,
        %swap3A_1000 = vector.shape_cast %swap3A_999 : vector<1x16xf32> to vector<16xf32>
        %swap3A_1001 = vector.shape_cast %rev3A_921 : vector<16xf32> to vector<1x16xf32>
        tpu.vector_store %arg11[%swap3A_997, %swap3A_998], %swap3A_1001 {strides = array<i32>} : memref<8x1024xf32, #tpu.memory_space<vmem>>, vector<1x16xf32>,
        %swap3A_1002 = arith.index_cast %scan3A_183 : i32 to index
        %swap3A_1003 = arith.constant 784 : index
        %swap3A_1004 = tpu.vector_load %arg11[%swap3A_1002, %swap3A_1003] {strides = array<i32>} : memref<8x1024xf32, #tpu.memory_space<vmem>>, vector<1x16xf32>,
        %swap3A_1005 = vector.shape_cast %swap3A_1004 : vector<1x16xf32> to vector<16xf32>
        %swap3A_1006 = vector.shape_cast %rev3A_926 : vector<16xf32> to vector<1x16xf32>
        tpu.vector_store %arg11[%swap3A_1002, %swap3A_1003], %swap3A_1006 {strides = array<i32>} : memref<8x1024xf32, #tpu.memory_space<vmem>>, vector<1x16xf32>,
        %swap3A_1007 = arith.index_cast %scan3A_183 : i32 to index
        %swap3A_1008 = arith.constant 800 : index
        %swap3A_1009 = tpu.vector_load %arg11[%swap3A_1007, %swap3A_1008] {strides = array<i32>} : memref<8x1024xf32, #tpu.memory_space<vmem>>, vector<1x16xf32>,
        %swap3A_1010 = vector.shape_cast %swap3A_1009 : vector<1x16xf32> to vector<16xf32>
        %swap3A_1011 = vector.shape_cast %rev3A_931 : vector<16xf32> to vector<1x16xf32>
        tpu.vector_store %arg11[%swap3A_1007, %swap3A_1008], %swap3A_1011 {strides = array<i32>} : memref<8x1024xf32, #tpu.memory_space<vmem>>, vector<1x16xf32>,
        %swap3A_1012 = arith.index_cast %scan3A_183 : i32 to index
        %swap3A_1013 = arith.constant 816 : index
        %swap3A_1014 = tpu.vector_load %arg11[%swap3A_1012, %swap3A_1013] {strides = array<i32>} : memref<8x1024xf32, #tpu.memory_space<vmem>>, vector<1x16xf32>,
        %swap3A_1015 = vector.shape_cast %swap3A_1014 : vector<1x16xf32> to vector<16xf32>
        %swap3A_1016 = vector.shape_cast %rev3A_936 : vector<16xf32> to vector<1x16xf32>
        tpu.vector_store %arg11[%swap3A_1012, %swap3A_1013], %swap3A_1016 {strides = array<i32>} : memref<8x1024xf32, #tpu.memory_space<vmem>>, vector<1x16xf32>,
        %swap3A_1017 = arith.index_cast %scan3A_183 : i32 to index
        %swap3A_1018 = arith.constant 832 : index
        %swap3A_1019 = tpu.vector_load %arg11[%swap3A_1017, %swap3A_1018] {strides = array<i32>} : memref<8x1024xf32, #tpu.memory_space<vmem>>, vector<1x16xf32>,
        %swap3A_1020 = vector.shape_cast %swap3A_1019 : vector<1x16xf32> to vector<16xf32>
        %swap3A_1021 = vector.shape_cast %rev3A_941 : vector<16xf32> to vector<1x16xf32>
        tpu.vector_store %arg11[%swap3A_1017, %swap3A_1018], %swap3A_1021 {strides = array<i32>} : memref<8x1024xf32, #tpu.memory_space<vmem>>, vector<1x16xf32>,
        %swap3A_1022 = arith.index_cast %scan3A_183 : i32 to index
        %swap3A_1023 = arith.constant 848 : index
        %swap3A_1024 = tpu.vector_load %arg11[%swap3A_1022, %swap3A_1023] {strides = array<i32>} : memref<8x1024xf32, #tpu.memory_space<vmem>>, vector<1x16xf32>,
        %swap3A_1025 = vector.shape_cast %swap3A_1024 : vector<1x16xf32> to vector<16xf32>
        %swap3A_1026 = vector.shape_cast %rev3A_946 : vector<16xf32> to vector<1x16xf32>
        tpu.vector_store %arg11[%swap3A_1022, %swap3A_1023], %swap3A_1026 {strides = array<i32>} : memref<8x1024xf32, #tpu.memory_space<vmem>>, vector<1x16xf32>,
        %swap3A_1027 = arith.index_cast %scan3A_183 : i32 to index
        %swap3A_1028 = arith.constant 864 : index
        %swap3A_1029 = tpu.vector_load %arg11[%swap3A_1027, %swap3A_1028] {strides = array<i32>} : memref<8x1024xf32, #tpu.memory_space<vmem>>, vector<1x16xf32>,
        %swap3A_1030 = vector.shape_cast %swap3A_1029 : vector<1x16xf32> to vector<16xf32>
        %swap3A_1031 = vector.shape_cast %rev3A_951 : vector<16xf32> to vector<1x16xf32>
        tpu.vector_store %arg11[%swap3A_1027, %swap3A_1028], %swap3A_1031 {strides = array<i32>} : memref<8x1024xf32, #tpu.memory_space<vmem>>, vector<1x16xf32>,
        %swap3A_1032 = arith.index_cast %scan3A_183 : i32 to index
        %swap3A_1033 = arith.constant 880 : index
        %swap3A_1034 = tpu.vector_load %arg11[%swap3A_1032, %swap3A_1033] {strides = array<i32>} : memref<8x1024xf32, #tpu.memory_space<vmem>>, vector<1x16xf32>,
        %swap3A_1035 = vector.shape_cast %swap3A_1034 : vector<1x16xf32> to vector<16xf32>
        %swap3A_1036 = vector.shape_cast %rev3A_956 : vector<16xf32> to vector<1x16xf32>
        tpu.vector_store %arg11[%swap3A_1032, %swap3A_1033], %swap3A_1036 {strides = array<i32>} : memref<8x1024xf32, #tpu.memory_space<vmem>>, vector<1x16xf32>,
        %swap3A_1037 = arith.index_cast %scan3A_183 : i32 to index
        %swap3A_1038 = arith.constant 896 : index
        %swap3A_1039 = tpu.vector_load %arg11[%swap3A_1037, %swap3A_1038] {strides = array<i32>} : memref<8x1024xf32, #tpu.memory_space<vmem>>, vector<1x16xf32>,
        %swap3A_1040 = vector.shape_cast %swap3A_1039 : vector<1x16xf32> to vector<16xf32>
        %swap3A_1041 = vector.shape_cast %rev3A_961 : vector<16xf32> to vector<1x16xf32>
        tpu.vector_store %arg11[%swap3A_1037, %swap3A_1038], %swap3A_1041 {strides = array<i32>} : memref<8x1024xf32, #tpu.memory_space<vmem>>, vector<1x16xf32>,
        %swap3A_1042 = arith.index_cast %scan3A_183 : i32 to index
        %swap3A_1043 = arith.constant 912 : index
        %swap3A_1044 = tpu.vector_load %arg11[%swap3A_1042, %swap3A_1043] {strides = array<i32>} : memref<8x1024xf32, #tpu.memory_space<vmem>>, vector<1x16xf32>,
        %swap3A_1045 = vector.shape_cast %swap3A_1044 : vector<1x16xf32> to vector<16xf32>
        %swap3A_1046 = vector.shape_cast %rev3A_966 : vector<16xf32> to vector<1x16xf32>
        tpu.vector_store %arg11[%swap3A_1042, %swap3A_1043], %swap3A_1046 {strides = array<i32>} : memref<8x1024xf32, #tpu.memory_space<vmem>>, vector<1x16xf32>,
        %swap3A_1047 = arith.index_cast %scan3A_183 : i32 to index
        %swap3A_1048 = arith.constant 928 : index
        %swap3A_1049 = tpu.vector_load %arg11[%swap3A_1047, %swap3A_1048] {strides = array<i32>} : memref<8x1024xf32, #tpu.memory_space<vmem>>, vector<1x16xf32>,
        %swap3A_1050 = vector.shape_cast %swap3A_1049 : vector<1x16xf32> to vector<16xf32>
        %swap3A_1051 = vector.shape_cast %rev3A_971 : vector<16xf32> to vector<1x16xf32>
        tpu.vector_store %arg11[%swap3A_1047, %swap3A_1048], %swap3A_1051 {strides = array<i32>} : memref<8x1024xf32, #tpu.memory_space<vmem>>, vector<1x16xf32>,
        %swap3A_1052 = arith.index_cast %scan3A_183 : i32 to index
        %swap3A_1053 = arith.constant 944 : index
        %swap3A_1054 = tpu.vector_load %arg11[%swap3A_1052, %swap3A_1053] {strides = array<i32>} : memref<8x1024xf32, #tpu.memory_space<vmem>>, vector<1x16xf32>,
        %swap3A_1055 = vector.shape_cast %swap3A_1054 : vector<1x16xf32> to vector<16xf32>
        %swap3A_1056 = vector.shape_cast %rev3A_976 : vector<16xf32> to vector<1x16xf32>
        tpu.vector_store %arg11[%swap3A_1052, %swap3A_1053], %swap3A_1056 {strides = array<i32>} : memref<8x1024xf32, #tpu.memory_space<vmem>>, vector<1x16xf32>,
        %swap3A_1057 = arith.index_cast %scan3A_183 : i32 to index
        %swap3A_1058 = arith.constant 960 : index
        %swap3A_1059 = tpu.vector_load %arg11[%swap3A_1057, %swap3A_1058] {strides = array<i32>} : memref<8x1024xf32, #tpu.memory_space<vmem>>, vector<1x16xf32>,
        %swap3A_1060 = vector.shape_cast %swap3A_1059 : vector<1x16xf32> to vector<16xf32>
        %swap3A_1061 = vector.shape_cast %rev3A_981 : vector<16xf32> to vector<1x16xf32>
        tpu.vector_store %arg11[%swap3A_1057, %swap3A_1058], %swap3A_1061 {strides = array<i32>} : memref<8x1024xf32, #tpu.memory_space<vmem>>, vector<1x16xf32>,
        %swap3A_1062 = arith.index_cast %scan3A_183 : i32 to index
        %swap3A_1063 = arith.constant 976 : index
        %swap3A_1064 = tpu.vector_load %arg11[%swap3A_1062, %swap3A_1063] {strides = array<i32>} : memref<8x1024xf32, #tpu.memory_space<vmem>>, vector<1x16xf32>,
        %swap3A_1065 = vector.shape_cast %swap3A_1064 : vector<1x16xf32> to vector<16xf32>
        %swap3A_1066 = vector.shape_cast %rev3A_986 : vector<16xf32> to vector<1x16xf32>
        tpu.vector_store %arg11[%swap3A_1062, %swap3A_1063], %swap3A_1066 {strides = array<i32>} : memref<8x1024xf32, #tpu.memory_space<vmem>>, vector<1x16xf32>,
        %swap3A_1067 = arith.index_cast %scan3A_183 : i32 to index
        %swap3A_1068 = arith.constant 992 : index
        %swap3A_1069 = tpu.vector_load %arg11[%swap3A_1067, %swap3A_1068] {strides = array<i32>} : memref<8x1024xf32, #tpu.memory_space<vmem>>, vector<1x16xf32>,
        %swap3A_1070 = vector.shape_cast %swap3A_1069 : vector<1x16xf32> to vector<16xf32>
        %swap3A_1071 = vector.shape_cast %rev3A_991 : vector<16xf32> to vector<1x16xf32>
        tpu.vector_store %arg11[%swap3A_1067, %swap3A_1068], %swap3A_1071 {strides = array<i32>} : memref<8x1024xf32, #tpu.memory_space<vmem>>, vector<1x16xf32>,
        %swap3A_1072 = arith.index_cast %scan3A_183 : i32 to index
        %swap3A_1073 = arith.constant 1008 : index
        %swap3A_1074 = tpu.vector_load %arg11[%swap3A_1072, %swap3A_1073] {strides = array<i32>} : memref<8x1024xf32, #tpu.memory_space<vmem>>, vector<1x16xf32>,
        %swap3A_1075 = vector.shape_cast %swap3A_1074 : vector<1x16xf32> to vector<16xf32>
        %swap3A_1076 = vector.shape_cast %rev3A_996 : vector<16xf32> to vector<1x16xf32>
        tpu.vector_store %arg11[%swap3A_1072, %swap3A_1073], %swap3A_1076 {strides = array<i32>} : memref<8x1024xf32, #tpu.memory_space<vmem>>, vector<1x16xf32>,
      }
      %scan3A_171 = arith.constant 8 : i32
      %dma_start3A_172 = arith.constant 0 : i32
      %dma_start3A_173 = tpu.memref_slice %arg3[%add3A_156, %dma_start3A_172] : memref<16384x1024xf32, #tpu.memory_space<hbm>> -> memref<8x1024xf32, #tpu.memory_space<hbm>>
      %dma_start3A_174 = arith.constant 0 : i32
      %dma_start3A_175 = tpu.memref_slice %arg3[%add3A_156, %dma_start3A_174] : memref<16384x1024xf32, #tpu.memory_space<hbm>> -> memref<8x1024xf32, #tpu.memory_space<hbm>>
      tpu.enqueue_dma source(%arg11 : memref<8x1024xf32, #tpu.memory_space<vmem>>) target(%dma_start3A_175 : memref<8x1024xf32, #tpu.memory_space<hbm>>) target_semaphore(%arg19 : memref<!tpu.dma_semaphore, #tpu.memory_space<semaphore_mem>>)
      %add3A_176 = arith.constant 4 : i32
      %add3A_177 = arith.addi %add3A_153, %add3A_176 : i32
      %lt3A_178 = arith.constant 64 : i32
      %lt3A_179 = arith.cmpi slt, %add3A_177, %lt3A_178 : i32
      %convert_element_type3A_180 = arith.extui %lt3A_179 : i1 to i32
      %cond3A_181 = arith.constant 0 : i32
      %cond3A_182 = arith.cmpi ne, %convert_element_type3A_180, %cond3A_181 : i32
      scf.if %cond3A_182 {
        %add3A_183 = arith.constant 32 : i32
        %add3A_184 = arith.addi %add3A_156, %add3A_183 : i32
        %dma_start3A_185 = arith.constant 0 : i32
        %dma_start3A_186 = tpu.memref_slice %arg2[%add3A_184, %dma_start3A_185] : memref<16384x1024xf32, #tpu.memory_space<hbm>> -> memref<8x1024xf32, #tpu.memory_space<hbm>>
        %dma_start3A_187 = arith.constant 0 : i32
        %dma_start3A_188 = tpu.memref_slice %arg2[%add3A_184, %dma_start3A_187] : memref<16384x1024xf32, #tpu.memory_space<hbm>> -> memref<8x1024xf32, #tpu.memory_space<hbm>>
        tpu.enqueue_dma source(%dma_start3A_188 : memref<8x1024xf32, #tpu.memory_space<hbm>>) target(%arg7 : memref<8x1024xf32, #tpu.memory_space<vmem>>) target_semaphore(%arg15 : memref<!tpu.dma_semaphore, #tpu.memory_space<semaphore_mem>>)
      } else {
      }
    }
    %scan3A_30 = arith.constant 16 : i32
    %add3A_31 = arith.constant 480 : i32
    %add3A_32 = arith.addi %mul3A_2, %add3A_31 : i32
    %dma_wait3A = arith.constant 0 : i32
    %dma_wait3A_33 = tpu.memref_slice %arg3[%add3A_32, %dma_wait3A] : memref<16384x1024xf32, #tpu.memory_space<hbm>> -> memref<8x1024xf32, #tpu.memory_space<hbm>>
    %dma_wait3A_34 = arith.constant 0 : i32
    %dma_wait3A_35 = tpu.memref_slice %arg3[%add3A_32, %dma_wait3A_34] : memref<16384x1024xf32, #tpu.memory_space<hbm>> -> memref<8x1024xf32, #tpu.memory_space<hbm>>
    tpu.wait_dma2 semaphore(%arg16 : memref<!tpu.dma_semaphore, #tpu.memory_space<semaphore_mem>>) src(%arg8 : memref<8x1024xf32, #tpu.memory_space<vmem>>) dst(%dma_wait3A_35 : memref<8x1024xf32, #tpu.memory_space<hbm>>)
    %add3A_36 = arith.constant 488 : i32
    %add3A_37 = arith.addi %mul3A_2, %add3A_36 : i32
    %dma_wait3A_38 = arith.constant 0 : i32
    %dma_wait3A_39 = tpu.memref_slice %arg3[%add3A_37, %dma_wait3A_38] : memref<16384x1024xf32, #tpu.memory_space<hbm>> -> memref<8x1024xf32, #tpu.memory_space<hbm>>
    %dma_wait3A_40 = arith.constant 0 : i32
    %dma_wait3A_41 = tpu.memref_slice %arg3[%add3A_37, %dma_wait3A_40] : memref<16384x1024xf32, #tpu.memory_space<hbm>> -> memref<8x1024xf32, #tpu.memory_space<hbm>>
    tpu.wait_dma2 semaphore(%arg17 : memref<!tpu.dma_semaphore, #tpu.memory_space<semaphore_mem>>) src(%arg9 : memref<8x1024xf32, #tpu.memory_space<vmem>>) dst(%dma_wait3A_41 : memref<8x1024xf32, #tpu.memory_space<hbm>>)
    %add3A_42 = arith.constant 496 : i32
    %add3A_43 = arith.addi %mul3A_2, %add3A_42 : i32
    %dma_wait3A_44 = arith.constant 0 : i32
    %dma_wait3A_45 = tpu.memref_slice %arg3[%add3A_43, %dma_wait3A_44] : memref<16384x1024xf32, #tpu.memory_space<hbm>> -> memref<8x1024xf32, #tpu.memory_space<hbm>>
    %dma_wait3A_46 = arith.constant 0 : i32
    %dma_wait3A_47 = tpu.memref_slice %arg3[%add3A_43, %dma_wait3A_46] : memref<16384x1024xf32, #tpu.memory_space<hbm>> -> memref<8x1024xf32, #tpu.memory_space<hbm>>
    tpu.wait_dma2 semaphore(%arg18 : memref<!tpu.dma_semaphore, #tpu.memory_space<semaphore_mem>>) src(%arg10 : memref<8x1024xf32, #tpu.memory_space<vmem>>) dst(%dma_wait3A_47 : memref<8x1024xf32, #tpu.memory_space<hbm>>)
    %add3A_48 = arith.constant 504 : i32
    %add3A_49 = arith.addi %mul3A_2, %add3A_48 : i32
    %dma_wait3A_50 = arith.constant 0 : i32
    %dma_wait3A_51 = tpu.memref_slice %arg3[%add3A_49, %dma_wait3A_50] : memref<16384x1024xf32, #tpu.memory_space<hbm>> -> memref<8x1024xf32, #tpu.memory_space<hbm>>
    %dma_wait3A_52 = arith.constant 0 : i32
    %dma_wait3A_53 = tpu.memref_slice %arg3[%add3A_49, %dma_wait3A_52] : memref<16384x1024xf32, #tpu.memory_space<hbm>> -> memref<8x1024xf32, #tpu.memory_space<hbm>>
    tpu.wait_dma2 semaphore(%arg19 : memref<!tpu.dma_semaphore, #tpu.memory_space<semaphore_mem>>) src(%arg11 : memref<8x1024xf32, #tpu.memory_space<vmem>>) dst(%dma_wait3A_53 : memref<8x1024xf32, #tpu.memory_space<hbm>>)
    return
  }
}

</mosaic_0001>

<sc_bundles>
// kernel: _reverse_rows.3.cloned.1.call-start
scs
__scs_entry_jumppad:
0x0: {  	(pc) =	sbr.rel $0x88, $3  }
0x1: {  	(tag) =	ssettag $0x0;
	lr =	simm.s32 $0x1  }
0x2: {  	[smem:$0x3FA0] =	sst lr;
	_ =	strace $0xD0000000  }
0x3: {  	_ = 	snop  }
0x4: {  	_ = 	snop  }
0x5: {  	_ = 	snop  }
0x6: {  	_ = 	snop  }
0x7: {  	_ = 	snop  }
__scs_overlays_trampoline_lowered:
0x8: {  	[smem:$0x3FAF] =	sst s0  }
0x9: {  	[smem:$0x3FB0] =	sst s1  }
0xa: {  	[smem:$0x3FB1] =	sst s2  }
0xb: {  	[smem:$0x3FB2] =	sst s3  }
0xc: {  	[smem:$0x3FB3] =	sst s4  }
0xd: {  	[smem:$0x3FB4] =	sst s5  }
0xe: {  	[smem:$0x3FB5] =	sst s6  }
0xf: {  	[smem:$0x3FB6] =	sst s7  }
0x10: {  	[smem:$0x3FB7] =	sst s8  }
0x11: {  	[smem:$0x3FB8] =	sst s9;
	s0 =	simm.s32 @!p0 $0x0  }
0x12: {  	s1 =	sld [smem:$0x3F9E];
	s0 =	simm.s32 @p0 $0x1  }
0x13: {  	[smem:$0x3FB9] =	sst s0;
	s0 =	simm.s32 @!p1 $0x0  }
0x14: {  	s2 =	sld [smem:$0x3F9D];
	s0 =	simm.s32 @p1 $0x1  }
0x15: {  	[smem:$0x3FBA] =	sst s0;
	s0 =	simm.s32 @!p2 $0x0  }
0x16: {  	s3 =	sld [smem:$0x3FDB];
	s0 =	simm.s32 @p2 $0x1  }
0x17: {  	s4 =	simm.s32 $0x1BF5;
	[smem:$0x3FBC] =	sst s0  }
0x18: {  	s0 =	sld [smem:$0x3F9F];
	_ =	swait.ge [sflag:s4], $0x0  }
0x19: {  	s7 =	sld [smem:$0x3FA0]  }
0x1a: {  	s8 =	sadd.s32 $0xFFFFE003, lr  }
0x1b: {  	s9 =	sadd.s32 $0xFFFFFEF7, lr;
	s5 =	simm.s32 $0xFFFFFFFF;
	p2 =	slt.u32 s8, $0xFFFFF086  }
0x1c: {  	p1 =	slt.u32 s9, $0xF7A;
	s5 =	simm.s32 @!p2 $0x0  }
0x1d: {  	s5 =	simm.s32 @p1 $0x1;
	p0 =	seq.s32 s7, s2  }
0x1e: {  	s7 =	smul.u32 @!p0 $0xF7A, s2;
	p2 =	seq.s32 @!p0 s5, $0x0  }
0x1f: {  	s9 =	smul.u32 $0xF7A, s1;
	s8 =	simm.s32 @!p0 $0x1BF5;
	p2 =	por !p2, p0  }
0x20: {  	[sflag:s8] =	ssyncset.s32 @!p0 $0xFFFFF086;
	s6 =	sadd.s32 @!p0 s3, s7;
	s7 =	simm.s32 @!p0 $0x108  }
0x21: {  	s3 =	sadd.s32 s3, s9;
	s6 =	sadd.s32 @!p0 $0x88, s6;
	s7 =	simm.s32 @p2 $0x1082  }
0x22: {  	[simem:s7], [sflag:s8] =	dma.local @!p0 [hbm:s6], $0xF7A  }
0x23: {  	s9 =	sor.u32 $0xD0000000, s2;
	s6 =	simm.s32 $0x108;
	_ =	swait.ge @!p0 [sflag:s8], $0x0  }
0x24: {  	s3 =	sadd.s32 $0x88, s3;
	s6 =	simm.s32 @!p1 $0x1082;
	[sflag:s4] =	ssyncset.s32 $0xFFFFF086  }
0x25: {  	[simem:s6], [sflag:s4] =	dma.local [hbm:s3], $0xF7A  }
0x26: {  	[smem:$0x3FA0] =	sst s1;
	(tag) =	ssettag s2;
	_ =	strace s9  }
0x27: {  	s1 =	sld [smem:$0x3FB0]  }
0x28: {  	s2 =	sld [smem:$0x3FB1]  }
0x29: {  	s4 =	sld [smem:$0x3FB3]  }
0x2a: {  	p0 =	seq.s32 s5, $0x0;
	s5 =	sld [smem:$0x3FB4]  }
0x2b: {  	s6 =	sld [smem:$0x3FB5]  }
0x2c: {  	s7 =	sld [smem:$0x3FB6]  }
0x2d: {  	s3 =	simm.s32 $0x108;
	s8 =	sld [smem:$0x3FB7]  }
0x2e: {  	s3 =	simm.s32 @!p0 $0x1082;
	s9 =	sld [smem:$0x3FB8]  }
0x2f: {  	lr =	sadd.s32 s0, s3;
	s0 =	sld [smem:$0x3FAF]  }
0x30: {  	s3 =	sld [smem:$0x3FB2]  }
0x31: {  	[smem:$0x3FBB] =	sst s10  }
0x32: {  	s10 =	sld [smem:$0x3FB9];
	_ =	sdelay $0x3  }
0x33: {  	p0 =	seq.s32 s10, $0x1;
	s10 =	sld [smem:$0x3FBB];
	_ =	sdelay $0x3  }
0x34: {  	[smem:$0x3FBB] =	sst s10  }
0x35: {  	s10 =	sld [smem:$0x3FBA];
	_ =	sdelay $0x3  }
0x36: {  	p1 =	seq.s32 s10, $0x1;
	s10 =	sld [smem:$0x3FBB];
	_ =	sdelay $0x3  }
0x37: {  	[smem:$0x3FBB] =	sst s10  }
0x38: {  	s10 =	sld [smem:$0x3FBC]  }
0x39: {  	_ = 	snop;
	(pc) =	sbr.ind lr, $3  }
0x3a: {  	_ = 	snop  }
0x3b: {  	_ = 	snop  }
0x3c: {  	p2 =	seq.s32 s10, $0x1;
	s10 =	sld [smem:$0x3FBB]  }
0x3d: {  	_ =	shalt  }
0x3e: {  	_ =	shalt  }
0x3f: {  	_ =	shalt  }
0x40: {  	_ =	shalt  }
0x41: {  	_ =	shalt  }
0x42: {  	_ =	shalt  }
0x43: {  	_ =	shalt  }
0x44: {  	_ =	shalt  }
0x45: {  	_ =	shalt  }
0x46: {  	_ =	shalt  }
0x47: {  	_ =	shalt  }
0x48: {  	_ =	shalt  }
0x49: {  	_ =	shalt  }
0x4a: {  	_ =	shalt  }
0x4b: {  	_ =	shalt  }
0x4c: {  	_ =	shalt  }
0x4d: {  	_ =	shalt  }
0x4e: {  	_ =	shalt  }
0x4f: {  	_ =	shalt  }
0x50: {  	_ =	shalt  }
0x51: {  	_ =	shalt  }
0x52: {  	_ =	shalt  }
0x53: {  	_ =	shalt  }
0x54: {  	_ =	shalt  }
0x55: {  	_ =	shalt  }
0x56: {  	_ =	shalt  }
0x57: {  	_ =	shalt  }
0x58: {  	_ =	shalt  }
0x59: {  	_ =	shalt  }
0x5a: {  	_ =	shalt  }
0x5b: {  	_ =	shalt  }
0x5c: {  	_ =	shalt  }
0x5d: {  	_ =	shalt  }
0x5e: {  	_ =	shalt  }
0x5f: {  	_ =	shalt  }
0x60: {  	_ =	shalt  }
0x61: {  	_ =	shalt  }
0x62: {  	_ =	shalt  }
0x63: {  	_ =	shalt  }
0x64: {  	_ =	shalt  }
0x65: {  	_ =	shalt  }
0x66: {  	_ =	shalt  }
0x67: {  	_ =	shalt  }
0x68: {  	_ =	shalt  }
0x69: {  	_ =	shalt  }
0x6a: {  	_ =	shalt  }
0x6b: {  	_ =	shalt  }
0x6c: {  	_ =	shalt  }
0x6d: {  	_ =	shalt  }
0x6e: {  	_ =	shalt  }
0x6f: {  	_ =	shalt  }
0x70: {  	_ =	shalt  }
0x71: {  	_ =	shalt  }
0x72: {  	_ =	shalt  }
0x73: {  	_ =	shalt  }
0x74: {  	_ =	shalt  }
0x75: {  	_ =	shalt  }
0x76: {  	_ =	shalt  }
0x77: {  	_ =	shalt  }
0x78: {  	_ =	shalt  }
0x79: {  	_ =	shalt  }
0x7a: {  	_ =	shalt  }
0x7b: {  	_ =	shalt  }
0x7c: {  	_ =	shalt  }
0x7d: {  	_ =	shalt  }
0x7e: {  	_ =	shalt  }
0x7f: {  	_ =	shalt  }
0x80: {  	_ =	shalt  }
0x81: {  	_ =	shalt  }
0x82: {  	_ =	shalt  }
0x83: {  	_ =	shalt  }
0x84: {  	_ =	shalt  }
0x85: {  	_ =	shalt  }
0x86: {  	_ =	shalt  }
0x87: {  	_ =	shalt  }
.Lfunc_end0:
.L_simem_size_0:
called_computation_lowered:
.L_overlay_start_0:
0x88: {  	s2 =	sld [smem:$0x3FD9]  }
0x89: {  	s3 =	sld [smem:$0x3FFE];
	_ =	sdelay $0x1  }
0x8a: {  	s1 =	srdreg.scid  }
0x8b: {  	s0 =	sand.u32 $0x1, s1  }
0x8c: {  	s18 =	sshll.u32 s0, $0xA;
	s2 =	sadd.s32 s3, s2  }
0x8d: {  	s2 =	sadd.s32 s2, s18  }
0x8e: {  	[smem:$0x3FC7] =	sst s2  }
0x8f: {  	_ = 	snop  }
0x90: {  	s2 =	sld [smem:$0x3FC9]  }
0x91: {  	s19 =	sld [smem:$0x3FD0];
	(tm) =	ssettm $0x1  }
0x92: {  	s4 =	sld [smem:$0x3FFB];
	_ =	sdelay $0x3  }
0x93: {  	_ =	strace s4  }
0x94: {  	s4 =	sld [smem:$0x3FFC];
	_ =	sdelay $0x3  }
0x95: {  	_ =	strace s4  }
0x96: {  	s4 =	sld [smem:$0x3FFD];
	_ =	sdelay $0x3  }
0x97: {  	_ =	strace s4  }
0x98: {  	_ =	strace $0x8FFFFFFF  }
0x99: {  	s20 =	sld [smem:$0x3FDB];
	_ =	sdelay $0x1  }
0x9a: {  	s5 =	simm.s32 $_scs_section_size  }
0x9b: {  	s6 =	simm.s32 $_size__tile_overlayer_lowered;
	s7 =	simm.s32 $_tile_overlayer_lowered  }
0x9c: {  	s23 =	simm.s32 $0x1BFF;
	s22 =	sshll.u32 s7, $0x1;
	s4 =	sadd.s32 s5, s20  }
0x9d: {  	s8 =	simm.s32 $0x0;
	s21 =	sshll.u32 s6, $0x1;
	s6 =	sadd.s32 s22, s4  }
0x9e: {  	[timem:s8], [sflag:s23] =	dma.local [hbm:s6], s21  }
0x9f: {  	_ =	swait.ge [sflag:s23], s21  }
0xa0: {  	s5 =	ssub.s32 $0x0, s21;
	[sflag:s23] =	ssyncset.done $0x0  }
0xa1: {  	[sflag:s23] =	ssyncadd.s32 s5;
	_ =	sdelay $0x1  }
0xa2: {  	s24 =	simm.s32 $0x1B8B  }
0xa3: {  	_ =	swait.ge [sflag:s24], $0x1  }
0xa4: {  	[sflag:s24] =	ssyncset.done $0x0  }
0xa5: {  	s25 =	simm.s32 $0x1B8E;
	[sflag:s24] =	ssyncadd.s32 $0xFFFFFFFF  }
0xa6: {  	s26 =	simm.s32 $execute0_lowered;
	[smem:$0x3FD2] =	sst s25  }
0xa7: {  	s5 =	sshll.u32 s26, $0x1;
	_ =	strace $0x80000046;
	[dreg:$0x1] =	wrdreg $0xFFFFFFFF  }
0xa8: {  	s28 =	simm.s32 $_size_execute0_lowered;
	s4 =	sadd.s32 s4, s5;
	[dreg:$0x0] =	wrdreg $0x0  }
0xa9: {  	s5 =	sshll.u32 s28, $0x1;
	[dreg:$0x2] =	wrdreg s4  }
0xaa: {  	[dreg:$0x3] =	wrdreg s5  }
0xab: {  	[dreg:$0x4] =	wrdreg $0xC0  }
0xac: {  	_ =	task [dreg:s8], $0x5FFFF  }
0xad: {  	[dreg:$0x1] =	wrdreg $0xFFFFFFFF  }
0xae: {  	[dreg:$0x0] =	wrdreg $0x60  }
0xaf: {  	[dreg:$0x2] =	wrdreg s2  }
0xb0: {  	[dreg:$0x3] =	wrdreg s19  }
0xb1: {  	[dreg:$0x4] =	wrdreg $0x9  }
0xb2: {  	_ =	task.clear_ibuf [dreg:s8], $0x5FFFF;
	_ =	strace $0x90000046  }
0xb3: {  	s29 =	simm.s32 $0x9;
	_ =	strace $0x80000048  }
0xb4: {  	_ =	swait.ge [sflag:s29], $0x1  }
0xb5: {  	[sflag:s29] =	ssyncadd.s32 $0xFFFFFFFF  }
0xb6: {  	_ =	strace $0x90000048  }
0xb7: {  	_ =	sfence  }
0xb8: {  	s30 =	sld [smem:$0x0];
	_ =	sdelay $0x2  }
0xb9: {  	s31 =	sshll.u32 s1, $0xD;
	s1 =	sshrl.u32 s1, $0x2  }
0xba: {  	s3 =	sand.u32 $0x4000, s31;
	s1 =	sadd.s32 s1, s30  }
0xbb: {  	s0 =	sor.u32 s3, s0;
	s1 =	sshll.u32 s1, $0x11  }
0xbc: {  	s0 =	sor.u32 s1, s0  }
0xbd: {  	s0 =	sadd.s32 $0x8F2B, s0  }
0xbe: {  	[sflag:s0] =	ssyncadd.remote.s32 $0x1  }
0xbf: {  	_ =	sfence.sel $0xFFFF  }
0xc0: {  	[dreg:$0x0] =	wrdreg $0xFFFFFFFF;
	(pc) =	sbr.abs _section_cstart, $3  }
0xc1: {  	[dreg:$0x1] =	wrdreg $0xFFFFFFFF  }
0xc2: {  	_ =	task.clear_ibuf [dreg:s8], $0x2FFFF;
	_ =	strace $0x9FFFFFFF  }
0xc3: {  	(tm) =	ssettm $0x7FFFFFFF  }
tec
execute0_lowered:
.L_overlay_start_1:
0x0: {  	(tag) =	ssettag $0x1  }
0x1: {  	s0 =	rddreg [dreg:$0x0]  }
0x2: {  	s2 =	rddreg [dreg:$0x1];
	s4 =	srdreg.scid;
	s3 =	simm.s32 $0x0  }
0x3: {  	s1 =	stileid.u32;
	s11 =	simm.s32 $0x2000;
	s12 =	simm.s32 $0x4000  }
0x4: {  	s13 =	simm.s32 $0x6000;
	s14 =	simm.s32 $0x1;
	s15 =	simm.s32 $0x8000  }
0x5: {  	s16 =	simm.s32 $0x2;
	s17 =	simm.s32 $0x6;
	s18 =	simm.s32 $0xA000  }
0x6: {  	s19 =	simm.s32 $0x3;
	s20 =	simm.s32 $0x7;
	s21 =	simm.s32 $0xC000  }
0x7: {  	s22 =	simm.s32 $0x4;
	s23 =	simm.s32 $0x8;
	s24 =	simm.s32 $0xE000  }
0x8: {  	s25 =	simm.s32 $0x5;
	s4 =	sand.u32 $0x1, s4;
	s6 =	sshll.u32 s1, $0x11  }
.Ltmp0:
0x9: {  	s5 =	ssub.s32 $0x2, s4;
	s4 =	sshll.u32 s4, $0x10;
	(pc) =	sbr.rel .LBB2_1-.Ltmp0, $4  }
0xa: {  	v0 =	vlaneseq.u32;
	s26 =	simm.s32 $0x0;
	s7 =	sshrl.u32 s5, $0x1;
	s4 =	sor.u32 s4, s6  }
0xb: {  	[smem:$0x7FF] =	sst s3;
	v0 =	vmul.u32 $0xFFFFFFFF, v0;
	s10 =	ssub.s32 s5, s7;
	s5 =	sadd.s32 s0, s4  }
0xc: {  	s9 =	sadd.s32 $0x1000, s0;
	_ =	strace $0x80000047;
	s6 =	sadd.s32 $0x400, s5  }
0xd: {  	v0 =	vadd.s32 $0xF, v0;
	s7 =	sadd.s32 $0x800, s5;
	s8 =	sadd.s32 $0xC00, s5;
	s10 =	smax.u32 s10, $0x1  }
.LBB2_24:
0xe: {  	_ =	swait.ge [sflag:s25], $0x2000  }
0xf: {  	[sflag:s25] =	ssyncset.done $0x0  }
0x10: {  	[sflag:s25] =	ssyncadd.s32 $0xFFFFE000  }
0x11: {  	_ =	swait.ge [sflag:s17], $0x2000  }
0x12: {  	[sflag:s17] =	ssyncset.done $0x0  }
0x13: {  	s26 =	sadd.s32 $0x1, s26;
	[sflag:s17] =	ssyncadd.s32 $0xFFFFE000  }
0x14: {  	p0 =	sne.s32 s26, s10;
	_ =	swait.ge [sflag:s20], $0x2000  }
.Ltmp1:
0x15: {  	[sflag:s20] =	ssyncset.done $0x0;
	(pc) =	sbr.rel @!p0 .LBB2_25-.Ltmp1, $4  }
0x16: {  	[sflag:s20] =	ssyncadd.s32 $0xFFFFE000  }
0x17: {  	_ =	swait.ge [sflag:s23], $0x2000  }
0x18: {  	[sflag:s23] =	ssyncset.done $0x0  }
0x19: {  	[sflag:s23] =	ssyncadd.s32 $0xFFFFE000  }
.LBB2_1:
0x1a: {  	[tilespmem:s3], [sflag:$0x1] =	stream.linear.gather [hbm4b:s5+s3], $0x2000, $0x38;
	[tilespmem:$0x10000] =	vst v63  }
0x1b: {  	_ = 	snop  }
0x1c: {  	[tilespmem:s11], [sflag:$0x2] =	stream.linear.gather [hbm4b:s6+s3], $0x2000, $0x38;
	[tilespmem:$0x10000] =	vst v63  }
0x1d: {  	_ = 	snop  }
0x1e: {  	[tilespmem:s12], [sflag:$0x3] =	stream.linear.gather [hbm4b:s7+s3], $0x2000, $0x38;
	[tilespmem:$0x10000] =	vst v63  }
0x1f: {  	s28 =	simm.s32 $0x0  }
0x20: {  	[tilespmem:s13], [sflag:$0x4] =	stream.linear.gather [hbm4b:s8+s3], $0x2000, $0x38;
	[tilespmem:$0x10000] =	vst v63  }
.LBB2_2:
0x21: {  	_ =	swait.ge [sflag:s14], $0x2000  }
0x22: {  	p0 =	seq.s32 s28, $0x0;
	[sflag:s14] =	ssyncset.done $0x0  }
0x23: {  	s0 =	simm.s32 @!p0 $0x5;
	[sflag:s14] =	ssyncadd.s32 $0xFFFFE000  }
0x24: {  	_ =	swait.ge @!p0 [sflag:s0], $0x2000  }
0x25: {  	[sflag:s0] =	ssyncset.done @!p0 $0x0  }
0x26: {  	s29 =	simm.s32 $0x0;
	[sflag:s0] =	ssyncadd.s32 @!p0 $0xFFFFE000  }
0x27: {  	v1 =	vld [tilespmem:s29+$0x0]  }
0x28: {  	v2 =	vld [tilespmem:s29+$0x1C70]  }
0x29: {  	v3 =	vld [tilespmem:s29+$0x1C60]  }
0x2a: {  	v4 =	vld [tilespmem:s29+$0x1C50]  }
0x2b: {  	v5 =	vld [tilespmem:s29+$0x1C40]  }
0x2c: {  	v6 =	vld [tilespmem:s29+$0x1C30]  }
0x2d: {  	v7 =	vld [tilespmem:s29+$0x1C20];
	v1 =	vperm.xlane v1, v0  }
0x2e: {  	v8 =	vld [tilespmem:s29+$0x1C10];
	v2 =	vperm.xlane v2, v0  }
0x2f: {  	v3 =	vperm.xlane v3, v0;
	[tilespmem:s29+$0x9C70] =	vst v1;
	v1 =	vld [tilespmem:s29+$0x1C00]  }
0x30: {  	v4 =	vperm.xlane v4, v0;
	[tilespmem:s29+$0x8000] =	vst v2;
	v2 =	vld [tilespmem:s29+$0x1870]  }
0x31: {  	v5 =	vperm.xlane v5, v0;
	[tilespmem:s29+$0x8010] =	vst v3;
	v3 =	vld [tilespmem:s29+$0x1860]  }
0x32: {  	v6 =	vperm.xlane v6, v0;
	[tilespmem:s29+$0x8020] =	vst v4;
	v4 =	vld [tilespmem:s29+$0x1850]  }
0x33: {  	v7 =	vperm.xlane v7, v0;
	[tilespmem:s29+$0x8030] =	vst v5;
	v5 =	vld [tilespmem:s29+$0x1840]  }
0x34: {  	v8 =	vperm.xlane v8, v0;
	[tilespmem:s29+$0x8040] =	vst v6;
	v6 =	vld [tilespmem:s29+$0x1830]  }
0x35: {  	[tilespmem:s29+$0x8050] =	vst v7;
	v7 =	vld [tilespmem:s29+$0x1820]  }
0x36: {  	[tilespmem:s29+$0x8060] =	vst v8;
	v8 =	vld [tilespmem:s29+$0x1810];
	v1 =	vperm.xlane v1, v0  }
0x37: {  	v2 =	vperm.xlane v2, v0  }
0x38: {  	[tilespmem:s29+$0x8070] =	vst v1  }
0x39: {  	v1 =	vperm.xlane v3, v0;
	[tilespmem:s29+$0x8400] =	vst v2;
	v2 =	vperm.xlane v4, v0  }
0x3a: {  	v3 =	vld [tilespmem:s29+$0x1800];
	v4 =	vperm.xlane v5, v0;
	v5 =	vperm.xlane v6, v0  }
0x3b: {  	v6 =	vperm.xlane v7, v0;
	v7 =	vperm.xlane v8, v0;
	v8 =	vld [tilespmem:s29+$0x1400]  }
0x3c: {  	[tilespmem:s29+$0x8410] =	vst v1;
	v1 =	vld [tilespmem:s29+$0x1470]  }
0x3d: {  	[tilespmem:s29+$0x8420] =	vst v2;
	v2 =	vld [tilespmem:s29+$0x1460]  }
0x3e: {  	[tilespmem:s29+$0x8430] =	vst v4;
	v4 =	vld [tilespmem:s29+$0x1450]  }
0x3f: {  	[tilespmem:s29+$0x8440] =	vst v5;
	v5 =	vld [tilespmem:s29+$0x1440]  }
0x40: {  	[tilespmem:s29+$0x8450] =	vst v6;
	v6 =	vld [tilespmem:s29+$0x1430];
	v3 =	vperm.xlane v3, v0  }
0x41: {  	[tilespmem:s29+$0x8460] =	vst v7;
	v7 =	vld [tilespmem:s29+$0x1420];
	v8 =	vperm.xlane v8, v0  }
0x42: {  	[tilespmem:s29+$0x8470] =	vst v3;
	v1 =	vperm.xlane v1, v0;
	v3 =	vld [tilespmem:s29+$0x1410]  }
0x43: {  	v2 =	vperm.xlane v2, v0;
	[tilespmem:s29+$0x8870] =	vst v8;
	v8 =	vld [tilespmem:s29+$0x1000]  }
0x44: {  	v4 =	vperm.xlane v4, v0;
	[tilespmem:s29+$0x8800] =	vst v1;
	v1 =	vld [tilespmem:s29+$0x1070]  }
0x45: {  	v5 =	vperm.xlane v5, v0;
	[tilespmem:s29+$0x8810] =	vst v2;
	v2 =	vld [tilespmem:s29+$0x1060]  }
0x46: {  	v6 =	vperm.xlane v6, v0;
	[tilespmem:s29+$0x8820] =	vst v4;
	v4 =	vld [tilespmem:s29+$0x1050]  }
0x47: {  	v7 =	vperm.xlane v7, v0;
	[tilespmem:s29+$0x8830] =	vst v5;
	v5 =	vld [tilespmem:s29+$0x1040]  }
0x48: {  	[tilespmem:s29+$0x8840] =	vst v6;
	v6 =	vld [tilespmem:s29+$0x1030]  }
0x49: {  	[tilespmem:s29+$0x8850] =	vst v7;
	v7 =	vld [tilespmem:s29+$0x1020];
	v3 =	vperm.xlane v3, v0  }
0x4a: {  	v1 =	vperm.xlane v1, v0  }
0x4b: {  	[tilespmem:s29+$0x8860] =	vst v3;
	v2 =	vperm.xlane v2, v0  }
0x4c: {  	v3 =	vld [tilespmem:s29+$0x1010];
	[tilespmem:s29+$0x8C00] =	vst v1;
	v1 =	vperm.xlane v4, v0  }
0x4d: {  	[tilespmem:s29+$0x8C10] =	vst v2;
	v2 =	vld [tilespmem:s29+$0xC70];
	v4 =	vperm.xlane v5, v0;
	v5 =	vperm.xlane v6, v0  }
0x4e: {  	v6 =	vperm.xlane v7, v0;
	v7 =	vperm.xlane v8, v0;
	v8 =	vld [tilespmem:s29+$0xC00]  }
0x4f: {  	[tilespmem:s29+$0x8C20] =	vst v1;
	v1 =	vld [tilespmem:s29+$0xC60]  }
0x50: {  	[tilespmem:s29+$0x8C30] =	vst v4;
	v4 =	vld [tilespmem:s29+$0xC50]  }
0x51: {  	[tilespmem:s29+$0x8C40] =	vst v5;
	v5 =	vld [tilespmem:s29+$0xC40]  }
0x52: {  	[tilespmem:s29+$0x8C50] =	vst v6;
	v6 =	vld [tilespmem:s29+$0xC30];
	v3 =	vperm.xlane v3, v0  }
0x53: {  	[tilespmem:s29+$0x8C70] =	vst v7;
	v7 =	vld [tilespmem:s29+$0xC10];
	v2 =	vperm.xlane v2, v0  }
0x54: {  	[tilespmem:s29+$0x8C60] =	vst v3;
	v3 =	vld [tilespmem:s29+$0xC20];
	v8 =	vperm.xlane v8, v0  }
0x55: {  	v1 =	vperm.xlane v1, v0;
	[tilespmem:s29+$0x9000] =	vst v2;
	v2 =	vld [tilespmem:s29+$0x870]  }
0x56: {  	v4 =	vperm.xlane v4, v0;
	[tilespmem:s29+$0x9070] =	vst v8;
	v8 =	vld [tilespmem:s29+$0x800]  }
0x57: {  	v5 =	vperm.xlane v5, v0;
	[tilespmem:s29+$0x9010] =	vst v1;
	v1 =	vld [tilespmem:s29+$0x860]  }
0x58: {  	v6 =	vperm.xlane v6, v0;
	[tilespmem:s29+$0x9020] =	vst v4;
	v4 =	vld [tilespmem:s29+$0x850]  }
0x59: {  	v7 =	vperm.xlane v7, v0;
	[tilespmem:s29+$0x9030] =	vst v5;
	v5 =	vld [tilespmem:s29+$0x840]  }
0x5a: {  	[tilespmem:s29+$0x9040] =	vst v6;
	v6 =	vld [tilespmem:s29+$0x830]  }
0x5b: {  	[tilespmem:s29+$0x9060] =	vst v7;
	v7 =	vld [tilespmem:s29+$0x810];
	v3 =	vperm.xlane v3, v0  }
0x5c: {  	v2 =	vperm.xlane v2, v0  }
0x5d: {  	[tilespmem:s29+$0x9050] =	vst v3  }
0x5e: {  	v3 =	vld [tilespmem:s29+$0x820];
	v1 =	vperm.xlane v1, v0;
	[tilespmem:s29+$0x9400] =	vst v2;
	v2 =	vperm.xlane v4, v0  }
0x5f: {  	v4 =	vperm.xlane v5, v0;
	v5 =	vperm.xlane v6, v0  }
0x60: {  	v6 =	vperm.xlane v7, v0;
	v7 =	vperm.xlane v8, v0;
	v8 =	vld [tilespmem:s29+$0x400];
	[tilespmem:s29+$0x9410] =	vst v1  }
0x61: {  	v1 =	vld [tilespmem:s29+$0x470];
	[tilespmem:s29+$0x9420] =	vst v2  }
0x62: {  	v2 =	vld [tilespmem:s29+$0x460];
	[tilespmem:s29+$0x9430] =	vst v4  }
0x63: {  	v4 =	vld [tilespmem:s29+$0x450];
	[tilespmem:s29+$0x9440] =	vst v5;
	v3 =	vperm.xlane v3, v0  }
0x64: {  	v5 =	vld [tilespmem:s29+$0x440];
	[tilespmem:s29+$0x9460] =	vst v6  }
0x65: {  	[tilespmem:s29+$0x9450] =	vst v3;
	v3 =	vld [tilespmem:s29+$0x430];
	v8 =	vperm.xlane v8, v0  }
0x66: {  	v6 =	vld [tilespmem:s29+$0x420];
	[tilespmem:s29+$0x9470] =	vst v7;
	v1 =	vperm.xlane v1, v0  }
0x67: {  	v7 =	vld [tilespmem:s29+$0x410];
	v2 =	vperm.xlane v2, v0;
	[tilespmem:s29+$0x9870] =	vst v8  }
0x68: {  	v9 =	vld [tilespmem:s29+$0x70];
	[tilespmem:s29+$0x9800] =	vst v1;
	v1 =	vperm.xlane v4, v0  }
0x69: {  	v10 =	vld [tilespmem:s29+$0x60];
	[tilespmem:s29+$0x9810] =	vst v2;
	v2 =	vperm.xlane v5, v0  }
0x6a: {  	v3 =	vperm.xlane v3, v0;
	[tilespmem:s29+$0x9820] =	vst v1;
	v1 =	vld [tilespmem:s29+$0x50]  }
0x6b: {  	v4 =	vperm.xlane v6, v0;
	[tilespmem:s29+$0x9830] =	vst v2;
	v2 =	vld [tilespmem:s29+$0x40]  }
0x6c: {  	v5 =	vperm.xlane v7, v0;
	[tilespmem:s29+$0x9840] =	vst v3;
	v3 =	vld [tilespmem:s29+$0x30]  }
0x6d: {  	v6 =	vperm.xlane v9, v0;
	[tilespmem:s29+$0x9850] =	vst v4;
	v4 =	vld [tilespmem:s29+$0x20]  }
0x6e: {  	s31 =	simm.s32 $0x80;
	s30 =	simm.s32 $0x400;
	v7 =	vperm.xlane v10, v0;
	[tilespmem:s29+$0x9860] =	vst v5;
	v5 =	vld [tilespmem:s29+$0x10]  }
.LBB2_3:
0x6f: {  	p1 =	sne.s32 s30, $0xE00;
	v8 =	vld [tilespmem:s31+$0x0];
	v1 =	vperm.xlane v1, v0;
	[tilespmem:s29+$0x9C00] =	vst v6  }
0x70: {  	v6 =	vld [tilespmem:s31+$0x1C70];
	v2 =	vperm.xlane v2, v0;
	[tilespmem:s29+$0x9C10] =	vst v7  }
0x71: {  	v7 =	vld [tilespmem:s31+$0x1C60];
	v3 =	vperm.xlane v3, v0;
	[tilespmem:s29+$0x9C20] =	vst v1  }
0x72: {  	v1 =	vld [tilespmem:s31+$0x1C50];
	v4 =	vperm.xlane v4, v0;
	[tilespmem:s29+$0x9C30] =	vst v2  }
0x73: {  	v2 =	vld [tilespmem:s31+$0x1C40];
	v5 =	vperm.xlane v5, v0;
	[tilespmem:s29+$0x9C40] =	vst v3  }
0x74: {  	v3 =	vld [tilespmem:s31+$0x1C30];
	v8 =	vperm.xlane v8, v0;
	[tilespmem:s29+$0x9C50] =	vst v4  }
0x75: {  	v4 =	vld [tilespmem:s31+$0x1C20];
	v6 =	vperm.xlane v6, v0;
	[tilespmem:s29+$0x9C60] =	vst v5;
	s29 =	smov.u32 s31  }
0x76: {  	v5 =	vld [tilespmem:s29+$0x1C10];
	v7 =	vperm.xlane v7, v0;
	[tilespmem:s29+$0x9C70] =	vst v8  }
0x77: {  	v8 =	vld [tilespmem:s29+$0x1C00];
	v1 =	vperm.xlane v1, v0;
	[tilespmem:s29+$0x8000] =	vst v6  }
0x78: {  	v6 =	vld [tilespmem:s29+$0x1870];
	v2 =	vperm.xlane v2, v0;
	[tilespmem:s29+$0x8010] =	vst v7  }
0x79: {  	v7 =	vld [tilespmem:s29+$0x1860];
	v3 =	vperm.xlane v3, v0;
	[tilespmem:s29+$0x8020] =	vst v1  }
0x7a: {  	v1 =	vld [tilespmem:s29+$0x1850];
	v4 =	vperm.xlane v4, v0;
	[tilespmem:s29+$0x8030] =	vst v2  }
0x7b: {  	v2 =	vld [tilespmem:s29+$0x1840];
	v5 =	vperm.xlane v5, v0;
	[tilespmem:s29+$0x8040] =	vst v3  }
0x7c: {  	v3 =	vld [tilespmem:s29+$0x1830];
	v8 =	vperm.xlane v8, v0;
	[tilespmem:s29+$0x8050] =	vst v4  }
0x7d: {  	v4 =	vld [tilespmem:s29+$0x1820];
	v6 =	vperm.xlane v6, v0;
	[tilespmem:s29+$0x8060] =	vst v5  }
0x7e: {  	v5 =	vld [tilespmem:s29+$0x1810];
	v7 =	vperm.xlane v7, v0;
	[tilespmem:s29+$0x8070] =	vst v8  }
0x7f: {  	v8 =	vld [tilespmem:s29+$0x1800];
	v1 =	vperm.xlane v1, v0;
	[tilespmem:s29+$0x8400] =	vst v6  }
0x80: {  	v2 =	vperm.xlane v2, v0;
	[tilespmem:s29+$0x8410] =	vst v7;
	v6 =	vld [tilespmem:s29+$0x1470]  }
0x81: {  	v3 =	vperm.xlane v3, v0;
	[tilespmem:s29+$0x8420] =	vst v1;
	v1 =	vld [tilespmem:s29+$0x1460]  }
0x82: {  	v4 =	vperm.xlane v4, v0;
	[tilespmem:s29+$0x8430] =	vst v2;
	v2 =	vld [tilespmem:s29+$0x1450]  }
0x83: {  	v5 =	vperm.xlane v5, v0;
	[tilespmem:s29+$0x8440] =	vst v3;
	v3 =	vld [tilespmem:s29+$0x1440]  }
0x84: {  	v7 =	vperm.xlane v8, v0;
	[tilespmem:s29+$0x8450] =	vst v4;
	v4 =	vld [tilespmem:s29+$0x1430]  }
0x85: {  	[tilespmem:s29+$0x8460] =	vst v5;
	v5 =	vld [tilespmem:s29+$0x1420];
	v6 =	vperm.xlane v6, v0  }
0x86: {  	[tilespmem:s29+$0x8470] =	vst v7;
	v7 =	vld [tilespmem:s29+$0x1410];
	v1 =	vperm.xlane v1, v0  }
0x87: {  	v8 =	vld [tilespmem:s29+$0x1400];
	v2 =	vperm.xlane v2, v0;
	[tilespmem:s29+$0x8800] =	vst v6  }
0x88: {  	v6 =	vld [tilespmem:s29+$0x1070];
	v3 =	vperm.xlane v3, v0;
	[tilespmem:s29+$0x8810] =	vst v1  }
0x89: {  	v1 =	vld [tilespmem:s29+$0x1060];
	v4 =	vperm.xlane v4, v0;
	[tilespmem:s29+$0x8820] =	vst v2  }
0x8a: {  	v2 =	vld [tilespmem:s29+$0x1050];
	v5 =	vperm.xlane v5, v0;
	[tilespmem:s29+$0x8830] =	vst v3  }
0x8b: {  	v3 =	vld [tilespmem:s29+$0x1040];
	v7 =	vperm.xlane v7, v0;
	[tilespmem:s29+$0x8840] =	vst v4  }
0x8c: {  	v4 =	vld [tilespmem:s29+$0x1030];
	v8 =	vperm.xlane v8, v0;
	[tilespmem:s29+$0x8850] =	vst v5  }
0x8d: {  	v5 =	vld [tilespmem:s29+$0x1020];
	v6 =	vperm.xlane v6, v0;
	[tilespmem:s29+$0x8860] =	vst v7  }
0x8e: {  	v7 =	vld [tilespmem:s29+$0x1010];
	v1 =	vperm.xlane v1, v0;
	[tilespmem:s29+$0x8870] =	vst v8  }
0x8f: {  	v8 =	vld [tilespmem:s29+$0x1000];
	v2 =	vperm.xlane v2, v0;
	[tilespmem:s29+$0x8C00] =	vst v6  }
0x90: {  	v3 =	vperm.xlane v3, v0;
	[tilespmem:s29+$0x8C10] =	vst v1;
	v1 =	vld [tilespmem:s29+$0xC70]  }
0x91: {  	v4 =	vperm.xlane v4, v0;
	[tilespmem:s29+$0x8C20] =	vst v2;
	v2 =	vld [tilespmem:s29+$0xC60]  }
0x92: {  	v5 =	vperm.xlane v5, v0;
	[tilespmem:s29+$0x8C30] =	vst v3;
	v3 =	vld [tilespmem:s29+$0xC50]  }
0x93: {  	v6 =	vperm.xlane v7, v0;
	[tilespmem:s29+$0x8C40] =	vst v4;
	v4 =	vld [tilespmem:s29+$0xC40]  }
0x94: {  	v7 =	vperm.xlane v8, v0;
	[tilespmem:s29+$0x8C50] =	vst v5;
	v5 =	vld [tilespmem:s29+$0xC30]  }
0x95: {  	[tilespmem:s29+$0x8C60] =	vst v6;
	v6 =	vld [tilespmem:s29+$0xC20];
	v1 =	vperm.xlane v1, v0  }
0x96: {  	[tilespmem:s29+$0x8C70] =	vst v7;
	v7 =	vld [tilespmem:s29+$0xC10];
	v2 =	vperm.xlane v2, v0  }
0x97: {  	v8 =	vld [tilespmem:s29+$0xC00];
	v3 =	vperm.xlane v3, v0;
	[tilespmem:s29+$0x9000] =	vst v1  }
0x98: {  	v1 =	vld [tilespmem:s29+$0x870];
	v4 =	vperm.xlane v4, v0;
	[tilespmem:s29+$0x9010] =	vst v2  }
0x99: {  	v2 =	vld [tilespmem:s29+$0x860];
	v5 =	vperm.xlane v5, v0;
	[tilespmem:s29+$0x9020] =	vst v3  }
0x9a: {  	v3 =	vld [tilespmem:s29+$0x850];
	v6 =	vperm.xlane v6, v0;
	[tilespmem:s29+$0x9030] =	vst v4  }
0x9b: {  	v4 =	vld [tilespmem:s29+$0x840];
	v7 =	vperm.xlane v7, v0;
	[tilespmem:s29+$0x9040] =	vst v5  }
0x9c: {  	v5 =	vld [tilespmem:s29+$0x830];
	v8 =	vperm.xlane v8, v0;
	[tilespmem:s29+$0x9050] =	vst v6  }
0x9d: {  	v6 =	vld [tilespmem:s29+$0x820];
	v1 =	vperm.xlane v1, v0;
	[tilespmem:s29+$0x9060] =	vst v7  }
0x9e: {  	v7 =	vld [tilespmem:s29+$0x810];
	v2 =	vperm.xlane v2, v0;
	[tilespmem:s29+$0x9070] =	vst v8  }
0x9f: {  	v8 =	vld [tilespmem:s29+$0x800];
	v3 =	vperm.xlane v3, v0;
	[tilespmem:s29+$0x9400] =	vst v1  }
0xa0: {  	v1 =	vperm.xlane v4, v0;
	[tilespmem:s29+$0x9410] =	vst v2;
	v2 =	vld [tilespmem:s29+$0x470]  }
0xa1: {  	v4 =	vperm.xlane v5, v0;
	[tilespmem:s29+$0x9420] =	vst v3;
	v3 =	vld [tilespmem:s29+$0x460]  }
0xa2: {  	v5 =	vperm.xlane v6, v0;
	[tilespmem:s29+$0x9430] =	vst v1;
	v1 =	vld [tilespmem:s29+$0x450]  }
0xa3: {  	v6 =	vperm.xlane v7, v0;
	[tilespmem:s29+$0x9440] =	vst v4;
	v4 =	vld [tilespmem:s29+$0x440]  }
0xa4: {  	v7 =	vperm.xlane v8, v0;
	[tilespmem:s29+$0x9450] =	vst v5;
	v5 =	vld [tilespmem:s29+$0x430]  }
0xa5: {  	[tilespmem:s29+$0x9460] =	vst v6;
	v6 =	vld [tilespmem:s29+$0x420];
	v2 =	vperm.xlane v2, v0  }
0xa6: {  	[tilespmem:s29+$0x9470] =	vst v7;
	v7 =	vld [tilespmem:s29+$0x410];
	v3 =	vperm.xlane v3, v0  }
0xa7: {  	v8 =	vld [tilespmem:s29+$0x400];
	v1 =	vperm.xlane v1, v0;
	[tilespmem:s29+$0x9800] =	vst v2  }
0xa8: {  	v9 =	vld [tilespmem:s29+$0x70];
	v2 =	vperm.xlane v4, v0;
	[tilespmem:s29+$0x9810] =	vst v3  }
0xa9: {  	v10 =	vld [tilespmem:s29+$0x60];
	v3 =	vperm.xlane v5, v0;
	[tilespmem:s29+$0x9820] =	vst v1  }
.Ltmp2:
0xaa: {  	v1 =	vld [tilespmem:s29+$0x50];
	v4 =	vperm.xlane v6, v0;
	[tilespmem:s29+$0x9830] =	vst v2;
	(pc) =	sbr.rel @p1 .LBB2_3-.Ltmp2, $4  }
0xab: {  	v2 =	vld [tilespmem:s29+$0x40];
	v5 =	vperm.xlane v7, v0;
	[tilespmem:s29+$0x9840] =	vst v3  }
0xac: {  	v3 =	vld [tilespmem:s29+$0x30];
	v8 =	vperm.xlane v8, v0;
	[tilespmem:s29+$0x9850] =	vst v4  }
0xad: {  	v4 =	vld [tilespmem:s29+$0x20];
	v6 =	vperm.xlane v9, v0;
	[tilespmem:s29+$0x9860] =	vst v5  }
0xae: {  	s31 =	sshra.s32 s30, $0x2;
	s30 =	sadd.s32 $0x200, s30;
	v5 =	vld [tilespmem:s29+$0x10];
	v7 =	vperm.xlane v10, v0;
	[tilespmem:s29+$0x9870] =	vst v8  }
0xaf: {  	v8 =	vld [tilespmem:s31+$0x0];
	[tilespmem:s29+$0x9C00] =	vst v6;
	v1 =	vperm.xlane v1, v0  }
0xb0: {  	v6 =	vld [tilespmem:s31+$0x1C70];
	[tilespmem:s29+$0x9C10] =	vst v7;
	v2 =	vperm.xlane v2, v0  }
0xb1: {  	v7 =	vld [tilespmem:s31+$0x1C60];
	[tilespmem:s29+$0x9C20] =	vst v1;
	v3 =	vperm.xlane v3, v0  }
0xb2: {  	v1 =	vld [tilespmem:s31+$0x1C50];
	[tilespmem:s29+$0x9C30] =	vst v2;
	v4 =	vperm.xlane v4, v0  }
0xb3: {  	v2 =	vld [tilespmem:s31+$0x1C40];
	[tilespmem:s29+$0x9C40] =	vst v3;
	v5 =	vperm.xlane v5, v0  }
0xb4: {  	v3 =	vld [tilespmem:s31+$0x1C30];
	[tilespmem:s29+$0x9C50] =	vst v4;
	v8 =	vperm.xlane v8, v0  }
0xb5: {  	v4 =	vld [tilespmem:s31+$0x1C20];
	[tilespmem:s29+$0x9C60] =	vst v5;
	v6 =	vperm.xlane v6, v0  }
0xb6: {  	v5 =	vld [tilespmem:s31+$0x1C10];
	[tilespmem:s31+$0x9C70] =	vst v8;
	v7 =	vperm.xlane v7, v0  }
0xb7: {  	v22 =	vld [tilespmem:s31+$0x1C00];
	[tilespmem:s31+$0x8000] =	vst v6;
	v1 =	vperm.xlane v1, v0  }
0xb8: {  	v23 =	vld [tilespmem:s31+$0x1870];
	[tilespmem:s31+$0x8010] =	vst v7;
	v2 =	vperm.xlane v2, v0  }
0xb9: {  	v24 =	vld [tilespmem:s31+$0x1860];
	[tilespmem:s31+$0x8020] =	vst v1;
	v3 =	vperm.xlane v3, v0  }
0xba: {  	v27 =	vld [tilespmem:s31+$0x1800];
	[tilespmem:s31+$0x8030] =	vst v2;
	v4 =	vperm.xlane v4, v0  }
0xbb: {  	v37 =	vld [tilespmem:s31+$0x1010];
	[tilespmem:s31+$0x8040] =	vst v3;
	v5 =	vperm.xlane v5, v0  }
0xbc: {  	v38 =	vld [tilespmem:s31+$0x1000];
	v8 =	vperm.xlane v22, v0;
	[tilespmem:s31+$0x8050] =	vst v4  }
0xbd: {  	v1 =	vld [tilespmem:s31+$0x1850];
	v6 =	vperm.xlane v23, v0;
	[tilespmem:s31+$0x8060] =	vst v5  }
0xbe: {  	v2 =	vld [tilespmem:s31+$0x1840];
	v7 =	vperm.xlane v24, v0;
	[tilespmem:s31+$0x8070] =	vst v8  }
0xbf: {  	v3 =	vld [tilespmem:s31+$0x1830];
	v30 =	vperm.xlane v27, v0;
	[tilespmem:s31+$0x8400] =	vst v6  }
0xc0: {  	v47 =	vld [tilespmem:s31+$0x830];
	v40 =	vperm.xlane v37, v0;
	[tilespmem:s31+$0x8410] =	vst v7  }
0xc1: {  	v48 =	vld [tilespmem:s31+$0x820];
	v42 =	vperm.xlane v38, v0;
	[tilespmem:s31+$0x8470] =	vst v30  }
0xc2: {  	v49 =	vld [tilespmem:s31+$0x810];
	[tilespmem:s31+$0x8C60] =	vst v40;
	v1 =	vperm.xlane v1, v0  }
0xc3: {  	v50 =	vld [tilespmem:s31+$0x800];
	[tilespmem:s31+$0x8C70] =	vst v42;
	v2 =	vperm.xlane v2, v0  }
0xc4: {  	[tilespmem:s31+$0x8420] =	vst v1;
	v1 =	vld [tilespmem:s31+$0x1460];
	v3 =	vperm.xlane v3, v0  }
0xc5: {  	v51 =	vperm.xlane v47, v0;
	[tilespmem:s31+$0x8430] =	vst v2;
	v2 =	vld [tilespmem:s31+$0x1450]  }
0xc6: {  	v52 =	vperm.xlane v48, v0;
	[tilespmem:s31+$0x8440] =	vst v3;
	v3 =	vld [tilespmem:s31+$0x1440]  }
0xc7: {  	v25 =	vld [tilespmem:s31+$0x1820];
	v54 =	vperm.xlane v49, v0;
	[tilespmem:s31+$0x9440] =	vst v51  }
0xc8: {  	v26 =	vld [tilespmem:s31+$0x1810];
	v56 =	vperm.xlane v50, v0;
	[tilespmem:s31+$0x9450] =	vst v52  }
0xc9: {  	v28 =	vld [tilespmem:s31+$0x1470];
	[tilespmem:s31+$0x9460] =	vst v54;
	v1 =	vperm.xlane v1, v0  }
0xca: {  	v32 =	vld [tilespmem:s31+$0x1410];
	[tilespmem:s31+$0x9470] =	vst v56;
	v2 =	vperm.xlane v2, v0  }
0xcb: {  	[tilespmem:s31+$0x8810] =	vst v1;
	v1 =	vld [tilespmem:s31+$0x1060];
	v3 =	vperm.xlane v3, v0  }
0xcc: {  	v4 =	vperm.xlane v25, v0;
	[tilespmem:s31+$0x8820] =	vst v2;
	v2 =	vld [tilespmem:s31+$0x1050]  }
0xcd: {  	v5 =	vperm.xlane v26, v0;
	[tilespmem:s31+$0x8830] =	vst v3;
	v3 =	vld [tilespmem:s31+$0x1040]  }
0xce: {  	v33 =	vld [tilespmem:s31+$0x1400];
	v6 =	vperm.xlane v28, v0;
	[tilespmem:s31+$0x8450] =	vst v4  }
0xcf: {  	v29 =	vld [tilespmem:s31+$0x1430];
	v7 =	vperm.xlane v32, v0;
	[tilespmem:s31+$0x8460] =	vst v5  }
0xd0: {  	v31 =	vld [tilespmem:s31+$0x1420];
	[tilespmem:s31+$0x8800] =	vst v6;
	v1 =	vperm.xlane v1, v0  }
0xd1: {  	v34 =	vld [tilespmem:s31+$0x1070];
	[tilespmem:s31+$0x8860] =	vst v7;
	v2 =	vperm.xlane v2, v0  }
0xd2: {  	[tilespmem:s31+$0x8C10] =	vst v1;
	v1 =	vld [tilespmem:s31+$0xC70];
	v3 =	vperm.xlane v3, v0  }
0xd3: {  	v8 =	vperm.xlane v33, v0;
	[tilespmem:s31+$0x8C20] =	vst v2;
	v2 =	vld [tilespmem:s31+$0xC60]  }
0xd4: {  	v4 =	vperm.xlane v29, v0;
	[tilespmem:s31+$0x8C30] =	vst v3;
	v3 =	vld [tilespmem:s31+$0xC50]  }
0xd5: {  	v44 =	vld [tilespmem:s31+$0xC10];
	v5 =	vperm.xlane v31, v0;
	[tilespmem:s31+$0x8870] =	vst v8  }
0xd6: {  	v45 =	vld [tilespmem:s31+$0xC00];
	v6 =	vperm.xlane v34, v0;
	[tilespmem:s31+$0x8840] =	vst v4  }
0xd7: {  	v35 =	vld [tilespmem:s31+$0x1030];
	[tilespmem:s31+$0x8850] =	vst v5;
	v1 =	vperm.xlane v1, v0  }
0xd8: {  	v36 =	vld [tilespmem:s31+$0x1020];
	[tilespmem:s31+$0x8C00] =	vst v6;
	v2 =	vperm.xlane v2, v0  }
0xd9: {  	[tilespmem:s31+$0x9000] =	vst v1;
	v1 =	vld [tilespmem:s31+$0x870];
	v3 =	vperm.xlane v3, v0  }
0xda: {  	v7 =	vperm.xlane v44, v0;
	[tilespmem:s31+$0x9010] =	vst v2;
	v2 =	vld [tilespmem:s31+$0x860]  }
0xdb: {  	v8 =	vperm.xlane v45, v0;
	[tilespmem:s31+$0x9020] =	vst v3;
	v3 =	vld [tilespmem:s31+$0x850]  }
0xdc: {  	v46 =	vld [tilespmem:s31+$0x840];
	v4 =	vperm.xlane v35, v0;
	[tilespmem:s31+$0x9060] =	vst v7  }
0xdd: {  	v43 =	vld [tilespmem:s31+$0xC20];
	v5 =	vperm.xlane v36, v0;
	[tilespmem:s31+$0x9070] =	vst v8  }
0xde: {  	v58 =	vld [tilespmem:s31+$0x410];
	[tilespmem:s31+$0x8C40] =	vst v4;
	v1 =	vperm.xlane v1, v0  }
0xdf: {  	v59 =	vld [tilespmem:s31+$0x400];
	[tilespmem:s31+$0x8C50] =	vst v5;
	v2 =	vperm.xlane v2, v0  }
0xe0: {  	v39 =	vld [tilespmem:s31+$0xC40];
	[tilespmem:s31+$0x9400] =	vst v1;
	v1 =	vperm.xlane v3, v0  }
0xe1: {  	v3 =	vperm.xlane v46, v0;
	[tilespmem:s31+$0x9410] =	vst v2;
	v2 =	vld [tilespmem:s31+$0x470]  }
0xe2: {  	v6 =	vperm.xlane v43, v0;
	[tilespmem:s31+$0x9420] =	vst v1;
	v1 =	vld [tilespmem:s31+$0x460]  }
0xe3: {  	v7 =	vperm.xlane v58, v0;
	[tilespmem:s31+$0x9430] =	vst v3;
	v3 =	vld [tilespmem:s31+$0x450]  }
0xe4: {  	v41 =	vld [tilespmem:s31+$0xC30];
	v8 =	vperm.xlane v59, v0;
	[tilespmem:s31+$0x9050] =	vst v6  }
0xe5: {  	v57 =	vld [tilespmem:s31+$0x420];
	v4 =	vperm.xlane v39, v0;
	[tilespmem:s31+$0x9860] =	vst v7  }
0xe6: {  	v53 =	vld [tilespmem:s31+$0x440];
	[tilespmem:s31+$0x9870] =	vst v8;
	v2 =	vperm.xlane v2, v0  }
0xe7: {  	v55 =	vld [tilespmem:s31+$0x430];
	[tilespmem:s31+$0x9030] =	vst v4;
	v1 =	vperm.xlane v1, v0  }
0xe8: {  	v3 =	vperm.xlane v3, v0;
	[tilespmem:s31+$0x9800] =	vst v2;
	v2 =	vld [tilespmem:s31+$0x70]  }
0xe9: {  	v5 =	vperm.xlane v41, v0;
	[tilespmem:s31+$0x9810] =	vst v1;
	v1 =	vld [tilespmem:s31+$0x60]  }
0xea: {  	v6 =	vperm.xlane v57, v0;
	[tilespmem:s31+$0x9820] =	vst v3;
	v3 =	vld [tilespmem:s31+$0x50]  }
0xeb: {  	v60 =	vld [tilespmem:s31+$0x40];
	v4 =	vperm.xlane v53, v0;
	[tilespmem:s31+$0x9040] =	vst v5  }
0xec: {  	v61 =	vld [tilespmem:s31+$0x30];
	v5 =	vperm.xlane v55, v0;
	[tilespmem:s31+$0x9850] =	vst v6  }
0xed: {  	v62 =	vld [tilespmem:s31+$0x20];
	[tilespmem:s31+$0x9830] =	vst v4;
	v2 =	vperm.xlane v2, v0  }
0xee: {  	v63 =	vld [tilespmem:s31+$0x10];
	[tilespmem:s31+$0x9840] =	vst v5;
	v1 =	vperm.xlane v1, v0  }
0xef: {  	v3 =	vperm.xlane v3, v0;
	[tilespmem:s31+$0x9C00] =	vst v2  }
0xf0: {  	v2 =	vperm.xlane v60, v0;
	[tilespmem:s31+$0x9C10] =	vst v1  }
0xf1: {  	p1 =	sne.s32 s28, $0xF;
	v1 =	vperm.xlane v61, v0;
	[tilespmem:s31+$0x9C20] =	vst v3  }
.Ltmp3:
0xf2: {  	v3 =	vperm.xlane v62, v0;
	[tilespmem:s31+$0x9C30] =	vst v2;
	(pc) =	sbr.rel @p1 .LBB2_6-.Ltmp3, $4  }
0xf3: {  	s0 =	sshll.u32 s28, $0xC;
	v2 =	vperm.xlane v63, v0;
	[tilespmem:s31+$0x9C40] =	vst v1  }
0xf4: {  	s29 =	sor.u32 s4, s0;
	[tilespmem:s31+$0x9C50] =	vst v3  }
0xf5: {  	s0 =	sadd.s32 s2, s29;
	[tilespmem:s31+$0x9C60] =	vst v2  }
0xf6: {  	[hbm4b:s0+s3] =	stream.linear.scatter [tilespmem:s15], [sflag:$0x5], $0x2000, $0x38;
	[tilespmem:$0x10000] =	vst v63  }
.Ltmp4:
0xf7: {  	(pc) =	sbr.rel .LBB2_7-.Ltmp4, $4  }
0xf8: {  	_ = 	snop  }
0xf9: {  	_ =	swait.ge [sflag:s16], $0x2000  }
0xfa: {  	[sflag:s16] =	ssyncset.done $0x0  }
0xfb: {  	[sflag:s16] =	ssyncadd.s32 $0xFFFFE000  }
.LBB2_6:
.Ltmp5:
0xfc: {  	s0 =	sadd.s32 s29, s9;
	(pc) =	sbr.rel @p0 .LBB2_8-.Ltmp5, $4  }
0xfd: {  	[tilespmem:s3], [sflag:$0x1] =	stream.linear.gather [hbm4b:s0+s3], $0x2000, $0x38;
	[tilespmem:$0x10000] =	vst v63  }
0xfe: {  	_ =	swait.ge [sflag:s16], $0x2000  }
0xff: {  	[sflag:s16] =	ssyncset.done $0x0  }
0x100: {  	[sflag:s16] =	ssyncadd.s32 $0xFFFFE000  }
.LBB2_7:
0x101: {  	_ =	swait.ge [sflag:s17], $0x2000  }
0x102: {  	[sflag:s17] =	ssyncset.done $0x0  }
0x103: {  	[sflag:s17] =	ssyncadd.s32 $0xFFFFE000  }
.LBB2_8:
0x104: {  	s30 =	simm.s32 $0x0  }
0x105: {  	v1 =	vld [tilespmem:s30+$0x2000]  }
0x106: {  	v2 =	vld [tilespmem:s30+$0x3C70]  }
0x107: {  	v3 =	vld [tilespmem:s30+$0x3C60]  }
0x108: {  	v4 =	vld [tilespmem:s30+$0x3C50]  }
0x109: {  	v5 =	vld [tilespmem:s30+$0x3C40]  }
0x10a: {  	v6 =	vld [tilespmem:s30+$0x3C30]  }
0x10b: {  	v7 =	vld [tilespmem:s30+$0x3C20];
	v1 =	vperm.xlane v1, v0  }
0x10c: {  	v8 =	vld [tilespmem:s30+$0x3C10];
	v2 =	vperm.xlane v2, v0  }
0x10d: {  	v3 =	vperm.xlane v3, v0;
	[tilespmem:s30+$0xBC70] =	vst v1;
	v1 =	vld [tilespmem:s30+$0x3C00]  }
0x10e: {  	v4 =	vperm.xlane v4, v0;
	[tilespmem:s30+$0xA000] =	vst v2;
	v2 =	vld [tilespmem:s30+$0x3870]  }
0x10f: {  	v5 =	vperm.xlane v5, v0;
	[tilespmem:s30+$0xA010] =	vst v3;
	v3 =	vld [tilespmem:s30+$0x3860]  }
0x110: {  	v6 =	vperm.xlane v6, v0;
	[tilespmem:s30+$0xA020] =	vst v4;
	v4 =	vld [tilespmem:s30+$0x3850]  }
0x111: {  	v7 =	vperm.xlane v7, v0;
	[tilespmem:s30+$0xA030] =	vst v5;
	v5 =	vld [tilespmem:s30+$0x3840]  }
0x112: {  	v8 =	vperm.xlane v8, v0;
	[tilespmem:s30+$0xA040] =	vst v6;
	v6 =	vld [tilespmem:s30+$0x3830]  }
0x113: {  	[tilespmem:s30+$0xA050] =	vst v7;
	v7 =	vld [tilespmem:s30+$0x3820]  }
0x114: {  	[tilespmem:s30+$0xA060] =	vst v8;
	v8 =	vld [tilespmem:s30+$0x3810];
	v1 =	vperm.xlane v1, v0  }
0x115: {  	v2 =	vperm.xlane v2, v0  }
0x116: {  	[tilespmem:s30+$0xA070] =	vst v1  }
0x117: {  	v1 =	vperm.xlane v3, v0;
	[tilespmem:s30+$0xA400] =	vst v2;
	v2 =	vperm.xlane v4, v0  }
0x118: {  	v3 =	vld [tilespmem:s30+$0x3800];
	v4 =	vperm.xlane v5, v0;
	v5 =	vperm.xlane v6, v0  }
0x119: {  	v6 =	vperm.xlane v7, v0;
	v7 =	vperm.xlane v8, v0;
	v8 =	vld [tilespmem:s30+$0x3400]  }
0x11a: {  	[tilespmem:s30+$0xA410] =	vst v1;
	v1 =	vld [tilespmem:s30+$0x3470]  }
0x11b: {  	[tilespmem:s30+$0xA420] =	vst v2;
	v2 =	vld [tilespmem:s30+$0x3460]  }
0x11c: {  	[tilespmem:s30+$0xA430] =	vst v4;
	v4 =	vld [tilespmem:s30+$0x3450]  }
0x11d: {  	[tilespmem:s30+$0xA440] =	vst v5;
	v5 =	vld [tilespmem:s30+$0x3440]  }
0x11e: {  	[tilespmem:s30+$0xA450] =	vst v6;
	v6 =	vld [tilespmem:s30+$0x3430];
	v3 =	vperm.xlane v3, v0  }
0x11f: {  	[tilespmem:s30+$0xA460] =	vst v7;
	v7 =	vld [tilespmem:s30+$0x3420];
	v8 =	vperm.xlane v8, v0  }
0x120: {  	[tilespmem:s30+$0xA470] =	vst v3;
	v1 =	vperm.xlane v1, v0;
	v3 =	vld [tilespmem:s30+$0x3410]  }
0x121: {  	v2 =	vperm.xlane v2, v0;
	[tilespmem:s30+$0xA870] =	vst v8;
	v8 =	vld [tilespmem:s30+$0x3000]  }
0x122: {  	v4 =	vperm.xlane v4, v0;
	[tilespmem:s30+$0xA800] =	vst v1;
	v1 =	vld [tilespmem:s30+$0x3070]  }
0x123: {  	v5 =	vperm.xlane v5, v0;
	[tilespmem:s30+$0xA810] =	vst v2;
	v2 =	vld [tilespmem:s30+$0x3060]  }
0x124: {  	v6 =	vperm.xlane v6, v0;
	[tilespmem:s30+$0xA820] =	vst v4;
	v4 =	vld [tilespmem:s30+$0x3050]  }
0x125: {  	v7 =	vperm.xlane v7, v0;
	[tilespmem:s30+$0xA830] =	vst v5;
	v5 =	vld [tilespmem:s30+$0x3040]  }
0x126: {  	[tilespmem:s30+$0xA840] =	vst v6;
	v6 =	vld [tilespmem:s30+$0x3030]  }
0x127: {  	[tilespmem:s30+$0xA850] =	vst v7;
	v7 =	vld [tilespmem:s30+$0x3020];
	v3 =	vperm.xlane v3, v0  }
0x128: {  	v1 =	vperm.xlane v1, v0  }
0x129: {  	[tilespmem:s30+$0xA860] =	vst v3;
	v2 =	vperm.xlane v2, v0  }
0x12a: {  	v3 =	vld [tilespmem:s30+$0x3010];
	[tilespmem:s30+$0xAC00] =	vst v1;
	v1 =	vperm.xlane v4, v0  }
0x12b: {  	[tilespmem:s30+$0xAC10] =	vst v2;
	v2 =	vld [tilespmem:s30+$0x2C70];
	v4 =	vperm.xlane v5, v0;
	v5 =	vperm.xlane v6, v0  }
0x12c: {  	v6 =	vperm.xlane v7, v0;
	v7 =	vperm.xlane v8, v0;
	v8 =	vld [tilespmem:s30+$0x2C00]  }
0x12d: {  	[tilespmem:s30+$0xAC20] =	vst v1;
	v1 =	vld [tilespmem:s30+$0x2C60]  }
0x12e: {  	[tilespmem:s30+$0xAC30] =	vst v4;
	v4 =	vld [tilespmem:s30+$0x2C50]  }
0x12f: {  	[tilespmem:s30+$0xAC40] =	vst v5;
	v5 =	vld [tilespmem:s30+$0x2C40]  }
0x130: {  	[tilespmem:s30+$0xAC50] =	vst v6;
	v6 =	vld [tilespmem:s30+$0x2C30];
	v3 =	vperm.xlane v3, v0  }
0x131: {  	[tilespmem:s30+$0xAC70] =	vst v7;
	v7 =	vld [tilespmem:s30+$0x2C10];
	v2 =	vperm.xlane v2, v0  }
0x132: {  	[tilespmem:s30+$0xAC60] =	vst v3;
	v3 =	vld [tilespmem:s30+$0x2C20];
	v8 =	vperm.xlane v8, v0  }
0x133: {  	v1 =	vperm.xlane v1, v0;
	[tilespmem:s30+$0xB000] =	vst v2;
	v2 =	vld [tilespmem:s30+$0x2870]  }
0x134: {  	v4 =	vperm.xlane v4, v0;
	[tilespmem:s30+$0xB070] =	vst v8;
	v8 =	vld [tilespmem:s30+$0x2800]  }
0x135: {  	v5 =	vperm.xlane v5, v0;
	[tilespmem:s30+$0xB010] =	vst v1;
	v1 =	vld [tilespmem:s30+$0x2860]  }
0x136: {  	v6 =	vperm.xlane v6, v0;
	[tilespmem:s30+$0xB020] =	vst v4;
	v4 =	vld [tilespmem:s30+$0x2850]  }
0x137: {  	v7 =	vperm.xlane v7, v0;
	[tilespmem:s30+$0xB030] =	vst v5;
	v5 =	vld [tilespmem:s30+$0x2840]  }
0x138: {  	[tilespmem:s30+$0xB040] =	vst v6;
	v6 =	vld [tilespmem:s30+$0x2830]  }
0x139: {  	[tilespmem:s30+$0xB060] =	vst v7;
	v7 =	vld [tilespmem:s30+$0x2810];
	v3 =	vperm.xlane v3, v0  }
0x13a: {  	v2 =	vperm.xlane v2, v0  }
0x13b: {  	[tilespmem:s30+$0xB050] =	vst v3  }
0x13c: {  	v3 =	vld [tilespmem:s30+$0x2820];
	v1 =	vperm.xlane v1, v0;
	[tilespmem:s30+$0xB400] =	vst v2;
	v2 =	vperm.xlane v4, v0  }
0x13d: {  	v4 =	vperm.xlane v5, v0;
	v5 =	vperm.xlane v6, v0  }
0x13e: {  	v6 =	vperm.xlane v7, v0;
	v7 =	vperm.xlane v8, v0;
	v8 =	vld [tilespmem:s30+$0x2400];
	[tilespmem:s30+$0xB410] =	vst v1  }
0x13f: {  	v1 =	vld [tilespmem:s30+$0x2470];
	[tilespmem:s30+$0xB420] =	vst v2  }
0x140: {  	v2 =	vld [tilespmem:s30+$0x2460];
	[tilespmem:s30+$0xB430] =	vst v4  }
0x141: {  	v4 =	vld [tilespmem:s30+$0x2450];
	[tilespmem:s30+$0xB440] =	vst v5;
	v3 =	vperm.xlane v3, v0  }
0x142: {  	v5 =	vld [tilespmem:s30+$0x2440];
	[tilespmem:s30+$0xB460] =	vst v6  }
0x143: {  	[tilespmem:s30+$0xB450] =	vst v3;
	v3 =	vld [tilespmem:s30+$0x2430];
	v8 =	vperm.xlane v8, v0  }
0x144: {  	v6 =	vld [tilespmem:s30+$0x2420];
	[tilespmem:s30+$0xB470] =	vst v7;
	v1 =	vperm.xlane v1, v0  }
0x145: {  	v7 =	vld [tilespmem:s30+$0x2410];
	v2 =	vperm.xlane v2, v0;
	[tilespmem:s30+$0xB870] =	vst v8  }
0x146: {  	v9 =	vld [tilespmem:s30+$0x2070];
	[tilespmem:s30+$0xB800] =	vst v1;
	v1 =	vperm.xlane v4, v0  }
0x147: {  	v10 =	vld [tilespmem:s30+$0x2060];
	[tilespmem:s30+$0xB810] =	vst v2;
	v2 =	vperm.xlane v5, v0  }
0x148: {  	v3 =	vperm.xlane v3, v0;
	[tilespmem:s30+$0xB820] =	vst v1;
	v1 =	vld [tilespmem:s30+$0x2050]  }
0x149: {  	v4 =	vperm.xlane v6, v0;
	[tilespmem:s30+$0xB830] =	vst v2;
	v2 =	vld [tilespmem:s30+$0x2040]  }
0x14a: {  	v5 =	vperm.xlane v7, v0;
	[tilespmem:s30+$0xB840] =	vst v3;
	v3 =	vld [tilespmem:s30+$0x2030]  }
0x14b: {  	v6 =	vperm.xlane v9, v0;
	[tilespmem:s30+$0xB850] =	vst v4;
	v4 =	vld [tilespmem:s30+$0x2020]  }
0x14c: {  	s0 =	simm.s32 $0x80;
	s31 =	simm.s32 $0x400;
	v7 =	vperm.xlane v10, v0;
	[tilespmem:s30+$0xB860] =	vst v5;
	v5 =	vld [tilespmem:s30+$0x2010]  }
.LBB2_9:
0x14d: {  	p2 =	sne.s32 s31, $0xE00;
	v8 =	vld [tilespmem:s0+$0x2000];
	v1 =	vperm.xlane v1, v0;
	[tilespmem:s30+$0xBC00] =	vst v6  }
0x14e: {  	v6 =	vld [tilespmem:s0+$0x3C70];
	v2 =	vperm.xlane v2, v0;
	[tilespmem:s30+$0xBC10] =	vst v7  }
0x14f: {  	v7 =	vld [tilespmem:s0+$0x3C60];
	v3 =	vperm.xlane v3, v0;
	[tilespmem:s30+$0xBC20] =	vst v1  }
0x150: {  	v1 =	vld [tilespmem:s0+$0x3C50];
	v4 =	vperm.xlane v4, v0;
	[tilespmem:s30+$0xBC30] =	vst v2  }
0x151: {  	v2 =	vld [tilespmem:s0+$0x3C40];
	v5 =	vperm.xlane v5, v0;
	[tilespmem:s30+$0xBC40] =	vst v3  }
0x152: {  	v3 =	vld [tilespmem:s0+$0x3C30];
	v8 =	vperm.xlane v8, v0;
	[tilespmem:s30+$0xBC50] =	vst v4  }
0x153: {  	v4 =	vld [tilespmem:s0+$0x3C20];
	v6 =	vperm.xlane v6, v0;
	[tilespmem:s30+$0xBC60] =	vst v5;
	s30 =	smov.u32 s0  }
0x154: {  	v5 =	vld [tilespmem:s30+$0x3C10];
	v7 =	vperm.xlane v7, v0;
	[tilespmem:s30+$0xBC70] =	vst v8  }
0x155: {  	v8 =	vld [tilespmem:s30+$0x3C00];
	v1 =	vperm.xlane v1, v0;
	[tilespmem:s30+$0xA000] =	vst v6  }
0x156: {  	v6 =	vld [tilespmem:s30+$0x3870];
	v2 =	vperm.xlane v2, v0;
	[tilespmem:s30+$0xA010] =	vst v7  }
0x157: {  	v7 =	vld [tilespmem:s30+$0x3860];
	v3 =	vperm.xlane v3, v0;
	[tilespmem:s30+$0xA020] =	vst v1  }
0x158: {  	v1 =	vld [tilespmem:s30+$0x3850];
	v4 =	vperm.xlane v4, v0;
	[tilespmem:s30+$0xA030] =	vst v2  }
0x159: {  	v2 =	vld [tilespmem:s30+$0x3840];
	v5 =	vperm.xlane v5, v0;
	[tilespmem:s30+$0xA040] =	vst v3  }
0x15a: {  	v3 =	vld [tilespmem:s30+$0x3830];
	v8 =	vperm.xlane v8, v0;
	[tilespmem:s30+$0xA050] =	vst v4  }
0x15b: {  	v4 =	vld [tilespmem:s30+$0x3820];
	v6 =	vperm.xlane v6, v0;
	[tilespmem:s30+$0xA060] =	vst v5  }
0x15c: {  	v5 =	vld [tilespmem:s30+$0x3810];
	v7 =	vperm.xlane v7, v0;
	[tilespmem:s30+$0xA070] =	vst v8  }
0x15d: {  	v8 =	vld [tilespmem:s30+$0x3800];
	v1 =	vperm.xlane v1, v0;
	[tilespmem:s30+$0xA400] =	vst v6  }
0x15e: {  	v2 =	vperm.xlane v2, v0;
	[tilespmem:s30+$0xA410] =	vst v7;
	v6 =	vld [tilespmem:s30+$0x3470]  }
0x15f: {  	v3 =	vperm.xlane v3, v0;
	[tilespmem:s30+$0xA420] =	vst v1;
	v1 =	vld [tilespmem:s30+$0x3460]  }
0x160: {  	v4 =	vperm.xlane v4, v0;
	[tilespmem:s30+$0xA430] =	vst v2;
	v2 =	vld [tilespmem:s30+$0x3450]  }
0x161: {  	v5 =	vperm.xlane v5, v0;
	[tilespmem:s30+$0xA440] =	vst v3;
	v3 =	vld [tilespmem:s30+$0x3440]  }
0x162: {  	v7 =	vperm.xlane v8, v0;
	[tilespmem:s30+$0xA450] =	vst v4;
	v4 =	vld [tilespmem:s30+$0x3430]  }
0x163: {  	[tilespmem:s30+$0xA460] =	vst v5;
	v5 =	vld [tilespmem:s30+$0x3420];
	v6 =	vperm.xlane v6, v0  }
0x164: {  	[tilespmem:s30+$0xA470] =	vst v7;
	v7 =	vld [tilespmem:s30+$0x3410];
	v1 =	vperm.xlane v1, v0  }
0x165: {  	v8 =	vld [tilespmem:s30+$0x3400];
	v2 =	vperm.xlane v2, v0;
	[tilespmem:s30+$0xA800] =	vst v6  }
0x166: {  	v6 =	vld [tilespmem:s30+$0x3070];
	v3 =	vperm.xlane v3, v0;
	[tilespmem:s30+$0xA810] =	vst v1  }
0x167: {  	v1 =	vld [tilespmem:s30+$0x3060];
	v4 =	vperm.xlane v4, v0;
	[tilespmem:s30+$0xA820] =	vst v2  }
0x168: {  	v2 =	vld [tilespmem:s30+$0x3050];
	v5 =	vperm.xlane v5, v0;
	[tilespmem:s30+$0xA830] =	vst v3  }
0x169: {  	v3 =	vld [tilespmem:s30+$0x3040];
	v7 =	vperm.xlane v7, v0;
	[tilespmem:s30+$0xA840] =	vst v4  }
0x16a: {  	v4 =	vld [tilespmem:s30+$0x3030];
	v8 =	vperm.xlane v8, v0;
	[tilespmem:s30+$0xA850] =	vst v5  }
0x16b: {  	v5 =	vld [tilespmem:s30+$0x3020];
	v6 =	vperm.xlane v6, v0;
	[tilespmem:s30+$0xA860] =	vst v7  }
0x16c: {  	v7 =	vld [tilespmem:s30+$0x3010];
	v1 =	vperm.xlane v1, v0;
	[tilespmem:s30+$0xA870] =	vst v8  }
0x16d: {  	v8 =	vld [tilespmem:s30+$0x3000];
	v2 =	vperm.xlane v2, v0;
	[tilespmem:s30+$0xAC00] =	vst v6  }
0x16e: {  	v3 =	vperm.xlane v3, v0;
	[tilespmem:s30+$0xAC10] =	vst v1;
	v1 =	vld [tilespmem:s30+$0x2C70]  }
0x16f: {  	v4 =	vperm.xlane v4, v0;
	[tilespmem:s30+$0xAC20] =	vst v2;
	v2 =	vld [tilespmem:s30+$0x2C60]  }
0x170: {  	v5 =	vperm.xlane v5, v0;
	[tilespmem:s30+$0xAC30] =	vst v3;
	v3 =	vld [tilespmem:s30+$0x2C50]  }
0x171: {  	v6 =	vperm.xlane v7, v0;
	[tilespmem:s30+$0xAC40] =	vst v4;
	v4 =	vld [tilespmem:s30+$0x2C40]  }
0x172: {  	v7 =	vperm.xlane v8, v0;
	[tilespmem:s30+$0xAC50] =	vst v5;
	v5 =	vld [tilespmem:s30+$0x2C30]  }
0x173: {  	[tilespmem:s30+$0xAC60] =	vst v6;
	v6 =	vld [tilespmem:s30+$0x2C20];
	v1 =	vperm.xlane v1, v0  }
0x174: {  	[tilespmem:s30+$0xAC70] =	vst v7;
	v7 =	vld [tilespmem:s30+$0x2C10];
	v2 =	vperm.xlane v2, v0  }
0x175: {  	v8 =	vld [tilespmem:s30+$0x2C00];
	v3 =	vperm.xlane v3, v0;
	[tilespmem:s30+$0xB000] =	vst v1  }
0x176: {  	v1 =	vld [tilespmem:s30+$0x2870];
	v4 =	vperm.xlane v4, v0;
	[tilespmem:s30+$0xB010] =	vst v2  }
0x177: {  	v2 =	vld [tilespmem:s30+$0x2860];
	v5 =	vperm.xlane v5, v0;
	[tilespmem:s30+$0xB020] =	vst v3  }
0x178: {  	v3 =	vld [tilespmem:s30+$0x2850];
	v6 =	vperm.xlane v6, v0;
	[tilespmem:s30+$0xB030] =	vst v4  }
0x179: {  	v4 =	vld [tilespmem:s30+$0x2840];
	v7 =	vperm.xlane v7, v0;
	[tilespmem:s30+$0xB040] =	vst v5  }
0x17a: {  	v5 =	vld [tilespmem:s30+$0x2830];
	v8 =	vperm.xlane v8, v0;
	[tilespmem:s30+$0xB050] =	vst v6  }
0x17b: {  	v6 =	vld [tilespmem:s30+$0x2820];
	v1 =	vperm.xlane v1, v0;
	[tilespmem:s30+$0xB060] =	vst v7  }
0x17c: {  	v7 =	vld [tilespmem:s30+$0x2810];
	v2 =	vperm.xlane v2, v0;
	[tilespmem:s30+$0xB070] =	vst v8  }
0x17d: {  	v8 =	vld [tilespmem:s30+$0x2800];
	v3 =	vperm.xlane v3, v0;
	[tilespmem:s30+$0xB400] =	vst v1  }
0x17e: {  	v1 =	vperm.xlane v4, v0;
	[tilespmem:s30+$0xB410] =	vst v2;
	v2 =	vld [tilespmem:s30+$0x2470]  }
0x17f: {  	v4 =	vperm.xlane v5, v0;
	[tilespmem:s30+$0xB420] =	vst v3;
	v3 =	vld [tilespmem:s30+$0x2460]  }
0x180: {  	v5 =	vperm.xlane v6, v0;
	[tilespmem:s30+$0xB430] =	vst v1;
	v1 =	vld [tilespmem:s30+$0x2450]  }
0x181: {  	v6 =	vperm.xlane v7, v0;
	[tilespmem:s30+$0xB440] =	vst v4;
	v4 =	vld [tilespmem:s30+$0x2440]  }
0x182: {  	v7 =	vperm.xlane v8, v0;
	[tilespmem:s30+$0xB450] =	vst v5;
	v5 =	vld [tilespmem:s30+$0x2430]  }
0x183: {  	[tilespmem:s30+$0xB460] =	vst v6;
	v6 =	vld [tilespmem:s30+$0x2420];
	v2 =	vperm.xlane v2, v0  }
0x184: {  	[tilespmem:s30+$0xB470] =	vst v7;
	v7 =	vld [tilespmem:s30+$0x2410];
	v3 =	vperm.xlane v3, v0  }
0x185: {  	v8 =	vld [tilespmem:s30+$0x2400];
	v1 =	vperm.xlane v1, v0;
	[tilespmem:s30+$0xB800] =	vst v2  }
0x186: {  	v9 =	vld [tilespmem:s30+$0x2070];
	v2 =	vperm.xlane v4, v0;
	[tilespmem:s30+$0xB810] =	vst v3  }
0x187: {  	v10 =	vld [tilespmem:s30+$0x2060];
	v3 =	vperm.xlane v5, v0;
	[tilespmem:s30+$0xB820] =	vst v1  }
.Ltmp6:
0x188: {  	v1 =	vld [tilespmem:s30+$0x2050];
	v4 =	vperm.xlane v6, v0;
	[tilespmem:s30+$0xB830] =	vst v2;
	(pc) =	sbr.rel @p2 .LBB2_9-.Ltmp6, $4  }
0x189: {  	v2 =	vld [tilespmem:s30+$0x2040];
	v5 =	vperm.xlane v7, v0;
	[tilespmem:s30+$0xB840] =	vst v3  }
0x18a: {  	v3 =	vld [tilespmem:s30+$0x2030];
	v8 =	vperm.xlane v8, v0;
	[tilespmem:s30+$0xB850] =	vst v4  }
0x18b: {  	v4 =	vld [tilespmem:s30+$0x2020];
	v6 =	vperm.xlane v9, v0;
	[tilespmem:s30+$0xB860] =	vst v5  }
0x18c: {  	s0 =	sshra.s32 s31, $0x2;
	s31 =	sadd.s32 $0x200, s31;
	v5 =	vld [tilespmem:s30+$0x2010];
	v7 =	vperm.xlane v10, v0;
	[tilespmem:s30+$0xB870] =	vst v8  }
0x18d: {  	v8 =	vld [tilespmem:s0+$0x2000];
	[tilespmem:s30+$0xBC00] =	vst v6;
	v1 =	vperm.xlane v1, v0  }
0x18e: {  	v6 =	vld [tilespmem:s0+$0x3C70];
	[tilespmem:s30+$0xBC10] =	vst v7;
	v2 =	vperm.xlane v2, v0  }
0x18f: {  	v7 =	vld [tilespmem:s0+$0x3C60];
	[tilespmem:s30+$0xBC20] =	vst v1;
	v3 =	vperm.xlane v3, v0  }
0x190: {  	v1 =	vld [tilespmem:s0+$0x3C50];
	[tilespmem:s30+$0xBC30] =	vst v2;
	v4 =	vperm.xlane v4, v0  }
0x191: {  	v2 =	vld [tilespmem:s0+$0x3C40];
	[tilespmem:s30+$0xBC40] =	vst v3;
	v5 =	vperm.xlane v5, v0  }
0x192: {  	v3 =	vld [tilespmem:s0+$0x3C30];
	[tilespmem:s30+$0xBC50] =	vst v4;
	v8 =	vperm.xlane v8, v0  }
0x193: {  	v4 =	vld [tilespmem:s0+$0x3C20];
	[tilespmem:s30+$0xBC60] =	vst v5;
	v6 =	vperm.xlane v6, v0  }
0x194: {  	v5 =	vld [tilespmem:s0+$0x3C10];
	[tilespmem:s0+$0xBC70] =	vst v8;
	v7 =	vperm.xlane v7, v0  }
0x195: {  	v22 =	vld [tilespmem:s0+$0x3C00];
	[tilespmem:s0+$0xA000] =	vst v6;
	v1 =	vperm.xlane v1, v0  }
0x196: {  	v23 =	vld [tilespmem:s0+$0x3870];
	[tilespmem:s0+$0xA010] =	vst v7;
	v2 =	vperm.xlane v2, v0  }
0x197: {  	v24 =	vld [tilespmem:s0+$0x3860];
	[tilespmem:s0+$0xA020] =	vst v1;
	v3 =	vperm.xlane v3, v0  }
0x198: {  	v27 =	vld [tilespmem:s0+$0x3800];
	[tilespmem:s0+$0xA030] =	vst v2;
	v4 =	vperm.xlane v4, v0  }
0x199: {  	v37 =	vld [tilespmem:s0+$0x3010];
	[tilespmem:s0+$0xA040] =	vst v3;
	v5 =	vperm.xlane v5, v0  }
0x19a: {  	v38 =	vld [tilespmem:s0+$0x3000];
	v8 =	vperm.xlane v22, v0;
	[tilespmem:s0+$0xA050] =	vst v4  }
0x19b: {  	v1 =	vld [tilespmem:s0+$0x3850];
	v6 =	vperm.xlane v23, v0;
	[tilespmem:s0+$0xA060] =	vst v5  }
0x19c: {  	v2 =	vld [tilespmem:s0+$0x3840];
	v7 =	vperm.xlane v24, v0;
	[tilespmem:s0+$0xA070] =	vst v8  }
0x19d: {  	v3 =	vld [tilespmem:s0+$0x3830];
	v30 =	vperm.xlane v27, v0;
	[tilespmem:s0+$0xA400] =	vst v6  }
0x19e: {  	v47 =	vld [tilespmem:s0+$0x2830];
	v40 =	vperm.xlane v37, v0;
	[tilespmem:s0+$0xA410] =	vst v7  }
0x19f: {  	v48 =	vld [tilespmem:s0+$0x2820];
	v42 =	vperm.xlane v38, v0;
	[tilespmem:s0+$0xA470] =	vst v30  }
0x1a0: {  	v49 =	vld [tilespmem:s0+$0x2810];
	[tilespmem:s0+$0xAC60] =	vst v40;
	v1 =	vperm.xlane v1, v0  }
0x1a1: {  	v50 =	vld [tilespmem:s0+$0x2800];
	[tilespmem:s0+$0xAC70] =	vst v42;
	v2 =	vperm.xlane v2, v0  }
0x1a2: {  	[tilespmem:s0+$0xA420] =	vst v1;
	v1 =	vld [tilespmem:s0+$0x3460];
	v3 =	vperm.xlane v3, v0  }
0x1a3: {  	v51 =	vperm.xlane v47, v0;
	[tilespmem:s0+$0xA430] =	vst v2;
	v2 =	vld [tilespmem:s0+$0x3450]  }
0x1a4: {  	v52 =	vperm.xlane v48, v0;
	[tilespmem:s0+$0xA440] =	vst v3;
	v3 =	vld [tilespmem:s0+$0x3440]  }
0x1a5: {  	v25 =	vld [tilespmem:s0+$0x3820];
	v54 =	vperm.xlane v49, v0;
	[tilespmem:s0+$0xB440] =	vst v51  }
0x1a6: {  	v26 =	vld [tilespmem:s0+$0x3810];
	v56 =	vperm.xlane v50, v0;
	[tilespmem:s0+$0xB450] =	vst v52  }
0x1a7: {  	v28 =	vld [tilespmem:s0+$0x3470];
	[tilespmem:s0+$0xB460] =	vst v54;
	v1 =	vperm.xlane v1, v0  }
0x1a8: {  	v32 =	vld [tilespmem:s0+$0x3410];
	[tilespmem:s0+$0xB470] =	vst v56;
	v2 =	vperm.xlane v2, v0  }
0x1a9: {  	[tilespmem:s0+$0xA810] =	vst v1;
	v1 =	vld [tilespmem:s0+$0x3060];
	v3 =	vperm.xlane v3, v0  }
0x1aa: {  	v4 =	vperm.xlane v25, v0;
	[tilespmem:s0+$0xA820] =	vst v2;
	v2 =	vld [tilespmem:s0+$0x3050]  }
0x1ab: {  	v5 =	vperm.xlane v26, v0;
	[tilespmem:s0+$0xA830] =	vst v3;
	v3 =	vld [tilespmem:s0+$0x3040]  }
0x1ac: {  	v33 =	vld [tilespmem:s0+$0x3400];
	v6 =	vperm.xlane v28, v0;
	[tilespmem:s0+$0xA450] =	vst v4  }
0x1ad: {  	v29 =	vld [tilespmem:s0+$0x3430];
	v7 =	vperm.xlane v32, v0;
	[tilespmem:s0+$0xA460] =	vst v5  }
0x1ae: {  	v31 =	vld [tilespmem:s0+$0x3420];
	[tilespmem:s0+$0xA800] =	vst v6;
	v1 =	vperm.xlane v1, v0  }
0x1af: {  	v34 =	vld [tilespmem:s0+$0x3070];
	[tilespmem:s0+$0xA860] =	vst v7;
	v2 =	vperm.xlane v2, v0  }
0x1b0: {  	[tilespmem:s0+$0xAC10] =	vst v1;
	v1 =	vld [tilespmem:s0+$0x2C70];
	v3 =	vperm.xlane v3, v0  }
0x1b1: {  	v8 =	vperm.xlane v33, v0;
	[tilespmem:s0+$0xAC20] =	vst v2;
	v2 =	vld [tilespmem:s0+$0x2C60]  }
0x1b2: {  	v4 =	vperm.xlane v29, v0;
	[tilespmem:s0+$0xAC30] =	vst v3;
	v3 =	vld [tilespmem:s0+$0x2C50]  }
0x1b3: {  	v44 =	vld [tilespmem:s0+$0x2C10];
	v5 =	vperm.xlane v31, v0;
	[tilespmem:s0+$0xA870] =	vst v8  }
0x1b4: {  	v45 =	vld [tilespmem:s0+$0x2C00];
	v6 =	vperm.xlane v34, v0;
	[tilespmem:s0+$0xA840] =	vst v4  }
0x1b5: {  	v35 =	vld [tilespmem:s0+$0x3030];
	[tilespmem:s0+$0xA850] =	vst v5;
	v1 =	vperm.xlane v1, v0  }
0x1b6: {  	v36 =	vld [tilespmem:s0+$0x3020];
	[tilespmem:s0+$0xAC00] =	vst v6;
	v2 =	vperm.xlane v2, v0  }
0x1b7: {  	[tilespmem:s0+$0xB000] =	vst v1;
	v1 =	vld [tilespmem:s0+$0x2870];
	v3 =	vperm.xlane v3, v0  }
0x1b8: {  	v7 =	vperm.xlane v44, v0;
	[tilespmem:s0+$0xB010] =	vst v2;
	v2 =	vld [tilespmem:s0+$0x2860]  }
0x1b9: {  	v8 =	vperm.xlane v45, v0;
	[tilespmem:s0+$0xB020] =	vst v3;
	v3 =	vld [tilespmem:s0+$0x2850]  }
0x1ba: {  	v46 =	vld [tilespmem:s0+$0x2840];
	v4 =	vperm.xlane v35, v0;
	[tilespmem:s0+$0xB060] =	vst v7  }
0x1bb: {  	v43 =	vld [tilespmem:s0+$0x2C20];
	v5 =	vperm.xlane v36, v0;
	[tilespmem:s0+$0xB070] =	vst v8  }
0x1bc: {  	v58 =	vld [tilespmem:s0+$0x2410];
	[tilespmem:s0+$0xAC40] =	vst v4;
	v1 =	vperm.xlane v1, v0  }
0x1bd: {  	v59 =	vld [tilespmem:s0+$0x2400];
	[tilespmem:s0+$0xAC50] =	vst v5;
	v2 =	vperm.xlane v2, v0  }
0x1be: {  	v39 =	vld [tilespmem:s0+$0x2C40];
	[tilespmem:s0+$0xB400] =	vst v1;
	v1 =	vperm.xlane v3, v0  }
0x1bf: {  	v3 =	vperm.xlane v46, v0;
	[tilespmem:s0+$0xB410] =	vst v2;
	v2 =	vld [tilespmem:s0+$0x2470]  }
0x1c0: {  	v6 =	vperm.xlane v43, v0;
	[tilespmem:s0+$0xB420] =	vst v1;
	v1 =	vld [tilespmem:s0+$0x2460]  }
0x1c1: {  	v7 =	vperm.xlane v58, v0;
	[tilespmem:s0+$0xB430] =	vst v3;
	v3 =	vld [tilespmem:s0+$0x2450]  }
0x1c2: {  	v41 =	vld [tilespmem:s0+$0x2C30];
	v8 =	vperm.xlane v59, v0;
	[tilespmem:s0+$0xB050] =	vst v6  }
0x1c3: {  	v57 =	vld [tilespmem:s0+$0x2420];
	v4 =	vperm.xlane v39, v0;
	[tilespmem:s0+$0xB860] =	vst v7  }
0x1c4: {  	v53 =	vld [tilespmem:s0+$0x2440];
	[tilespmem:s0+$0xB870] =	vst v8;
	v2 =	vperm.xlane v2, v0  }
0x1c5: {  	v55 =	vld [tilespmem:s0+$0x2430];
	[tilespmem:s0+$0xB030] =	vst v4;
	v1 =	vperm.xlane v1, v0  }
0x1c6: {  	v3 =	vperm.xlane v3, v0;
	[tilespmem:s0+$0xB800] =	vst v2;
	v2 =	vld [tilespmem:s0+$0x2070]  }
0x1c7: {  	v5 =	vperm.xlane v41, v0;
	[tilespmem:s0+$0xB810] =	vst v1;
	v1 =	vld [tilespmem:s0+$0x2060]  }
0x1c8: {  	v6 =	vperm.xlane v57, v0;
	[tilespmem:s0+$0xB820] =	vst v3;
	v3 =	vld [tilespmem:s0+$0x2050]  }
0x1c9: {  	v60 =	vld [tilespmem:s0+$0x2040];
	v4 =	vperm.xlane v53, v0;
	[tilespmem:s0+$0xB040] =	vst v5  }
0x1ca: {  	v61 =	vld [tilespmem:s0+$0x2030];
	v5 =	vperm.xlane v55, v0;
	[tilespmem:s0+$0xB850] =	vst v6  }
0x1cb: {  	v62 =	vld [tilespmem:s0+$0x2020];
	[tilespmem:s0+$0xB830] =	vst v4;
	v2 =	vperm.xlane v2, v0  }
0x1cc: {  	v63 =	vld [tilespmem:s0+$0x2010];
	[tilespmem:s0+$0xB840] =	vst v5;
	v1 =	vperm.xlane v1, v0  }
0x1cd: {  	v3 =	vperm.xlane v3, v0;
	[tilespmem:s0+$0xBC00] =	vst v2  }
0x1ce: {  	v2 =	vperm.xlane v60, v0;
	[tilespmem:s0+$0xBC10] =	vst v1  }
0x1cf: {  	v1 =	vperm.xlane v61, v0;
	[tilespmem:s0+$0xBC20] =	vst v3  }
.Ltmp7:
0x1d0: {  	v3 =	vperm.xlane v62, v0;
	[tilespmem:s0+$0xBC30] =	vst v2;
	(pc) =	sbr.rel @p1 .LBB2_12-.Ltmp7, $4  }
0x1d1: {  	v2 =	vperm.xlane v63, v0;
	[tilespmem:s0+$0xBC40] =	vst v1  }
0x1d2: {  	s30 =	sor.u32 $0x400, s29;
	[tilespmem:s0+$0xBC50] =	vst v3  }
0x1d3: {  	s31 =	sadd.s32 s2, s30;
	[tilespmem:s0+$0xBC60] =	vst v2  }
0x1d4: {  	[hbm4b:s31+s3] =	stream.linear.scatter [tilespmem:s18], [sflag:$0x6], $0x2000, $0x38;
	[tilespmem:$0x10000] =	vst v63  }
.Ltmp8:
0x1d5: {  	(pc) =	sbr.rel .LBB2_13-.Ltmp8, $4  }
0x1d6: {  	_ = 	snop  }
0x1d7: {  	_ =	swait.ge [sflag:s19], $0x2000  }
0x1d8: {  	[sflag:s19] =	ssyncset.done $0x0  }
0x1d9: {  	[sflag:s19] =	ssyncadd.s32 $0xFFFFE000  }
.LBB2_12:
.Ltmp9:
0x1da: {  	s0 =	sadd.s32 s30, s9;
	(pc) =	sbr.rel @p0 .LBB2_14-.Ltmp9, $4  }
0x1db: {  	[tilespmem:s11], [sflag:$0x2] =	stream.linear.gather [hbm4b:s0+s3], $0x2000, $0x38;
	[tilespmem:$0x10000] =	vst v63  }
0x1dc: {  	_ =	swait.ge [sflag:s19], $0x2000  }
0x1dd: {  	[sflag:s19] =	ssyncset.done $0x0  }
0x1de: {  	[sflag:s19] =	ssyncadd.s32 $0xFFFFE000  }
.LBB2_13:
0x1df: {  	_ =	swait.ge [sflag:s20], $0x2000  }
0x1e0: {  	[sflag:s20] =	ssyncset.done $0x0  }
0x1e1: {  	[sflag:s20] =	ssyncadd.s32 $0xFFFFE000  }
.LBB2_14:
0x1e2: {  	s30 =	simm.s32 $0x0  }
0x1e3: {  	v1 =	vld [tilespmem:s30+$0x4000]  }
0x1e4: {  	v2 =	vld [tilespmem:s30+$0x5C70]  }
0x1e5: {  	v3 =	vld [tilespmem:s30+$0x5C60]  }
0x1e6: {  	v4 =	vld [tilespmem:s30+$0x5C50]  }
0x1e7: {  	v5 =	vld [tilespmem:s30+$0x5C40]  }
0x1e8: {  	v6 =	vld [tilespmem:s30+$0x5C30]  }
0x1e9: {  	v7 =	vld [tilespmem:s30+$0x5C20];
	v1 =	vperm.xlane v1, v0  }
0x1ea: {  	v8 =	vld [tilespmem:s30+$0x5C10];
	v2 =	vperm.xlane v2, v0  }
0x1eb: {  	v3 =	vperm.xlane v3, v0;
	[tilespmem:s30+$0xDC70] =	vst v1;
	v1 =	vld [tilespmem:s30+$0x5C00]  }
0x1ec: {  	v4 =	vperm.xlane v4, v0;
	[tilespmem:s30+$0xC000] =	vst v2;
	v2 =	vld [tilespmem:s30+$0x5870]  }
0x1ed: {  	v5 =	vperm.xlane v5, v0;
	[tilespmem:s30+$0xC010] =	vst v3;
	v3 =	vld [tilespmem:s30+$0x5860]  }
0x1ee: {  	v6 =	vperm.xlane v6, v0;
	[tilespmem:s30+$0xC020] =	vst v4;
	v4 =	vld [tilespmem:s30+$0x5850]  }
0x1ef: {  	v7 =	vperm.xlane v7, v0;
	[tilespmem:s30+$0xC030] =	vst v5;
	v5 =	vld [tilespmem:s30+$0x5840]  }
0x1f0: {  	v8 =	vperm.xlane v8, v0;
	[tilespmem:s30+$0xC040] =	vst v6;
	v6 =	vld [tilespmem:s30+$0x5830]  }
0x1f1: {  	[tilespmem:s30+$0xC050] =	vst v7;
	v7 =	vld [tilespmem:s30+$0x5820]  }
0x1f2: {  	[tilespmem:s30+$0xC060] =	vst v8;
	v8 =	vld [tilespmem:s30+$0x5810];
	v1 =	vperm.xlane v1, v0  }
0x1f3: {  	v2 =	vperm.xlane v2, v0  }
0x1f4: {  	[tilespmem:s30+$0xC070] =	vst v1  }
0x1f5: {  	v1 =	vperm.xlane v3, v0;
	[tilespmem:s30+$0xC400] =	vst v2;
	v2 =	vperm.xlane v4, v0  }
0x1f6: {  	v3 =	vld [tilespmem:s30+$0x5800];
	v4 =	vperm.xlane v5, v0;
	v5 =	vperm.xlane v6, v0  }
0x1f7: {  	v6 =	vperm.xlane v7, v0;
	v7 =	vperm.xlane v8, v0;
	v8 =	vld [tilespmem:s30+$0x5400]  }
0x1f8: {  	[tilespmem:s30+$0xC410] =	vst v1;
	v1 =	vld [tilespmem:s30+$0x5470]  }
0x1f9: {  	[tilespmem:s30+$0xC420] =	vst v2;
	v2 =	vld [tilespmem:s30+$0x5460]  }
0x1fa: {  	[tilespmem:s30+$0xC430] =	vst v4;
	v4 =	vld [tilespmem:s30+$0x5450]  }
0x1fb: {  	[tilespmem:s30+$0xC440] =	vst v5;
	v5 =	vld [tilespmem:s30+$0x5440]  }
0x1fc: {  	[tilespmem:s30+$0xC450] =	vst v6;
	v6 =	vld [tilespmem:s30+$0x5430];
	v3 =	vperm.xlane v3, v0  }
0x1fd: {  	[tilespmem:s30+$0xC460] =	vst v7;
	v7 =	vld [tilespmem:s30+$0x5420];
	v8 =	vperm.xlane v8, v0  }
0x1fe: {  	[tilespmem:s30+$0xC470] =	vst v3;
	v1 =	vperm.xlane v1, v0;
	v3 =	vld [tilespmem:s30+$0x5410]  }
0x1ff: {  	v2 =	vperm.xlane v2, v0;
	[tilespmem:s30+$0xC870] =	vst v8;
	v8 =	vld [tilespmem:s30+$0x5000]  }
0x200: {  	v4 =	vperm.xlane v4, v0;
	[tilespmem:s30+$0xC800] =	vst v1;
	v1 =	vld [tilespmem:s30+$0x5070]  }
0x201: {  	v5 =	vperm.xlane v5, v0;
	[tilespmem:s30+$0xC810] =	vst v2;
	v2 =	vld [tilespmem:s30+$0x5060]  }
0x202: {  	v6 =	vperm.xlane v6, v0;
	[tilespmem:s30+$0xC820] =	vst v4;
	v4 =	vld [tilespmem:s30+$0x5050]  }
0x203: {  	v7 =	vperm.xlane v7, v0;
	[tilespmem:s30+$0xC830] =	vst v5;
	v5 =	vld [tilespmem:s30+$0x5040]  }
0x204: {  	[tilespmem:s30+$0xC840] =	vst v6;
	v6 =	vld [tilespmem:s30+$0x5030]  }
0x205: {  	[tilespmem:s30+$0xC850] =	vst v7;
	v7 =	vld [tilespmem:s30+$0x5020];
	v3 =	vperm.xlane v3, v0  }
0x206: {  	v1 =	vperm.xlane v1, v0  }
0x207: {  	[tilespmem:s30+$0xC860] =	vst v3;
	v2 =	vperm.xlane v2, v0  }
0x208: {  	v3 =	vld [tilespmem:s30+$0x5010];
	[tilespmem:s30+$0xCC00] =	vst v1;
	v1 =	vperm.xlane v4, v0  }
0x209: {  	[tilespmem:s30+$0xCC10] =	vst v2;
	v2 =	vld [tilespmem:s30+$0x4C70];
	v4 =	vperm.xlane v5, v0;
	v5 =	vperm.xlane v6, v0  }
0x20a: {  	v6 =	vperm.xlane v7, v0;
	v7 =	vperm.xlane v8, v0;
	v8 =	vld [tilespmem:s30+$0x4C00]  }
0x20b: {  	[tilespmem:s30+$0xCC20] =	vst v1;
	v1 =	vld [tilespmem:s30+$0x4C60]  }
0x20c: {  	[tilespmem:s30+$0xCC30] =	vst v4;
	v4 =	vld [tilespmem:s30+$0x4C50]  }
0x20d: {  	[tilespmem:s30+$0xCC40] =	vst v5;
	v5 =	vld [tilespmem:s30+$0x4C40]  }
0x20e: {  	[tilespmem:s30+$0xCC50] =	vst v6;
	v6 =	vld [tilespmem:s30+$0x4C30];
	v3 =	vperm.xlane v3, v0  }
0x20f: {  	[tilespmem:s30+$0xCC70] =	vst v7;
	v7 =	vld [tilespmem:s30+$0x4C10];
	v2 =	vperm.xlane v2, v0  }
0x210: {  	[tilespmem:s30+$0xCC60] =	vst v3;
	v3 =	vld [tilespmem:s30+$0x4C20];
	v8 =	vperm.xlane v8, v0  }
0x211: {  	v1 =	vperm.xlane v1, v0;
	[tilespmem:s30+$0xD000] =	vst v2;
	v2 =	vld [tilespmem:s30+$0x4870]  }
0x212: {  	v4 =	vperm.xlane v4, v0;
	[tilespmem:s30+$0xD070] =	vst v8;
	v8 =	vld [tilespmem:s30+$0x4800]  }
0x213: {  	v5 =	vperm.xlane v5, v0;
	[tilespmem:s30+$0xD010] =	vst v1;
	v1 =	vld [tilespmem:s30+$0x4860]  }
0x214: {  	v6 =	vperm.xlane v6, v0;
	[tilespmem:s30+$0xD020] =	vst v4;
	v4 =	vld [tilespmem:s30+$0x4850]  }
0x215: {  	v7 =	vperm.xlane v7, v0;
	[tilespmem:s30+$0xD030] =	vst v5;
	v5 =	vld [tilespmem:s30+$0x4840]  }
0x216: {  	[tilespmem:s30+$0xD040] =	vst v6;
	v6 =	vld [tilespmem:s30+$0x4830]  }
0x217: {  	[tilespmem:s30+$0xD060] =	vst v7;
	v7 =	vld [tilespmem:s30+$0x4810];
	v3 =	vperm.xlane v3, v0  }
0x218: {  	v2 =	vperm.xlane v2, v0  }
0x219: {  	[tilespmem:s30+$0xD050] =	vst v3  }
0x21a: {  	v3 =	vld [tilespmem:s30+$0x4820];
	v1 =	vperm.xlane v1, v0;
	[tilespmem:s30+$0xD400] =	vst v2;
	v2 =	vperm.xlane v4, v0  }
0x21b: {  	v4 =	vperm.xlane v5, v0;
	v5 =	vperm.xlane v6, v0  }
0x21c: {  	v6 =	vperm.xlane v7, v0;
	v7 =	vperm.xlane v8, v0;
	v8 =	vld [tilespmem:s30+$0x4400];
	[tilespmem:s30+$0xD410] =	vst v1  }
0x21d: {  	v1 =	vld [tilespmem:s30+$0x4470];
	[tilespmem:s30+$0xD420] =	vst v2  }
0x21e: {  	v2 =	vld [tilespmem:s30+$0x4460];
	[tilespmem:s30+$0xD430] =	vst v4  }
0x21f: {  	v4 =	vld [tilespmem:s30+$0x4450];
	[tilespmem:s30+$0xD440] =	vst v5;
	v3 =	vperm.xlane v3, v0  }
0x220: {  	v5 =	vld [tilespmem:s30+$0x4440];
	[tilespmem:s30+$0xD460] =	vst v6  }
0x221: {  	[tilespmem:s30+$0xD450] =	vst v3;
	v3 =	vld [tilespmem:s30+$0x4430];
	v8 =	vperm.xlane v8, v0  }
0x222: {  	v6 =	vld [tilespmem:s30+$0x4420];
	[tilespmem:s30+$0xD470] =	vst v7;
	v1 =	vperm.xlane v1, v0  }
0x223: {  	v7 =	vld [tilespmem:s30+$0x4410];
	v2 =	vperm.xlane v2, v0;
	[tilespmem:s30+$0xD870] =	vst v8  }
0x224: {  	v9 =	vld [tilespmem:s30+$0x4070];
	[tilespmem:s30+$0xD800] =	vst v1;
	v1 =	vperm.xlane v4, v0  }
0x225: {  	v10 =	vld [tilespmem:s30+$0x4060];
	[tilespmem:s30+$0xD810] =	vst v2;
	v2 =	vperm.xlane v5, v0  }
0x226: {  	v3 =	vperm.xlane v3, v0;
	[tilespmem:s30+$0xD820] =	vst v1;
	v1 =	vld [tilespmem:s30+$0x4050]  }
0x227: {  	v4 =	vperm.xlane v6, v0;
	[tilespmem:s30+$0xD830] =	vst v2;
	v2 =	vld [tilespmem:s30+$0x4040]  }
0x228: {  	v5 =	vperm.xlane v7, v0;
	[tilespmem:s30+$0xD840] =	vst v3;
	v3 =	vld [tilespmem:s30+$0x4030]  }
0x229: {  	v6 =	vperm.xlane v9, v0;
	[tilespmem:s30+$0xD850] =	vst v4;
	v4 =	vld [tilespmem:s30+$0x4020]  }
0x22a: {  	s0 =	simm.s32 $0x80;
	s31 =	simm.s32 $0x400;
	v7 =	vperm.xlane v10, v0;
	[tilespmem:s30+$0xD860] =	vst v5;
	v5 =	vld [tilespmem:s30+$0x4010]  }
.LBB2_15:
0x22b: {  	p2 =	sne.s32 s31, $0xE00;
	v8 =	vld [tilespmem:s0+$0x4000];
	v1 =	vperm.xlane v1, v0;
	[tilespmem:s30+$0xDC00] =	vst v6  }
0x22c: {  	v6 =	vld [tilespmem:s0+$0x5C70];
	v2 =	vperm.xlane v2, v0;
	[tilespmem:s30+$0xDC10] =	vst v7  }
0x22d: {  	v7 =	vld [tilespmem:s0+$0x5C60];
	v3 =	vperm.xlane v3, v0;
	[tilespmem:s30+$0xDC20] =	vst v1  }
0x22e: {  	v1 =	vld [tilespmem:s0+$0x5C50];
	v4 =	vperm.xlane v4, v0;
	[tilespmem:s30+$0xDC30] =	vst v2  }
0x22f: {  	v2 =	vld [tilespmem:s0+$0x5C40];
	v5 =	vperm.xlane v5, v0;
	[tilespmem:s30+$0xDC40] =	vst v3  }
0x230: {  	v3 =	vld [tilespmem:s0+$0x5C30];
	v8 =	vperm.xlane v8, v0;
	[tilespmem:s30+$0xDC50] =	vst v4  }
0x231: {  	v4 =	vld [tilespmem:s0+$0x5C20];
	v6 =	vperm.xlane v6, v0;
	[tilespmem:s30+$0xDC60] =	vst v5;
	s30 =	smov.u32 s0  }
0x232: {  	v5 =	vld [tilespmem:s30+$0x5C10];
	v7 =	vperm.xlane v7, v0;
	[tilespmem:s30+$0xDC70] =	vst v8  }
0x233: {  	v8 =	vld [tilespmem:s30+$0x5C00];
	v1 =	vperm.xlane v1, v0;
	[tilespmem:s30+$0xC000] =	vst v6  }
0x234: {  	v6 =	vld [tilespmem:s30+$0x5870];
	v2 =	vperm.xlane v2, v0;
	[tilespmem:s30+$0xC010] =	vst v7  }
0x235: {  	v7 =	vld [tilespmem:s30+$0x5860];
	v3 =	vperm.xlane v3, v0;
	[tilespmem:s30+$0xC020] =	vst v1  }
0x236: {  	v1 =	vld [tilespmem:s30+$0x5850];
	v4 =	vperm.xlane v4, v0;
	[tilespmem:s30+$0xC030] =	vst v2  }
0x237: {  	v2 =	vld [tilespmem:s30+$0x5840];
	v5 =	vperm.xlane v5, v0;
	[tilespmem:s30+$0xC040] =	vst v3  }
0x238: {  	v3 =	vld [tilespmem:s30+$0x5830];
	v8 =	vperm.xlane v8, v0;
	[tilespmem:s30+$0xC050] =	vst v4  }
0x239: {  	v4 =	vld [tilespmem:s30+$0x5820];
	v6 =	vperm.xlane v6, v0;
	[tilespmem:s30+$0xC060] =	vst v5  }
0x23a: {  	v5 =	vld [tilespmem:s30+$0x5810];
	v7 =	vperm.xlane v7, v0;
	[tilespmem:s30+$0xC070] =	vst v8  }
0x23b: {  	v8 =	vld [tilespmem:s30+$0x5800];
	v1 =	vperm.xlane v1, v0;
	[tilespmem:s30+$0xC400] =	vst v6  }
0x23c: {  	v2 =	vperm.xlane v2, v0;
	[tilespmem:s30+$0xC410] =	vst v7;
	v6 =	vld [tilespmem:s30+$0x5470]  }
0x23d: {  	v3 =	vperm.xlane v3, v0;
	[tilespmem:s30+$0xC420] =	vst v1;
	v1 =	vld [tilespmem:s30+$0x5460]  }
0x23e: {  	v4 =	vperm.xlane v4, v0;
	[tilespmem:s30+$0xC430] =	vst v2;
	v2 =	vld [tilespmem:s30+$0x5450]  }
0x23f: {  	v5 =	vperm.xlane v5, v0;
	[tilespmem:s30+$0xC440] =	vst v3;
	v3 =	vld [tilespmem:s30+$0x5440]  }
0x240: {  	v7 =	vperm.xlane v8, v0;
	[tilespmem:s30+$0xC450] =	vst v4;
	v4 =	vld [tilespmem:s30+$0x5430]  }
0x241: {  	[tilespmem:s30+$0xC460] =	vst v5;
	v5 =	vld [tilespmem:s30+$0x5420];
	v6 =	vperm.xlane v6, v0  }
0x242: {  	[tilespmem:s30+$0xC470] =	vst v7;
	v7 =	vld [tilespmem:s30+$0x5410];
	v1 =	vperm.xlane v1, v0  }
0x243: {  	v8 =	vld [tilespmem:s30+$0x5400];
	v2 =	vperm.xlane v2, v0;
	[tilespmem:s30+$0xC800] =	vst v6  }
0x244: {  	v6 =	vld [tilespmem:s30+$0x5070];
	v3 =	vperm.xlane v3, v0;
	[tilespmem:s30+$0xC810] =	vst v1  }
0x245: {  	v1 =	vld [tilespmem:s30+$0x5060];
	v4 =	vperm.xlane v4, v0;
	[tilespmem:s30+$0xC820] =	vst v2  }
0x246: {  	v2 =	vld [tilespmem:s30+$0x5050];
	v5 =	vperm.xlane v5, v0;
	[tilespmem:s30+$0xC830] =	vst v3  }
0x247: {  	v3 =	vld [tilespmem:s30+$0x5040];
	v7 =	vperm.xlane v7, v0;
	[tilespmem:s30+$0xC840] =	vst v4  }
0x248: {  	v4 =	vld [tilespmem:s30+$0x5030];
	v8 =	vperm.xlane v8, v0;
	[tilespmem:s30+$0xC850] =	vst v5  }
0x249: {  	v5 =	vld [tilespmem:s30+$0x5020];
	v6 =	vperm.xlane v6, v0;
	[tilespmem:s30+$0xC860] =	vst v7  }
0x24a: {  	v7 =	vld [tilespmem:s30+$0x5010];
	v1 =	vperm.xlane v1, v0;
	[tilespmem:s30+$0xC870] =	vst v8  }
0x24b: {  	v8 =	vld [tilespmem:s30+$0x5000];
	v2 =	vperm.xlane v2, v0;
	[tilespmem:s30+$0xCC00] =	vst v6  }
0x24c: {  	v3 =	vperm.xlane v3, v0;
	[tilespmem:s30+$0xCC10] =	vst v1;
	v1 =	vld [tilespmem:s30+$0x4C70]  }
0x24d: {  	v4 =	vperm.xlane v4, v0;
	[tilespmem:s30+$0xCC20] =	vst v2;
	v2 =	vld [tilespmem:s30+$0x4C60]  }
0x24e: {  	v5 =	vperm.xlane v5, v0;
	[tilespmem:s30+$0xCC30] =	vst v3;
	v3 =	vld [tilespmem:s30+$0x4C50]  }
0x24f: {  	v6 =	vperm.xlane v7, v0;
	[tilespmem:s30+$0xCC40] =	vst v4;
	v4 =	vld [tilespmem:s30+$0x4C40]  }
0x250: {  	v7 =	vperm.xlane v8, v0;
	[tilespmem:s30+$0xCC50] =	vst v5;
	v5 =	vld [tilespmem:s30+$0x4C30]  }
0x251: {  	[tilespmem:s30+$0xCC60] =	vst v6;
	v6 =	vld [tilespmem:s30+$0x4C20];
	v1 =	vperm.xlane v1, v0  }
0x252: {  	[tilespmem:s30+$0xCC70] =	vst v7;
	v7 =	vld [tilespmem:s30+$0x4C10];
	v2 =	vperm.xlane v2, v0  }
0x253: {  	v8 =	vld [tilespmem:s30+$0x4C00];
	v3 =	vperm.xlane v3, v0;
	[tilespmem:s30+$0xD000] =	vst v1  }
0x254: {  	v1 =	vld [tilespmem:s30+$0x4870];
	v4 =	vperm.xlane v4, v0;
	[tilespmem:s30+$0xD010] =	vst v2  }
0x255: {  	v2 =	vld [tilespmem:s30+$0x4860];
	v5 =	vperm.xlane v5, v0;
	[tilespmem:s30+$0xD020] =	vst v3  }
0x256: {  	v3 =	vld [tilespmem:s30+$0x4850];
	v6 =	vperm.xlane v6, v0;
	[tilespmem:s30+$0xD030] =	vst v4  }
0x257: {  	v4 =	vld [tilespmem:s30+$0x4840];
	v7 =	vperm.xlane v7, v0;
	[tilespmem:s30+$0xD040] =	vst v5  }
0x258: {  	v5 =	vld [tilespmem:s30+$0x4830];
	v8 =	vperm.xlane v8, v0;
	[tilespmem:s30+$0xD050] =	vst v6  }
0x259: {  	v6 =	vld [tilespmem:s30+$0x4820];
	v1 =	vperm.xlane v1, v0;
	[tilespmem:s30+$0xD060] =	vst v7  }
0x25a: {  	v7 =	vld [tilespmem:s30+$0x4810];
	v2 =	vperm.xlane v2, v0;
	[tilespmem:s30+$0xD070] =	vst v8  }
0x25b: {  	v8 =	vld [tilespmem:s30+$0x4800];
	v3 =	vperm.xlane v3, v0;
	[tilespmem:s30+$0xD400] =	vst v1  }
0x25c: {  	v1 =	vperm.xlane v4, v0;
	[tilespmem:s30+$0xD410] =	vst v2;
	v2 =	vld [tilespmem:s30+$0x4470]  }
0x25d: {  	v4 =	vperm.xlane v5, v0;
	[tilespmem:s30+$0xD420] =	vst v3;
	v3 =	vld [tilespmem:s30+$0x4460]  }
0x25e: {  	v5 =	vperm.xlane v6, v0;
	[tilespmem:s30+$0xD430] =	vst v1;
	v1 =	vld [tilespmem:s30+$0x4450]  }
0x25f: {  	v6 =	vperm.xlane v7, v0;
	[tilespmem:s30+$0xD440] =	vst v4;
	v4 =	vld [tilespmem:s30+$0x4440]  }
0x260: {  	v7 =	vperm.xlane v8, v0;
	[tilespmem:s30+$0xD450] =	vst v5;
	v5 =	vld [tilespmem:s30+$0x4430]  }
0x261: {  	[tilespmem:s30+$0xD460] =	vst v6;
	v6 =	vld [tilespmem:s30+$0x4420];
	v2 =	vperm.xlane v2, v0  }
0x262: {  	[tilespmem:s30+$0xD470] =	vst v7;
	v7 =	vld [tilespmem:s30+$0x4410];
	v3 =	vperm.xlane v3, v0  }
0x263: {  	v8 =	vld [tilespmem:s30+$0x4400];
	v1 =	vperm.xlane v1, v0;
	[tilespmem:s30+$0xD800] =	vst v2  }
0x264: {  	v9 =	vld [tilespmem:s30+$0x4070];
	v2 =	vperm.xlane v4, v0;
	[tilespmem:s30+$0xD810] =	vst v3  }
0x265: {  	v10 =	vld [tilespmem:s30+$0x4060];
	v3 =	vperm.xlane v5, v0;
	[tilespmem:s30+$0xD820] =	vst v1  }
.Ltmp10:
0x266: {  	v1 =	vld [tilespmem:s30+$0x4050];
	v4 =	vperm.xlane v6, v0;
	[tilespmem:s30+$0xD830] =	vst v2;
	(pc) =	sbr.rel @p2 .LBB2_15-.Ltmp10, $4  }
0x267: {  	v2 =	vld [tilespmem:s30+$0x4040];
	v5 =	vperm.xlane v7, v0;
	[tilespmem:s30+$0xD840] =	vst v3  }
0x268: {  	v3 =	vld [tilespmem:s30+$0x4030];
	v8 =	vperm.xlane v8, v0;
	[tilespmem:s30+$0xD850] =	vst v4  }
0x269: {  	v4 =	vld [tilespmem:s30+$0x4020];
	v6 =	vperm.xlane v9, v0;
	[tilespmem:s30+$0xD860] =	vst v5  }
0x26a: {  	s0 =	sshra.s32 s31, $0x2;
	s31 =	sadd.s32 $0x200, s31;
	v5 =	vld [tilespmem:s30+$0x4010];
	v7 =	vperm.xlane v10, v0;
	[tilespmem:s30+$0xD870] =	vst v8  }
0x26b: {  	v8 =	vld [tilespmem:s0+$0x4000];
	[tilespmem:s30+$0xDC00] =	vst v6;
	v1 =	vperm.xlane v1, v0  }
0x26c: {  	v6 =	vld [tilespmem:s0+$0x5C70];
	[tilespmem:s30+$0xDC10] =	vst v7;
	v2 =	vperm.xlane v2, v0  }
0x26d: {  	v7 =	vld [tilespmem:s0+$0x5C60];
	[tilespmem:s30+$0xDC20] =	vst v1;
	v3 =	vperm.xlane v3, v0  }
0x26e: {  	v1 =	vld [tilespmem:s0+$0x5C50];
	[tilespmem:s30+$0xDC30] =	vst v2;
	v4 =	vperm.xlane v4, v0  }
0x26f: {  	v2 =	vld [tilespmem:s0+$0x5C40];
	[tilespmem:s30+$0xDC40] =	vst v3;
	v5 =	vperm.xlane v5, v0  }
0x270: {  	v3 =	vld [tilespmem:s0+$0x5C30];
	[tilespmem:s30+$0xDC50] =	vst v4;
	v8 =	vperm.xlane v8, v0  }
0x271: {  	v4 =	vld [tilespmem:s0+$0x5C20];
	[tilespmem:s30+$0xDC60] =	vst v5;
	v6 =	vperm.xlane v6, v0  }
0x272: {  	v5 =	vld [tilespmem:s0+$0x5C10];
	[tilespmem:s0+$0xDC70] =	vst v8;
	v7 =	vperm.xlane v7, v0  }
0x273: {  	v22 =	vld [tilespmem:s0+$0x5C00];
	[tilespmem:s0+$0xC000] =	vst v6;
	v1 =	vperm.xlane v1, v0  }
0x274: {  	v23 =	vld [tilespmem:s0+$0x5870];
	[tilespmem:s0+$0xC010] =	vst v7;
	v2 =	vperm.xlane v2, v0  }
0x275: {  	v24 =	vld [tilespmem:s0+$0x5860];
	[tilespmem:s0+$0xC020] =	vst v1;
	v3 =	vperm.xlane v3, v0  }
0x276: {  	v27 =	vld [tilespmem:s0+$0x5800];
	[tilespmem:s0+$0xC030] =	vst v2;
	v4 =	vperm.xlane v4, v0  }
0x277: {  	v37 =	vld [tilespmem:s0+$0x5010];
	[tilespmem:s0+$0xC040] =	vst v3;
	v5 =	vperm.xlane v5, v0  }
0x278: {  	v38 =	vld [tilespmem:s0+$0x5000];
	v8 =	vperm.xlane v22, v0;
	[tilespmem:s0+$0xC050] =	vst v4  }
0x279: {  	v1 =	vld [tilespmem:s0+$0x5850];
	v6 =	vperm.xlane v23, v0;
	[tilespmem:s0+$0xC060] =	vst v5  }
0x27a: {  	v2 =	vld [tilespmem:s0+$0x5840];
	v7 =	vperm.xlane v24, v0;
	[tilespmem:s0+$0xC070] =	vst v8  }
0x27b: {  	v3 =	vld [tilespmem:s0+$0x5830];
	v30 =	vperm.xlane v27, v0;
	[tilespmem:s0+$0xC400] =	vst v6  }
0x27c: {  	v47 =	vld [tilespmem:s0+$0x4830];
	v40 =	vperm.xlane v37, v0;
	[tilespmem:s0+$0xC410] =	vst v7  }
0x27d: {  	v48 =	vld [tilespmem:s0+$0x4820];
	v42 =	vperm.xlane v38, v0;
	[tilespmem:s0+$0xC470] =	vst v30  }
0x27e: {  	v49 =	vld [tilespmem:s0+$0x4810];
	[tilespmem:s0+$0xCC60] =	vst v40;
	v1 =	vperm.xlane v1, v0  }
0x27f: {  	v50 =	vld [tilespmem:s0+$0x4800];
	[tilespmem:s0+$0xCC70] =	vst v42;
	v2 =	vperm.xlane v2, v0  }
0x280: {  	[tilespmem:s0+$0xC420] =	vst v1;
	v1 =	vld [tilespmem:s0+$0x5460];
	v3 =	vperm.xlane v3, v0  }
0x281: {  	v51 =	vperm.xlane v47, v0;
	[tilespmem:s0+$0xC430] =	vst v2;
	v2 =	vld [tilespmem:s0+$0x5450]  }
0x282: {  	v52 =	vperm.xlane v48, v0;
	[tilespmem:s0+$0xC440] =	vst v3;
	v3 =	vld [tilespmem:s0+$0x5440]  }
0x283: {  	v25 =	vld [tilespmem:s0+$0x5820];
	v54 =	vperm.xlane v49, v0;
	[tilespmem:s0+$0xD440] =	vst v51  }
0x284: {  	v26 =	vld [tilespmem:s0+$0x5810];
	v56 =	vperm.xlane v50, v0;
	[tilespmem:s0+$0xD450] =	vst v52  }
0x285: {  	v28 =	vld [tilespmem:s0+$0x5470];
	[tilespmem:s0+$0xD460] =	vst v54;
	v1 =	vperm.xlane v1, v0  }
0x286: {  	v32 =	vld [tilespmem:s0+$0x5410];
	[tilespmem:s0+$0xD470] =	vst v56;
	v2 =	vperm.xlane v2, v0  }
0x287: {  	[tilespmem:s0+$0xC810] =	vst v1;
	v1 =	vld [tilespmem:s0+$0x5060];
	v3 =	vperm.xlane v3, v0  }
0x288: {  	v4 =	vperm.xlane v25, v0;
	[tilespmem:s0+$0xC820] =	vst v2;
	v2 =	vld [tilespmem:s0+$0x5050]  }
0x289: {  	v5 =	vperm.xlane v26, v0;
	[tilespmem:s0+$0xC830] =	vst v3;
	v3 =	vld [tilespmem:s0+$0x5040]  }
0x28a: {  	v33 =	vld [tilespmem:s0+$0x5400];
	v6 =	vperm.xlane v28, v0;
	[tilespmem:s0+$0xC450] =	vst v4  }
0x28b: {  	v29 =	vld [tilespmem:s0+$0x5430];
	v7 =	vperm.xlane v32, v0;
	[tilespmem:s0+$0xC460] =	vst v5  }
0x28c: {  	v31 =	vld [tilespmem:s0+$0x5420];
	[tilespmem:s0+$0xC800] =	vst v6;
	v1 =	vperm.xlane v1, v0  }
0x28d: {  	v34 =	vld [tilespmem:s0+$0x5070];
	[tilespmem:s0+$0xC860] =	vst v7;
	v2 =	vperm.xlane v2, v0  }
0x28e: {  	[tilespmem:s0+$0xCC10] =	vst v1;
	v1 =	vld [tilespmem:s0+$0x4C70];
	v3 =	vperm.xlane v3, v0  }
0x28f: {  	v8 =	vperm.xlane v33, v0;
	[tilespmem:s0+$0xCC20] =	vst v2;
	v2 =	vld [tilespmem:s0+$0x4C60]  }
0x290: {  	v4 =	vperm.xlane v29, v0;
	[tilespmem:s0+$0xCC30] =	vst v3;
	v3 =	vld [tilespmem:s0+$0x4C50]  }
0x291: {  	v44 =	vld [tilespmem:s0+$0x4C10];
	v5 =	vperm.xlane v31, v0;
	[tilespmem:s0+$0xC870] =	vst v8  }
0x292: {  	v45 =	vld [tilespmem:s0+$0x4C00];
	v6 =	vperm.xlane v34, v0;
	[tilespmem:s0+$0xC840] =	vst v4  }
0x293: {  	v35 =	vld [tilespmem:s0+$0x5030];
	[tilespmem:s0+$0xC850] =	vst v5;
	v1 =	vperm.xlane v1, v0  }
0x294: {  	v36 =	vld [tilespmem:s0+$0x5020];
	[tilespmem:s0+$0xCC00] =	vst v6;
	v2 =	vperm.xlane v2, v0  }
0x295: {  	[tilespmem:s0+$0xD000] =	vst v1;
	v1 =	vld [tilespmem:s0+$0x4870];
	v3 =	vperm.xlane v3, v0  }
0x296: {  	v7 =	vperm.xlane v44, v0;
	[tilespmem:s0+$0xD010] =	vst v2;
	v2 =	vld [tilespmem:s0+$0x4860]  }
0x297: {  	v8 =	vperm.xlane v45, v0;
	[tilespmem:s0+$0xD020] =	vst v3;
	v3 =	vld [tilespmem:s0+$0x4850]  }
0x298: {  	v46 =	vld [tilespmem:s0+$0x4840];
	v4 =	vperm.xlane v35, v0;
	[tilespmem:s0+$0xD060] =	vst v7  }
0x299: {  	v43 =	vld [tilespmem:s0+$0x4C20];
	v5 =	vperm.xlane v36, v0;
	[tilespmem:s0+$0xD070] =	vst v8  }
0x29a: {  	v58 =	vld [tilespmem:s0+$0x4410];
	[tilespmem:s0+$0xCC40] =	vst v4;
	v1 =	vperm.xlane v1, v0  }
0x29b: {  	v59 =	vld [tilespmem:s0+$0x4400];
	[tilespmem:s0+$0xCC50] =	vst v5;
	v2 =	vperm.xlane v2, v0  }
0x29c: {  	v39 =	vld [tilespmem:s0+$0x4C40];
	[tilespmem:s0+$0xD400] =	vst v1;
	v1 =	vperm.xlane v3, v0  }
0x29d: {  	v3 =	vperm.xlane v46, v0;
	[tilespmem:s0+$0xD410] =	vst v2;
	v2 =	vld [tilespmem:s0+$0x4470]  }
0x29e: {  	v6 =	vperm.xlane v43, v0;
	[tilespmem:s0+$0xD420] =	vst v1;
	v1 =	vld [tilespmem:s0+$0x4460]  }
0x29f: {  	v7 =	vperm.xlane v58, v0;
	[tilespmem:s0+$0xD430] =	vst v3;
	v3 =	vld [tilespmem:s0+$0x4450]  }
0x2a0: {  	v41 =	vld [tilespmem:s0+$0x4C30];
	v8 =	vperm.xlane v59, v0;
	[tilespmem:s0+$0xD050] =	vst v6  }
0x2a1: {  	v57 =	vld [tilespmem:s0+$0x4420];
	v4 =	vperm.xlane v39, v0;
	[tilespmem:s0+$0xD860] =	vst v7  }
0x2a2: {  	v53 =	vld [tilespmem:s0+$0x4440];
	[tilespmem:s0+$0xD870] =	vst v8;
	v2 =	vperm.xlane v2, v0  }
0x2a3: {  	v55 =	vld [tilespmem:s0+$0x4430];
	[tilespmem:s0+$0xD030] =	vst v4;
	v1 =	vperm.xlane v1, v0  }
0x2a4: {  	v3 =	vperm.xlane v3, v0;
	[tilespmem:s0+$0xD800] =	vst v2;
	v2 =	vld [tilespmem:s0+$0x4070]  }
0x2a5: {  	v5 =	vperm.xlane v41, v0;
	[tilespmem:s0+$0xD810] =	vst v1;
	v1 =	vld [tilespmem:s0+$0x4060]  }
0x2a6: {  	v6 =	vperm.xlane v57, v0;
	[tilespmem:s0+$0xD820] =	vst v3;
	v3 =	vld [tilespmem:s0+$0x4050]  }
0x2a7: {  	v60 =	vld [tilespmem:s0+$0x4040];
	v4 =	vperm.xlane v53, v0;
	[tilespmem:s0+$0xD040] =	vst v5  }
0x2a8: {  	v61 =	vld [tilespmem:s0+$0x4030];
	v5 =	vperm.xlane v55, v0;
	[tilespmem:s0+$0xD850] =	vst v6  }
0x2a9: {  	v62 =	vld [tilespmem:s0+$0x4020];
	[tilespmem:s0+$0xD830] =	vst v4;
	v2 =	vperm.xlane v2, v0  }
0x2aa: {  	v63 =	vld [tilespmem:s0+$0x4010];
	[tilespmem:s0+$0xD840] =	vst v5;
	v1 =	vperm.xlane v1, v0  }
0x2ab: {  	v3 =	vperm.xlane v3, v0;
	[tilespmem:s0+$0xDC00] =	vst v2  }
0x2ac: {  	v2 =	vperm.xlane v60, v0;
	[tilespmem:s0+$0xDC10] =	vst v1  }
0x2ad: {  	v1 =	vperm.xlane v61, v0;
	[tilespmem:s0+$0xDC20] =	vst v3  }
.Ltmp11:
0x2ae: {  	v3 =	vperm.xlane v62, v0;
	[tilespmem:s0+$0xDC30] =	vst v2;
	(pc) =	sbr.rel @p1 .LBB2_18-.Ltmp11, $4  }
0x2af: {  	v2 =	vperm.xlane v63, v0;
	[tilespmem:s0+$0xDC40] =	vst v1  }
0x2b0: {  	s30 =	sor.u32 $0x800, s29;
	[tilespmem:s0+$0xDC50] =	vst v3  }
0x2b1: {  	s31 =	sadd.s32 s2, s30;
	[tilespmem:s0+$0xDC60] =	vst v2  }
0x2b2: {  	[hbm4b:s31+s3] =	stream.linear.scatter [tilespmem:s21], [sflag:$0x7], $0x2000, $0x38;
	[tilespmem:$0x10000] =	vst v63  }
.Ltmp12:
0x2b3: {  	(pc) =	sbr.rel .LBB2_19-.Ltmp12, $4  }
0x2b4: {  	_ = 	snop  }
0x2b5: {  	_ =	swait.ge [sflag:s22], $0x2000  }
0x2b6: {  	[sflag:s22] =	ssyncset.done $0x0  }
0x2b7: {  	[sflag:s22] =	ssyncadd.s32 $0xFFFFE000  }
.LBB2_18:
.Ltmp13:
0x2b8: {  	s0 =	sadd.s32 s30, s9;
	(pc) =	sbr.rel @p0 .LBB2_20-.Ltmp13, $4  }
0x2b9: {  	[tilespmem:s12], [sflag:$0x3] =	stream.linear.gather [hbm4b:s0+s3], $0x2000, $0x38;
	[tilespmem:$0x10000] =	vst v63  }
0x2ba: {  	_ =	swait.ge [sflag:s22], $0x2000  }
0x2bb: {  	[sflag:s22] =	ssyncset.done $0x0  }
0x2bc: {  	[sflag:s22] =	ssyncadd.s32 $0xFFFFE000  }
.LBB2_19:
0x2bd: {  	_ =	swait.ge [sflag:s23], $0x2000  }
0x2be: {  	[sflag:s23] =	ssyncset.done $0x0  }
0x2bf: {  	[sflag:s23] =	ssyncadd.s32 $0xFFFFE000  }
.LBB2_20:
0x2c0: {  	s30 =	simm.s32 $0x0  }
0x2c1: {  	v1 =	vld [tilespmem:s30+$0x6000]  }
0x2c2: {  	v2 =	vld [tilespmem:s30+$0x7C70]  }
0x2c3: {  	v3 =	vld [tilespmem:s30+$0x7C60]  }
0x2c4: {  	v4 =	vld [tilespmem:s30+$0x7C50]  }
0x2c5: {  	v5 =	vld [tilespmem:s30+$0x7C40]  }
0x2c6: {  	v6 =	vld [tilespmem:s30+$0x7C30]  }
0x2c7: {  	v7 =	vld [tilespmem:s30+$0x7C20];
	v1 =	vperm.xlane v1, v0  }
0x2c8: {  	v8 =	vld [tilespmem:s30+$0x7C10];
	v2 =	vperm.xlane v2, v0  }
0x2c9: {  	v3 =	vperm.xlane v3, v0;
	[tilespmem:s30+$0xFC70] =	vst v1;
	v1 =	vld [tilespmem:s30+$0x7C00]  }
0x2ca: {  	v4 =	vperm.xlane v4, v0;
	[tilespmem:s30+$0xE000] =	vst v2;
	v2 =	vld [tilespmem:s30+$0x7870]  }
0x2cb: {  	v5 =	vperm.xlane v5, v0;
	[tilespmem:s30+$0xE010] =	vst v3;
	v3 =	vld [tilespmem:s30+$0x7860]  }
0x2cc: {  	v6 =	vperm.xlane v6, v0;
	[tilespmem:s30+$0xE020] =	vst v4;
	v4 =	vld [tilespmem:s30+$0x7850]  }
0x2cd: {  	v7 =	vperm.xlane v7, v0;
	[tilespmem:s30+$0xE030] =	vst v5;
	v5 =	vld [tilespmem:s30+$0x7840]  }
0x2ce: {  	v8 =	vperm.xlane v8, v0;
	[tilespmem:s30+$0xE040] =	vst v6;
	v6 =	vld [tilespmem:s30+$0x7830]  }
0x2cf: {  	[tilespmem:s30+$0xE050] =	vst v7;
	v7 =	vld [tilespmem:s30+$0x7820]  }
0x2d0: {  	[tilespmem:s30+$0xE060] =	vst v8;
	v8 =	vld [tilespmem:s30+$0x7810];
	v1 =	vperm.xlane v1, v0  }
0x2d1: {  	v2 =	vperm.xlane v2, v0  }
0x2d2: {  	[tilespmem:s30+$0xE070] =	vst v1  }
0x2d3: {  	v1 =	vperm.xlane v3, v0;
	[tilespmem:s30+$0xE400] =	vst v2;
	v2 =	vperm.xlane v4, v0  }
0x2d4: {  	v3 =	vld [tilespmem:s30+$0x7800];
	v4 =	vperm.xlane v5, v0;
	v5 =	vperm.xlane v6, v0  }
0x2d5: {  	v6 =	vperm.xlane v7, v0;
	v7 =	vperm.xlane v8, v0;
	v8 =	vld [tilespmem:s30+$0x7400]  }
0x2d6: {  	[tilespmem:s30+$0xE410] =	vst v1;
	v1 =	vld [tilespmem:s30+$0x7470]  }
0x2d7: {  	[tilespmem:s30+$0xE420] =	vst v2;
	v2 =	vld [tilespmem:s30+$0x7460]  }
0x2d8: {  	[tilespmem:s30+$0xE430] =	vst v4;
	v4 =	vld [tilespmem:s30+$0x7450]  }
0x2d9: {  	[tilespmem:s30+$0xE440] =	vst v5;
	v5 =	vld [tilespmem:s30+$0x7440]  }
0x2da: {  	[tilespmem:s30+$0xE450] =	vst v6;
	v6 =	vld [tilespmem:s30+$0x7430];
	v3 =	vperm.xlane v3, v0  }
0x2db: {  	[tilespmem:s30+$0xE460] =	vst v7;
	v7 =	vld [tilespmem:s30+$0x7420];
	v8 =	vperm.xlane v8, v0  }
0x2dc: {  	[tilespmem:s30+$0xE470] =	vst v3;
	v1 =	vperm.xlane v1, v0;
	v3 =	vld [tilespmem:s30+$0x7410]  }
0x2dd: {  	v2 =	vperm.xlane v2, v0;
	[tilespmem:s30+$0xE870] =	vst v8;
	v8 =	vld [tilespmem:s30+$0x7000]  }
0x2de: {  	v4 =	vperm.xlane v4, v0;
	[tilespmem:s30+$0xE800] =	vst v1;
	v1 =	vld [tilespmem:s30+$0x7070]  }
0x2df: {  	v5 =	vperm.xlane v5, v0;
	[tilespmem:s30+$0xE810] =	vst v2;
	v2 =	vld [tilespmem:s30+$0x7060]  }
0x2e0: {  	v6 =	vperm.xlane v6, v0;
	[tilespmem:s30+$0xE820] =	vst v4;
	v4 =	vld [tilespmem:s30+$0x7050]  }
0x2e1: {  	v7 =	vperm.xlane v7, v0;
	[tilespmem:s30+$0xE830] =	vst v5;
	v5 =	vld [tilespmem:s30+$0x7040]  }
0x2e2: {  	[tilespmem:s30+$0xE840] =	vst v6;
	v6 =	vld [tilespmem:s30+$0x7030]  }
0x2e3: {  	[tilespmem:s30+$0xE850] =	vst v7;
	v7 =	vld [tilespmem:s30+$0x7020];
	v3 =	vperm.xlane v3, v0  }
0x2e4: {  	v1 =	vperm.xlane v1, v0  }
0x2e5: {  	[tilespmem:s30+$0xE860] =	vst v3;
	v2 =	vperm.xlane v2, v0  }
0x2e6: {  	v3 =	vld [tilespmem:s30+$0x7010];
	[tilespmem:s30+$0xEC00] =	vst v1;
	v1 =	vperm.xlane v4, v0  }
0x2e7: {  	[tilespmem:s30+$0xEC10] =	vst v2;
	v2 =	vld [tilespmem:s30+$0x6C70];
	v4 =	vperm.xlane v5, v0;
	v5 =	vperm.xlane v6, v0  }
0x2e8: {  	v6 =	vperm.xlane v7, v0;
	v7 =	vperm.xlane v8, v0;
	v8 =	vld [tilespmem:s30+$0x6C00]  }
0x2e9: {  	[tilespmem:s30+$0xEC20] =	vst v1;
	v1 =	vld [tilespmem:s30+$0x6C60]  }
0x2ea: {  	[tilespmem:s30+$0xEC30] =	vst v4;
	v4 =	vld [tilespmem:s30+$0x6C50]  }
0x2eb: {  	[tilespmem:s30+$0xEC40] =	vst v5;
	v5 =	vld [tilespmem:s30+$0x6C40]  }
0x2ec: {  	[tilespmem:s30+$0xEC50] =	vst v6;
	v6 =	vld [tilespmem:s30+$0x6C30];
	v3 =	vperm.xlane v3, v0  }
0x2ed: {  	[tilespmem:s30+$0xEC70] =	vst v7;
	v7 =	vld [tilespmem:s30+$0x6C10];
	v2 =	vperm.xlane v2, v0  }
0x2ee: {  	[tilespmem:s30+$0xEC60] =	vst v3;
	v3 =	vld [tilespmem:s30+$0x6C20];
	v8 =	vperm.xlane v8, v0  }
0x2ef: {  	v1 =	vperm.xlane v1, v0;
	[tilespmem:s30+$0xF000] =	vst v2;
	v2 =	vld [tilespmem:s30+$0x6870]  }
0x2f0: {  	v4 =	vperm.xlane v4, v0;
	[tilespmem:s30+$0xF070] =	vst v8;
	v8 =	vld [tilespmem:s30+$0x6800]  }
0x2f1: {  	v5 =	vperm.xlane v5, v0;
	[tilespmem:s30+$0xF010] =	vst v1;
	v1 =	vld [tilespmem:s30+$0x6860]  }
0x2f2: {  	v6 =	vperm.xlane v6, v0;
	[tilespmem:s30+$0xF020] =	vst v4;
	v4 =	vld [tilespmem:s30+$0x6850]  }
0x2f3: {  	v7 =	vperm.xlane v7, v0;
	[tilespmem:s30+$0xF030] =	vst v5;
	v5 =	vld [tilespmem:s30+$0x6840]  }
0x2f4: {  	[tilespmem:s30+$0xF040] =	vst v6;
	v6 =	vld [tilespmem:s30+$0x6830]  }
0x2f5: {  	[tilespmem:s30+$0xF060] =	vst v7;
	v7 =	vld [tilespmem:s30+$0x6810];
	v3 =	vperm.xlane v3, v0  }
0x2f6: {  	v2 =	vperm.xlane v2, v0  }
0x2f7: {  	[tilespmem:s30+$0xF050] =	vst v3  }
0x2f8: {  	v3 =	vld [tilespmem:s30+$0x6820];
	v1 =	vperm.xlane v1, v0;
	[tilespmem:s30+$0xF400] =	vst v2;
	v2 =	vperm.xlane v4, v0  }
0x2f9: {  	v4 =	vperm.xlane v5, v0;
	v5 =	vperm.xlane v6, v0  }
0x2fa: {  	v6 =	vperm.xlane v7, v0;
	v7 =	vperm.xlane v8, v0;
	v8 =	vld [tilespmem:s30+$0x6400];
	[tilespmem:s30+$0xF410] =	vst v1  }
0x2fb: {  	v1 =	vld [tilespmem:s30+$0x6470];
	[tilespmem:s30+$0xF420] =	vst v2  }
0x2fc: {  	v2 =	vld [tilespmem:s30+$0x6460];
	[tilespmem:s30+$0xF430] =	vst v4  }
0x2fd: {  	v4 =	vld [tilespmem:s30+$0x6450];
	[tilespmem:s30+$0xF440] =	vst v5;
	v3 =	vperm.xlane v3, v0  }
0x2fe: {  	v5 =	vld [tilespmem:s30+$0x6440];
	[tilespmem:s30+$0xF460] =	vst v6  }
0x2ff: {  	[tilespmem:s30+$0xF450] =	vst v3;
	v3 =	vld [tilespmem:s30+$0x6430];
	v8 =	vperm.xlane v8, v0  }
0x300: {  	v6 =	vld [tilespmem:s30+$0x6420];
	[tilespmem:s30+$0xF470] =	vst v7;
	v1 =	vperm.xlane v1, v0  }
0x301: {  	v7 =	vld [tilespmem:s30+$0x6410];
	v2 =	vperm.xlane v2, v0;
	[tilespmem:s30+$0xF870] =	vst v8  }
0x302: {  	v9 =	vld [tilespmem:s30+$0x6070];
	[tilespmem:s30+$0xF800] =	vst v1;
	v1 =	vperm.xlane v4, v0  }
0x303: {  	v10 =	vld [tilespmem:s30+$0x6060];
	[tilespmem:s30+$0xF810] =	vst v2;
	v2 =	vperm.xlane v5, v0  }
0x304: {  	v3 =	vperm.xlane v3, v0;
	[tilespmem:s30+$0xF820] =	vst v1;
	v1 =	vld [tilespmem:s30+$0x6050]  }
0x305: {  	v4 =	vperm.xlane v6, v0;
	[tilespmem:s30+$0xF830] =	vst v2;
	v2 =	vld [tilespmem:s30+$0x6040]  }
0x306: {  	v5 =	vperm.xlane v7, v0;
	[tilespmem:s30+$0xF840] =	vst v3;
	v3 =	vld [tilespmem:s30+$0x6030]  }
0x307: {  	v6 =	vperm.xlane v9, v0;
	[tilespmem:s30+$0xF850] =	vst v4;
	v4 =	vld [tilespmem:s30+$0x6020]  }
0x308: {  	s0 =	simm.s32 $0x80;
	s31 =	simm.s32 $0x400;
	v7 =	vperm.xlane v10, v0;
	[tilespmem:s30+$0xF860] =	vst v5;
	v5 =	vld [tilespmem:s30+$0x6010]  }
.LBB2_21:
0x309: {  	p0 =	sne.s32 s31, $0xE00;
	v8 =	vld [tilespmem:s0+$0x6000];
	v1 =	vperm.xlane v1, v0;
	[tilespmem:s30+$0xFC00] =	vst v6  }
0x30a: {  	v6 =	vld [tilespmem:s0+$0x7C70];
	v2 =	vperm.xlane v2, v0;
	[tilespmem:s30+$0xFC10] =	vst v7  }
0x30b: {  	v7 =	vld [tilespmem:s0+$0x7C60];
	v3 =	vperm.xlane v3, v0;
	[tilespmem:s30+$0xFC20] =	vst v1  }
0x30c: {  	v1 =	vld [tilespmem:s0+$0x7C50];
	v4 =	vperm.xlane v4, v0;
	[tilespmem:s30+$0xFC30] =	vst v2  }
0x30d: {  	v2 =	vld [tilespmem:s0+$0x7C40];
	v5 =	vperm.xlane v5, v0;
	[tilespmem:s30+$0xFC40] =	vst v3  }
0x30e: {  	v3 =	vld [tilespmem:s0+$0x7C30];
	v8 =	vperm.xlane v8, v0;
	[tilespmem:s30+$0xFC50] =	vst v4  }
0x30f: {  	v4 =	vld [tilespmem:s0+$0x7C20];
	v6 =	vperm.xlane v6, v0;
	[tilespmem:s30+$0xFC60] =	vst v5;
	s30 =	smov.u32 s0  }
0x310: {  	v5 =	vld [tilespmem:s30+$0x7C10];
	v7 =	vperm.xlane v7, v0;
	[tilespmem:s30+$0xFC70] =	vst v8  }
0x311: {  	v8 =	vld [tilespmem:s30+$0x7C00];
	v1 =	vperm.xlane v1, v0;
	[tilespmem:s30+$0xE000] =	vst v6  }
0x312: {  	v6 =	vld [tilespmem:s30+$0x7870];
	v2 =	vperm.xlane v2, v0;
	[tilespmem:s30+$0xE010] =	vst v7  }
0x313: {  	v7 =	vld [tilespmem:s30+$0x7860];
	v3 =	vperm.xlane v3, v0;
	[tilespmem:s30+$0xE020] =	vst v1  }
0x314: {  	v1 =	vld [tilespmem:s30+$0x7850];
	v4 =	vperm.xlane v4, v0;
	[tilespmem:s30+$0xE030] =	vst v2  }
0x315: {  	v2 =	vld [tilespmem:s30+$0x7840];
	v5 =	vperm.xlane v5, v0;
	[tilespmem:s30+$0xE040] =	vst v3  }
0x316: {  	v3 =	vld [tilespmem:s30+$0x7830];
	v8 =	vperm.xlane v8, v0;
	[tilespmem:s30+$0xE050] =	vst v4  }
0x317: {  	v4 =	vld [tilespmem:s30+$0x7820];
	v6 =	vperm.xlane v6, v0;
	[tilespmem:s30+$0xE060] =	vst v5  }
0x318: {  	v5 =	vld [tilespmem:s30+$0x7810];
	v7 =	vperm.xlane v7, v0;
	[tilespmem:s30+$0xE070] =	vst v8  }
0x319: {  	v8 =	vld [tilespmem:s30+$0x7800];
	v1 =	vperm.xlane v1, v0;
	[tilespmem:s30+$0xE400] =	vst v6  }
0x31a: {  	v2 =	vperm.xlane v2, v0;
	[tilespmem:s30+$0xE410] =	vst v7;
	v6 =	vld [tilespmem:s30+$0x7470]  }
0x31b: {  	v3 =	vperm.xlane v3, v0;
	[tilespmem:s30+$0xE420] =	vst v1;
	v1 =	vld [tilespmem:s30+$0x7460]  }
0x31c: {  	v4 =	vperm.xlane v4, v0;
	[tilespmem:s30+$0xE430] =	vst v2;
	v2 =	vld [tilespmem:s30+$0x7450]  }
0x31d: {  	v5 =	vperm.xlane v5, v0;
	[tilespmem:s30+$0xE440] =	vst v3;
	v3 =	vld [tilespmem:s30+$0x7440]  }
0x31e: {  	v7 =	vperm.xlane v8, v0;
	[tilespmem:s30+$0xE450] =	vst v4;
	v4 =	vld [tilespmem:s30+$0x7430]  }
0x31f: {  	[tilespmem:s30+$0xE460] =	vst v5;
	v5 =	vld [tilespmem:s30+$0x7420];
	v6 =	vperm.xlane v6, v0  }
0x320: {  	[tilespmem:s30+$0xE470] =	vst v7;
	v7 =	vld [tilespmem:s30+$0x7410];
	v1 =	vperm.xlane v1, v0  }
0x321: {  	v8 =	vld [tilespmem:s30+$0x7400];
	v2 =	vperm.xlane v2, v0;
	[tilespmem:s30+$0xE800] =	vst v6  }
0x322: {  	v6 =	vld [tilespmem:s30+$0x7070];
	v3 =	vperm.xlane v3, v0;
	[tilespmem:s30+$0xE810] =	vst v1  }
0x323: {  	v1 =	vld [tilespmem:s30+$0x7060];
	v4 =	vperm.xlane v4, v0;
	[tilespmem:s30+$0xE820] =	vst v2  }
0x324: {  	v2 =	vld [tilespmem:s30+$0x7050];
	v5 =	vperm.xlane v5, v0;
	[tilespmem:s30+$0xE830] =	vst v3  }
0x325: {  	v3 =	vld [tilespmem:s30+$0x7040];
	v7 =	vperm.xlane v7, v0;
	[tilespmem:s30+$0xE840] =	vst v4  }
0x326: {  	v4 =	vld [tilespmem:s30+$0x7030];
	v8 =	vperm.xlane v8, v0;
	[tilespmem:s30+$0xE850] =	vst v5  }
0x327: {  	v5 =	vld [tilespmem:s30+$0x7020];
	v6 =	vperm.xlane v6, v0;
	[tilespmem:s30+$0xE860] =	vst v7  }
0x328: {  	v7 =	vld [tilespmem:s30+$0x7010];
	v1 =	vperm.xlane v1, v0;
	[tilespmem:s30+$0xE870] =	vst v8  }
0x329: {  	v8 =	vld [tilespmem:s30+$0x7000];
	v2 =	vperm.xlane v2, v0;
	[tilespmem:s30+$0xEC00] =	vst v6  }
0x32a: {  	v3 =	vperm.xlane v3, v0;
	[tilespmem:s30+$0xEC10] =	vst v1;
	v1 =	vld [tilespmem:s30+$0x6C70]  }
0x32b: {  	v4 =	vperm.xlane v4, v0;
	[tilespmem:s30+$0xEC20] =	vst v2;
	v2 =	vld [tilespmem:s30+$0x6C60]  }
0x32c: {  	v5 =	vperm.xlane v5, v0;
	[tilespmem:s30+$0xEC30] =	vst v3;
	v3 =	vld [tilespmem:s30+$0x6C50]  }
0x32d: {  	v6 =	vperm.xlane v7, v0;
	[tilespmem:s30+$0xEC40] =	vst v4;
	v4 =	vld [tilespmem:s30+$0x6C40]  }
0x32e: {  	v7 =	vperm.xlane v8, v0;
	[tilespmem:s30+$0xEC50] =	vst v5;
	v5 =	vld [tilespmem:s30+$0x6C30]  }
0x32f: {  	[tilespmem:s30+$0xEC60] =	vst v6;
	v6 =	vld [tilespmem:s30+$0x6C20];
	v1 =	vperm.xlane v1, v0  }
0x330: {  	[tilespmem:s30+$0xEC70] =	vst v7;
	v7 =	vld [tilespmem:s30+$0x6C10];
	v2 =	vperm.xlane v2, v0  }
0x331: {  	v8 =	vld [tilespmem:s30+$0x6C00];
	v3 =	vperm.xlane v3, v0;
	[tilespmem:s30+$0xF000] =	vst v1  }
0x332: {  	v1 =	vld [tilespmem:s30+$0x6870];
	v4 =	vperm.xlane v4, v0;
	[tilespmem:s30+$0xF010] =	vst v2  }
0x333: {  	v2 =	vld [tilespmem:s30+$0x6860];
	v5 =	vperm.xlane v5, v0;
	[tilespmem:s30+$0xF020] =	vst v3  }
0x334: {  	v3 =	vld [tilespmem:s30+$0x6850];
	v6 =	vperm.xlane v6, v0;
	[tilespmem:s30+$0xF030] =	vst v4  }
0x335: {  	v4 =	vld [tilespmem:s30+$0x6840];
	v7 =	vperm.xlane v7, v0;
	[tilespmem:s30+$0xF040] =	vst v5  }
0x336: {  	v5 =	vld [tilespmem:s30+$0x6830];
	v8 =	vperm.xlane v8, v0;
	[tilespmem:s30+$0xF050] =	vst v6  }
0x337: {  	v6 =	vld [tilespmem:s30+$0x6820];
	v1 =	vperm.xlane v1, v0;
	[tilespmem:s30+$0xF060] =	vst v7  }
0x338: {  	v7 =	vld [tilespmem:s30+$0x6810];
	v2 =	vperm.xlane v2, v0;
	[tilespmem:s30+$0xF070] =	vst v8  }
0x339: {  	v8 =	vld [tilespmem:s30+$0x6800];
	v3 =	vperm.xlane v3, v0;
	[tilespmem:s30+$0xF400] =	vst v1  }
0x33a: {  	v1 =	vperm.xlane v4, v0;
	[tilespmem:s30+$0xF410] =	vst v2;
	v2 =	vld [tilespmem:s30+$0x6470]  }
0x33b: {  	v4 =	vperm.xlane v5, v0;
	[tilespmem:s30+$0xF420] =	vst v3;
	v3 =	vld [tilespmem:s30+$0x6460]  }
0x33c: {  	v5 =	vperm.xlane v6, v0;
	[tilespmem:s30+$0xF430] =	vst v1;
	v1 =	vld [tilespmem:s30+$0x6450]  }
0x33d: {  	v6 =	vperm.xlane v7, v0;
	[tilespmem:s30+$0xF440] =	vst v4;
	v4 =	vld [tilespmem:s30+$0x6440]  }
0x33e: {  	v7 =	vperm.xlane v8, v0;
	[tilespmem:s30+$0xF450] =	vst v5;
	v5 =	vld [tilespmem:s30+$0x6430]  }
0x33f: {  	[tilespmem:s30+$0xF460] =	vst v6;
	v6 =	vld [tilespmem:s30+$0x6420];
	v2 =	vperm.xlane v2, v0  }
0x340: {  	[tilespmem:s30+$0xF470] =	vst v7;
	v7 =	vld [tilespmem:s30+$0x6410];
	v3 =	vperm.xlane v3, v0  }
0x341: {  	v8 =	vld [tilespmem:s30+$0x6400];
	v1 =	vperm.xlane v1, v0;
	[tilespmem:s30+$0xF800] =	vst v2  }
0x342: {  	v9 =	vld [tilespmem:s30+$0x6070];
	v2 =	vperm.xlane v4, v0;
	[tilespmem:s30+$0xF810] =	vst v3  }
0x343: {  	v10 =	vld [tilespmem:s30+$0x6060];
	v3 =	vperm.xlane v5, v0;
	[tilespmem:s30+$0xF820] =	vst v1  }
.Ltmp14:
0x344: {  	v1 =	vld [tilespmem:s30+$0x6050];
	v4 =	vperm.xlane v6, v0;
	[tilespmem:s30+$0xF830] =	vst v2;
	(pc) =	sbr.rel @p0 .LBB2_21-.Ltmp14, $4  }
0x345: {  	v2 =	vld [tilespmem:s30+$0x6040];
	v5 =	vperm.xlane v7, v0;
	[tilespmem:s30+$0xF840] =	vst v3  }
0x346: {  	v3 =	vld [tilespmem:s30+$0x6030];
	v8 =	vperm.xlane v8, v0;
	[tilespmem:s30+$0xF850] =	vst v4  }
0x347: {  	v4 =	vld [tilespmem:s30+$0x6020];
	v6 =	vperm.xlane v9, v0;
	[tilespmem:s30+$0xF860] =	vst v5  }
0x348: {  	s0 =	sshra.s32 s31, $0x2;
	s31 =	sadd.s32 $0x200, s31;
	v5 =	vld [tilespmem:s30+$0x6010];
	v7 =	vperm.xlane v10, v0;
	[tilespmem:s30+$0xF870] =	vst v8  }
0x349: {  	v8 =	vld [tilespmem:s0+$0x6000];
	[tilespmem:s30+$0xFC00] =	vst v6;
	v1 =	vperm.xlane v1, v0  }
0x34a: {  	v6 =	vld [tilespmem:s0+$0x7C70];
	[tilespmem:s30+$0xFC10] =	vst v7;
	v2 =	vperm.xlane v2, v0  }
0x34b: {  	v7 =	vld [tilespmem:s0+$0x7C60];
	[tilespmem:s30+$0xFC20] =	vst v1;
	v3 =	vperm.xlane v3, v0  }
0x34c: {  	v1 =	vld [tilespmem:s0+$0x7C50];
	[tilespmem:s30+$0xFC30] =	vst v2;
	v4 =	vperm.xlane v4, v0  }
0x34d: {  	v2 =	vld [tilespmem:s0+$0x7C40];
	[tilespmem:s30+$0xFC40] =	vst v3;
	v5 =	vperm.xlane v5, v0  }
0x34e: {  	v3 =	vld [tilespmem:s0+$0x7C30];
	[tilespmem:s30+$0xFC50] =	vst v4;
	v8 =	vperm.xlane v8, v0  }
0x34f: {  	v4 =	vld [tilespmem:s0+$0x7C20];
	[tilespmem:s30+$0xFC60] =	vst v5;
	v6 =	vperm.xlane v6, v0  }
0x350: {  	v5 =	vld [tilespmem:s0+$0x7C10];
	[tilespmem:s0+$0xFC70] =	vst v8;
	v7 =	vperm.xlane v7, v0  }
0x351: {  	v22 =	vld [tilespmem:s0+$0x7C00];
	[tilespmem:s0+$0xE000] =	vst v6;
	v1 =	vperm.xlane v1, v0  }
0x352: {  	v23 =	vld [tilespmem:s0+$0x7870];
	[tilespmem:s0+$0xE010] =	vst v7;
	v2 =	vperm.xlane v2, v0  }
0x353: {  	v24 =	vld [tilespmem:s0+$0x7860];
	[tilespmem:s0+$0xE020] =	vst v1;
	v3 =	vperm.xlane v3, v0  }
0x354: {  	v27 =	vld [tilespmem:s0+$0x7800];
	[tilespmem:s0+$0xE030] =	vst v2;
	v4 =	vperm.xlane v4, v0  }
0x355: {  	v37 =	vld [tilespmem:s0+$0x7010];
	[tilespmem:s0+$0xE040] =	vst v3;
	v5 =	vperm.xlane v5, v0  }
0x356: {  	v38 =	vld [tilespmem:s0+$0x7000];
	v8 =	vperm.xlane v22, v0;
	[tilespmem:s0+$0xE050] =	vst v4  }
0x357: {  	v1 =	vld [tilespmem:s0+$0x7850];
	v6 =	vperm.xlane v23, v0;
	[tilespmem:s0+$0xE060] =	vst v5  }
0x358: {  	v2 =	vld [tilespmem:s0+$0x7840];
	v7 =	vperm.xlane v24, v0;
	[tilespmem:s0+$0xE070] =	vst v8  }
0x359: {  	v3 =	vld [tilespmem:s0+$0x7830];
	v30 =	vperm.xlane v27, v0;
	[tilespmem:s0+$0xE400] =	vst v6  }
0x35a: {  	v47 =	vld [tilespmem:s0+$0x6830];
	v40 =	vperm.xlane v37, v0;
	[tilespmem:s0+$0xE410] =	vst v7  }
0x35b: {  	v48 =	vld [tilespmem:s0+$0x6820];
	v42 =	vperm.xlane v38, v0;
	[tilespmem:s0+$0xE470] =	vst v30  }
0x35c: {  	v49 =	vld [tilespmem:s0+$0x6810];
	[tilespmem:s0+$0xEC60] =	vst v40;
	v1 =	vperm.xlane v1, v0  }
0x35d: {  	v50 =	vld [tilespmem:s0+$0x6800];
	[tilespmem:s0+$0xEC70] =	vst v42;
	v2 =	vperm.xlane v2, v0  }
0x35e: {  	[tilespmem:s0+$0xE420] =	vst v1;
	v1 =	vld [tilespmem:s0+$0x7460];
	v3 =	vperm.xlane v3, v0  }
0x35f: {  	v51 =	vperm.xlane v47, v0;
	[tilespmem:s0+$0xE430] =	vst v2;
	v2 =	vld [tilespmem:s0+$0x7450]  }
0x360: {  	v52 =	vperm.xlane v48, v0;
	[tilespmem:s0+$0xE440] =	vst v3;
	v3 =	vld [tilespmem:s0+$0x7440]  }
0x361: {  	v25 =	vld [tilespmem:s0+$0x7820];
	v54 =	vperm.xlane v49, v0;
	[tilespmem:s0+$0xF440] =	vst v51  }
0x362: {  	v26 =	vld [tilespmem:s0+$0x7810];
	v56 =	vperm.xlane v50, v0;
	[tilespmem:s0+$0xF450] =	vst v52  }
0x363: {  	v28 =	vld [tilespmem:s0+$0x7470];
	[tilespmem:s0+$0xF460] =	vst v54;
	v1 =	vperm.xlane v1, v0  }
0x364: {  	v32 =	vld [tilespmem:s0+$0x7410];
	[tilespmem:s0+$0xF470] =	vst v56;
	v2 =	vperm.xlane v2, v0  }
0x365: {  	[tilespmem:s0+$0xE810] =	vst v1;
	v1 =	vld [tilespmem:s0+$0x7060];
	v3 =	vperm.xlane v3, v0  }
0x366: {  	v4 =	vperm.xlane v25, v0;
	[tilespmem:s0+$0xE820] =	vst v2;
	v2 =	vld [tilespmem:s0+$0x7050]  }
0x367: {  	v5 =	vperm.xlane v26, v0;
	[tilespmem:s0+$0xE830] =	vst v3;
	v3 =	vld [tilespmem:s0+$0x7040]  }
0x368: {  	v33 =	vld [tilespmem:s0+$0x7400];
	v6 =	vperm.xlane v28, v0;
	[tilespmem:s0+$0xE450] =	vst v4  }
0x369: {  	v29 =	vld [tilespmem:s0+$0x7430];
	v7 =	vperm.xlane v32, v0;
	[tilespmem:s0+$0xE460] =	vst v5  }
0x36a: {  	v31 =	vld [tilespmem:s0+$0x7420];
	[tilespmem:s0+$0xE800] =	vst v6;
	v1 =	vperm.xlane v1, v0  }
0x36b: {  	v34 =	vld [tilespmem:s0+$0x7070];
	[tilespmem:s0+$0xE860] =	vst v7;
	v2 =	vperm.xlane v2, v0  }
0x36c: {  	[tilespmem:s0+$0xEC10] =	vst v1;
	v1 =	vld [tilespmem:s0+$0x6C70];
	v3 =	vperm.xlane v3, v0  }
0x36d: {  	v8 =	vperm.xlane v33, v0;
	[tilespmem:s0+$0xEC20] =	vst v2;
	v2 =	vld [tilespmem:s0+$0x6C60]  }
0x36e: {  	v4 =	vperm.xlane v29, v0;
	[tilespmem:s0+$0xEC30] =	vst v3;
	v3 =	vld [tilespmem:s0+$0x6C50]  }
0x36f: {  	v44 =	vld [tilespmem:s0+$0x6C10];
	v5 =	vperm.xlane v31, v0;
	[tilespmem:s0+$0xE870] =	vst v8  }
0x370: {  	v45 =	vld [tilespmem:s0+$0x6C00];
	v6 =	vperm.xlane v34, v0;
	[tilespmem:s0+$0xE840] =	vst v4  }
0x371: {  	v35 =	vld [tilespmem:s0+$0x7030];
	[tilespmem:s0+$0xE850] =	vst v5;
	v1 =	vperm.xlane v1, v0  }
0x372: {  	v36 =	vld [tilespmem:s0+$0x7020];
	[tilespmem:s0+$0xEC00] =	vst v6;
	v2 =	vperm.xlane v2, v0  }
0x373: {  	[tilespmem:s0+$0xF000] =	vst v1;
	v1 =	vld [tilespmem:s0+$0x6870];
	v3 =	vperm.xlane v3, v0  }
0x374: {  	v7 =	vperm.xlane v44, v0;
	[tilespmem:s0+$0xF010] =	vst v2;
	v2 =	vld [tilespmem:s0+$0x6860]  }
0x375: {  	v8 =	vperm.xlane v45, v0;
	[tilespmem:s0+$0xF020] =	vst v3;
	v3 =	vld [tilespmem:s0+$0x6850]  }
0x376: {  	v46 =	vld [tilespmem:s0+$0x6840];
	v4 =	vperm.xlane v35, v0;
	[tilespmem:s0+$0xF060] =	vst v7  }
0x377: {  	v43 =	vld [tilespmem:s0+$0x6C20];
	v5 =	vperm.xlane v36, v0;
	[tilespmem:s0+$0xF070] =	vst v8  }
0x378: {  	v58 =	vld [tilespmem:s0+$0x6410];
	[tilespmem:s0+$0xEC40] =	vst v4;
	v1 =	vperm.xlane v1, v0  }
0x379: {  	v59 =	vld [tilespmem:s0+$0x6400];
	[tilespmem:s0+$0xEC50] =	vst v5;
	v2 =	vperm.xlane v2, v0  }
0x37a: {  	v39 =	vld [tilespmem:s0+$0x6C40];
	[tilespmem:s0+$0xF400] =	vst v1;
	v1 =	vperm.xlane v3, v0  }
0x37b: {  	v3 =	vperm.xlane v46, v0;
	[tilespmem:s0+$0xF410] =	vst v2;
	v2 =	vld [tilespmem:s0+$0x6470]  }
0x37c: {  	v6 =	vperm.xlane v43, v0;
	[tilespmem:s0+$0xF420] =	vst v1;
	v1 =	vld [tilespmem:s0+$0x6460]  }
0x37d: {  	v7 =	vperm.xlane v58, v0;
	[tilespmem:s0+$0xF430] =	vst v3;
	v3 =	vld [tilespmem:s0+$0x6450]  }
0x37e: {  	v41 =	vld [tilespmem:s0+$0x6C30];
	v8 =	vperm.xlane v59, v0;
	[tilespmem:s0+$0xF050] =	vst v6  }
0x37f: {  	v57 =	vld [tilespmem:s0+$0x6420];
	v4 =	vperm.xlane v39, v0;
	[tilespmem:s0+$0xF860] =	vst v7  }
0x380: {  	v53 =	vld [tilespmem:s0+$0x6440];
	[tilespmem:s0+$0xF870] =	vst v8;
	v2 =	vperm.xlane v2, v0  }
0x381: {  	v55 =	vld [tilespmem:s0+$0x6430];
	[tilespmem:s0+$0xF030] =	vst v4;
	v1 =	vperm.xlane v1, v0  }
0x382: {  	v3 =	vperm.xlane v3, v0;
	[tilespmem:s0+$0xF800] =	vst v2;
	v2 =	vld [tilespmem:s0+$0x6070]  }
0x383: {  	v5 =	vperm.xlane v41, v0;
	[tilespmem:s0+$0xF810] =	vst v1;
	v1 =	vld [tilespmem:s0+$0x6060]  }
0x384: {  	v6 =	vperm.xlane v57, v0;
	[tilespmem:s0+$0xF820] =	vst v3;
	v3 =	vld [tilespmem:s0+$0x6050]  }
0x385: {  	v60 =	vld [tilespmem:s0+$0x6040];
	v4 =	vperm.xlane v53, v0;
	[tilespmem:s0+$0xF040] =	vst v5  }
0x386: {  	v61 =	vld [tilespmem:s0+$0x6030];
	v5 =	vperm.xlane v55, v0;
	[tilespmem:s0+$0xF850] =	vst v6  }
0x387: {  	v62 =	vld [tilespmem:s0+$0x6020];
	[tilespmem:s0+$0xF830] =	vst v4;
	v2 =	vperm.xlane v2, v0  }
0x388: {  	v63 =	vld [tilespmem:s0+$0x6010];
	[tilespmem:s0+$0xF840] =	vst v5;
	v1 =	vperm.xlane v1, v0  }
0x389: {  	v3 =	vperm.xlane v3, v0;
	[tilespmem:s0+$0xFC00] =	vst v2  }
0x38a: {  	v2 =	vperm.xlane v60, v0;
	[tilespmem:s0+$0xFC10] =	vst v1  }
0x38b: {  	p0 =	seq.s32 s28, $0xF;
	v1 =	vperm.xlane v61, v0;
	[tilespmem:s0+$0xFC20] =	vst v3  }
.Ltmp15:
0x38c: {  	v3 =	vperm.xlane v62, v0;
	[tilespmem:s0+$0xFC30] =	vst v2;
	(pc) =	sbr.rel @p0 .LBB2_24-.Ltmp15, $4  }
0x38d: {  	v2 =	vperm.xlane v63, v0;
	[tilespmem:s0+$0xFC40] =	vst v1  }
0x38e: {  	s29 =	sor.u32 $0xC00, s29;
	[tilespmem:s0+$0xFC50] =	vst v3  }
0x38f: {  	s31 =	sadd.s32 s2, s29;
	[tilespmem:s0+$0xFC60] =	vst v2  }
0x390: {  	[hbm4b:s31+s3] =	stream.linear.scatter [tilespmem:s24], [sflag:$0x8], $0x2000, $0x38;
	[tilespmem:$0x10000] =	vst v63  }
.Ltmp16:
0x391: {  	(pc) =	sbr.rel .LBB2_2-.Ltmp16, $3  }
0x392: {  	_ =	sdelay $0x1  }
0x393: {  	s0 =	sadd.s32 s29, s9;
	s28 =	sadd.s32 $0x1, s28  }
0x394: {  	[tilespmem:s13], [sflag:$0x4] =	stream.linear.gather [hbm4b:s0+s3], $0x2000, $0x38;
	[tilespmem:$0x10000] =	vst v63  }
.LBB2_25:
0x395: {  	_ =	sfence.sel $0x180000  }
0x396: {  	[bflag:$0x0] =	sbarrier.arrive $0xFFFF  }
0x397: {  	_ =	strace $0x90000047  }
0x398: {  	[bflag:$0x2] =	sbarrier.arrive $0xFFFF  }
0x399: {  	p0 =	sne.s32 s1, $0x0;
	s0 =	rddreg [dreg:$0x2]  }
0x39a: {  	s0 =	sadd.s32 @!p0 $0x100000, s0  }
0x39b: {  	[sflag:s0] =	ssyncadd.tile.s32 @!p0 $0x1;
	_ =	shalt  }
.Lfunc_end2:
_tile_overlayer_lowered:
.L_overlay_start_2:
0x39c: {  	(tag) =	ssettag $0x2  }
0x39d: {  	s0 =	rddreg [dreg:$0x0];
	s2 =	stileid.u32  }
0x39e: {  	s1 =	rddreg [dreg:$0x1];
	p0 =	sne.s32 s2, $0x0  }
0x39f: {  	s3 =	rddreg [dreg:$0x2];
	[bflag:$0x3] =	sbarrier.arrive $0xFFFF;
	s2 =	simm.s32 @!p0 $0x1C09  }
0x3a0: {  	[timem:s3], [sflag:s2] =	dma.local @!p0 [hbm:s0], s1  }
0x3a1: {  	s0 =	simm.s32 @!p0 $0x9  }
0x3a2: {  	_ =	swait.ge @!p0 [sflag:s0], s1  }
0x3a3: {  	s1 =	ssub.s32 @!p0 $0x0, s1;
	[sflag:s0] =	ssyncset.done @!p0 $0x0  }
0x3a4: {  	[sflag:s0] =	ssyncadd.s32 @!p0 s1  }
0x3a5: {  	[bflag:$0x3] =	sbarrier.arrive $0xFFFF  }
0x3a6: {  	_ =	shalt  }

</sc_bundles>
